<compile_context>
chip_gen: v7x
topology: tpu7x:2x2x1
jax: 0.10.2.dev20260603
libtpu: 0.0.44.dev20260713+nightly
codegen_flags: <defaults>
</compile_context>

<pallas_src>
import functools

import jax
import jax.numpy as jnp
from jax.experimental import pallas as pl
from jax.experimental.pallas import tpu as pltpu
from jax.experimental.pallas import tpu_sc as plsc

_N = 5000
_NCLS = 20
_IMG_H = 600.0
_IMG_W = 800.0
_SCORE_TH = 0.05
_NMS_TH = 0.3

_B = 128
_NPAD = 5120
_CP = 24
_RK = 8
_RKO = 32


def _nms_kernel(cc_ref, cr_ref, ac_ref, ar_ref, valid_ref, keep_ref,
                diag_ref, keeprow_ref):
    valid = valid_ref[:, :]
    keep_ref[:, :] = jnp.zeros_like(valid)
    keeprow_ref[:, :] = jnp.zeros((_NPAD, _CP), jnp.float32)
    maxv = jnp.max(jnp.sum(valid, axis=1)).astype(jnp.int32)
    nb = (maxv + (_B - 1)) // _B

    lane = jax.lax.broadcasted_iota(jnp.int32, (_CP, _B), 1)

    def process_block(J, carry):
        colbase = J * _B
        y1c = cc_ref[0, :, pl.ds(colbase, _B)][None]
        x1c = cc_ref[1, :, pl.ds(colbase, _B)][None]
        y2c = cc_ref[2, :, pl.ds(colbase, _B)][None]
        x2c = cc_ref[3, :, pl.ds(colbase, _B)][None]
        areac = ac_ref[:, pl.ds(colbase, _B)][None]

        def offdiag(I, sup):
            rowbase = I * _B
            for r in range(_B // _RKO):
                rb = rowbase + r * _RKO
                y1r = cr_ref[0, pl.ds(rb, _RKO), :][:, :, None]
                x1r = cr_ref[1, pl.ds(rb, _RKO), :][:, :, None]
                y2r = cr_ref[2, pl.ds(rb, _RKO), :][:, :, None]
                x2r = cr_ref[3, pl.ds(rb, _RKO), :][:, :, None]
                arear = ar_ref[pl.ds(rb, _RKO), :][:, :, None]
                krow = keeprow_ref[pl.ds(rb, _RKO), :][:, :, None]
                iy = jnp.clip(jnp.minimum(y2r, y2c) - jnp.maximum(y1r, y1c), 0.0)
                ix = jnp.clip(jnp.minimum(x2r, x2c) - jnp.maximum(x1r, x1c), 0.0)
                inter = iy * ix
                iou = inter / (arear + areac - inter + 1e-9)
                hit = jnp.where((iou > _NMS_TH) & (krow > 0.5), 1.0, 0.0)
                sup = jnp.maximum(sup, jnp.max(hit, axis=0))
            return sup

        sup = jax.lax.fori_loop(0, J, offdiag, jnp.zeros((_CP, _B), jnp.float32))
        keepJ = valid_ref[:, pl.ds(colbase, _B)] * (1.0 - sup)

        iota_i = jax.lax.broadcasted_iota(jnp.int32, (_RK, _CP, _B), 0)
        iota_j = jax.lax.broadcasted_iota(jnp.int32, (_RK, _CP, _B), 2)
        for r in range(_B // _RK):
            rb = colbase + r * _RK
            y1r = cr_ref[0, pl.ds(rb, _RK), :][:, :, None]
            x1r = cr_ref[1, pl.ds(rb, _RK), :][:, :, None]
            y2r = cr_ref[2, pl.ds(rb, _RK), :][:, :, None]
            x2r = cr_ref[3, pl.ds(rb, _RK), :][:, :, None]
            arear = ar_ref[pl.ds(rb, _RK), :][:, :, None]
            iy = jnp.clip(jnp.minimum(y2r, y2c) - jnp.maximum(y1r, y1c), 0.0)
            ix = jnp.clip(jnp.minimum(x2r, x2c) - jnp.maximum(x1r, x1c), 0.0)
            inter = iy * ix
            iou = inter / (arear + areac - inter + 1e-9)
            tri = iota_j > (iota_i + r * _RK)
            diag_ref[pl.ds(r * _RK, _RK), :, :] = jnp.where(
                (iou > _NMS_TH) & tri, 1.0, 0.0)

        def dslab(g, keepJ):
            base = g * _RK
            slab = diag_ref[pl.ds(base, _RK), :, :]
            for k in range(_RK):
                i = base + k
                alive = jnp.max(jnp.where(lane == i, keepJ, 0.0), axis=1,
                                keepdims=True)
                keepJ = jnp.where((slab[k] > 0.5) & (alive > 0.5), 0.0, keepJ)
            return keepJ

        keepJ = jax.lax.fori_loop(0, _B // _RK, dslab, keepJ)
        keep_ref[:, pl.ds(colbase, _B)] = keepJ
        keeprow_ref[pl.ds(colbase, _B), :] = jnp.transpose(keepJ, (1, 0))
        return carry

    jax.lax.fori_loop(0, nb, process_block, 0)


_BTOT = _NCLS * _N + 96
_NSUB = 16
_NWORK = 32
_BPW = _BTOT // _NWORK


@functools.lru_cache(maxsize=None)
def _build_sc_unsort():
    @functools.partial(
        pl.kernel,
        mesh=plsc.VectorSubcoreMesh(core_axis_name="c", subcore_axis_name="s"),
        out_type=jax.ShapeDtypeStruct((2, _BTOT), jnp.float32),
        scratch_types=[
            pltpu.VMEM((_BPW,), jnp.int32),
            pltpu.VMEM((_BPW,), jnp.float32),
            pltpu.VMEM_SHARED((_BTOT,), jnp.float32),
        ],
    )
    def sc_unsort(vals_hbm, idx_hbm, zeros_hbm, out_hbm, idx_v, vals_v, acc_sh):
        cid = jax.lax.axis_index("c")
        sid = jax.lax.axis_index("s")
        base = (cid * _NSUB + sid) * _BPW

        @pl.when(sid == 0)
        def _():
            pltpu.sync_copy(zeros_hbm, acc_sh)

        plsc.subcore_barrier()
        pltpu.sync_copy(idx_hbm.at[pl.ds(base, _BPW)], idx_v)
        pltpu.sync_copy(vals_hbm.at[pl.ds(base, _BPW)], vals_v)
        pltpu.sync_copy(vals_v, acc_sh.at[idx_v], add=True)
        plsc.subcore_barrier()

        @pl.when(sid == 0)
        def _():
            pltpu.sync_copy(acc_sh, out_hbm.at[cid])

    return sc_unsort


def _sc_unsort(vals_flat, idx_flat, zeros):
    return _build_sc_unsort()(vals_flat, idx_flat, zeros)


def _pad_nc(a):
    return jnp.pad(a, ((0, _NPAD - _N), (0, _CP - _NCLS)))


def kernel(predicted_roi_bboxes, predicted_roi_score):
    b = predicted_roi_bboxes.reshape(_N, _NCLS + 1, 4)
    by1 = jnp.clip(b[..., 0], 0.0, _IMG_H)
    bx1 = jnp.clip(b[..., 1], 0.0, _IMG_W)
    by2 = jnp.clip(b[..., 2], 0.0, _IMG_H)
    bx2 = jnp.clip(b[..., 3], 0.0, _IMG_W)
    prob = jax.nn.softmax(predicted_roi_score, axis=1)
    p = prob[:, 1:]
    y1, x1, y2, x2 = by1[:, 1:], bx1[:, 1:], by2[:, 1:], bx2[:, 1:]
    mask = p > _SCORE_TH
    s = jnp.where(mask, p, -1.0)
    order = jnp.argsort(-s, axis=0)

    sy1 = jnp.take_along_axis(y1, order, axis=0)
    sx1 = jnp.take_along_axis(x1, order, axis=0)
    sy2 = jnp.take_along_axis(y2, order, axis=0)
    sx2 = jnp.take_along_axis(x2, order, axis=0)
    sp = jnp.take_along_axis(s, order, axis=0)
    sv = (sp > _SCORE_TH).astype(jnp.float32)
    area = jnp.clip(sy2 - sy1, 0.0) * jnp.clip(sx2 - sx1, 0.0)

    coords_r = jnp.stack([_pad_nc(sy1), _pad_nc(sx1), _pad_nc(sy2), _pad_nc(sx2)])
    coords_c = jnp.transpose(coords_r, (0, 2, 1))
    ar = _pad_nc(area)
    ac = ar.T
    vc = _pad_nc(sv).T

    keep_s = pl.pallas_call(
        _nms_kernel,
        out_shape=jax.ShapeDtypeStruct((_CP, _NPAD), jnp.float32),
        scratch_shapes=[pltpu.VMEM((_B, _CP, _B), jnp.float32),
                        pltpu.VMEM((_NPAD, _CP), jnp.float32)],
    )(coords_c, coords_r, ac, ar, vc)

    keep_nc = keep_s[:_NCLS, :_N].T

    tgt = order * _NCLS + jnp.arange(_NCLS, dtype=order.dtype)[None, :]
    idx_flat = jnp.concatenate([
        tgt.reshape(-1),
        jnp.arange(_N * _NCLS, _BTOT, dtype=order.dtype),
    ]).astype(jnp.int32)
    vals_flat = jnp.pad(keep_nc.reshape(-1), (0, _BTOT - _N * _NCLS))
    parts = _sc_unsort(vals_flat, idx_flat, jnp.zeros((_BTOT,), jnp.float32))
    kf = (parts[0] + parts[1])[:_N * _NCLS].reshape(_N, _NCLS)

    boxes_out = jnp.stack([y1, x1, y2, x2], axis=-1) * kf[:, :, None]
    lbl = jnp.arange(_NCLS, dtype=jnp.float32)[None, :] * kf
    rows = jnp.concatenate([boxes_out, (p * kf)[:, :, None], lbl[:, :, None]],
                           axis=-1)
    return jnp.transpose(rows, (1, 0, 2)).reshape(_NCLS * _N, 6)

# --- scband reference (transcript-rebuilt; emitter-appended) ---
"""Pipeline reference for scband-faster-rcnn-31860067402141 (READ-ONLY COPY).

The authoritative reference and input builder live on the scoring server;
editing this copy changes nothing except your own understanding.
"""

import jax, jax.numpy as jnp
import numpy as np

N = 5000
NCLS = 20
IMG_H = 600.0
IMG_W = 800.0
SCORE_TH = 0.05
NMS_TH = 0.3


def setup_inputs(seed: int = 0) -> dict:
    key = jax.random.key(seed)
    k1, k2, k3, k4, k5 = jax.random.split(key, 5)
    cy = jax.random.uniform(k1, (N, NCLS + 1)) * IMG_H
    cx = jax.random.uniform(k2, (N, NCLS + 1)) * IMG_W
    h = jax.random.uniform(k3, (N, NCLS + 1)) * 150.0 + 16.0
    w = jax.random.uniform(k4, (N, NCLS + 1)) * 150.0 + 16.0
    boxes = jnp.stack([cy - h / 2.0, cx - w / 2.0, cy + h / 2.0, cx + w / 2.0], axis=-1)
    boxes = boxes.reshape(N, (NCLS + 1) * 4).astype(jnp.float32)
    scores = (jax.random.normal(k5, (N, NCLS + 1)) * 2.0).astype(jnp.float32)
    return {"predicted_roi_bboxes": boxes, "predicted_roi_score": scores}


def _nms(boxes, scores, valid, thresh):
    # greedy NMS identical to torchvision.ops.nms semantics, fixed-shape.
    n = boxes.shape[0]
    order = jnp.argsort(-scores)
    b = boxes[order]
    v = valid[order]
    y1, x1, y2, x2 = b[:, 0], b[:, 1], b[:, 2], b[:, 3]
    area = jnp.clip(y2 - y1, 0.0) * jnp.clip(x2 - x1, 0.0)
    iy1 = jnp.maximum(y1[:, None], y1[None, :])
    ix1 = jnp.maximum(x1[:, None], x1[None, :])
    iy2 = jnp.minimum(y2[:, None], y2[None, :])
    ix2 = jnp.minimum(x2[:, None], x2[None, :])
    inter = jnp.clip(iy2 - iy1, 0.0) * jnp.clip(ix2 - ix1, 0.0)
    iou = inter / (area[:, None] + area[None, :] - inter + 1e-9)
    idx = jnp.arange(n)

    def body(i, keep):
        alive = keep[i] & v[i]
        sup = (iou[i] > thresh) & (idx > i) & alive
        return keep & (~sup)

    keep_sorted = jax.lax.fori_loop(0, n, body, v)
    return jnp.zeros(n, dtype=bool).at[order].set(keep_sorted)


def reference(predicted_roi_bboxes, predicted_roi_score):
    # faithful port of FasterRCNN post-processing: clamp boxes, softmax scores,
    # per-class threshold + greedy NMS (the _suppress method), fixed-shape outputs.
    b = predicted_roi_bboxes.reshape(N, NCLS + 1, 4)
    b = jnp.stack([
        jnp.clip(b[..., 0], 0.0, IMG_H),
        jnp.clip(b[..., 1], 0.0, IMG_W),
        jnp.clip(b[..., 2], 0.0, IMG_H),
        jnp.clip(b[..., 3], 0.0, IMG_W),
    ], axis=-1)
    prob = jax.nn.softmax(predicted_roi_score, axis=1)
    outs = []
    for label_index in range(1, NCLS + 1):
        cls_bbox = b[:, label_index, :]
        p = prob[:, label_index]
        mask = p > SCORE_TH
        s = jnp.where(mask, p, -1.0)
        keep = _nms(cls_bbox, s, mask, NMS_TH)
        kf = keep.astype(cls_bbox.dtype)
        row = jnp.concatenate([
            cls_bbox * kf[:, None],
            (p * kf)[:, None],
            (float(label_index - 1) * kf)[:, None],
        ], axis=1)
        outs.append(row)
    return jnp.concatenate(outs, axis=0)

if __name__ == "__main__":
    import jax
    _d = setup_inputs()
    print(jax.jit(kernel)(*tuple(_d.values())))

</pallas_src>

<mosaic_0001>
#map = affine_map<(d0, d1) -> (0)>
#map1 = affine_map<(d0, d1) -> (0, 0)>
module attributes {stable_mosaic.version = 14 : i64} {
  func.func @sc_unsort(%arg0: i32, %arg1: i32, %arg2: memref<100096xf32, #tpu.memory_space<hbm>>, %arg3: memref<100096xi32, #tpu.memory_space<hbm>>, %arg4: memref<100096xf32, #tpu.memory_space<hbm>>, %arg5: memref<2x100096xf32, #tpu.memory_space<hbm>>, %arg6: memref<3128xi32, #tpu.memory_space<vmem>>, %arg7: memref<3128xf32, #tpu.memory_space<vmem>>, %arg8: memref<100096xf32, #tpu.memory_space<vmem_shared>>) attributes {dimension_semantics = [#tpu.dimension_semantics<core_parallel>, #tpu.dimension_semantics<subcore_parallel>], iteration_bounds = array<i64: 2, 16>, scalar_prefetch = 0 : i64, scratch_operands = 3 : i64, tpu.core_type = #tpu.core_type<sc_vector_subcore>, window_params = [{transform_indices = #map}, {transform_indices = #map}, {transform_indices = #map}, {transform_indices = #map1}]} {
    %mul3A = arith.constant 16 : i32
    %mul3A_0 = arith.muli %arg0, %mul3A : i32
    %add3A = arith.addi %mul3A_0, %arg1 : i32
    %mul3A_1 = arith.constant 3128 : i32
    %mul3A_2 = arith.muli %add3A, %mul3A_1 : i32
    %eq3A = arith.constant 0 : i32
    %eq3A_3 = arith.cmpi eq, %arg1, %eq3A : i32
    %convert_element_type3A = arith.extui %eq3A_3 : i1 to i32
    %cond3A = arith.constant 0 : i32
    %cond3A_4 = arith.cmpi ne, %convert_element_type3A, %cond3A : i32
    scf.if %cond3A_4 {
      "tpu.region"() ({
        %run_scoped3A = tpu.sem_alloc : memref<!tpu.dma_semaphore, #tpu.memory_space<semaphore_mem>>
        tpu.enqueue_dma source(%arg4 : memref<100096xf32, #tpu.memory_space<hbm>>) target(%arg8 : memref<100096xf32, #tpu.memory_space<vmem_shared>>) target_semaphore(%run_scoped3A : memref<!tpu.dma_semaphore, #tpu.memory_space<semaphore_mem>>)
        tpu.wait_dma2 semaphore(%run_scoped3A : memref<!tpu.dma_semaphore, #tpu.memory_space<semaphore_mem>>) src(%arg4 : memref<100096xf32, #tpu.memory_space<hbm>>) dst(%arg8 : memref<100096xf32, #tpu.memory_space<vmem_shared>>)
        tpu.yield
      }) : () -> ()
    } else {
    }
    %barrier3A = arith.constant 0 : index
    tpu.barrier barrier_id(%barrier3A)
    "tpu.region"() ({
      %run_scoped3A = tpu.sem_alloc : memref<!tpu.dma_semaphore, #tpu.memory_space<semaphore_mem>>
      %dma_start3A = tpu.memref_slice %arg3[%mul3A_2] : memref<100096xi32, #tpu.memory_space<hbm>> -> memref<3128xi32, #tpu.memory_space<hbm>>
      %dma_start3A_11 = tpu.memref_slice %arg3[%mul3A_2] : memref<100096xi32, #tpu.memory_space<hbm>> -> memref<3128xi32, #tpu.memory_space<hbm>>
      tpu.enqueue_dma source(%dma_start3A_11 : memref<3128xi32, #tpu.memory_space<hbm>>) target(%arg6 : memref<3128xi32, #tpu.memory_space<vmem>>) target_semaphore(%run_scoped3A : memref<!tpu.dma_semaphore, #tpu.memory_space<semaphore_mem>>)
      %dma_wait3A = tpu.memref_slice %arg3[%mul3A_2] : memref<100096xi32, #tpu.memory_space<hbm>> -> memref<3128xi32, #tpu.memory_space<hbm>>
      %dma_wait3A_12 = tpu.memref_slice %arg3[%mul3A_2] : memref<100096xi32, #tpu.memory_space<hbm>> -> memref<3128xi32, #tpu.memory_space<hbm>>
      tpu.wait_dma2 semaphore(%run_scoped3A : memref<!tpu.dma_semaphore, #tpu.memory_space<semaphore_mem>>) src(%dma_wait3A_12 : memref<3128xi32, #tpu.memory_space<hbm>>) dst(%arg6 : memref<3128xi32, #tpu.memory_space<vmem>>)
      tpu.yield
    }) : () -> ()
    "tpu.region"() ({
      %run_scoped3A = tpu.sem_alloc : memref<!tpu.dma_semaphore, #tpu.memory_space<semaphore_mem>>
      %dma_start3A = tpu.memref_slice %arg2[%mul3A_2] : memref<100096xf32, #tpu.memory_space<hbm>> -> memref<3128xf32, #tpu.memory_space<hbm>>
      %dma_start3A_11 = tpu.memref_slice %arg2[%mul3A_2] : memref<100096xf32, #tpu.memory_space<hbm>> -> memref<3128xf32, #tpu.memory_space<hbm>>
      tpu.enqueue_dma source(%dma_start3A_11 : memref<3128xf32, #tpu.memory_space<hbm>>) target(%arg7 : memref<3128xf32, #tpu.memory_space<vmem>>) target_semaphore(%run_scoped3A : memref<!tpu.dma_semaphore, #tpu.memory_space<semaphore_mem>>)
      %dma_wait3A = tpu.memref_slice %arg2[%mul3A_2] : memref<100096xf32, #tpu.memory_space<hbm>> -> memref<3128xf32, #tpu.memory_space<hbm>>
      %dma_wait3A_12 = tpu.memref_slice %arg2[%mul3A_2] : memref<100096xf32, #tpu.memory_space<hbm>> -> memref<3128xf32, #tpu.memory_space<hbm>>
      tpu.wait_dma2 semaphore(%run_scoped3A : memref<!tpu.dma_semaphore, #tpu.memory_space<semaphore_mem>>) src(%dma_wait3A_12 : memref<3128xf32, #tpu.memory_space<hbm>>) dst(%arg7 : memref<3128xf32, #tpu.memory_space<vmem>>)
      tpu.yield
    }) : () -> ()
    "tpu.region"() ({
      %run_scoped3A = tpu.sem_alloc : memref<!tpu.dma_semaphore, #tpu.memory_space<semaphore_mem>>
      %dma_start3A = arith.constant 0 : i32
      %dma_start3A_11 = tpu.memref_slice %arg8[%dma_start3A] : memref<100096xf32, #tpu.memory_space<vmem_shared>> -> memref<100096xf32, #tpu.memory_space<vmem_shared>>
      tpu.enqueue_indirect_dma source(%arg7 : memref<3128xf32, #tpu.memory_space<vmem>>) target(%dma_start3A_11 : memref<100096xf32, #tpu.memory_space<vmem_shared>>) offsets(%arg6 : memref<3128xi32, #tpu.memory_space<vmem>>) semaphore(%run_scoped3A : memref<!tpu.dma_semaphore, #tpu.memory_space<semaphore_mem>>) {add = true}
      %dma_wait3A = arith.constant 0 : i32
      %dma_wait3A_12 = tpu.memref_slice %arg8[%dma_wait3A] : memref<100096xf32, #tpu.memory_space<vmem_shared>> -> memref<100096xf32, #tpu.memory_space<vmem_shared>>
      tpu.wait_indirect_dma semaphore(%run_scoped3A : memref<!tpu.dma_semaphore, #tpu.memory_space<semaphore_mem>>) src(%arg7 : memref<3128xf32, #tpu.memory_space<vmem>>) dst(%dma_wait3A_12 : memref<100096xf32, #tpu.memory_space<vmem_shared>>)
      tpu.yield
    }) : () -> ()
    %barrier3A_5 = arith.constant 0 : index
    tpu.barrier barrier_id(%barrier3A_5)
    %eq3A_6 = arith.constant 0 : i32
    %eq3A_7 = arith.cmpi eq, %arg1, %eq3A_6 : i32
    %convert_element_type3A_8 = arith.extui %eq3A_7 : i1 to i32
    %cond3A_9 = arith.constant 0 : i32
    %cond3A_10 = arith.cmpi ne, %convert_element_type3A_8, %cond3A_9 : i32
    scf.if %cond3A_10 {
      "tpu.region"() ({
        %run_scoped3A = tpu.sem_alloc : memref<!tpu.dma_semaphore, #tpu.memory_space<semaphore_mem>>
        %dma_start3A = arith.constant 0 : i32
        %dma_start3A_11 = tpu.memref_slice %arg5[%arg0, %dma_start3A] : memref<2x100096xf32, #tpu.memory_space<hbm>> -> memref<1x100096xf32, #tpu.memory_space<hbm>>
        %dma_start3A_12 = tpu.memref_squeeze %dma_start3A_11 : memref<1x100096xf32, #tpu.memory_space<hbm>> -> memref<100096xf32, #tpu.memory_space<hbm>>
        tpu.enqueue_dma source(%arg8 : memref<100096xf32, #tpu.memory_space<vmem_shared>>) target(%dma_start3A_12 : memref<100096xf32, #tpu.memory_space<hbm>>) target_semaphore(%run_scoped3A : memref<!tpu.dma_semaphore, #tpu.memory_space<semaphore_mem>>)
        %dma_wait3A = arith.constant 0 : i32
        %dma_wait3A_13 = tpu.memref_slice %arg5[%arg0, %dma_wait3A] : memref<2x100096xf32, #tpu.memory_space<hbm>> -> memref<1x100096xf32, #tpu.memory_space<hbm>>
        %dma_wait3A_14 = tpu.memref_squeeze %dma_wait3A_13 : memref<1x100096xf32, #tpu.memory_space<hbm>> -> memref<100096xf32, #tpu.memory_space<hbm>>
        tpu.wait_dma2 semaphore(%run_scoped3A : memref<!tpu.dma_semaphore, #tpu.memory_space<semaphore_mem>>) src(%arg8 : memref<100096xf32, #tpu.memory_space<vmem_shared>>) dst(%dma_wait3A_14 : memref<100096xf32, #tpu.memory_space<hbm>>)
        tpu.yield
      }) : () -> ()
    } else {
    }
    return
  }
}

module attributes {stable_mosaic.version = 14 : i64} {
  func.func @_nms_kernel(%arg0: memref<4x24x5120xf32, #tpu.memory_space<vmem>>, %arg1: memref<4x5120x24xf32, #tpu.memory_space<vmem>>, %arg2: memref<24x5120xf32, #tpu.memory_space<vmem>>, %arg3: memref<5120x24xf32, #tpu.memory_space<vmem>>, %arg4: memref<24x5120xf32, #tpu.memory_space<vmem>>, %arg5: memref<24x5120xf32, #tpu.memory_space<vmem>>, %arg6: memref<128x24x128xf32, #tpu.memory_space<vmem>>, %arg7: memref<5120x24xf32, #tpu.memory_space<vmem>>) attributes {dimension_semantics = [], scalar_prefetch = 0 : i64, scratch_operands = 2 : i64, tpu.core_type = #tpu.core_type<tc>} {
    %get3A = arith.constant 0 : index
    %get3A_0 = arith.constant 0 : index
    %get3A_1 = vector.load %arg4[%get3A, %get3A_0] : memref<24x5120xf32, #tpu.memory_space<vmem>>, vector<24x5120xf32>
    %broadcast_in_dim3A = arith.constant 0.000000e+00 : f32
    %broadcast_in_dim3A_2 = vector.broadcast %broadcast_in_dim3A : f32 to vector<24x5120xf32>
    %swap3A = arith.constant 0 : index
    %swap3A_3 = arith.constant 0 : index
    %swap3A_4 = vector.load %arg5[%swap3A, %swap3A_3] : memref<24x5120xf32, #tpu.memory_space<vmem>>, vector<24x5120xf32>
    tpu.vector_store %arg5[%swap3A, %swap3A_3], %broadcast_in_dim3A_2 {strides = array<i32>} : memref<24x5120xf32, #tpu.memory_space<vmem>>, vector<24x5120xf32>,
    %broadcast_in_dim3A_5 = arith.constant 0.000000e+00 : f32
    %broadcast_in_dim3A_6 = vector.broadcast %broadcast_in_dim3A_5 : f32 to vector<5120x24xf32>
    %swap3A_7 = arith.constant 0 : index
    %swap3A_8 = arith.constant 0 : index
    %swap3A_9 = vector.load %arg7[%swap3A_7, %swap3A_8] : memref<5120x24xf32, #tpu.memory_space<vmem>>, vector<5120x24xf32>
    tpu.vector_store %arg7[%swap3A_7, %swap3A_8], %broadcast_in_dim3A_6 {strides = array<i32>} : memref<5120x24xf32, #tpu.memory_space<vmem>>, vector<5120x24xf32>,
    %reduce_sum3A = arith.constant dense<0.000000e+00> : vector<24xf32>
    %reduce_sum3A_10 = vector.multi_reduction <add>, %get3A_1, %reduce_sum3A [1] : vector<24x5120xf32> to vector<24xf32>
    %reduce_max3A = vector.shape_cast %reduce_sum3A_10 : vector<24xf32> to vector<1x24xf32>
    %reduce_max3A_11 = arith.constant dense<0xFF800000> : vector<1xf32>
    %reduce_max3A_12 = vector.multi_reduction <maximumf>, %reduce_max3A, %reduce_max3A_11 [1] : vector<1x24xf32> to vector<1xf32>
    %reduce_max3A_13 = vector.shape_cast %reduce_max3A_12 : vector<1xf32> to vector<1x1xf32>
    %reduce_max3A_14 = vector.extract %reduce_max3A_13[0, 0] : f32 from vector<1x1xf32>
    %convert_element_type3A = arith.fptosi %reduce_max3A_14 : f32 to i32
    %add3A = arith.constant 127 : i32
    %add3A_15 = arith.addi %convert_element_type3A, %add3A : i32
    %jit3A = arith.constant 128 : i32
    %div3A = arith.divsi %add3A_15, %jit3A : i32
    %sign3A = arith.constant 0 : i32
    %sign3A_16 = arith.cmpi sgt, %add3A_15, %sign3A : i32
    %sign3A_17 = arith.extui %sign3A_16 : i1 to i32
    %sign3A_18 = arith.constant 0 : i32
    %sign3A_19 = arith.cmpi slt, %add3A_15, %sign3A_18 : i32
    %sign3A_20 = arith.extui %sign3A_19 : i1 to i32
    %sign3A_21 = arith.subi %sign3A_17, %sign3A_20 : i32
    %sign3A_22 = arith.constant 0 : i32
    %sign3A_23 = arith.cmpi sgt, %jit3A, %sign3A_22 : i32
    %sign3A_24 = arith.extui %sign3A_23 : i1 to i32
    %sign3A_25 = arith.constant 0 : i32
    %sign3A_26 = arith.cmpi slt, %jit3A, %sign3A_25 : i32
    %sign3A_27 = arith.extui %sign3A_26 : i1 to i32
    %sign3A_28 = arith.subi %sign3A_24, %sign3A_27 : i32
    %ne3A = arith.cmpi ne, %sign3A_21, %sign3A_28 : i32
    %rem3A = arith.remsi %add3A_15, %jit3A : i32
    %ne3A_29 = arith.constant 0 : i32
    %ne3A_30 = arith.cmpi ne, %rem3A, %ne3A_29 : i32
    %and3A = arith.andi %ne3A, %ne3A_30 : i1
    %sub3A = arith.constant 1 : i32
    %sub3A_31 = arith.subi %div3A, %sub3A : i32
    %select_n3A = arith.select %and3A, %sub3A_31, %div3A : i32
    %iota3A = tpu.iota {dimensions = array<i32: 1>} : vector<24x128xi32>
    %while3A = arith.constant 0 : i32
    %while3A_32 = arith.constant 0 : i32
    %while3A_33 = arith.subi %select_n3A, %while3A_32 : i32
    %while3A_34 = arith.addi %while3A_32, %while3A_33 : i32
    %while3A_35 = arith.constant 1 : i32
    %while3A_36 = arith.divsi %while3A_33, %while3A_35 : i32
    %while3A_37 = arith.muli %while3A_36, %while3A_35 : i32
    %while3A_38 = arith.addi %while3A_32, %while3A_37 : i32
    %while3A_39 = arith.constant 1 : i32
    scf.for %while3A_41 = %while3A_32 to %while3A_38 step %while3A_39  : i32 {
      %mul3A = arith.constant 128 : i32
      %mul3A_42 = arith.muli %while3A_41, %mul3A : i32
      %get3A_43 = arith.constant 0 : index
      %get3A_44 = arith.constant 0 : index
      %get3A_45 = arith.index_cast %mul3A_42 : i32 to index
      %get3A_46 = vector.load %arg0[%get3A_43, %get3A_44, %get3A_45] : memref<4x24x5120xf32, #tpu.memory_space<vmem>>, vector<1x24x128xf32>
      %get3A_47 = vector.shape_cast %get3A_46 : vector<1x24x128xf32> to vector<24x128xf32>
      %broadcast_in_dim3A_48 = vector.shape_cast %get3A_47 : vector<24x128xf32> to vector<1x24x128xf32>
      %get3A_49 = arith.constant 1 : index
      %get3A_50 = arith.constant 0 : index
      %get3A_51 = arith.index_cast %mul3A_42 : i32 to index
      %get3A_52 = vector.load %arg0[%get3A_49, %get3A_50, %get3A_51] : memref<4x24x5120xf32, #tpu.memory_space<vmem>>, vector<1x24x128xf32>
      %get3A_53 = vector.shape_cast %get3A_52 : vector<1x24x128xf32> to vector<24x128xf32>
      %broadcast_in_dim3A_54 = vector.shape_cast %get3A_53 : vector<24x128xf32> to vector<1x24x128xf32>
      %get3A_55 = arith.constant 2 : index
      %get3A_56 = arith.constant 0 : index
      %get3A_57 = arith.index_cast %mul3A_42 : i32 to index
      %get3A_58 = vector.load %arg0[%get3A_55, %get3A_56, %get3A_57] : memref<4x24x5120xf32, #tpu.memory_space<vmem>>, vector<1x24x128xf32>
      %get3A_59 = vector.shape_cast %get3A_58 : vector<1x24x128xf32> to vector<24x128xf32>
      %broadcast_in_dim3A_60 = vector.shape_cast %get3A_59 : vector<24x128xf32> to vector<1x24x128xf32>
      %get3A_61 = arith.constant 3 : index
      %get3A_62 = arith.constant 0 : index
      %get3A_63 = arith.index_cast %mul3A_42 : i32 to index
      %get3A_64 = vector.load %arg0[%get3A_61, %get3A_62, %get3A_63] : memref<4x24x5120xf32, #tpu.memory_space<vmem>>, vector<1x24x128xf32>
      %get3A_65 = vector.shape_cast %get3A_64 : vector<1x24x128xf32> to vector<24x128xf32>
      %broadcast_in_dim3A_66 = vector.shape_cast %get3A_65 : vector<24x128xf32> to vector<1x24x128xf32>
      %get3A_67 = arith.constant 0 : index
      %get3A_68 = arith.index_cast %mul3A_42 : i32 to index
      %get3A_69 = vector.load %arg2[%get3A_67, %get3A_68] : memref<24x5120xf32, #tpu.memory_space<vmem>>, vector<24x128xf32>
      %broadcast_in_dim3A_70 = vector.shape_cast %get3A_69 : vector<24x128xf32> to vector<1x24x128xf32>
      %broadcast_in_dim3A_71 = arith.constant 0.000000e+00 : f32
      %broadcast_in_dim3A_72 = vector.broadcast %broadcast_in_dim3A_71 : f32 to vector<24x128xf32>
      %while3A_73 = arith.constant 0 : i32
      %while3A_74 = arith.subi %while3A_41, %while3A_73 : i32
      %while3A_75 = arith.addi %while3A_73, %while3A_74 : i32
      %while3A_76 = arith.constant 1 : i32
      %while3A_77 = arith.divsi %while3A_74, %while3A_76 : i32
      %while3A_78 = arith.muli %while3A_77, %while3A_76 : i32
      %while3A_79 = arith.addi %while3A_73, %while3A_78 : i32
      %while3A_80 = arith.constant 1 : i32
      %while3A_81 = scf.for %while3A_1317 = %while3A_73 to %while3A_79 step %while3A_80 iter_args(%while3A_1318 = %broadcast_in_dim3A_72) -> (vector<24x128xf32>)  : i32 {
        %mul3A_1319 = arith.constant 128 : i32
        %mul3A_1320 = arith.muli %while3A_1317, %mul3A_1319 : i32
        %add3A_1321 = arith.constant 0 : i32
        %add3A_1322 = arith.addi %mul3A_1320, %add3A_1321 : i32
        %get3A_1323 = arith.constant 0 : index
        %get3A_1324 = arith.index_cast %add3A_1322 : i32 to index
        %get3A_1325 = arith.constant 0 : index
        %get3A_1326 = vector.load %arg1[%get3A_1323, %get3A_1324, %get3A_1325] : memref<4x5120x24xf32, #tpu.memory_space<vmem>>, vector<1x32x24xf32>
        %get3A_1327 = vector.shape_cast %get3A_1326 : vector<1x32x24xf32> to vector<32x24xf32>
        %broadcast_in_dim3A_1328 = vector.shape_cast %get3A_1327 : vector<32x24xf32> to vector<32x24x1xf32>
        %get3A_1329 = arith.constant 1 : index
        %get3A_1330 = arith.index_cast %add3A_1322 : i32 to index
        %get3A_1331 = arith.constant 0 : index
        %get3A_1332 = vector.load %arg1[%get3A_1329, %get3A_1330, %get3A_1331] : memref<4x5120x24xf32, #tpu.memory_space<vmem>>, vector<1x32x24xf32>
        %get3A_1333 = vector.shape_cast %get3A_1332 : vector<1x32x24xf32> to vector<32x24xf32>
        %broadcast_in_dim3A_1334 = vector.shape_cast %get3A_1333 : vector<32x24xf32> to vector<32x24x1xf32>
        %get3A_1335 = arith.constant 2 : index
        %get3A_1336 = arith.index_cast %add3A_1322 : i32 to index
        %get3A_1337 = arith.constant 0 : index
        %get3A_1338 = vector.load %arg1[%get3A_1335, %get3A_1336, %get3A_1337] : memref<4x5120x24xf32, #tpu.memory_space<vmem>>, vector<1x32x24xf32>
        %get3A_1339 = vector.shape_cast %get3A_1338 : vector<1x32x24xf32> to vector<32x24xf32>
        %broadcast_in_dim3A_1340 = vector.shape_cast %get3A_1339 : vector<32x24xf32> to vector<32x24x1xf32>
        %get3A_1341 = arith.constant 3 : index
        %get3A_1342 = arith.index_cast %add3A_1322 : i32 to index
        %get3A_1343 = arith.constant 0 : index
        %get3A_1344 = vector.load %arg1[%get3A_1341, %get3A_1342, %get3A_1343] : memref<4x5120x24xf32, #tpu.memory_space<vmem>>, vector<1x32x24xf32>
        %get3A_1345 = vector.shape_cast %get3A_1344 : vector<1x32x24xf32> to vector<32x24xf32>
        %broadcast_in_dim3A_1346 = vector.shape_cast %get3A_1345 : vector<32x24xf32> to vector<32x24x1xf32>
        %get3A_1347 = arith.index_cast %add3A_1322 : i32 to index
        %get3A_1348 = arith.constant 0 : index
        %get3A_1349 = vector.load %arg3[%get3A_1347, %get3A_1348] : memref<5120x24xf32, #tpu.memory_space<vmem>>, vector<32x24xf32>
        %broadcast_in_dim3A_1350 = vector.shape_cast %get3A_1349 : vector<32x24xf32> to vector<32x24x1xf32>
        %get3A_1351 = arith.index_cast %add3A_1322 : i32 to index
        %get3A_1352 = arith.constant 0 : index
        %get3A_1353 = vector.load %arg7[%get3A_1351, %get3A_1352] : memref<5120x24xf32, #tpu.memory_space<vmem>>, vector<32x24xf32>
        %broadcast_in_dim3A_1354 = vector.shape_cast %get3A_1353 : vector<32x24xf32> to vector<32x24x1xf32>
        %min3A_1355 = vector.broadcast %broadcast_in_dim3A_1340 : vector<32x24x1xf32> to vector<32x24x128xf32>
        %min3A_1356 = vector.broadcast %broadcast_in_dim3A_60 : vector<1x24x128xf32> to vector<32x24x128xf32>
        %min3A_1357 = arith.minimumf %min3A_1355, %min3A_1356 : vector<32x24x128xf32>
        %max3A_1358 = vector.broadcast %broadcast_in_dim3A_1328 : vector<32x24x1xf32> to vector<32x24x128xf32>
        %max3A_1359 = vector.broadcast %broadcast_in_dim3A_48 : vector<1x24x128xf32> to vector<32x24x128xf32>
        %max3A_1360 = arith.maximumf %max3A_1358, %max3A_1359 : vector<32x24x128xf32>
        %sub3A_1361 = arith.subf %min3A_1357, %max3A_1360 : vector<32x24x128xf32>
        %jit3A_1362 = arith.constant 0.000000e+00 : f32
        %max3A_1363 = vector.broadcast %jit3A_1362 : f32 to vector<32x24x128xf32>
        %max3A_1364 = arith.maximumf %max3A_1363, %sub3A_1361 : vector<32x24x128xf32>
        %min3A_1365 = vector.broadcast %broadcast_in_dim3A_1346 : vector<32x24x1xf32> to vector<32x24x128xf32>
        %min3A_1366 = vector.broadcast %broadcast_in_dim3A_66 : vector<1x24x128xf32> to vector<32x24x128xf32>
        %min3A_1367 = arith.minimumf %min3A_1365, %min3A_1366 : vector<32x24x128xf32>
        %max3A_1368 = vector.broadcast %broadcast_in_dim3A_1334 : vector<32x24x1xf32> to vector<32x24x128xf32>
        %max3A_1369 = vector.broadcast %broadcast_in_dim3A_54 : vector<1x24x128xf32> to vector<32x24x128xf32>
        %max3A_1370 = arith.maximumf %max3A_1368, %max3A_1369 : vector<32x24x128xf32>
        %sub3A_1371 = arith.subf %min3A_1367, %max3A_1370 : vector<32x24x128xf32>
        %jit3A_1372 = arith.constant 0.000000e+00 : f32
        %max3A_1373 = vector.broadcast %jit3A_1372 : f32 to vector<32x24x128xf32>
        %max3A_1374 = arith.maximumf %max3A_1373, %sub3A_1371 : vector<32x24x128xf32>
        %mul3A_1375 = arith.mulf %max3A_1364, %max3A_1374 : vector<32x24x128xf32>
        %add3A_1376 = vector.broadcast %broadcast_in_dim3A_1350 : vector<32x24x1xf32> to vector<32x24x128xf32>
        %add3A_1377 = vector.broadcast %broadcast_in_dim3A_70 : vector<1x24x128xf32> to vector<32x24x128xf32>
        %add3A_1378 = arith.addf %add3A_1376, %add3A_1377 : vector<32x24x128xf32>
        %sub3A_1379 = arith.subf %add3A_1378, %mul3A_1375 : vector<32x24x128xf32>
        %add3A_1380 = arith.constant 9.99999971E-10 : f32
        %add3A_1381 = vector.broadcast %add3A_1380 : f32 to vector<32x24x128xf32>
        %add3A_1382 = arith.addf %sub3A_1379, %add3A_1381 : vector<32x24x128xf32>
        %div3A_1383 = arith.divf %mul3A_1375, %add3A_1382 : vector<32x24x128xf32>
        %gt3A_1384 = arith.constant 3.000000e-01 : f32
        %gt3A_1385 = vector.broadcast %gt3A_1384 : f32 to vector<32x24x128xf32>
        %gt3A_1386 = arith.cmpf ogt, %div3A_1383, %gt3A_1385 : vector<32x24x128xf32>
        %gt3A_1387 = arith.constant 5.000000e-01 : f32
        %gt3A_1388 = vector.broadcast %gt3A_1387 : f32 to vector<32x24x1xf32>
        %gt3A_1389 = arith.cmpf ogt, %broadcast_in_dim3A_1354, %gt3A_1388 : vector<32x24x1xf32>
        %and3A_1390 = vector.broadcast %gt3A_1389 : vector<32x24x1xi1> to vector<32x24x128xi1>
        %and3A_1391 = arith.andi %gt3A_1386, %and3A_1390 : vector<32x24x128xi1>
        %jit3A_1392 = arith.constant 1.000000e+00 : f32
        %jit3A_1393 = arith.constant 0.000000e+00 : f32
        %broadcast_in_dim3A_1394 = vector.broadcast %jit3A_1392 : f32 to vector<32x24x128xf32>
        %broadcast_in_dim3A_1395 = vector.broadcast %jit3A_1393 : f32 to vector<32x24x128xf32>
        %select_n3A_1396 = arith.select %and3A_1391, %broadcast_in_dim3A_1394, %broadcast_in_dim3A_1395 : vector<32x24x128xi1>, vector<32x24x128xf32>
        %reduce_max3A_1397 = arith.constant dense<0xFF800000> : vector<24x128xf32>
        %reduce_max3A_1398 = vector.multi_reduction <maximumf>, %select_n3A_1396, %reduce_max3A_1397 [0] : vector<32x24x128xf32> to vector<24x128xf32>
        %max3A_1399 = arith.maximumf %while3A_1318, %reduce_max3A_1398 : vector<24x128xf32>
        %add3A_1400 = arith.constant 32 : i32
        %add3A_1401 = arith.addi %mul3A_1320, %add3A_1400 : i32
        %get3A_1402 = arith.constant 0 : index
        %get3A_1403 = arith.index_cast %add3A_1401 : i32 to index
        %get3A_1404 = arith.constant 0 : index
        %get3A_1405 = vector.load %arg1[%get3A_1402, %get3A_1403, %get3A_1404] : memref<4x5120x24xf32, #tpu.memory_space<vmem>>, vector<1x32x24xf32>
        %get3A_1406 = vector.shape_cast %get3A_1405 : vector<1x32x24xf32> to vector<32x24xf32>
        %broadcast_in_dim3A_1407 = vector.shape_cast %get3A_1406 : vector<32x24xf32> to vector<32x24x1xf32>
        %get3A_1408 = arith.constant 1 : index
        %get3A_1409 = arith.index_cast %add3A_1401 : i32 to index
        %get3A_1410 = arith.constant 0 : index
        %get3A_1411 = vector.load %arg1[%get3A_1408, %get3A_1409, %get3A_1410] : memref<4x5120x24xf32, #tpu.memory_space<vmem>>, vector<1x32x24xf32>
        %get3A_1412 = vector.shape_cast %get3A_1411 : vector<1x32x24xf32> to vector<32x24xf32>
        %broadcast_in_dim3A_1413 = vector.shape_cast %get3A_1412 : vector<32x24xf32> to vector<32x24x1xf32>
        %get3A_1414 = arith.constant 2 : index
        %get3A_1415 = arith.index_cast %add3A_1401 : i32 to index
        %get3A_1416 = arith.constant 0 : index
        %get3A_1417 = vector.load %arg1[%get3A_1414, %get3A_1415, %get3A_1416] : memref<4x5120x24xf32, #tpu.memory_space<vmem>>, vector<1x32x24xf32>
        %get3A_1418 = vector.shape_cast %get3A_1417 : vector<1x32x24xf32> to vector<32x24xf32>
        %broadcast_in_dim3A_1419 = vector.shape_cast %get3A_1418 : vector<32x24xf32> to vector<32x24x1xf32>
        %get3A_1420 = arith.constant 3 : index
        %get3A_1421 = arith.index_cast %add3A_1401 : i32 to index
        %get3A_1422 = arith.constant 0 : index
        %get3A_1423 = vector.load %arg1[%get3A_1420, %get3A_1421, %get3A_1422] : memref<4x5120x24xf32, #tpu.memory_space<vmem>>, vector<1x32x24xf32>
        %get3A_1424 = vector.shape_cast %get3A_1423 : vector<1x32x24xf32> to vector<32x24xf32>
        %broadcast_in_dim3A_1425 = vector.shape_cast %get3A_1424 : vector<32x24xf32> to vector<32x24x1xf32>
        %get3A_1426 = arith.index_cast %add3A_1401 : i32 to index
        %get3A_1427 = arith.constant 0 : index
        %get3A_1428 = vector.load %arg3[%get3A_1426, %get3A_1427] : memref<5120x24xf32, #tpu.memory_space<vmem>>, vector<32x24xf32>
        %broadcast_in_dim3A_1429 = vector.shape_cast %get3A_1428 : vector<32x24xf32> to vector<32x24x1xf32>
        %get3A_1430 = arith.index_cast %add3A_1401 : i32 to index
        %get3A_1431 = arith.constant 0 : index
        %get3A_1432 = vector.load %arg7[%get3A_1430, %get3A_1431] : memref<5120x24xf32, #tpu.memory_space<vmem>>, vector<32x24xf32>
        %broadcast_in_dim3A_1433 = vector.shape_cast %get3A_1432 : vector<32x24xf32> to vector<32x24x1xf32>
        %min3A_1434 = vector.broadcast %broadcast_in_dim3A_1419 : vector<32x24x1xf32> to vector<32x24x128xf32>
        %min3A_1435 = vector.broadcast %broadcast_in_dim3A_60 : vector<1x24x128xf32> to vector<32x24x128xf32>
        %min3A_1436 = arith.minimumf %min3A_1434, %min3A_1435 : vector<32x24x128xf32>
        %max3A_1437 = vector.broadcast %broadcast_in_dim3A_1407 : vector<32x24x1xf32> to vector<32x24x128xf32>
        %max3A_1438 = vector.broadcast %broadcast_in_dim3A_48 : vector<1x24x128xf32> to vector<32x24x128xf32>
        %max3A_1439 = arith.maximumf %max3A_1437, %max3A_1438 : vector<32x24x128xf32>
        %sub3A_1440 = arith.subf %min3A_1436, %max3A_1439 : vector<32x24x128xf32>
        %jit3A_1441 = arith.constant 0.000000e+00 : f32
        %max3A_1442 = vector.broadcast %jit3A_1441 : f32 to vector<32x24x128xf32>
        %max3A_1443 = arith.maximumf %max3A_1442, %sub3A_1440 : vector<32x24x128xf32>
        %min3A_1444 = vector.broadcast %broadcast_in_dim3A_1425 : vector<32x24x1xf32> to vector<32x24x128xf32>
        %min3A_1445 = vector.broadcast %broadcast_in_dim3A_66 : vector<1x24x128xf32> to vector<32x24x128xf32>
        %min3A_1446 = arith.minimumf %min3A_1444, %min3A_1445 : vector<32x24x128xf32>
        %max3A_1447 = vector.broadcast %broadcast_in_dim3A_1413 : vector<32x24x1xf32> to vector<32x24x128xf32>
        %max3A_1448 = vector.broadcast %broadcast_in_dim3A_54 : vector<1x24x128xf32> to vector<32x24x128xf32>
        %max3A_1449 = arith.maximumf %max3A_1447, %max3A_1448 : vector<32x24x128xf32>
        %sub3A_1450 = arith.subf %min3A_1446, %max3A_1449 : vector<32x24x128xf32>
        %jit3A_1451 = arith.constant 0.000000e+00 : f32
        %max3A_1452 = vector.broadcast %jit3A_1451 : f32 to vector<32x24x128xf32>
        %max3A_1453 = arith.maximumf %max3A_1452, %sub3A_1450 : vector<32x24x128xf32>
        %mul3A_1454 = arith.mulf %max3A_1443, %max3A_1453 : vector<32x24x128xf32>
        %add3A_1455 = vector.broadcast %broadcast_in_dim3A_1429 : vector<32x24x1xf32> to vector<32x24x128xf32>
        %add3A_1456 = vector.broadcast %broadcast_in_dim3A_70 : vector<1x24x128xf32> to vector<32x24x128xf32>
        %add3A_1457 = arith.addf %add3A_1455, %add3A_1456 : vector<32x24x128xf32>
        %sub3A_1458 = arith.subf %add3A_1457, %mul3A_1454 : vector<32x24x128xf32>
        %add3A_1459 = arith.constant 9.99999971E-10 : f32
        %add3A_1460 = vector.broadcast %add3A_1459 : f32 to vector<32x24x128xf32>
        %add3A_1461 = arith.addf %sub3A_1458, %add3A_1460 : vector<32x24x128xf32>
        %div3A_1462 = arith.divf %mul3A_1454, %add3A_1461 : vector<32x24x128xf32>
        %gt3A_1463 = arith.constant 3.000000e-01 : f32
        %gt3A_1464 = vector.broadcast %gt3A_1463 : f32 to vector<32x24x128xf32>
        %gt3A_1465 = arith.cmpf ogt, %div3A_1462, %gt3A_1464 : vector<32x24x128xf32>
        %gt3A_1466 = arith.constant 5.000000e-01 : f32
        %gt3A_1467 = vector.broadcast %gt3A_1466 : f32 to vector<32x24x1xf32>
        %gt3A_1468 = arith.cmpf ogt, %broadcast_in_dim3A_1433, %gt3A_1467 : vector<32x24x1xf32>
        %and3A_1469 = vector.broadcast %gt3A_1468 : vector<32x24x1xi1> to vector<32x24x128xi1>
        %and3A_1470 = arith.andi %gt3A_1465, %and3A_1469 : vector<32x24x128xi1>
        %jit3A_1471 = arith.constant 1.000000e+00 : f32
        %jit3A_1472 = arith.constant 0.000000e+00 : f32
        %broadcast_in_dim3A_1473 = vector.broadcast %jit3A_1471 : f32 to vector<32x24x128xf32>
        %broadcast_in_dim3A_1474 = vector.broadcast %jit3A_1472 : f32 to vector<32x24x128xf32>
        %select_n3A_1475 = arith.select %and3A_1470, %broadcast_in_dim3A_1473, %broadcast_in_dim3A_1474 : vector<32x24x128xi1>, vector<32x24x128xf32>
        %reduce_max3A_1476 = arith.constant dense<0xFF800000> : vector<24x128xf32>
        %reduce_max3A_1477 = vector.multi_reduction <maximumf>, %select_n3A_1475, %reduce_max3A_1476 [0] : vector<32x24x128xf32> to vector<24x128xf32>
        %max3A_1478 = arith.maximumf %max3A_1399, %reduce_max3A_1477 : vector<24x128xf32>
        %add3A_1479 = arith.constant 64 : i32
        %add3A_1480 = arith.addi %mul3A_1320, %add3A_1479 : i32
        %get3A_1481 = arith.constant 0 : index
        %get3A_1482 = arith.index_cast %add3A_1480 : i32 to index
        %get3A_1483 = arith.constant 0 : index
        %get3A_1484 = vector.load %arg1[%get3A_1481, %get3A_1482, %get3A_1483] : memref<4x5120x24xf32, #tpu.memory_space<vmem>>, vector<1x32x24xf32>
        %get3A_1485 = vector.shape_cast %get3A_1484 : vector<1x32x24xf32> to vector<32x24xf32>
        %broadcast_in_dim3A_1486 = vector.shape_cast %get3A_1485 : vector<32x24xf32> to vector<32x24x1xf32>
        %get3A_1487 = arith.constant 1 : index
        %get3A_1488 = arith.index_cast %add3A_1480 : i32 to index
        %get3A_1489 = arith.constant 0 : index
        %get3A_1490 = vector.load %arg1[%get3A_1487, %get3A_1488, %get3A_1489] : memref<4x5120x24xf32, #tpu.memory_space<vmem>>, vector<1x32x24xf32>
        %get3A_1491 = vector.shape_cast %get3A_1490 : vector<1x32x24xf32> to vector<32x24xf32>
        %broadcast_in_dim3A_1492 = vector.shape_cast %get3A_1491 : vector<32x24xf32> to vector<32x24x1xf32>
        %get3A_1493 = arith.constant 2 : index
        %get3A_1494 = arith.index_cast %add3A_1480 : i32 to index
        %get3A_1495 = arith.constant 0 : index
        %get3A_1496 = vector.load %arg1[%get3A_1493, %get3A_1494, %get3A_1495] : memref<4x5120x24xf32, #tpu.memory_space<vmem>>, vector<1x32x24xf32>
        %get3A_1497 = vector.shape_cast %get3A_1496 : vector<1x32x24xf32> to vector<32x24xf32>
        %broadcast_in_dim3A_1498 = vector.shape_cast %get3A_1497 : vector<32x24xf32> to vector<32x24x1xf32>
        %get3A_1499 = arith.constant 3 : index
        %get3A_1500 = arith.index_cast %add3A_1480 : i32 to index
        %get3A_1501 = arith.constant 0 : index
        %get3A_1502 = vector.load %arg1[%get3A_1499, %get3A_1500, %get3A_1501] : memref<4x5120x24xf32, #tpu.memory_space<vmem>>, vector<1x32x24xf32>
        %get3A_1503 = vector.shape_cast %get3A_1502 : vector<1x32x24xf32> to vector<32x24xf32>
        %broadcast_in_dim3A_1504 = vector.shape_cast %get3A_1503 : vector<32x24xf32> to vector<32x24x1xf32>
        %get3A_1505 = arith.index_cast %add3A_1480 : i32 to index
        %get3A_1506 = arith.constant 0 : index
        %get3A_1507 = vector.load %arg3[%get3A_1505, %get3A_1506] : memref<5120x24xf32, #tpu.memory_space<vmem>>, vector<32x24xf32>
        %broadcast_in_dim3A_1508 = vector.shape_cast %get3A_1507 : vector<32x24xf32> to vector<32x24x1xf32>
        %get3A_1509 = arith.index_cast %add3A_1480 : i32 to index
        %get3A_1510 = arith.constant 0 : index
        %get3A_1511 = vector.load %arg7[%get3A_1509, %get3A_1510] : memref<5120x24xf32, #tpu.memory_space<vmem>>, vector<32x24xf32>
        %broadcast_in_dim3A_1512 = vector.shape_cast %get3A_1511 : vector<32x24xf32> to vector<32x24x1xf32>
        %min3A_1513 = vector.broadcast %broadcast_in_dim3A_1498 : vector<32x24x1xf32> to vector<32x24x128xf32>
        %min3A_1514 = vector.broadcast %broadcast_in_dim3A_60 : vector<1x24x128xf32> to vector<32x24x128xf32>
        %min3A_1515 = arith.minimumf %min3A_1513, %min3A_1514 : vector<32x24x128xf32>
        %max3A_1516 = vector.broadcast %broadcast_in_dim3A_1486 : vector<32x24x1xf32> to vector<32x24x128xf32>
        %max3A_1517 = vector.broadcast %broadcast_in_dim3A_48 : vector<1x24x128xf32> to vector<32x24x128xf32>
        %max3A_1518 = arith.maximumf %max3A_1516, %max3A_1517 : vector<32x24x128xf32>
        %sub3A_1519 = arith.subf %min3A_1515, %max3A_1518 : vector<32x24x128xf32>
        %jit3A_1520 = arith.constant 0.000000e+00 : f32
        %max3A_1521 = vector.broadcast %jit3A_1520 : f32 to vector<32x24x128xf32>
        %max3A_1522 = arith.maximumf %max3A_1521, %sub3A_1519 : vector<32x24x128xf32>
        %min3A_1523 = vector.broadcast %broadcast_in_dim3A_1504 : vector<32x24x1xf32> to vector<32x24x128xf32>
        %min3A_1524 = vector.broadcast %broadcast_in_dim3A_66 : vector<1x24x128xf32> to vector<32x24x128xf32>
        %min3A_1525 = arith.minimumf %min3A_1523, %min3A_1524 : vector<32x24x128xf32>
        %max3A_1526 = vector.broadcast %broadcast_in_dim3A_1492 : vector<32x24x1xf32> to vector<32x24x128xf32>
        %max3A_1527 = vector.broadcast %broadcast_in_dim3A_54 : vector<1x24x128xf32> to vector<32x24x128xf32>
        %max3A_1528 = arith.maximumf %max3A_1526, %max3A_1527 : vector<32x24x128xf32>
        %sub3A_1529 = arith.subf %min3A_1525, %max3A_1528 : vector<32x24x128xf32>
        %jit3A_1530 = arith.constant 0.000000e+00 : f32
        %max3A_1531 = vector.broadcast %jit3A_1530 : f32 to vector<32x24x128xf32>
        %max3A_1532 = arith.maximumf %max3A_1531, %sub3A_1529 : vector<32x24x128xf32>
        %mul3A_1533 = arith.mulf %max3A_1522, %max3A_1532 : vector<32x24x128xf32>
        %add3A_1534 = vector.broadcast %broadcast_in_dim3A_1508 : vector<32x24x1xf32> to vector<32x24x128xf32>
        %add3A_1535 = vector.broadcast %broadcast_in_dim3A_70 : vector<1x24x128xf32> to vector<32x24x128xf32>
        %add3A_1536 = arith.addf %add3A_1534, %add3A_1535 : vector<32x24x128xf32>
        %sub3A_1537 = arith.subf %add3A_1536, %mul3A_1533 : vector<32x24x128xf32>
        %add3A_1538 = arith.constant 9.99999971E-10 : f32
        %add3A_1539 = vector.broadcast %add3A_1538 : f32 to vector<32x24x128xf32>
        %add3A_1540 = arith.addf %sub3A_1537, %add3A_1539 : vector<32x24x128xf32>
        %div3A_1541 = arith.divf %mul3A_1533, %add3A_1540 : vector<32x24x128xf32>
        %gt3A_1542 = arith.constant 3.000000e-01 : f32
        %gt3A_1543 = vector.broadcast %gt3A_1542 : f32 to vector<32x24x128xf32>
        %gt3A_1544 = arith.cmpf ogt, %div3A_1541, %gt3A_1543 : vector<32x24x128xf32>
        %gt3A_1545 = arith.constant 5.000000e-01 : f32
        %gt3A_1546 = vector.broadcast %gt3A_1545 : f32 to vector<32x24x1xf32>
        %gt3A_1547 = arith.cmpf ogt, %broadcast_in_dim3A_1512, %gt3A_1546 : vector<32x24x1xf32>
        %and3A_1548 = vector.broadcast %gt3A_1547 : vector<32x24x1xi1> to vector<32x24x128xi1>
        %and3A_1549 = arith.andi %gt3A_1544, %and3A_1548 : vector<32x24x128xi1>
        %jit3A_1550 = arith.constant 1.000000e+00 : f32
        %jit3A_1551 = arith.constant 0.000000e+00 : f32
        %broadcast_in_dim3A_1552 = vector.broadcast %jit3A_1550 : f32 to vector<32x24x128xf32>
        %broadcast_in_dim3A_1553 = vector.broadcast %jit3A_1551 : f32 to vector<32x24x128xf32>
        %select_n3A_1554 = arith.select %and3A_1549, %broadcast_in_dim3A_1552, %broadcast_in_dim3A_1553 : vector<32x24x128xi1>, vector<32x24x128xf32>
        %reduce_max3A_1555 = arith.constant dense<0xFF800000> : vector<24x128xf32>
        %reduce_max3A_1556 = vector.multi_reduction <maximumf>, %select_n3A_1554, %reduce_max3A_1555 [0] : vector<32x24x128xf32> to vector<24x128xf32>
        %max3A_1557 = arith.maximumf %max3A_1478, %reduce_max3A_1556 : vector<24x128xf32>
        %add3A_1558 = arith.constant 96 : i32
        %add3A_1559 = arith.addi %mul3A_1320, %add3A_1558 : i32
        %get3A_1560 = arith.constant 0 : index
        %get3A_1561 = arith.index_cast %add3A_1559 : i32 to index
        %get3A_1562 = arith.constant 0 : index
        %get3A_1563 = vector.load %arg1[%get3A_1560, %get3A_1561, %get3A_1562] : memref<4x5120x24xf32, #tpu.memory_space<vmem>>, vector<1x32x24xf32>
        %get3A_1564 = vector.shape_cast %get3A_1563 : vector<1x32x24xf32> to vector<32x24xf32>
        %broadcast_in_dim3A_1565 = vector.shape_cast %get3A_1564 : vector<32x24xf32> to vector<32x24x1xf32>
        %get3A_1566 = arith.constant 1 : index
        %get3A_1567 = arith.index_cast %add3A_1559 : i32 to index
        %get3A_1568 = arith.constant 0 : index
        %get3A_1569 = vector.load %arg1[%get3A_1566, %get3A_1567, %get3A_1568] : memref<4x5120x24xf32, #tpu.memory_space<vmem>>, vector<1x32x24xf32>
        %get3A_1570 = vector.shape_cast %get3A_1569 : vector<1x32x24xf32> to vector<32x24xf32>
        %broadcast_in_dim3A_1571 = vector.shape_cast %get3A_1570 : vector<32x24xf32> to vector<32x24x1xf32>
        %get3A_1572 = arith.constant 2 : index
        %get3A_1573 = arith.index_cast %add3A_1559 : i32 to index
        %get3A_1574 = arith.constant 0 : index
        %get3A_1575 = vector.load %arg1[%get3A_1572, %get3A_1573, %get3A_1574] : memref<4x5120x24xf32, #tpu.memory_space<vmem>>, vector<1x32x24xf32>
        %get3A_1576 = vector.shape_cast %get3A_1575 : vector<1x32x24xf32> to vector<32x24xf32>
        %broadcast_in_dim3A_1577 = vector.shape_cast %get3A_1576 : vector<32x24xf32> to vector<32x24x1xf32>
        %get3A_1578 = arith.constant 3 : index
        %get3A_1579 = arith.index_cast %add3A_1559 : i32 to index
        %get3A_1580 = arith.constant 0 : index
        %get3A_1581 = vector.load %arg1[%get3A_1578, %get3A_1579, %get3A_1580] : memref<4x5120x24xf32, #tpu.memory_space<vmem>>, vector<1x32x24xf32>
        %get3A_1582 = vector.shape_cast %get3A_1581 : vector<1x32x24xf32> to vector<32x24xf32>
        %broadcast_in_dim3A_1583 = vector.shape_cast %get3A_1582 : vector<32x24xf32> to vector<32x24x1xf32>
        %get3A_1584 = arith.index_cast %add3A_1559 : i32 to index
        %get3A_1585 = arith.constant 0 : index
        %get3A_1586 = vector.load %arg3[%get3A_1584, %get3A_1585] : memref<5120x24xf32, #tpu.memory_space<vmem>>, vector<32x24xf32>
        %broadcast_in_dim3A_1587 = vector.shape_cast %get3A_1586 : vector<32x24xf32> to vector<32x24x1xf32>
        %get3A_1588 = arith.index_cast %add3A_1559 : i32 to index
        %get3A_1589 = arith.constant 0 : index
        %get3A_1590 = vector.load %arg7[%get3A_1588, %get3A_1589] : memref<5120x24xf32, #tpu.memory_space<vmem>>, vector<32x24xf32>
        %broadcast_in_dim3A_1591 = vector.shape_cast %get3A_1590 : vector<32x24xf32> to vector<32x24x1xf32>
        %min3A_1592 = vector.broadcast %broadcast_in_dim3A_1577 : vector<32x24x1xf32> to vector<32x24x128xf32>
        %min3A_1593 = vector.broadcast %broadcast_in_dim3A_60 : vector<1x24x128xf32> to vector<32x24x128xf32>
        %min3A_1594 = arith.minimumf %min3A_1592, %min3A_1593 : vector<32x24x128xf32>
        %max3A_1595 = vector.broadcast %broadcast_in_dim3A_1565 : vector<32x24x1xf32> to vector<32x24x128xf32>
        %max3A_1596 = vector.broadcast %broadcast_in_dim3A_48 : vector<1x24x128xf32> to vector<32x24x128xf32>
        %max3A_1597 = arith.maximumf %max3A_1595, %max3A_1596 : vector<32x24x128xf32>
        %sub3A_1598 = arith.subf %min3A_1594, %max3A_1597 : vector<32x24x128xf32>
        %jit3A_1599 = arith.constant 0.000000e+00 : f32
        %max3A_1600 = vector.broadcast %jit3A_1599 : f32 to vector<32x24x128xf32>
        %max3A_1601 = arith.maximumf %max3A_1600, %sub3A_1598 : vector<32x24x128xf32>
        %min3A_1602 = vector.broadcast %broadcast_in_dim3A_1583 : vector<32x24x1xf32> to vector<32x24x128xf32>
        %min3A_1603 = vector.broadcast %broadcast_in_dim3A_66 : vector<1x24x128xf32> to vector<32x24x128xf32>
        %min3A_1604 = arith.minimumf %min3A_1602, %min3A_1603 : vector<32x24x128xf32>
        %max3A_1605 = vector.broadcast %broadcast_in_dim3A_1571 : vector<32x24x1xf32> to vector<32x24x128xf32>
        %max3A_1606 = vector.broadcast %broadcast_in_dim3A_54 : vector<1x24x128xf32> to vector<32x24x128xf32>
        %max3A_1607 = arith.maximumf %max3A_1605, %max3A_1606 : vector<32x24x128xf32>
        %sub3A_1608 = arith.subf %min3A_1604, %max3A_1607 : vector<32x24x128xf32>
        %jit3A_1609 = arith.constant 0.000000e+00 : f32
        %max3A_1610 = vector.broadcast %jit3A_1609 : f32 to vector<32x24x128xf32>
        %max3A_1611 = arith.maximumf %max3A_1610, %sub3A_1608 : vector<32x24x128xf32>
        %mul3A_1612 = arith.mulf %max3A_1601, %max3A_1611 : vector<32x24x128xf32>
        %add3A_1613 = vector.broadcast %broadcast_in_dim3A_1587 : vector<32x24x1xf32> to vector<32x24x128xf32>
        %add3A_1614 = vector.broadcast %broadcast_in_dim3A_70 : vector<1x24x128xf32> to vector<32x24x128xf32>
        %add3A_1615 = arith.addf %add3A_1613, %add3A_1614 : vector<32x24x128xf32>
        %sub3A_1616 = arith.subf %add3A_1615, %mul3A_1612 : vector<32x24x128xf32>
        %add3A_1617 = arith.constant 9.99999971E-10 : f32
        %add3A_1618 = vector.broadcast %add3A_1617 : f32 to vector<32x24x128xf32>
        %add3A_1619 = arith.addf %sub3A_1616, %add3A_1618 : vector<32x24x128xf32>
        %div3A_1620 = arith.divf %mul3A_1612, %add3A_1619 : vector<32x24x128xf32>
        %gt3A_1621 = arith.constant 3.000000e-01 : f32
        %gt3A_1622 = vector.broadcast %gt3A_1621 : f32 to vector<32x24x128xf32>
        %gt3A_1623 = arith.cmpf ogt, %div3A_1620, %gt3A_1622 : vector<32x24x128xf32>
        %gt3A_1624 = arith.constant 5.000000e-01 : f32
        %gt3A_1625 = vector.broadcast %gt3A_1624 : f32 to vector<32x24x1xf32>
        %gt3A_1626 = arith.cmpf ogt, %broadcast_in_dim3A_1591, %gt3A_1625 : vector<32x24x1xf32>
        %and3A_1627 = vector.broadcast %gt3A_1626 : vector<32x24x1xi1> to vector<32x24x128xi1>
        %and3A_1628 = arith.andi %gt3A_1623, %and3A_1627 : vector<32x24x128xi1>
        %jit3A_1629 = arith.constant 1.000000e+00 : f32
        %jit3A_1630 = arith.constant 0.000000e+00 : f32
        %broadcast_in_dim3A_1631 = vector.broadcast %jit3A_1629 : f32 to vector<32x24x128xf32>
        %broadcast_in_dim3A_1632 = vector.broadcast %jit3A_1630 : f32 to vector<32x24x128xf32>
        %select_n3A_1633 = arith.select %and3A_1628, %broadcast_in_dim3A_1631, %broadcast_in_dim3A_1632 : vector<32x24x128xi1>, vector<32x24x128xf32>
        %reduce_max3A_1634 = arith.constant dense<0xFF800000> : vector<24x128xf32>
        %reduce_max3A_1635 = vector.multi_reduction <maximumf>, %select_n3A_1633, %reduce_max3A_1634 [0] : vector<32x24x128xf32> to vector<24x128xf32>
        %max3A_1636 = arith.maximumf %max3A_1557, %reduce_max3A_1635 : vector<24x128xf32>
        scf.yield %max3A_1636 : vector<24x128xf32>
      }
      %while3A_82 = arith.constant 1 : i32
      %while3A_83 = scf.for %while3A_1317 = %while3A_79 to %while3A_75 step %while3A_82 iter_args(%while3A_1318 = %while3A_81) -> (vector<24x128xf32>)  : i32 {
        %mul3A_1319 = arith.constant 128 : i32
        %mul3A_1320 = arith.muli %while3A_1317, %mul3A_1319 : i32
        %add3A_1321 = arith.constant 0 : i32
        %add3A_1322 = arith.addi %mul3A_1320, %add3A_1321 : i32
        %get3A_1323 = arith.constant 0 : index
        %get3A_1324 = arith.index_cast %add3A_1322 : i32 to index
        %get3A_1325 = arith.constant 0 : index
        %get3A_1326 = vector.load %arg1[%get3A_1323, %get3A_1324, %get3A_1325] : memref<4x5120x24xf32, #tpu.memory_space<vmem>>, vector<1x32x24xf32>
        %get3A_1327 = vector.shape_cast %get3A_1326 : vector<1x32x24xf32> to vector<32x24xf32>
        %broadcast_in_dim3A_1328 = vector.shape_cast %get3A_1327 : vector<32x24xf32> to vector<32x24x1xf32>
        %get3A_1329 = arith.constant 1 : index
        %get3A_1330 = arith.index_cast %add3A_1322 : i32 to index
        %get3A_1331 = arith.constant 0 : index
        %get3A_1332 = vector.load %arg1[%get3A_1329, %get3A_1330, %get3A_1331] : memref<4x5120x24xf32, #tpu.memory_space<vmem>>, vector<1x32x24xf32>
        %get3A_1333 = vector.shape_cast %get3A_1332 : vector<1x32x24xf32> to vector<32x24xf32>
        %broadcast_in_dim3A_1334 = vector.shape_cast %get3A_1333 : vector<32x24xf32> to vector<32x24x1xf32>
        %get3A_1335 = arith.constant 2 : index
        %get3A_1336 = arith.index_cast %add3A_1322 : i32 to index
        %get3A_1337 = arith.constant 0 : index
        %get3A_1338 = vector.load %arg1[%get3A_1335, %get3A_1336, %get3A_1337] : memref<4x5120x24xf32, #tpu.memory_space<vmem>>, vector<1x32x24xf32>
        %get3A_1339 = vector.shape_cast %get3A_1338 : vector<1x32x24xf32> to vector<32x24xf32>
        %broadcast_in_dim3A_1340 = vector.shape_cast %get3A_1339 : vector<32x24xf32> to vector<32x24x1xf32>
        %get3A_1341 = arith.constant 3 : index
        %get3A_1342 = arith.index_cast %add3A_1322 : i32 to index
        %get3A_1343 = arith.constant 0 : index
        %get3A_1344 = vector.load %arg1[%get3A_1341, %get3A_1342, %get3A_1343] : memref<4x5120x24xf32, #tpu.memory_space<vmem>>, vector<1x32x24xf32>
        %get3A_1345 = vector.shape_cast %get3A_1344 : vector<1x32x24xf32> to vector<32x24xf32>
        %broadcast_in_dim3A_1346 = vector.shape_cast %get3A_1345 : vector<32x24xf32> to vector<32x24x1xf32>
        %get3A_1347 = arith.index_cast %add3A_1322 : i32 to index
        %get3A_1348 = arith.constant 0 : index
        %get3A_1349 = vector.load %arg3[%get3A_1347, %get3A_1348] : memref<5120x24xf32, #tpu.memory_space<vmem>>, vector<32x24xf32>
        %broadcast_in_dim3A_1350 = vector.shape_cast %get3A_1349 : vector<32x24xf32> to vector<32x24x1xf32>
        %get3A_1351 = arith.index_cast %add3A_1322 : i32 to index
        %get3A_1352 = arith.constant 0 : index
        %get3A_1353 = vector.load %arg7[%get3A_1351, %get3A_1352] : memref<5120x24xf32, #tpu.memory_space<vmem>>, vector<32x24xf32>
        %broadcast_in_dim3A_1354 = vector.shape_cast %get3A_1353 : vector<32x24xf32> to vector<32x24x1xf32>
        %min3A_1355 = vector.broadcast %broadcast_in_dim3A_1340 : vector<32x24x1xf32> to vector<32x24x128xf32>
        %min3A_1356 = vector.broadcast %broadcast_in_dim3A_60 : vector<1x24x128xf32> to vector<32x24x128xf32>
        %min3A_1357 = arith.minimumf %min3A_1355, %min3A_1356 : vector<32x24x128xf32>
        %max3A_1358 = vector.broadcast %broadcast_in_dim3A_1328 : vector<32x24x1xf32> to vector<32x24x128xf32>
        %max3A_1359 = vector.broadcast %broadcast_in_dim3A_48 : vector<1x24x128xf32> to vector<32x24x128xf32>
        %max3A_1360 = arith.maximumf %max3A_1358, %max3A_1359 : vector<32x24x128xf32>
        %sub3A_1361 = arith.subf %min3A_1357, %max3A_1360 : vector<32x24x128xf32>
        %jit3A_1362 = arith.constant 0.000000e+00 : f32
        %max3A_1363 = vector.broadcast %jit3A_1362 : f32 to vector<32x24x128xf32>
        %max3A_1364 = arith.maximumf %max3A_1363, %sub3A_1361 : vector<32x24x128xf32>
        %min3A_1365 = vector.broadcast %broadcast_in_dim3A_1346 : vector<32x24x1xf32> to vector<32x24x128xf32>
        %min3A_1366 = vector.broadcast %broadcast_in_dim3A_66 : vector<1x24x128xf32> to vector<32x24x128xf32>
        %min3A_1367 = arith.minimumf %min3A_1365, %min3A_1366 : vector<32x24x128xf32>
        %max3A_1368 = vector.broadcast %broadcast_in_dim3A_1334 : vector<32x24x1xf32> to vector<32x24x128xf32>
        %max3A_1369 = vector.broadcast %broadcast_in_dim3A_54 : vector<1x24x128xf32> to vector<32x24x128xf32>
        %max3A_1370 = arith.maximumf %max3A_1368, %max3A_1369 : vector<32x24x128xf32>
        %sub3A_1371 = arith.subf %min3A_1367, %max3A_1370 : vector<32x24x128xf32>
        %jit3A_1372 = arith.constant 0.000000e+00 : f32
        %max3A_1373 = vector.broadcast %jit3A_1372 : f32 to vector<32x24x128xf32>
        %max3A_1374 = arith.maximumf %max3A_1373, %sub3A_1371 : vector<32x24x128xf32>
        %mul3A_1375 = arith.mulf %max3A_1364, %max3A_1374 : vector<32x24x128xf32>
        %add3A_1376 = vector.broadcast %broadcast_in_dim3A_1350 : vector<32x24x1xf32> to vector<32x24x128xf32>
        %add3A_1377 = vector.broadcast %broadcast_in_dim3A_70 : vector<1x24x128xf32> to vector<32x24x128xf32>
        %add3A_1378 = arith.addf %add3A_1376, %add3A_1377 : vector<32x24x128xf32>
        %sub3A_1379 = arith.subf %add3A_1378, %mul3A_1375 : vector<32x24x128xf32>
        %add3A_1380 = arith.constant 9.99999971E-10 : f32
        %add3A_1381 = vector.broadcast %add3A_1380 : f32 to vector<32x24x128xf32>
        %add3A_1382 = arith.addf %sub3A_1379, %add3A_1381 : vector<32x24x128xf32>
        %div3A_1383 = arith.divf %mul3A_1375, %add3A_1382 : vector<32x24x128xf32>
        %gt3A_1384 = arith.constant 3.000000e-01 : f32
        %gt3A_1385 = vector.broadcast %gt3A_1384 : f32 to vector<32x24x128xf32>
        %gt3A_1386 = arith.cmpf ogt, %div3A_1383, %gt3A_1385 : vector<32x24x128xf32>
        %gt3A_1387 = arith.constant 5.000000e-01 : f32
        %gt3A_1388 = vector.broadcast %gt3A_1387 : f32 to vector<32x24x1xf32>
        %gt3A_1389 = arith.cmpf ogt, %broadcast_in_dim3A_1354, %gt3A_1388 : vector<32x24x1xf32>
        %and3A_1390 = vector.broadcast %gt3A_1389 : vector<32x24x1xi1> to vector<32x24x128xi1>
        %and3A_1391 = arith.andi %gt3A_1386, %and3A_1390 : vector<32x24x128xi1>
        %jit3A_1392 = arith.constant 1.000000e+00 : f32
        %jit3A_1393 = arith.constant 0.000000e+00 : f32
        %broadcast_in_dim3A_1394 = vector.broadcast %jit3A_1392 : f32 to vector<32x24x128xf32>
        %broadcast_in_dim3A_1395 = vector.broadcast %jit3A_1393 : f32 to vector<32x24x128xf32>
        %select_n3A_1396 = arith.select %and3A_1391, %broadcast_in_dim3A_1394, %broadcast_in_dim3A_1395 : vector<32x24x128xi1>, vector<32x24x128xf32>
        %reduce_max3A_1397 = arith.constant dense<0xFF800000> : vector<24x128xf32>
        %reduce_max3A_1398 = vector.multi_reduction <maximumf>, %select_n3A_1396, %reduce_max3A_1397 [0] : vector<32x24x128xf32> to vector<24x128xf32>
        %max3A_1399 = arith.maximumf %while3A_1318, %reduce_max3A_1398 : vector<24x128xf32>
        %add3A_1400 = arith.constant 32 : i32
        %add3A_1401 = arith.addi %mul3A_1320, %add3A_1400 : i32
        %get3A_1402 = arith.constant 0 : index
        %get3A_1403 = arith.index_cast %add3A_1401 : i32 to index
        %get3A_1404 = arith.constant 0 : index
        %get3A_1405 = vector.load %arg1[%get3A_1402, %get3A_1403, %get3A_1404] : memref<4x5120x24xf32, #tpu.memory_space<vmem>>, vector<1x32x24xf32>
        %get3A_1406 = vector.shape_cast %get3A_1405 : vector<1x32x24xf32> to vector<32x24xf32>
        %broadcast_in_dim3A_1407 = vector.shape_cast %get3A_1406 : vector<32x24xf32> to vector<32x24x1xf32>
        %get3A_1408 = arith.constant 1 : index
        %get3A_1409 = arith.index_cast %add3A_1401 : i32 to index
        %get3A_1410 = arith.constant 0 : index
        %get3A_1411 = vector.load %arg1[%get3A_1408, %get3A_1409, %get3A_1410] : memref<4x5120x24xf32, #tpu.memory_space<vmem>>, vector<1x32x24xf32>
        %get3A_1412 = vector.shape_cast %get3A_1411 : vector<1x32x24xf32> to vector<32x24xf32>
        %broadcast_in_dim3A_1413 = vector.shape_cast %get3A_1412 : vector<32x24xf32> to vector<32x24x1xf32>
        %get3A_1414 = arith.constant 2 : index
        %get3A_1415 = arith.index_cast %add3A_1401 : i32 to index
        %get3A_1416 = arith.constant 0 : index
        %get3A_1417 = vector.load %arg1[%get3A_1414, %get3A_1415, %get3A_1416] : memref<4x5120x24xf32, #tpu.memory_space<vmem>>, vector<1x32x24xf32>
        %get3A_1418 = vector.shape_cast %get3A_1417 : vector<1x32x24xf32> to vector<32x24xf32>
        %broadcast_in_dim3A_1419 = vector.shape_cast %get3A_1418 : vector<32x24xf32> to vector<32x24x1xf32>
        %get3A_1420 = arith.constant 3 : index
        %get3A_1421 = arith.index_cast %add3A_1401 : i32 to index
        %get3A_1422 = arith.constant 0 : index
        %get3A_1423 = vector.load %arg1[%get3A_1420, %get3A_1421, %get3A_1422] : memref<4x5120x24xf32, #tpu.memory_space<vmem>>, vector<1x32x24xf32>
        %get3A_1424 = vector.shape_cast %get3A_1423 : vector<1x32x24xf32> to vector<32x24xf32>
        %broadcast_in_dim3A_1425 = vector.shape_cast %get3A_1424 : vector<32x24xf32> to vector<32x24x1xf32>
        %get3A_1426 = arith.index_cast %add3A_1401 : i32 to index
        %get3A_1427 = arith.constant 0 : index
        %get3A_1428 = vector.load %arg3[%get3A_1426, %get3A_1427] : memref<5120x24xf32, #tpu.memory_space<vmem>>, vector<32x24xf32>
        %broadcast_in_dim3A_1429 = vector.shape_cast %get3A_1428 : vector<32x24xf32> to vector<32x24x1xf32>
        %get3A_1430 = arith.index_cast %add3A_1401 : i32 to index
        %get3A_1431 = arith.constant 0 : index
        %get3A_1432 = vector.load %arg7[%get3A_1430, %get3A_1431] : memref<5120x24xf32, #tpu.memory_space<vmem>>, vector<32x24xf32>
        %broadcast_in_dim3A_1433 = vector.shape_cast %get3A_1432 : vector<32x24xf32> to vector<32x24x1xf32>
        %min3A_1434 = vector.broadcast %broadcast_in_dim3A_1419 : vector<32x24x1xf32> to vector<32x24x128xf32>
        %min3A_1435 = vector.broadcast %broadcast_in_dim3A_60 : vector<1x24x128xf32> to vector<32x24x128xf32>
        %min3A_1436 = arith.minimumf %min3A_1434, %min3A_1435 : vector<32x24x128xf32>
        %max3A_1437 = vector.broadcast %broadcast_in_dim3A_1407 : vector<32x24x1xf32> to vector<32x24x128xf32>
        %max3A_1438 = vector.broadcast %broadcast_in_dim3A_48 : vector<1x24x128xf32> to vector<32x24x128xf32>
        %max3A_1439 = arith.maximumf %max3A_1437, %max3A_1438 : vector<32x24x128xf32>
        %sub3A_1440 = arith.subf %min3A_1436, %max3A_1439 : vector<32x24x128xf32>
        %jit3A_1441 = arith.constant 0.000000e+00 : f32
        %max3A_1442 = vector.broadcast %jit3A_1441 : f32 to vector<32x24x128xf32>
        %max3A_1443 = arith.maximumf %max3A_1442, %sub3A_1440 : vector<32x24x128xf32>
        %min3A_1444 = vector.broadcast %broadcast_in_dim3A_1425 : vector<32x24x1xf32> to vector<32x24x128xf32>
        %min3A_1445 = vector.broadcast %broadcast_in_dim3A_66 : vector<1x24x128xf32> to vector<32x24x128xf32>
        %min3A_1446 = arith.minimumf %min3A_1444, %min3A_1445 : vector<32x24x128xf32>
        %max3A_1447 = vector.broadcast %broadcast_in_dim3A_1413 : vector<32x24x1xf32> to vector<32x24x128xf32>
        %max3A_1448 = vector.broadcast %broadcast_in_dim3A_54 : vector<1x24x128xf32> to vector<32x24x128xf32>
        %max3A_1449 = arith.maximumf %max3A_1447, %max3A_1448 : vector<32x24x128xf32>
        %sub3A_1450 = arith.subf %min3A_1446, %max3A_1449 : vector<32x24x128xf32>
        %jit3A_1451 = arith.constant 0.000000e+00 : f32
        %max3A_1452 = vector.broadcast %jit3A_1451 : f32 to vector<32x24x128xf32>
        %max3A_1453 = arith.maximumf %max3A_1452, %sub3A_1450 : vector<32x24x128xf32>
        %mul3A_1454 = arith.mulf %max3A_1443, %max3A_1453 : vector<32x24x128xf32>
        %add3A_1455 = vector.broadcast %broadcast_in_dim3A_1429 : vector<32x24x1xf32> to vector<32x24x128xf32>
        %add3A_1456 = vector.broadcast %broadcast_in_dim3A_70 : vector<1x24x128xf32> to vector<32x24x128xf32>
        %add3A_1457 = arith.addf %add3A_1455, %add3A_1456 : vector<32x24x128xf32>
        %sub3A_1458 = arith.subf %add3A_1457, %mul3A_1454 : vector<32x24x128xf32>
        %add3A_1459 = arith.constant 9.99999971E-10 : f32
        %add3A_1460 = vector.broadcast %add3A_1459 : f32 to vector<32x24x128xf32>
        %add3A_1461 = arith.addf %sub3A_1458, %add3A_1460 : vector<32x24x128xf32>
        %div3A_1462 = arith.divf %mul3A_1454, %add3A_1461 : vector<32x24x128xf32>
        %gt3A_1463 = arith.constant 3.000000e-01 : f32
        %gt3A_1464 = vector.broadcast %gt3A_1463 : f32 to vector<32x24x128xf32>
        %gt3A_1465 = arith.cmpf ogt, %div3A_1462, %gt3A_1464 : vector<32x24x128xf32>
        %gt3A_1466 = arith.constant 5.000000e-01 : f32
        %gt3A_1467 = vector.broadcast %gt3A_1466 : f32 to vector<32x24x1xf32>
        %gt3A_1468 = arith.cmpf ogt, %broadcast_in_dim3A_1433, %gt3A_1467 : vector<32x24x1xf32>
        %and3A_1469 = vector.broadcast %gt3A_1468 : vector<32x24x1xi1> to vector<32x24x128xi1>
        %and3A_1470 = arith.andi %gt3A_1465, %and3A_1469 : vector<32x24x128xi1>
        %jit3A_1471 = arith.constant 1.000000e+00 : f32
        %jit3A_1472 = arith.constant 0.000000e+00 : f32
        %broadcast_in_dim3A_1473 = vector.broadcast %jit3A_1471 : f32 to vector<32x24x128xf32>
        %broadcast_in_dim3A_1474 = vector.broadcast %jit3A_1472 : f32 to vector<32x24x128xf32>
        %select_n3A_1475 = arith.select %and3A_1470, %broadcast_in_dim3A_1473, %broadcast_in_dim3A_1474 : vector<32x24x128xi1>, vector<32x24x128xf32>
        %reduce_max3A_1476 = arith.constant dense<0xFF800000> : vector<24x128xf32>
        %reduce_max3A_1477 = vector.multi_reduction <maximumf>, %select_n3A_1475, %reduce_max3A_1476 [0] : vector<32x24x128xf32> to vector<24x128xf32>
        %max3A_1478 = arith.maximumf %max3A_1399, %reduce_max3A_1477 : vector<24x128xf32>
        %add3A_1479 = arith.constant 64 : i32
        %add3A_1480 = arith.addi %mul3A_1320, %add3A_1479 : i32
        %get3A_1481 = arith.constant 0 : index
        %get3A_1482 = arith.index_cast %add3A_1480 : i32 to index
        %get3A_1483 = arith.constant 0 : index
        %get3A_1484 = vector.load %arg1[%get3A_1481, %get3A_1482, %get3A_1483] : memref<4x5120x24xf32, #tpu.memory_space<vmem>>, vector<1x32x24xf32>
        %get3A_1485 = vector.shape_cast %get3A_1484 : vector<1x32x24xf32> to vector<32x24xf32>
        %broadcast_in_dim3A_1486 = vector.shape_cast %get3A_1485 : vector<32x24xf32> to vector<32x24x1xf32>
        %get3A_1487 = arith.constant 1 : index
        %get3A_1488 = arith.index_cast %add3A_1480 : i32 to index
        %get3A_1489 = arith.constant 0 : index
        %get3A_1490 = vector.load %arg1[%get3A_1487, %get3A_1488, %get3A_1489] : memref<4x5120x24xf32, #tpu.memory_space<vmem>>, vector<1x32x24xf32>
        %get3A_1491 = vector.shape_cast %get3A_1490 : vector<1x32x24xf32> to vector<32x24xf32>
        %broadcast_in_dim3A_1492 = vector.shape_cast %get3A_1491 : vector<32x24xf32> to vector<32x24x1xf32>
        %get3A_1493 = arith.constant 2 : index
        %get3A_1494 = arith.index_cast %add3A_1480 : i32 to index
        %get3A_1495 = arith.constant 0 : index
        %get3A_1496 = vector.load %arg1[%get3A_1493, %get3A_1494, %get3A_1495] : memref<4x5120x24xf32, #tpu.memory_space<vmem>>, vector<1x32x24xf32>
        %get3A_1497 = vector.shape_cast %get3A_1496 : vector<1x32x24xf32> to vector<32x24xf32>
        %broadcast_in_dim3A_1498 = vector.shape_cast %get3A_1497 : vector<32x24xf32> to vector<32x24x1xf32>
        %get3A_1499 = arith.constant 3 : index
        %get3A_1500 = arith.index_cast %add3A_1480 : i32 to index
        %get3A_1501 = arith.constant 0 : index
        %get3A_1502 = vector.load %arg1[%get3A_1499, %get3A_1500, %get3A_1501] : memref<4x5120x24xf32, #tpu.memory_space<vmem>>, vector<1x32x24xf32>
        %get3A_1503 = vector.shape_cast %get3A_1502 : vector<1x32x24xf32> to vector<32x24xf32>
        %broadcast_in_dim3A_1504 = vector.shape_cast %get3A_1503 : vector<32x24xf32> to vector<32x24x1xf32>
        %get3A_1505 = arith.index_cast %add3A_1480 : i32 to index
        %get3A_1506 = arith.constant 0 : index
        %get3A_1507 = vector.load %arg3[%get3A_1505, %get3A_1506] : memref<5120x24xf32, #tpu.memory_space<vmem>>, vector<32x24xf32>
        %broadcast_in_dim3A_1508 = vector.shape_cast %get3A_1507 : vector<32x24xf32> to vector<32x24x1xf32>
        %get3A_1509 = arith.index_cast %add3A_1480 : i32 to index
        %get3A_1510 = arith.constant 0 : index
        %get3A_1511 = vector.load %arg7[%get3A_1509, %get3A_1510] : memref<5120x24xf32, #tpu.memory_space<vmem>>, vector<32x24xf32>
        %broadcast_in_dim3A_1512 = vector.shape_cast %get3A_1511 : vector<32x24xf32> to vector<32x24x1xf32>
        %min3A_1513 = vector.broadcast %broadcast_in_dim3A_1498 : vector<32x24x1xf32> to vector<32x24x128xf32>
        %min3A_1514 = vector.broadcast %broadcast_in_dim3A_60 : vector<1x24x128xf32> to vector<32x24x128xf32>
        %min3A_1515 = arith.minimumf %min3A_1513, %min3A_1514 : vector<32x24x128xf32>
        %max3A_1516 = vector.broadcast %broadcast_in_dim3A_1486 : vector<32x24x1xf32> to vector<32x24x128xf32>
        %max3A_1517 = vector.broadcast %broadcast_in_dim3A_48 : vector<1x24x128xf32> to vector<32x24x128xf32>
        %max3A_1518 = arith.maximumf %max3A_1516, %max3A_1517 : vector<32x24x128xf32>
        %sub3A_1519 = arith.subf %min3A_1515, %max3A_1518 : vector<32x24x128xf32>
        %jit3A_1520 = arith.constant 0.000000e+00 : f32
        %max3A_1521 = vector.broadcast %jit3A_1520 : f32 to vector<32x24x128xf32>
        %max3A_1522 = arith.maximumf %max3A_1521, %sub3A_1519 : vector<32x24x128xf32>
        %min3A_1523 = vector.broadcast %broadcast_in_dim3A_1504 : vector<32x24x1xf32> to vector<32x24x128xf32>
        %min3A_1524 = vector.broadcast %broadcast_in_dim3A_66 : vector<1x24x128xf32> to vector<32x24x128xf32>
        %min3A_1525 = arith.minimumf %min3A_1523, %min3A_1524 : vector<32x24x128xf32>
        %max3A_1526 = vector.broadcast %broadcast_in_dim3A_1492 : vector<32x24x1xf32> to vector<32x24x128xf32>
        %max3A_1527 = vector.broadcast %broadcast_in_dim3A_54 : vector<1x24x128xf32> to vector<32x24x128xf32>
        %max3A_1528 = arith.maximumf %max3A_1526, %max3A_1527 : vector<32x24x128xf32>
        %sub3A_1529 = arith.subf %min3A_1525, %max3A_1528 : vector<32x24x128xf32>
        %jit3A_1530 = arith.constant 0.000000e+00 : f32
        %max3A_1531 = vector.broadcast %jit3A_1530 : f32 to vector<32x24x128xf32>
        %max3A_1532 = arith.maximumf %max3A_1531, %sub3A_1529 : vector<32x24x128xf32>
        %mul3A_1533 = arith.mulf %max3A_1522, %max3A_1532 : vector<32x24x128xf32>
        %add3A_1534 = vector.broadcast %broadcast_in_dim3A_1508 : vector<32x24x1xf32> to vector<32x24x128xf32>
        %add3A_1535 = vector.broadcast %broadcast_in_dim3A_70 : vector<1x24x128xf32> to vector<32x24x128xf32>
        %add3A_1536 = arith.addf %add3A_1534, %add3A_1535 : vector<32x24x128xf32>
        %sub3A_1537 = arith.subf %add3A_1536, %mul3A_1533 : vector<32x24x128xf32>
        %add3A_1538 = arith.constant 9.99999971E-10 : f32
        %add3A_1539 = vector.broadcast %add3A_1538 : f32 to vector<32x24x128xf32>
        %add3A_1540 = arith.addf %sub3A_1537, %add3A_1539 : vector<32x24x128xf32>
        %div3A_1541 = arith.divf %mul3A_1533, %add3A_1540 : vector<32x24x128xf32>
        %gt3A_1542 = arith.constant 3.000000e-01 : f32
        %gt3A_1543 = vector.broadcast %gt3A_1542 : f32 to vector<32x24x128xf32>
        %gt3A_1544 = arith.cmpf ogt, %div3A_1541, %gt3A_1543 : vector<32x24x128xf32>
        %gt3A_1545 = arith.constant 5.000000e-01 : f32
        %gt3A_1546 = vector.broadcast %gt3A_1545 : f32 to vector<32x24x1xf32>
        %gt3A_1547 = arith.cmpf ogt, %broadcast_in_dim3A_1512, %gt3A_1546 : vector<32x24x1xf32>
        %and3A_1548 = vector.broadcast %gt3A_1547 : vector<32x24x1xi1> to vector<32x24x128xi1>
        %and3A_1549 = arith.andi %gt3A_1544, %and3A_1548 : vector<32x24x128xi1>
        %jit3A_1550 = arith.constant 1.000000e+00 : f32
        %jit3A_1551 = arith.constant 0.000000e+00 : f32
        %broadcast_in_dim3A_1552 = vector.broadcast %jit3A_1550 : f32 to vector<32x24x128xf32>
        %broadcast_in_dim3A_1553 = vector.broadcast %jit3A_1551 : f32 to vector<32x24x128xf32>
        %select_n3A_1554 = arith.select %and3A_1549, %broadcast_in_dim3A_1552, %broadcast_in_dim3A_1553 : vector<32x24x128xi1>, vector<32x24x128xf32>
        %reduce_max3A_1555 = arith.constant dense<0xFF800000> : vector<24x128xf32>
        %reduce_max3A_1556 = vector.multi_reduction <maximumf>, %select_n3A_1554, %reduce_max3A_1555 [0] : vector<32x24x128xf32> to vector<24x128xf32>
        %max3A_1557 = arith.maximumf %max3A_1478, %reduce_max3A_1556 : vector<24x128xf32>
        %add3A_1558 = arith.constant 96 : i32
        %add3A_1559 = arith.addi %mul3A_1320, %add3A_1558 : i32
        %get3A_1560 = arith.constant 0 : index
        %get3A_1561 = arith.index_cast %add3A_1559 : i32 to index
        %get3A_1562 = arith.constant 0 : index
        %get3A_1563 = vector.load %arg1[%get3A_1560, %get3A_1561, %get3A_1562] : memref<4x5120x24xf32, #tpu.memory_space<vmem>>, vector<1x32x24xf32>
        %get3A_1564 = vector.shape_cast %get3A_1563 : vector<1x32x24xf32> to vector<32x24xf32>
        %broadcast_in_dim3A_1565 = vector.shape_cast %get3A_1564 : vector<32x24xf32> to vector<32x24x1xf32>
        %get3A_1566 = arith.constant 1 : index
        %get3A_1567 = arith.index_cast %add3A_1559 : i32 to index
        %get3A_1568 = arith.constant 0 : index
        %get3A_1569 = vector.load %arg1[%get3A_1566, %get3A_1567, %get3A_1568] : memref<4x5120x24xf32, #tpu.memory_space<vmem>>, vector<1x32x24xf32>
        %get3A_1570 = vector.shape_cast %get3A_1569 : vector<1x32x24xf32> to vector<32x24xf32>
        %broadcast_in_dim3A_1571 = vector.shape_cast %get3A_1570 : vector<32x24xf32> to vector<32x24x1xf32>
        %get3A_1572 = arith.constant 2 : index
        %get3A_1573 = arith.index_cast %add3A_1559 : i32 to index
        %get3A_1574 = arith.constant 0 : index
        %get3A_1575 = vector.load %arg1[%get3A_1572, %get3A_1573, %get3A_1574] : memref<4x5120x24xf32, #tpu.memory_space<vmem>>, vector<1x32x24xf32>
        %get3A_1576 = vector.shape_cast %get3A_1575 : vector<1x32x24xf32> to vector<32x24xf32>
        %broadcast_in_dim3A_1577 = vector.shape_cast %get3A_1576 : vector<32x24xf32> to vector<32x24x1xf32>
        %get3A_1578 = arith.constant 3 : index
        %get3A_1579 = arith.index_cast %add3A_1559 : i32 to index
        %get3A_1580 = arith.constant 0 : index
        %get3A_1581 = vector.load %arg1[%get3A_1578, %get3A_1579, %get3A_1580] : memref<4x5120x24xf32, #tpu.memory_space<vmem>>, vector<1x32x24xf32>
        %get3A_1582 = vector.shape_cast %get3A_1581 : vector<1x32x24xf32> to vector<32x24xf32>
        %broadcast_in_dim3A_1583 = vector.shape_cast %get3A_1582 : vector<32x24xf32> to vector<32x24x1xf32>
        %get3A_1584 = arith.index_cast %add3A_1559 : i32 to index
        %get3A_1585 = arith.constant 0 : index
        %get3A_1586 = vector.load %arg3[%get3A_1584, %get3A_1585] : memref<5120x24xf32, #tpu.memory_space<vmem>>, vector<32x24xf32>
        %broadcast_in_dim3A_1587 = vector.shape_cast %get3A_1586 : vector<32x24xf32> to vector<32x24x1xf32>
        %get3A_1588 = arith.index_cast %add3A_1559 : i32 to index
        %get3A_1589 = arith.constant 0 : index
        %get3A_1590 = vector.load %arg7[%get3A_1588, %get3A_1589] : memref<5120x24xf32, #tpu.memory_space<vmem>>, vector<32x24xf32>
        %broadcast_in_dim3A_1591 = vector.shape_cast %get3A_1590 : vector<32x24xf32> to vector<32x24x1xf32>
        %min3A_1592 = vector.broadcast %broadcast_in_dim3A_1577 : vector<32x24x1xf32> to vector<32x24x128xf32>
        %min3A_1593 = vector.broadcast %broadcast_in_dim3A_60 : vector<1x24x128xf32> to vector<32x24x128xf32>
        %min3A_1594 = arith.minimumf %min3A_1592, %min3A_1593 : vector<32x24x128xf32>
        %max3A_1595 = vector.broadcast %broadcast_in_dim3A_1565 : vector<32x24x1xf32> to vector<32x24x128xf32>
        %max3A_1596 = vector.broadcast %broadcast_in_dim3A_48 : vector<1x24x128xf32> to vector<32x24x128xf32>
        %max3A_1597 = arith.maximumf %max3A_1595, %max3A_1596 : vector<32x24x128xf32>
        %sub3A_1598 = arith.subf %min3A_1594, %max3A_1597 : vector<32x24x128xf32>
        %jit3A_1599 = arith.constant 0.000000e+00 : f32
        %max3A_1600 = vector.broadcast %jit3A_1599 : f32 to vector<32x24x128xf32>
        %max3A_1601 = arith.maximumf %max3A_1600, %sub3A_1598 : vector<32x24x128xf32>
        %min3A_1602 = vector.broadcast %broadcast_in_dim3A_1583 : vector<32x24x1xf32> to vector<32x24x128xf32>
        %min3A_1603 = vector.broadcast %broadcast_in_dim3A_66 : vector<1x24x128xf32> to vector<32x24x128xf32>
        %min3A_1604 = arith.minimumf %min3A_1602, %min3A_1603 : vector<32x24x128xf32>
        %max3A_1605 = vector.broadcast %broadcast_in_dim3A_1571 : vector<32x24x1xf32> to vector<32x24x128xf32>
        %max3A_1606 = vector.broadcast %broadcast_in_dim3A_54 : vector<1x24x128xf32> to vector<32x24x128xf32>
        %max3A_1607 = arith.maximumf %max3A_1605, %max3A_1606 : vector<32x24x128xf32>
        %sub3A_1608 = arith.subf %min3A_1604, %max3A_1607 : vector<32x24x128xf32>
        %jit3A_1609 = arith.constant 0.000000e+00 : f32
        %max3A_1610 = vector.broadcast %jit3A_1609 : f32 to vector<32x24x128xf32>
        %max3A_1611 = arith.maximumf %max3A_1610, %sub3A_1608 : vector<32x24x128xf32>
        %mul3A_1612 = arith.mulf %max3A_1601, %max3A_1611 : vector<32x24x128xf32>
        %add3A_1613 = vector.broadcast %broadcast_in_dim3A_1587 : vector<32x24x1xf32> to vector<32x24x128xf32>
        %add3A_1614 = vector.broadcast %broadcast_in_dim3A_70 : vector<1x24x128xf32> to vector<32x24x128xf32>
        %add3A_1615 = arith.addf %add3A_1613, %add3A_1614 : vector<32x24x128xf32>
        %sub3A_1616 = arith.subf %add3A_1615, %mul3A_1612 : vector<32x24x128xf32>
        %add3A_1617 = arith.constant 9.99999971E-10 : f32
        %add3A_1618 = vector.broadcast %add3A_1617 : f32 to vector<32x24x128xf32>
        %add3A_1619 = arith.addf %sub3A_1616, %add3A_1618 : vector<32x24x128xf32>
        %div3A_1620 = arith.divf %mul3A_1612, %add3A_1619 : vector<32x24x128xf32>
        %gt3A_1621 = arith.constant 3.000000e-01 : f32
        %gt3A_1622 = vector.broadcast %gt3A_1621 : f32 to vector<32x24x128xf32>
        %gt3A_1623 = arith.cmpf ogt, %div3A_1620, %gt3A_1622 : vector<32x24x128xf32>
        %gt3A_1624 = arith.constant 5.000000e-01 : f32
        %gt3A_1625 = vector.broadcast %gt3A_1624 : f32 to vector<32x24x1xf32>
        %gt3A_1626 = arith.cmpf ogt, %broadcast_in_dim3A_1591, %gt3A_1625 : vector<32x24x1xf32>
        %and3A_1627 = vector.broadcast %gt3A_1626 : vector<32x24x1xi1> to vector<32x24x128xi1>
        %and3A_1628 = arith.andi %gt3A_1623, %and3A_1627 : vector<32x24x128xi1>
        %jit3A_1629 = arith.constant 1.000000e+00 : f32
        %jit3A_1630 = arith.constant 0.000000e+00 : f32
        %broadcast_in_dim3A_1631 = vector.broadcast %jit3A_1629 : f32 to vector<32x24x128xf32>
        %broadcast_in_dim3A_1632 = vector.broadcast %jit3A_1630 : f32 to vector<32x24x128xf32>
        %select_n3A_1633 = arith.select %and3A_1628, %broadcast_in_dim3A_1631, %broadcast_in_dim3A_1632 : vector<32x24x128xi1>, vector<32x24x128xf32>
        %reduce_max3A_1634 = arith.constant dense<0xFF800000> : vector<24x128xf32>
        %reduce_max3A_1635 = vector.multi_reduction <maximumf>, %select_n3A_1633, %reduce_max3A_1634 [0] : vector<32x24x128xf32> to vector<24x128xf32>
        %max3A_1636 = arith.maximumf %max3A_1557, %reduce_max3A_1635 : vector<24x128xf32>
        scf.yield %max3A_1636 : vector<24x128xf32>
      }
      %get3A_84 = arith.constant 0 : index
      %get3A_85 = arith.index_cast %mul3A_42 : i32 to index
      %get3A_86 = vector.load %arg4[%get3A_84, %get3A_85] : memref<24x5120xf32, #tpu.memory_space<vmem>>, vector<24x128xf32>
      %sub3A_87 = arith.constant 1.000000e+00 : f32
      %sub3A_88 = vector.broadcast %sub3A_87 : f32 to vector<24x128xf32>
      %sub3A_89 = arith.subf %sub3A_88, %while3A_83 : vector<24x128xf32>
      %mul3A_90 = arith.mulf %get3A_86, %sub3A_89 : vector<24x128xf32>
      %iota3A_91 = tpu.iota {dimensions = array<i32: 0>} : vector<8x24x128xi32>
      %iota3A_92 = tpu.iota {dimensions = array<i32: 2>} : vector<8x24x128xi32>
      %add3A_93 = arith.constant 0 : i32
      %add3A_94 = arith.addi %mul3A_42, %add3A_93 : i32
      %get3A_95 = arith.constant 0 : index
      %get3A_96 = arith.index_cast %add3A_94 : i32 to index
      %get3A_97 = arith.constant 0 : index
      %get3A_98 = vector.load %arg1[%get3A_95, %get3A_96, %get3A_97] : memref<4x5120x24xf32, #tpu.memory_space<vmem>>, vector<1x8x24xf32>
      %get3A_99 = vector.shape_cast %get3A_98 : vector<1x8x24xf32> to vector<8x24xf32>
      %broadcast_in_dim3A_100 = vector.shape_cast %get3A_99 : vector<8x24xf32> to vector<8x24x1xf32>
      %get3A_101 = arith.constant 1 : index
      %get3A_102 = arith.index_cast %add3A_94 : i32 to index
      %get3A_103 = arith.constant 0 : index
      %get3A_104 = vector.load %arg1[%get3A_101, %get3A_102, %get3A_103] : memref<4x5120x24xf32, #tpu.memory_space<vmem>>, vector<1x8x24xf32>
      %get3A_105 = vector.shape_cast %get3A_104 : vector<1x8x24xf32> to vector<8x24xf32>
      %broadcast_in_dim3A_106 = vector.shape_cast %get3A_105 : vector<8x24xf32> to vector<8x24x1xf32>
      %get3A_107 = arith.constant 2 : index
      %get3A_108 = arith.index_cast %add3A_94 : i32 to index
      %get3A_109 = arith.constant 0 : index
      %get3A_110 = vector.load %arg1[%get3A_107, %get3A_108, %get3A_109] : memref<4x5120x24xf32, #tpu.memory_space<vmem>>, vector<1x8x24xf32>
      %get3A_111 = vector.shape_cast %get3A_110 : vector<1x8x24xf32> to vector<8x24xf32>
      %broadcast_in_dim3A_112 = vector.shape_cast %get3A_111 : vector<8x24xf32> to vector<8x24x1xf32>
      %get3A_113 = arith.constant 3 : index
      %get3A_114 = arith.index_cast %add3A_94 : i32 to index
      %get3A_115 = arith.constant 0 : index
      %get3A_116 = vector.load %arg1[%get3A_113, %get3A_114, %get3A_115] : memref<4x5120x24xf32, #tpu.memory_space<vmem>>, vector<1x8x24xf32>
      %get3A_117 = vector.shape_cast %get3A_116 : vector<1x8x24xf32> to vector<8x24xf32>
      %broadcast_in_dim3A_118 = vector.shape_cast %get3A_117 : vector<8x24xf32> to vector<8x24x1xf32>
      %get3A_119 = arith.index_cast %add3A_94 : i32 to index
      %get3A_120 = arith.constant 0 : index
      %get3A_121 = vector.load %arg3[%get3A_119, %get3A_120] : memref<5120x24xf32, #tpu.memory_space<vmem>>, vector<8x24xf32>
      %broadcast_in_dim3A_122 = vector.shape_cast %get3A_121 : vector<8x24xf32> to vector<8x24x1xf32>
      %min3A = vector.broadcast %broadcast_in_dim3A_112 : vector<8x24x1xf32> to vector<8x24x128xf32>
      %min3A_123 = vector.broadcast %broadcast_in_dim3A_60 : vector<1x24x128xf32> to vector<8x24x128xf32>
      %min3A_124 = arith.minimumf %min3A, %min3A_123 : vector<8x24x128xf32>
      %max3A = vector.broadcast %broadcast_in_dim3A_100 : vector<8x24x1xf32> to vector<8x24x128xf32>
      %max3A_125 = vector.broadcast %broadcast_in_dim3A_48 : vector<1x24x128xf32> to vector<8x24x128xf32>
      %max3A_126 = arith.maximumf %max3A, %max3A_125 : vector<8x24x128xf32>
      %sub3A_127 = arith.subf %min3A_124, %max3A_126 : vector<8x24x128xf32>
      %jit3A_128 = arith.constant 0.000000e+00 : f32
      %max3A_129 = vector.broadcast %jit3A_128 : f32 to vector<8x24x128xf32>
      %max3A_130 = arith.maximumf %max3A_129, %sub3A_127 : vector<8x24x128xf32>
      %min3A_131 = vector.broadcast %broadcast_in_dim3A_118 : vector<8x24x1xf32> to vector<8x24x128xf32>
      %min3A_132 = vector.broadcast %broadcast_in_dim3A_66 : vector<1x24x128xf32> to vector<8x24x128xf32>
      %min3A_133 = arith.minimumf %min3A_131, %min3A_132 : vector<8x24x128xf32>
      %max3A_134 = vector.broadcast %broadcast_in_dim3A_106 : vector<8x24x1xf32> to vector<8x24x128xf32>
      %max3A_135 = vector.broadcast %broadcast_in_dim3A_54 : vector<1x24x128xf32> to vector<8x24x128xf32>
      %max3A_136 = arith.maximumf %max3A_134, %max3A_135 : vector<8x24x128xf32>
      %sub3A_137 = arith.subf %min3A_133, %max3A_136 : vector<8x24x128xf32>
      %jit3A_138 = arith.constant 0.000000e+00 : f32
      %max3A_139 = vector.broadcast %jit3A_138 : f32 to vector<8x24x128xf32>
      %max3A_140 = arith.maximumf %max3A_139, %sub3A_137 : vector<8x24x128xf32>
      %mul3A_141 = arith.mulf %max3A_130, %max3A_140 : vector<8x24x128xf32>
      %add3A_142 = vector.broadcast %broadcast_in_dim3A_122 : vector<8x24x1xf32> to vector<8x24x128xf32>
      %add3A_143 = vector.broadcast %broadcast_in_dim3A_70 : vector<1x24x128xf32> to vector<8x24x128xf32>
      %add3A_144 = arith.addf %add3A_142, %add3A_143 : vector<8x24x128xf32>
      %sub3A_145 = arith.subf %add3A_144, %mul3A_141 : vector<8x24x128xf32>
      %add3A_146 = arith.constant 9.99999971E-10 : f32
      %add3A_147 = vector.broadcast %add3A_146 : f32 to vector<8x24x128xf32>
      %add3A_148 = arith.addf %sub3A_145, %add3A_147 : vector<8x24x128xf32>
      %div3A_149 = arith.divf %mul3A_141, %add3A_148 : vector<8x24x128xf32>
      %add3A_150 = arith.constant 0 : i32
      %add3A_151 = vector.broadcast %add3A_150 : i32 to vector<8x24x128xi32>
      %add3A_152 = arith.addi %iota3A_91, %add3A_151 : vector<8x24x128xi32>
      %gt3A = arith.cmpi sgt, %iota3A_92, %add3A_152 : vector<8x24x128xi32>
      %gt3A_153 = arith.constant 3.000000e-01 : f32
      %gt3A_154 = vector.broadcast %gt3A_153 : f32 to vector<8x24x128xf32>
      %gt3A_155 = arith.cmpf ogt, %div3A_149, %gt3A_154 : vector<8x24x128xf32>
      %and3A_156 = arith.andi %gt3A_155, %gt3A : vector<8x24x128xi1>
      %jit3A_157 = arith.constant 1.000000e+00 : f32
      %jit3A_158 = arith.constant 0.000000e+00 : f32
      %broadcast_in_dim3A_159 = vector.broadcast %jit3A_157 : f32 to vector<8x24x128xf32>
      %broadcast_in_dim3A_160 = vector.broadcast %jit3A_158 : f32 to vector<8x24x128xf32>
      %select_n3A_161 = arith.select %and3A_156, %broadcast_in_dim3A_159, %broadcast_in_dim3A_160 : vector<8x24x128xi1>, vector<8x24x128xf32>
      %swap3A_162 = arith.constant 0 : index
      %swap3A_163 = arith.constant 0 : index
      %swap3A_164 = arith.constant 0 : index
      %swap3A_165 = vector.load %arg6[%swap3A_162, %swap3A_163, %swap3A_164] : memref<128x24x128xf32, #tpu.memory_space<vmem>>, vector<8x24x128xf32>
      tpu.vector_store %arg6[%swap3A_162, %swap3A_163, %swap3A_164], %select_n3A_161 {strides = array<i32>} : memref<128x24x128xf32, #tpu.memory_space<vmem>>, vector<8x24x128xf32>,
      %add3A_166 = arith.constant 8 : i32
      %add3A_167 = arith.addi %mul3A_42, %add3A_166 : i32
      %get3A_168 = arith.constant 0 : index
      %get3A_169 = arith.index_cast %add3A_167 : i32 to index
      %get3A_170 = arith.constant 0 : index
      %get3A_171 = vector.load %arg1[%get3A_168, %get3A_169, %get3A_170] : memref<4x5120x24xf32, #tpu.memory_space<vmem>>, vector<1x8x24xf32>
      %get3A_172 = vector.shape_cast %get3A_171 : vector<1x8x24xf32> to vector<8x24xf32>
      %broadcast_in_dim3A_173 = vector.shape_cast %get3A_172 : vector<8x24xf32> to vector<8x24x1xf32>
      %get3A_174 = arith.constant 1 : index
      %get3A_175 = arith.index_cast %add3A_167 : i32 to index
      %get3A_176 = arith.constant 0 : index
      %get3A_177 = vector.load %arg1[%get3A_174, %get3A_175, %get3A_176] : memref<4x5120x24xf32, #tpu.memory_space<vmem>>, vector<1x8x24xf32>
      %get3A_178 = vector.shape_cast %get3A_177 : vector<1x8x24xf32> to vector<8x24xf32>
      %broadcast_in_dim3A_179 = vector.shape_cast %get3A_178 : vector<8x24xf32> to vector<8x24x1xf32>
      %get3A_180 = arith.constant 2 : index
      %get3A_181 = arith.index_cast %add3A_167 : i32 to index
      %get3A_182 = arith.constant 0 : index
      %get3A_183 = vector.load %arg1[%get3A_180, %get3A_181, %get3A_182] : memref<4x5120x24xf32, #tpu.memory_space<vmem>>, vector<1x8x24xf32>
      %get3A_184 = vector.shape_cast %get3A_183 : vector<1x8x24xf32> to vector<8x24xf32>
      %broadcast_in_dim3A_185 = vector.shape_cast %get3A_184 : vector<8x24xf32> to vector<8x24x1xf32>
      %get3A_186 = arith.constant 3 : index
      %get3A_187 = arith.index_cast %add3A_167 : i32 to index
      %get3A_188 = arith.constant 0 : index
      %get3A_189 = vector.load %arg1[%get3A_186, %get3A_187, %get3A_188] : memref<4x5120x24xf32, #tpu.memory_space<vmem>>, vector<1x8x24xf32>
      %get3A_190 = vector.shape_cast %get3A_189 : vector<1x8x24xf32> to vector<8x24xf32>
      %broadcast_in_dim3A_191 = vector.shape_cast %get3A_190 : vector<8x24xf32> to vector<8x24x1xf32>
      %get3A_192 = arith.index_cast %add3A_167 : i32 to index
      %get3A_193 = arith.constant 0 : index
      %get3A_194 = vector.load %arg3[%get3A_192, %get3A_193] : memref<5120x24xf32, #tpu.memory_space<vmem>>, vector<8x24xf32>
      %broadcast_in_dim3A_195 = vector.shape_cast %get3A_194 : vector<8x24xf32> to vector<8x24x1xf32>
      %min3A_196 = vector.broadcast %broadcast_in_dim3A_185 : vector<8x24x1xf32> to vector<8x24x128xf32>
      %min3A_197 = vector.broadcast %broadcast_in_dim3A_60 : vector<1x24x128xf32> to vector<8x24x128xf32>
      %min3A_198 = arith.minimumf %min3A_196, %min3A_197 : vector<8x24x128xf32>
      %max3A_199 = vector.broadcast %broadcast_in_dim3A_173 : vector<8x24x1xf32> to vector<8x24x128xf32>
      %max3A_200 = vector.broadcast %broadcast_in_dim3A_48 : vector<1x24x128xf32> to vector<8x24x128xf32>
      %max3A_201 = arith.maximumf %max3A_199, %max3A_200 : vector<8x24x128xf32>
      %sub3A_202 = arith.subf %min3A_198, %max3A_201 : vector<8x24x128xf32>
      %jit3A_203 = arith.constant 0.000000e+00 : f32
      %max3A_204 = vector.broadcast %jit3A_203 : f32 to vector<8x24x128xf32>
      %max3A_205 = arith.maximumf %max3A_204, %sub3A_202 : vector<8x24x128xf32>
      %min3A_206 = vector.broadcast %broadcast_in_dim3A_191 : vector<8x24x1xf32> to vector<8x24x128xf32>
      %min3A_207 = vector.broadcast %broadcast_in_dim3A_66 : vector<1x24x128xf32> to vector<8x24x128xf32>
      %min3A_208 = arith.minimumf %min3A_206, %min3A_207 : vector<8x24x128xf32>
      %max3A_209 = vector.broadcast %broadcast_in_dim3A_179 : vector<8x24x1xf32> to vector<8x24x128xf32>
      %max3A_210 = vector.broadcast %broadcast_in_dim3A_54 : vector<1x24x128xf32> to vector<8x24x128xf32>
      %max3A_211 = arith.maximumf %max3A_209, %max3A_210 : vector<8x24x128xf32>
      %sub3A_212 = arith.subf %min3A_208, %max3A_211 : vector<8x24x128xf32>
      %jit3A_213 = arith.constant 0.000000e+00 : f32
      %max3A_214 = vector.broadcast %jit3A_213 : f32 to vector<8x24x128xf32>
      %max3A_215 = arith.maximumf %max3A_214, %sub3A_212 : vector<8x24x128xf32>
      %mul3A_216 = arith.mulf %max3A_205, %max3A_215 : vector<8x24x128xf32>
      %add3A_217 = vector.broadcast %broadcast_in_dim3A_195 : vector<8x24x1xf32> to vector<8x24x128xf32>
      %add3A_218 = vector.broadcast %broadcast_in_dim3A_70 : vector<1x24x128xf32> to vector<8x24x128xf32>
      %add3A_219 = arith.addf %add3A_217, %add3A_218 : vector<8x24x128xf32>
      %sub3A_220 = arith.subf %add3A_219, %mul3A_216 : vector<8x24x128xf32>
      %add3A_221 = arith.constant 9.99999971E-10 : f32
      %add3A_222 = vector.broadcast %add3A_221 : f32 to vector<8x24x128xf32>
      %add3A_223 = arith.addf %sub3A_220, %add3A_222 : vector<8x24x128xf32>
      %div3A_224 = arith.divf %mul3A_216, %add3A_223 : vector<8x24x128xf32>
      %add3A_225 = arith.constant 8 : i32
      %add3A_226 = vector.broadcast %add3A_225 : i32 to vector<8x24x128xi32>
      %add3A_227 = arith.addi %iota3A_91, %add3A_226 : vector<8x24x128xi32>
      %gt3A_228 = arith.cmpi sgt, %iota3A_92, %add3A_227 : vector<8x24x128xi32>
      %gt3A_229 = arith.constant 3.000000e-01 : f32
      %gt3A_230 = vector.broadcast %gt3A_229 : f32 to vector<8x24x128xf32>
      %gt3A_231 = arith.cmpf ogt, %div3A_224, %gt3A_230 : vector<8x24x128xf32>
      %and3A_232 = arith.andi %gt3A_231, %gt3A_228 : vector<8x24x128xi1>
      %jit3A_233 = arith.constant 1.000000e+00 : f32
      %jit3A_234 = arith.constant 0.000000e+00 : f32
      %broadcast_in_dim3A_235 = vector.broadcast %jit3A_233 : f32 to vector<8x24x128xf32>
      %broadcast_in_dim3A_236 = vector.broadcast %jit3A_234 : f32 to vector<8x24x128xf32>
      %select_n3A_237 = arith.select %and3A_232, %broadcast_in_dim3A_235, %broadcast_in_dim3A_236 : vector<8x24x128xi1>, vector<8x24x128xf32>
      %swap3A_238 = arith.constant 8 : index
      %swap3A_239 = arith.constant 0 : index
      %swap3A_240 = arith.constant 0 : index
      %swap3A_241 = vector.load %arg6[%swap3A_238, %swap3A_239, %swap3A_240] : memref<128x24x128xf32, #tpu.memory_space<vmem>>, vector<8x24x128xf32>
      tpu.vector_store %arg6[%swap3A_238, %swap3A_239, %swap3A_240], %select_n3A_237 {strides = array<i32>} : memref<128x24x128xf32, #tpu.memory_space<vmem>>, vector<8x24x128xf32>,
      %add3A_242 = arith.constant 16 : i32
      %add3A_243 = arith.addi %mul3A_42, %add3A_242 : i32
      %get3A_244 = arith.constant 0 : index
      %get3A_245 = arith.index_cast %add3A_243 : i32 to index
      %get3A_246 = arith.constant 0 : index
      %get3A_247 = vector.load %arg1[%get3A_244, %get3A_245, %get3A_246] : memref<4x5120x24xf32, #tpu.memory_space<vmem>>, vector<1x8x24xf32>
      %get3A_248 = vector.shape_cast %get3A_247 : vector<1x8x24xf32> to vector<8x24xf32>
      %broadcast_in_dim3A_249 = vector.shape_cast %get3A_248 : vector<8x24xf32> to vector<8x24x1xf32>
      %get3A_250 = arith.constant 1 : index
      %get3A_251 = arith.index_cast %add3A_243 : i32 to index
      %get3A_252 = arith.constant 0 : index
      %get3A_253 = vector.load %arg1[%get3A_250, %get3A_251, %get3A_252] : memref<4x5120x24xf32, #tpu.memory_space<vmem>>, vector<1x8x24xf32>
      %get3A_254 = vector.shape_cast %get3A_253 : vector<1x8x24xf32> to vector<8x24xf32>
      %broadcast_in_dim3A_255 = vector.shape_cast %get3A_254 : vector<8x24xf32> to vector<8x24x1xf32>
      %get3A_256 = arith.constant 2 : index
      %get3A_257 = arith.index_cast %add3A_243 : i32 to index
      %get3A_258 = arith.constant 0 : index
      %get3A_259 = vector.load %arg1[%get3A_256, %get3A_257, %get3A_258] : memref<4x5120x24xf32, #tpu.memory_space<vmem>>, vector<1x8x24xf32>
      %get3A_260 = vector.shape_cast %get3A_259 : vector<1x8x24xf32> to vector<8x24xf32>
      %broadcast_in_dim3A_261 = vector.shape_cast %get3A_260 : vector<8x24xf32> to vector<8x24x1xf32>
      %get3A_262 = arith.constant 3 : index
      %get3A_263 = arith.index_cast %add3A_243 : i32 to index
      %get3A_264 = arith.constant 0 : index
      %get3A_265 = vector.load %arg1[%get3A_262, %get3A_263, %get3A_264] : memref<4x5120x24xf32, #tpu.memory_space<vmem>>, vector<1x8x24xf32>
      %get3A_266 = vector.shape_cast %get3A_265 : vector<1x8x24xf32> to vector<8x24xf32>
      %broadcast_in_dim3A_267 = vector.shape_cast %get3A_266 : vector<8x24xf32> to vector<8x24x1xf32>
      %get3A_268 = arith.index_cast %add3A_243 : i32 to index
      %get3A_269 = arith.constant 0 : index
      %get3A_270 = vector.load %arg3[%get3A_268, %get3A_269] : memref<5120x24xf32, #tpu.memory_space<vmem>>, vector<8x24xf32>
      %broadcast_in_dim3A_271 = vector.shape_cast %get3A_270 : vector<8x24xf32> to vector<8x24x1xf32>
      %min3A_272 = vector.broadcast %broadcast_in_dim3A_261 : vector<8x24x1xf32> to vector<8x24x128xf32>
      %min3A_273 = vector.broadcast %broadcast_in_dim3A_60 : vector<1x24x128xf32> to vector<8x24x128xf32>
      %min3A_274 = arith.minimumf %min3A_272, %min3A_273 : vector<8x24x128xf32>
      %max3A_275 = vector.broadcast %broadcast_in_dim3A_249 : vector<8x24x1xf32> to vector<8x24x128xf32>
      %max3A_276 = vector.broadcast %broadcast_in_dim3A_48 : vector<1x24x128xf32> to vector<8x24x128xf32>
      %max3A_277 = arith.maximumf %max3A_275, %max3A_276 : vector<8x24x128xf32>
      %sub3A_278 = arith.subf %min3A_274, %max3A_277 : vector<8x24x128xf32>
      %jit3A_279 = arith.constant 0.000000e+00 : f32
      %max3A_280 = vector.broadcast %jit3A_279 : f32 to vector<8x24x128xf32>
      %max3A_281 = arith.maximumf %max3A_280, %sub3A_278 : vector<8x24x128xf32>
      %min3A_282 = vector.broadcast %broadcast_in_dim3A_267 : vector<8x24x1xf32> to vector<8x24x128xf32>
      %min3A_283 = vector.broadcast %broadcast_in_dim3A_66 : vector<1x24x128xf32> to vector<8x24x128xf32>
      %min3A_284 = arith.minimumf %min3A_282, %min3A_283 : vector<8x24x128xf32>
      %max3A_285 = vector.broadcast %broadcast_in_dim3A_255 : vector<8x24x1xf32> to vector<8x24x128xf32>
      %max3A_286 = vector.broadcast %broadcast_in_dim3A_54 : vector<1x24x128xf32> to vector<8x24x128xf32>
      %max3A_287 = arith.maximumf %max3A_285, %max3A_286 : vector<8x24x128xf32>
      %sub3A_288 = arith.subf %min3A_284, %max3A_287 : vector<8x24x128xf32>
      %jit3A_289 = arith.constant 0.000000e+00 : f32
      %max3A_290 = vector.broadcast %jit3A_289 : f32 to vector<8x24x128xf32>
      %max3A_291 = arith.maximumf %max3A_290, %sub3A_288 : vector<8x24x128xf32>
      %mul3A_292 = arith.mulf %max3A_281, %max3A_291 : vector<8x24x128xf32>
      %add3A_293 = vector.broadcast %broadcast_in_dim3A_271 : vector<8x24x1xf32> to vector<8x24x128xf32>
      %add3A_294 = vector.broadcast %broadcast_in_dim3A_70 : vector<1x24x128xf32> to vector<8x24x128xf32>
      %add3A_295 = arith.addf %add3A_293, %add3A_294 : vector<8x24x128xf32>
      %sub3A_296 = arith.subf %add3A_295, %mul3A_292 : vector<8x24x128xf32>
      %add3A_297 = arith.constant 9.99999971E-10 : f32
      %add3A_298 = vector.broadcast %add3A_297 : f32 to vector<8x24x128xf32>
      %add3A_299 = arith.addf %sub3A_296, %add3A_298 : vector<8x24x128xf32>
      %div3A_300 = arith.divf %mul3A_292, %add3A_299 : vector<8x24x128xf32>
      %add3A_301 = arith.constant 16 : i32
      %add3A_302 = vector.broadcast %add3A_301 : i32 to vector<8x24x128xi32>
      %add3A_303 = arith.addi %iota3A_91, %add3A_302 : vector<8x24x128xi32>
      %gt3A_304 = arith.cmpi sgt, %iota3A_92, %add3A_303 : vector<8x24x128xi32>
      %gt3A_305 = arith.constant 3.000000e-01 : f32
      %gt3A_306 = vector.broadcast %gt3A_305 : f32 to vector<8x24x128xf32>
      %gt3A_307 = arith.cmpf ogt, %div3A_300, %gt3A_306 : vector<8x24x128xf32>
      %and3A_308 = arith.andi %gt3A_307, %gt3A_304 : vector<8x24x128xi1>
      %jit3A_309 = arith.constant 1.000000e+00 : f32
      %jit3A_310 = arith.constant 0.000000e+00 : f32
      %broadcast_in_dim3A_311 = vector.broadcast %jit3A_309 : f32 to vector<8x24x128xf32>
      %broadcast_in_dim3A_312 = vector.broadcast %jit3A_310 : f32 to vector<8x24x128xf32>
      %select_n3A_313 = arith.select %and3A_308, %broadcast_in_dim3A_311, %broadcast_in_dim3A_312 : vector<8x24x128xi1>, vector<8x24x128xf32>
      %swap3A_314 = arith.constant 16 : index
      %swap3A_315 = arith.constant 0 : index
      %swap3A_316 = arith.constant 0 : index
      %swap3A_317 = vector.load %arg6[%swap3A_314, %swap3A_315, %swap3A_316] : memref<128x24x128xf32, #tpu.memory_space<vmem>>, vector<8x24x128xf32>
      tpu.vector_store %arg6[%swap3A_314, %swap3A_315, %swap3A_316], %select_n3A_313 {strides = array<i32>} : memref<128x24x128xf32, #tpu.memory_space<vmem>>, vector<8x24x128xf32>,
      %add3A_318 = arith.constant 24 : i32
      %add3A_319 = arith.addi %mul3A_42, %add3A_318 : i32
      %get3A_320 = arith.constant 0 : index
      %get3A_321 = arith.index_cast %add3A_319 : i32 to index
      %get3A_322 = arith.constant 0 : index
      %get3A_323 = vector.load %arg1[%get3A_320, %get3A_321, %get3A_322] : memref<4x5120x24xf32, #tpu.memory_space<vmem>>, vector<1x8x24xf32>
      %get3A_324 = vector.shape_cast %get3A_323 : vector<1x8x24xf32> to vector<8x24xf32>
      %broadcast_in_dim3A_325 = vector.shape_cast %get3A_324 : vector<8x24xf32> to vector<8x24x1xf32>
      %get3A_326 = arith.constant 1 : index
      %get3A_327 = arith.index_cast %add3A_319 : i32 to index
      %get3A_328 = arith.constant 0 : index
      %get3A_329 = vector.load %arg1[%get3A_326, %get3A_327, %get3A_328] : memref<4x5120x24xf32, #tpu.memory_space<vmem>>, vector<1x8x24xf32>
      %get3A_330 = vector.shape_cast %get3A_329 : vector<1x8x24xf32> to vector<8x24xf32>
      %broadcast_in_dim3A_331 = vector.shape_cast %get3A_330 : vector<8x24xf32> to vector<8x24x1xf32>
      %get3A_332 = arith.constant 2 : index
      %get3A_333 = arith.index_cast %add3A_319 : i32 to index
      %get3A_334 = arith.constant 0 : index
      %get3A_335 = vector.load %arg1[%get3A_332, %get3A_333, %get3A_334] : memref<4x5120x24xf32, #tpu.memory_space<vmem>>, vector<1x8x24xf32>
      %get3A_336 = vector.shape_cast %get3A_335 : vector<1x8x24xf32> to vector<8x24xf32>
      %broadcast_in_dim3A_337 = vector.shape_cast %get3A_336 : vector<8x24xf32> to vector<8x24x1xf32>
      %get3A_338 = arith.constant 3 : index
      %get3A_339 = arith.index_cast %add3A_319 : i32 to index
      %get3A_340 = arith.constant 0 : index
      %get3A_341 = vector.load %arg1[%get3A_338, %get3A_339, %get3A_340] : memref<4x5120x24xf32, #tpu.memory_space<vmem>>, vector<1x8x24xf32>
      %get3A_342 = vector.shape_cast %get3A_341 : vector<1x8x24xf32> to vector<8x24xf32>
      %broadcast_in_dim3A_343 = vector.shape_cast %get3A_342 : vector<8x24xf32> to vector<8x24x1xf32>
      %get3A_344 = arith.index_cast %add3A_319 : i32 to index
      %get3A_345 = arith.constant 0 : index
      %get3A_346 = vector.load %arg3[%get3A_344, %get3A_345] : memref<5120x24xf32, #tpu.memory_space<vmem>>, vector<8x24xf32>
      %broadcast_in_dim3A_347 = vector.shape_cast %get3A_346 : vector<8x24xf32> to vector<8x24x1xf32>
      %min3A_348 = vector.broadcast %broadcast_in_dim3A_337 : vector<8x24x1xf32> to vector<8x24x128xf32>
      %min3A_349 = vector.broadcast %broadcast_in_dim3A_60 : vector<1x24x128xf32> to vector<8x24x128xf32>
      %min3A_350 = arith.minimumf %min3A_348, %min3A_349 : vector<8x24x128xf32>
      %max3A_351 = vector.broadcast %broadcast_in_dim3A_325 : vector<8x24x1xf32> to vector<8x24x128xf32>
      %max3A_352 = vector.broadcast %broadcast_in_dim3A_48 : vector<1x24x128xf32> to vector<8x24x128xf32>
      %max3A_353 = arith.maximumf %max3A_351, %max3A_352 : vector<8x24x128xf32>
      %sub3A_354 = arith.subf %min3A_350, %max3A_353 : vector<8x24x128xf32>
      %jit3A_355 = arith.constant 0.000000e+00 : f32
      %max3A_356 = vector.broadcast %jit3A_355 : f32 to vector<8x24x128xf32>
      %max3A_357 = arith.maximumf %max3A_356, %sub3A_354 : vector<8x24x128xf32>
      %min3A_358 = vector.broadcast %broadcast_in_dim3A_343 : vector<8x24x1xf32> to vector<8x24x128xf32>
      %min3A_359 = vector.broadcast %broadcast_in_dim3A_66 : vector<1x24x128xf32> to vector<8x24x128xf32>
      %min3A_360 = arith.minimumf %min3A_358, %min3A_359 : vector<8x24x128xf32>
      %max3A_361 = vector.broadcast %broadcast_in_dim3A_331 : vector<8x24x1xf32> to vector<8x24x128xf32>
      %max3A_362 = vector.broadcast %broadcast_in_dim3A_54 : vector<1x24x128xf32> to vector<8x24x128xf32>
      %max3A_363 = arith.maximumf %max3A_361, %max3A_362 : vector<8x24x128xf32>
      %sub3A_364 = arith.subf %min3A_360, %max3A_363 : vector<8x24x128xf32>
      %jit3A_365 = arith.constant 0.000000e+00 : f32
      %max3A_366 = vector.broadcast %jit3A_365 : f32 to vector<8x24x128xf32>
      %max3A_367 = arith.maximumf %max3A_366, %sub3A_364 : vector<8x24x128xf32>
      %mul3A_368 = arith.mulf %max3A_357, %max3A_367 : vector<8x24x128xf32>
      %add3A_369 = vector.broadcast %broadcast_in_dim3A_347 : vector<8x24x1xf32> to vector<8x24x128xf32>
      %add3A_370 = vector.broadcast %broadcast_in_dim3A_70 : vector<1x24x128xf32> to vector<8x24x128xf32>
      %add3A_371 = arith.addf %add3A_369, %add3A_370 : vector<8x24x128xf32>
      %sub3A_372 = arith.subf %add3A_371, %mul3A_368 : vector<8x24x128xf32>
      %add3A_373 = arith.constant 9.99999971E-10 : f32
      %add3A_374 = vector.broadcast %add3A_373 : f32 to vector<8x24x128xf32>
      %add3A_375 = arith.addf %sub3A_372, %add3A_374 : vector<8x24x128xf32>
      %div3A_376 = arith.divf %mul3A_368, %add3A_375 : vector<8x24x128xf32>
      %add3A_377 = arith.constant 24 : i32
      %add3A_378 = vector.broadcast %add3A_377 : i32 to vector<8x24x128xi32>
      %add3A_379 = arith.addi %iota3A_91, %add3A_378 : vector<8x24x128xi32>
      %gt3A_380 = arith.cmpi sgt, %iota3A_92, %add3A_379 : vector<8x24x128xi32>
      %gt3A_381 = arith.constant 3.000000e-01 : f32
      %gt3A_382 = vector.broadcast %gt3A_381 : f32 to vector<8x24x128xf32>
      %gt3A_383 = arith.cmpf ogt, %div3A_376, %gt3A_382 : vector<8x24x128xf32>
      %and3A_384 = arith.andi %gt3A_383, %gt3A_380 : vector<8x24x128xi1>
      %jit3A_385 = arith.constant 1.000000e+00 : f32
      %jit3A_386 = arith.constant 0.000000e+00 : f32
      %broadcast_in_dim3A_387 = vector.broadcast %jit3A_385 : f32 to vector<8x24x128xf32>
      %broadcast_in_dim3A_388 = vector.broadcast %jit3A_386 : f32 to vector<8x24x128xf32>
      %select_n3A_389 = arith.select %and3A_384, %broadcast_in_dim3A_387, %broadcast_in_dim3A_388 : vector<8x24x128xi1>, vector<8x24x128xf32>
      %swap3A_390 = arith.constant 24 : index
      %swap3A_391 = arith.constant 0 : index
      %swap3A_392 = arith.constant 0 : index
      %swap3A_393 = vector.load %arg6[%swap3A_390, %swap3A_391, %swap3A_392] : memref<128x24x128xf32, #tpu.memory_space<vmem>>, vector<8x24x128xf32>
      tpu.vector_store %arg6[%swap3A_390, %swap3A_391, %swap3A_392], %select_n3A_389 {strides = array<i32>} : memref<128x24x128xf32, #tpu.memory_space<vmem>>, vector<8x24x128xf32>,
      %add3A_394 = arith.constant 32 : i32
      %add3A_395 = arith.addi %mul3A_42, %add3A_394 : i32
      %get3A_396 = arith.constant 0 : index
      %get3A_397 = arith.index_cast %add3A_395 : i32 to index
      %get3A_398 = arith.constant 0 : index
      %get3A_399 = vector.load %arg1[%get3A_396, %get3A_397, %get3A_398] : memref<4x5120x24xf32, #tpu.memory_space<vmem>>, vector<1x8x24xf32>
      %get3A_400 = vector.shape_cast %get3A_399 : vector<1x8x24xf32> to vector<8x24xf32>
      %broadcast_in_dim3A_401 = vector.shape_cast %get3A_400 : vector<8x24xf32> to vector<8x24x1xf32>
      %get3A_402 = arith.constant 1 : index
      %get3A_403 = arith.index_cast %add3A_395 : i32 to index
      %get3A_404 = arith.constant 0 : index
      %get3A_405 = vector.load %arg1[%get3A_402, %get3A_403, %get3A_404] : memref<4x5120x24xf32, #tpu.memory_space<vmem>>, vector<1x8x24xf32>
      %get3A_406 = vector.shape_cast %get3A_405 : vector<1x8x24xf32> to vector<8x24xf32>
      %broadcast_in_dim3A_407 = vector.shape_cast %get3A_406 : vector<8x24xf32> to vector<8x24x1xf32>
      %get3A_408 = arith.constant 2 : index
      %get3A_409 = arith.index_cast %add3A_395 : i32 to index
      %get3A_410 = arith.constant 0 : index
      %get3A_411 = vector.load %arg1[%get3A_408, %get3A_409, %get3A_410] : memref<4x5120x24xf32, #tpu.memory_space<vmem>>, vector<1x8x24xf32>
      %get3A_412 = vector.shape_cast %get3A_411 : vector<1x8x24xf32> to vector<8x24xf32>
      %broadcast_in_dim3A_413 = vector.shape_cast %get3A_412 : vector<8x24xf32> to vector<8x24x1xf32>
      %get3A_414 = arith.constant 3 : index
      %get3A_415 = arith.index_cast %add3A_395 : i32 to index
      %get3A_416 = arith.constant 0 : index
      %get3A_417 = vector.load %arg1[%get3A_414, %get3A_415, %get3A_416] : memref<4x5120x24xf32, #tpu.memory_space<vmem>>, vector<1x8x24xf32>
      %get3A_418 = vector.shape_cast %get3A_417 : vector<1x8x24xf32> to vector<8x24xf32>
      %broadcast_in_dim3A_419 = vector.shape_cast %get3A_418 : vector<8x24xf32> to vector<8x24x1xf32>
      %get3A_420 = arith.index_cast %add3A_395 : i32 to index
      %get3A_421 = arith.constant 0 : index
      %get3A_422 = vector.load %arg3[%get3A_420, %get3A_421] : memref<5120x24xf32, #tpu.memory_space<vmem>>, vector<8x24xf32>
      %broadcast_in_dim3A_423 = vector.shape_cast %get3A_422 : vector<8x24xf32> to vector<8x24x1xf32>
      %min3A_424 = vector.broadcast %broadcast_in_dim3A_413 : vector<8x24x1xf32> to vector<8x24x128xf32>
      %min3A_425 = vector.broadcast %broadcast_in_dim3A_60 : vector<1x24x128xf32> to vector<8x24x128xf32>
      %min3A_426 = arith.minimumf %min3A_424, %min3A_425 : vector<8x24x128xf32>
      %max3A_427 = vector.broadcast %broadcast_in_dim3A_401 : vector<8x24x1xf32> to vector<8x24x128xf32>
      %max3A_428 = vector.broadcast %broadcast_in_dim3A_48 : vector<1x24x128xf32> to vector<8x24x128xf32>
      %max3A_429 = arith.maximumf %max3A_427, %max3A_428 : vector<8x24x128xf32>
      %sub3A_430 = arith.subf %min3A_426, %max3A_429 : vector<8x24x128xf32>
      %jit3A_431 = arith.constant 0.000000e+00 : f32
      %max3A_432 = vector.broadcast %jit3A_431 : f32 to vector<8x24x128xf32>
      %max3A_433 = arith.maximumf %max3A_432, %sub3A_430 : vector<8x24x128xf32>
      %min3A_434 = vector.broadcast %broadcast_in_dim3A_419 : vector<8x24x1xf32> to vector<8x24x128xf32>
      %min3A_435 = vector.broadcast %broadcast_in_dim3A_66 : vector<1x24x128xf32> to vector<8x24x128xf32>
      %min3A_436 = arith.minimumf %min3A_434, %min3A_435 : vector<8x24x128xf32>
      %max3A_437 = vector.broadcast %broadcast_in_dim3A_407 : vector<8x24x1xf32> to vector<8x24x128xf32>
      %max3A_438 = vector.broadcast %broadcast_in_dim3A_54 : vector<1x24x128xf32> to vector<8x24x128xf32>
      %max3A_439 = arith.maximumf %max3A_437, %max3A_438 : vector<8x24x128xf32>
      %sub3A_440 = arith.subf %min3A_436, %max3A_439 : vector<8x24x128xf32>
      %jit3A_441 = arith.constant 0.000000e+00 : f32
      %max3A_442 = vector.broadcast %jit3A_441 : f32 to vector<8x24x128xf32>
      %max3A_443 = arith.maximumf %max3A_442, %sub3A_440 : vector<8x24x128xf32>
      %mul3A_444 = arith.mulf %max3A_433, %max3A_443 : vector<8x24x128xf32>
      %add3A_445 = vector.broadcast %broadcast_in_dim3A_423 : vector<8x24x1xf32> to vector<8x24x128xf32>
      %add3A_446 = vector.broadcast %broadcast_in_dim3A_70 : vector<1x24x128xf32> to vector<8x24x128xf32>
      %add3A_447 = arith.addf %add3A_445, %add3A_446 : vector<8x24x128xf32>
      %sub3A_448 = arith.subf %add3A_447, %mul3A_444 : vector<8x24x128xf32>
      %add3A_449 = arith.constant 9.99999971E-10 : f32
      %add3A_450 = vector.broadcast %add3A_449 : f32 to vector<8x24x128xf32>
      %add3A_451 = arith.addf %sub3A_448, %add3A_450 : vector<8x24x128xf32>
      %div3A_452 = arith.divf %mul3A_444, %add3A_451 : vector<8x24x128xf32>
      %add3A_453 = arith.constant 32 : i32
      %add3A_454 = vector.broadcast %add3A_453 : i32 to vector<8x24x128xi32>
      %add3A_455 = arith.addi %iota3A_91, %add3A_454 : vector<8x24x128xi32>
      %gt3A_456 = arith.cmpi sgt, %iota3A_92, %add3A_455 : vector<8x24x128xi32>
      %gt3A_457 = arith.constant 3.000000e-01 : f32
      %gt3A_458 = vector.broadcast %gt3A_457 : f32 to vector<8x24x128xf32>
      %gt3A_459 = arith.cmpf ogt, %div3A_452, %gt3A_458 : vector<8x24x128xf32>
      %and3A_460 = arith.andi %gt3A_459, %gt3A_456 : vector<8x24x128xi1>
      %jit3A_461 = arith.constant 1.000000e+00 : f32
      %jit3A_462 = arith.constant 0.000000e+00 : f32
      %broadcast_in_dim3A_463 = vector.broadcast %jit3A_461 : f32 to vector<8x24x128xf32>
      %broadcast_in_dim3A_464 = vector.broadcast %jit3A_462 : f32 to vector<8x24x128xf32>
      %select_n3A_465 = arith.select %and3A_460, %broadcast_in_dim3A_463, %broadcast_in_dim3A_464 : vector<8x24x128xi1>, vector<8x24x128xf32>
      %swap3A_466 = arith.constant 32 : index
      %swap3A_467 = arith.constant 0 : index
      %swap3A_468 = arith.constant 0 : index
      %swap3A_469 = vector.load %arg6[%swap3A_466, %swap3A_467, %swap3A_468] : memref<128x24x128xf32, #tpu.memory_space<vmem>>, vector<8x24x128xf32>
      tpu.vector_store %arg6[%swap3A_466, %swap3A_467, %swap3A_468], %select_n3A_465 {strides = array<i32>} : memref<128x24x128xf32, #tpu.memory_space<vmem>>, vector<8x24x128xf32>,
      %add3A_470 = arith.constant 40 : i32
      %add3A_471 = arith.addi %mul3A_42, %add3A_470 : i32
      %get3A_472 = arith.constant 0 : index
      %get3A_473 = arith.index_cast %add3A_471 : i32 to index
      %get3A_474 = arith.constant 0 : index
      %get3A_475 = vector.load %arg1[%get3A_472, %get3A_473, %get3A_474] : memref<4x5120x24xf32, #tpu.memory_space<vmem>>, vector<1x8x24xf32>
      %get3A_476 = vector.shape_cast %get3A_475 : vector<1x8x24xf32> to vector<8x24xf32>
      %broadcast_in_dim3A_477 = vector.shape_cast %get3A_476 : vector<8x24xf32> to vector<8x24x1xf32>
      %get3A_478 = arith.constant 1 : index
      %get3A_479 = arith.index_cast %add3A_471 : i32 to index
      %get3A_480 = arith.constant 0 : index
      %get3A_481 = vector.load %arg1[%get3A_478, %get3A_479, %get3A_480] : memref<4x5120x24xf32, #tpu.memory_space<vmem>>, vector<1x8x24xf32>
      %get3A_482 = vector.shape_cast %get3A_481 : vector<1x8x24xf32> to vector<8x24xf32>
      %broadcast_in_dim3A_483 = vector.shape_cast %get3A_482 : vector<8x24xf32> to vector<8x24x1xf32>
      %get3A_484 = arith.constant 2 : index
      %get3A_485 = arith.index_cast %add3A_471 : i32 to index
      %get3A_486 = arith.constant 0 : index
      %get3A_487 = vector.load %arg1[%get3A_484, %get3A_485, %get3A_486] : memref<4x5120x24xf32, #tpu.memory_space<vmem>>, vector<1x8x24xf32>
      %get3A_488 = vector.shape_cast %get3A_487 : vector<1x8x24xf32> to vector<8x24xf32>
      %broadcast_in_dim3A_489 = vector.shape_cast %get3A_488 : vector<8x24xf32> to vector<8x24x1xf32>
      %get3A_490 = arith.constant 3 : index
      %get3A_491 = arith.index_cast %add3A_471 : i32 to index
      %get3A_492 = arith.constant 0 : index
      %get3A_493 = vector.load %arg1[%get3A_490, %get3A_491, %get3A_492] : memref<4x5120x24xf32, #tpu.memory_space<vmem>>, vector<1x8x24xf32>
      %get3A_494 = vector.shape_cast %get3A_493 : vector<1x8x24xf32> to vector<8x24xf32>
      %broadcast_in_dim3A_495 = vector.shape_cast %get3A_494 : vector<8x24xf32> to vector<8x24x1xf32>
      %get3A_496 = arith.index_cast %add3A_471 : i32 to index
      %get3A_497 = arith.constant 0 : index
      %get3A_498 = vector.load %arg3[%get3A_496, %get3A_497] : memref<5120x24xf32, #tpu.memory_space<vmem>>, vector<8x24xf32>
      %broadcast_in_dim3A_499 = vector.shape_cast %get3A_498 : vector<8x24xf32> to vector<8x24x1xf32>
      %min3A_500 = vector.broadcast %broadcast_in_dim3A_489 : vector<8x24x1xf32> to vector<8x24x128xf32>
      %min3A_501 = vector.broadcast %broadcast_in_dim3A_60 : vector<1x24x128xf32> to vector<8x24x128xf32>
      %min3A_502 = arith.minimumf %min3A_500, %min3A_501 : vector<8x24x128xf32>
      %max3A_503 = vector.broadcast %broadcast_in_dim3A_477 : vector<8x24x1xf32> to vector<8x24x128xf32>
      %max3A_504 = vector.broadcast %broadcast_in_dim3A_48 : vector<1x24x128xf32> to vector<8x24x128xf32>
      %max3A_505 = arith.maximumf %max3A_503, %max3A_504 : vector<8x24x128xf32>
      %sub3A_506 = arith.subf %min3A_502, %max3A_505 : vector<8x24x128xf32>
      %jit3A_507 = arith.constant 0.000000e+00 : f32
      %max3A_508 = vector.broadcast %jit3A_507 : f32 to vector<8x24x128xf32>
      %max3A_509 = arith.maximumf %max3A_508, %sub3A_506 : vector<8x24x128xf32>
      %min3A_510 = vector.broadcast %broadcast_in_dim3A_495 : vector<8x24x1xf32> to vector<8x24x128xf32>
      %min3A_511 = vector.broadcast %broadcast_in_dim3A_66 : vector<1x24x128xf32> to vector<8x24x128xf32>
      %min3A_512 = arith.minimumf %min3A_510, %min3A_511 : vector<8x24x128xf32>
      %max3A_513 = vector.broadcast %broadcast_in_dim3A_483 : vector<8x24x1xf32> to vector<8x24x128xf32>
      %max3A_514 = vector.broadcast %broadcast_in_dim3A_54 : vector<1x24x128xf32> to vector<8x24x128xf32>
      %max3A_515 = arith.maximumf %max3A_513, %max3A_514 : vector<8x24x128xf32>
      %sub3A_516 = arith.subf %min3A_512, %max3A_515 : vector<8x24x128xf32>
      %jit3A_517 = arith.constant 0.000000e+00 : f32
      %max3A_518 = vector.broadcast %jit3A_517 : f32 to vector<8x24x128xf32>
      %max3A_519 = arith.maximumf %max3A_518, %sub3A_516 : vector<8x24x128xf32>
      %mul3A_520 = arith.mulf %max3A_509, %max3A_519 : vector<8x24x128xf32>
      %add3A_521 = vector.broadcast %broadcast_in_dim3A_499 : vector<8x24x1xf32> to vector<8x24x128xf32>
      %add3A_522 = vector.broadcast %broadcast_in_dim3A_70 : vector<1x24x128xf32> to vector<8x24x128xf32>
      %add3A_523 = arith.addf %add3A_521, %add3A_522 : vector<8x24x128xf32>
      %sub3A_524 = arith.subf %add3A_523, %mul3A_520 : vector<8x24x128xf32>
      %add3A_525 = arith.constant 9.99999971E-10 : f32
      %add3A_526 = vector.broadcast %add3A_525 : f32 to vector<8x24x128xf32>
      %add3A_527 = arith.addf %sub3A_524, %add3A_526 : vector<8x24x128xf32>
      %div3A_528 = arith.divf %mul3A_520, %add3A_527 : vector<8x24x128xf32>
      %add3A_529 = arith.constant 40 : i32
      %add3A_530 = vector.broadcast %add3A_529 : i32 to vector<8x24x128xi32>
      %add3A_531 = arith.addi %iota3A_91, %add3A_530 : vector<8x24x128xi32>
      %gt3A_532 = arith.cmpi sgt, %iota3A_92, %add3A_531 : vector<8x24x128xi32>
      %gt3A_533 = arith.constant 3.000000e-01 : f32
      %gt3A_534 = vector.broadcast %gt3A_533 : f32 to vector<8x24x128xf32>
      %gt3A_535 = arith.cmpf ogt, %div3A_528, %gt3A_534 : vector<8x24x128xf32>
      %and3A_536 = arith.andi %gt3A_535, %gt3A_532 : vector<8x24x128xi1>
      %jit3A_537 = arith.constant 1.000000e+00 : f32
      %jit3A_538 = arith.constant 0.000000e+00 : f32
      %broadcast_in_dim3A_539 = vector.broadcast %jit3A_537 : f32 to vector<8x24x128xf32>
      %broadcast_in_dim3A_540 = vector.broadcast %jit3A_538 : f32 to vector<8x24x128xf32>
      %select_n3A_541 = arith.select %and3A_536, %broadcast_in_dim3A_539, %broadcast_in_dim3A_540 : vector<8x24x128xi1>, vector<8x24x128xf32>
      %swap3A_542 = arith.constant 40 : index
      %swap3A_543 = arith.constant 0 : index
      %swap3A_544 = arith.constant 0 : index
      %swap3A_545 = vector.load %arg6[%swap3A_542, %swap3A_543, %swap3A_544] : memref<128x24x128xf32, #tpu.memory_space<vmem>>, vector<8x24x128xf32>
      tpu.vector_store %arg6[%swap3A_542, %swap3A_543, %swap3A_544], %select_n3A_541 {strides = array<i32>} : memref<128x24x128xf32, #tpu.memory_space<vmem>>, vector<8x24x128xf32>,
      %add3A_546 = arith.constant 48 : i32
      %add3A_547 = arith.addi %mul3A_42, %add3A_546 : i32
      %get3A_548 = arith.constant 0 : index
      %get3A_549 = arith.index_cast %add3A_547 : i32 to index
      %get3A_550 = arith.constant 0 : index
      %get3A_551 = vector.load %arg1[%get3A_548, %get3A_549, %get3A_550] : memref<4x5120x24xf32, #tpu.memory_space<vmem>>, vector<1x8x24xf32>
      %get3A_552 = vector.shape_cast %get3A_551 : vector<1x8x24xf32> to vector<8x24xf32>
      %broadcast_in_dim3A_553 = vector.shape_cast %get3A_552 : vector<8x24xf32> to vector<8x24x1xf32>
      %get3A_554 = arith.constant 1 : index
      %get3A_555 = arith.index_cast %add3A_547 : i32 to index
      %get3A_556 = arith.constant 0 : index
      %get3A_557 = vector.load %arg1[%get3A_554, %get3A_555, %get3A_556] : memref<4x5120x24xf32, #tpu.memory_space<vmem>>, vector<1x8x24xf32>
      %get3A_558 = vector.shape_cast %get3A_557 : vector<1x8x24xf32> to vector<8x24xf32>
      %broadcast_in_dim3A_559 = vector.shape_cast %get3A_558 : vector<8x24xf32> to vector<8x24x1xf32>
      %get3A_560 = arith.constant 2 : index
      %get3A_561 = arith.index_cast %add3A_547 : i32 to index
      %get3A_562 = arith.constant 0 : index
      %get3A_563 = vector.load %arg1[%get3A_560, %get3A_561, %get3A_562] : memref<4x5120x24xf32, #tpu.memory_space<vmem>>, vector<1x8x24xf32>
      %get3A_564 = vector.shape_cast %get3A_563 : vector<1x8x24xf32> to vector<8x24xf32>
      %broadcast_in_dim3A_565 = vector.shape_cast %get3A_564 : vector<8x24xf32> to vector<8x24x1xf32>
      %get3A_566 = arith.constant 3 : index
      %get3A_567 = arith.index_cast %add3A_547 : i32 to index
      %get3A_568 = arith.constant 0 : index
      %get3A_569 = vector.load %arg1[%get3A_566, %get3A_567, %get3A_568] : memref<4x5120x24xf32, #tpu.memory_space<vmem>>, vector<1x8x24xf32>
      %get3A_570 = vector.shape_cast %get3A_569 : vector<1x8x24xf32> to vector<8x24xf32>
      %broadcast_in_dim3A_571 = vector.shape_cast %get3A_570 : vector<8x24xf32> to vector<8x24x1xf32>
      %get3A_572 = arith.index_cast %add3A_547 : i32 to index
      %get3A_573 = arith.constant 0 : index
      %get3A_574 = vector.load %arg3[%get3A_572, %get3A_573] : memref<5120x24xf32, #tpu.memory_space<vmem>>, vector<8x24xf32>
      %broadcast_in_dim3A_575 = vector.shape_cast %get3A_574 : vector<8x24xf32> to vector<8x24x1xf32>
      %min3A_576 = vector.broadcast %broadcast_in_dim3A_565 : vector<8x24x1xf32> to vector<8x24x128xf32>
      %min3A_577 = vector.broadcast %broadcast_in_dim3A_60 : vector<1x24x128xf32> to vector<8x24x128xf32>
      %min3A_578 = arith.minimumf %min3A_576, %min3A_577 : vector<8x24x128xf32>
      %max3A_579 = vector.broadcast %broadcast_in_dim3A_553 : vector<8x24x1xf32> to vector<8x24x128xf32>
      %max3A_580 = vector.broadcast %broadcast_in_dim3A_48 : vector<1x24x128xf32> to vector<8x24x128xf32>
      %max3A_581 = arith.maximumf %max3A_579, %max3A_580 : vector<8x24x128xf32>
      %sub3A_582 = arith.subf %min3A_578, %max3A_581 : vector<8x24x128xf32>
      %jit3A_583 = arith.constant 0.000000e+00 : f32
      %max3A_584 = vector.broadcast %jit3A_583 : f32 to vector<8x24x128xf32>
      %max3A_585 = arith.maximumf %max3A_584, %sub3A_582 : vector<8x24x128xf32>
      %min3A_586 = vector.broadcast %broadcast_in_dim3A_571 : vector<8x24x1xf32> to vector<8x24x128xf32>
      %min3A_587 = vector.broadcast %broadcast_in_dim3A_66 : vector<1x24x128xf32> to vector<8x24x128xf32>
      %min3A_588 = arith.minimumf %min3A_586, %min3A_587 : vector<8x24x128xf32>
      %max3A_589 = vector.broadcast %broadcast_in_dim3A_559 : vector<8x24x1xf32> to vector<8x24x128xf32>
      %max3A_590 = vector.broadcast %broadcast_in_dim3A_54 : vector<1x24x128xf32> to vector<8x24x128xf32>
      %max3A_591 = arith.maximumf %max3A_589, %max3A_590 : vector<8x24x128xf32>
      %sub3A_592 = arith.subf %min3A_588, %max3A_591 : vector<8x24x128xf32>
      %jit3A_593 = arith.constant 0.000000e+00 : f32
      %max3A_594 = vector.broadcast %jit3A_593 : f32 to vector<8x24x128xf32>
      %max3A_595 = arith.maximumf %max3A_594, %sub3A_592 : vector<8x24x128xf32>
      %mul3A_596 = arith.mulf %max3A_585, %max3A_595 : vector<8x24x128xf32>
      %add3A_597 = vector.broadcast %broadcast_in_dim3A_575 : vector<8x24x1xf32> to vector<8x24x128xf32>
      %add3A_598 = vector.broadcast %broadcast_in_dim3A_70 : vector<1x24x128xf32> to vector<8x24x128xf32>
      %add3A_599 = arith.addf %add3A_597, %add3A_598 : vector<8x24x128xf32>
      %sub3A_600 = arith.subf %add3A_599, %mul3A_596 : vector<8x24x128xf32>
      %add3A_601 = arith.constant 9.99999971E-10 : f32
      %add3A_602 = vector.broadcast %add3A_601 : f32 to vector<8x24x128xf32>
      %add3A_603 = arith.addf %sub3A_600, %add3A_602 : vector<8x24x128xf32>
      %div3A_604 = arith.divf %mul3A_596, %add3A_603 : vector<8x24x128xf32>
      %add3A_605 = arith.constant 48 : i32
      %add3A_606 = vector.broadcast %add3A_605 : i32 to vector<8x24x128xi32>
      %add3A_607 = arith.addi %iota3A_91, %add3A_606 : vector<8x24x128xi32>
      %gt3A_608 = arith.cmpi sgt, %iota3A_92, %add3A_607 : vector<8x24x128xi32>
      %gt3A_609 = arith.constant 3.000000e-01 : f32
      %gt3A_610 = vector.broadcast %gt3A_609 : f32 to vector<8x24x128xf32>
      %gt3A_611 = arith.cmpf ogt, %div3A_604, %gt3A_610 : vector<8x24x128xf32>
      %and3A_612 = arith.andi %gt3A_611, %gt3A_608 : vector<8x24x128xi1>
      %jit3A_613 = arith.constant 1.000000e+00 : f32
      %jit3A_614 = arith.constant 0.000000e+00 : f32
      %broadcast_in_dim3A_615 = vector.broadcast %jit3A_613 : f32 to vector<8x24x128xf32>
      %broadcast_in_dim3A_616 = vector.broadcast %jit3A_614 : f32 to vector<8x24x128xf32>
      %select_n3A_617 = arith.select %and3A_612, %broadcast_in_dim3A_615, %broadcast_in_dim3A_616 : vector<8x24x128xi1>, vector<8x24x128xf32>
      %swap3A_618 = arith.constant 48 : index
      %swap3A_619 = arith.constant 0 : index
      %swap3A_620 = arith.constant 0 : index
      %swap3A_621 = vector.load %arg6[%swap3A_618, %swap3A_619, %swap3A_620] : memref<128x24x128xf32, #tpu.memory_space<vmem>>, vector<8x24x128xf32>
      tpu.vector_store %arg6[%swap3A_618, %swap3A_619, %swap3A_620], %select_n3A_617 {strides = array<i32>} : memref<128x24x128xf32, #tpu.memory_space<vmem>>, vector<8x24x128xf32>,
      %add3A_622 = arith.constant 56 : i32
      %add3A_623 = arith.addi %mul3A_42, %add3A_622 : i32
      %get3A_624 = arith.constant 0 : index
      %get3A_625 = arith.index_cast %add3A_623 : i32 to index
      %get3A_626 = arith.constant 0 : index
      %get3A_627 = vector.load %arg1[%get3A_624, %get3A_625, %get3A_626] : memref<4x5120x24xf32, #tpu.memory_space<vmem>>, vector<1x8x24xf32>
      %get3A_628 = vector.shape_cast %get3A_627 : vector<1x8x24xf32> to vector<8x24xf32>
      %broadcast_in_dim3A_629 = vector.shape_cast %get3A_628 : vector<8x24xf32> to vector<8x24x1xf32>
      %get3A_630 = arith.constant 1 : index
      %get3A_631 = arith.index_cast %add3A_623 : i32 to index
      %get3A_632 = arith.constant 0 : index
      %get3A_633 = vector.load %arg1[%get3A_630, %get3A_631, %get3A_632] : memref<4x5120x24xf32, #tpu.memory_space<vmem>>, vector<1x8x24xf32>
      %get3A_634 = vector.shape_cast %get3A_633 : vector<1x8x24xf32> to vector<8x24xf32>
      %broadcast_in_dim3A_635 = vector.shape_cast %get3A_634 : vector<8x24xf32> to vector<8x24x1xf32>
      %get3A_636 = arith.constant 2 : index
      %get3A_637 = arith.index_cast %add3A_623 : i32 to index
      %get3A_638 = arith.constant 0 : index
      %get3A_639 = vector.load %arg1[%get3A_636, %get3A_637, %get3A_638] : memref<4x5120x24xf32, #tpu.memory_space<vmem>>, vector<1x8x24xf32>
      %get3A_640 = vector.shape_cast %get3A_639 : vector<1x8x24xf32> to vector<8x24xf32>
      %broadcast_in_dim3A_641 = vector.shape_cast %get3A_640 : vector<8x24xf32> to vector<8x24x1xf32>
      %get3A_642 = arith.constant 3 : index
      %get3A_643 = arith.index_cast %add3A_623 : i32 to index
      %get3A_644 = arith.constant 0 : index
      %get3A_645 = vector.load %arg1[%get3A_642, %get3A_643, %get3A_644] : memref<4x5120x24xf32, #tpu.memory_space<vmem>>, vector<1x8x24xf32>
      %get3A_646 = vector.shape_cast %get3A_645 : vector<1x8x24xf32> to vector<8x24xf32>
      %broadcast_in_dim3A_647 = vector.shape_cast %get3A_646 : vector<8x24xf32> to vector<8x24x1xf32>
      %get3A_648 = arith.index_cast %add3A_623 : i32 to index
      %get3A_649 = arith.constant 0 : index
      %get3A_650 = vector.load %arg3[%get3A_648, %get3A_649] : memref<5120x24xf32, #tpu.memory_space<vmem>>, vector<8x24xf32>
      %broadcast_in_dim3A_651 = vector.shape_cast %get3A_650 : vector<8x24xf32> to vector<8x24x1xf32>
      %min3A_652 = vector.broadcast %broadcast_in_dim3A_641 : vector<8x24x1xf32> to vector<8x24x128xf32>
      %min3A_653 = vector.broadcast %broadcast_in_dim3A_60 : vector<1x24x128xf32> to vector<8x24x128xf32>
      %min3A_654 = arith.minimumf %min3A_652, %min3A_653 : vector<8x24x128xf32>
      %max3A_655 = vector.broadcast %broadcast_in_dim3A_629 : vector<8x24x1xf32> to vector<8x24x128xf32>
      %max3A_656 = vector.broadcast %broadcast_in_dim3A_48 : vector<1x24x128xf32> to vector<8x24x128xf32>
      %max3A_657 = arith.maximumf %max3A_655, %max3A_656 : vector<8x24x128xf32>
      %sub3A_658 = arith.subf %min3A_654, %max3A_657 : vector<8x24x128xf32>
      %jit3A_659 = arith.constant 0.000000e+00 : f32
      %max3A_660 = vector.broadcast %jit3A_659 : f32 to vector<8x24x128xf32>
      %max3A_661 = arith.maximumf %max3A_660, %sub3A_658 : vector<8x24x128xf32>
      %min3A_662 = vector.broadcast %broadcast_in_dim3A_647 : vector<8x24x1xf32> to vector<8x24x128xf32>
      %min3A_663 = vector.broadcast %broadcast_in_dim3A_66 : vector<1x24x128xf32> to vector<8x24x128xf32>
      %min3A_664 = arith.minimumf %min3A_662, %min3A_663 : vector<8x24x128xf32>
      %max3A_665 = vector.broadcast %broadcast_in_dim3A_635 : vector<8x24x1xf32> to vector<8x24x128xf32>
      %max3A_666 = vector.broadcast %broadcast_in_dim3A_54 : vector<1x24x128xf32> to vector<8x24x128xf32>
      %max3A_667 = arith.maximumf %max3A_665, %max3A_666 : vector<8x24x128xf32>
      %sub3A_668 = arith.subf %min3A_664, %max3A_667 : vector<8x24x128xf32>
      %jit3A_669 = arith.constant 0.000000e+00 : f32
      %max3A_670 = vector.broadcast %jit3A_669 : f32 to vector<8x24x128xf32>
      %max3A_671 = arith.maximumf %max3A_670, %sub3A_668 : vector<8x24x128xf32>
      %mul3A_672 = arith.mulf %max3A_661, %max3A_671 : vector<8x24x128xf32>
      %add3A_673 = vector.broadcast %broadcast_in_dim3A_651 : vector<8x24x1xf32> to vector<8x24x128xf32>
      %add3A_674 = vector.broadcast %broadcast_in_dim3A_70 : vector<1x24x128xf32> to vector<8x24x128xf32>
      %add3A_675 = arith.addf %add3A_673, %add3A_674 : vector<8x24x128xf32>
      %sub3A_676 = arith.subf %add3A_675, %mul3A_672 : vector<8x24x128xf32>
      %add3A_677 = arith.constant 9.99999971E-10 : f32
      %add3A_678 = vector.broadcast %add3A_677 : f32 to vector<8x24x128xf32>
      %add3A_679 = arith.addf %sub3A_676, %add3A_678 : vector<8x24x128xf32>
      %div3A_680 = arith.divf %mul3A_672, %add3A_679 : vector<8x24x128xf32>
      %add3A_681 = arith.constant 56 : i32
      %add3A_682 = vector.broadcast %add3A_681 : i32 to vector<8x24x128xi32>
      %add3A_683 = arith.addi %iota3A_91, %add3A_682 : vector<8x24x128xi32>
      %gt3A_684 = arith.cmpi sgt, %iota3A_92, %add3A_683 : vector<8x24x128xi32>
      %gt3A_685 = arith.constant 3.000000e-01 : f32
      %gt3A_686 = vector.broadcast %gt3A_685 : f32 to vector<8x24x128xf32>
      %gt3A_687 = arith.cmpf ogt, %div3A_680, %gt3A_686 : vector<8x24x128xf32>
      %and3A_688 = arith.andi %gt3A_687, %gt3A_684 : vector<8x24x128xi1>
      %jit3A_689 = arith.constant 1.000000e+00 : f32
      %jit3A_690 = arith.constant 0.000000e+00 : f32
      %broadcast_in_dim3A_691 = vector.broadcast %jit3A_689 : f32 to vector<8x24x128xf32>
      %broadcast_in_dim3A_692 = vector.broadcast %jit3A_690 : f32 to vector<8x24x128xf32>
      %select_n3A_693 = arith.select %and3A_688, %broadcast_in_dim3A_691, %broadcast_in_dim3A_692 : vector<8x24x128xi1>, vector<8x24x128xf32>
      %swap3A_694 = arith.constant 56 : index
      %swap3A_695 = arith.constant 0 : index
      %swap3A_696 = arith.constant 0 : index
      %swap3A_697 = vector.load %arg6[%swap3A_694, %swap3A_695, %swap3A_696] : memref<128x24x128xf32, #tpu.memory_space<vmem>>, vector<8x24x128xf32>
      tpu.vector_store %arg6[%swap3A_694, %swap3A_695, %swap3A_696], %select_n3A_693 {strides = array<i32>} : memref<128x24x128xf32, #tpu.memory_space<vmem>>, vector<8x24x128xf32>,
      %add3A_698 = arith.constant 64 : i32
      %add3A_699 = arith.addi %mul3A_42, %add3A_698 : i32
      %get3A_700 = arith.constant 0 : index
      %get3A_701 = arith.index_cast %add3A_699 : i32 to index
      %get3A_702 = arith.constant 0 : index
      %get3A_703 = vector.load %arg1[%get3A_700, %get3A_701, %get3A_702] : memref<4x5120x24xf32, #tpu.memory_space<vmem>>, vector<1x8x24xf32>
      %get3A_704 = vector.shape_cast %get3A_703 : vector<1x8x24xf32> to vector<8x24xf32>
      %broadcast_in_dim3A_705 = vector.shape_cast %get3A_704 : vector<8x24xf32> to vector<8x24x1xf32>
      %get3A_706 = arith.constant 1 : index
      %get3A_707 = arith.index_cast %add3A_699 : i32 to index
      %get3A_708 = arith.constant 0 : index
      %get3A_709 = vector.load %arg1[%get3A_706, %get3A_707, %get3A_708] : memref<4x5120x24xf32, #tpu.memory_space<vmem>>, vector<1x8x24xf32>
      %get3A_710 = vector.shape_cast %get3A_709 : vector<1x8x24xf32> to vector<8x24xf32>
      %broadcast_in_dim3A_711 = vector.shape_cast %get3A_710 : vector<8x24xf32> to vector<8x24x1xf32>
      %get3A_712 = arith.constant 2 : index
      %get3A_713 = arith.index_cast %add3A_699 : i32 to index
      %get3A_714 = arith.constant 0 : index
      %get3A_715 = vector.load %arg1[%get3A_712, %get3A_713, %get3A_714] : memref<4x5120x24xf32, #tpu.memory_space<vmem>>, vector<1x8x24xf32>
      %get3A_716 = vector.shape_cast %get3A_715 : vector<1x8x24xf32> to vector<8x24xf32>
      %broadcast_in_dim3A_717 = vector.shape_cast %get3A_716 : vector<8x24xf32> to vector<8x24x1xf32>
      %get3A_718 = arith.constant 3 : index
      %get3A_719 = arith.index_cast %add3A_699 : i32 to index
      %get3A_720 = arith.constant 0 : index
      %get3A_721 = vector.load %arg1[%get3A_718, %get3A_719, %get3A_720] : memref<4x5120x24xf32, #tpu.memory_space<vmem>>, vector<1x8x24xf32>
      %get3A_722 = vector.shape_cast %get3A_721 : vector<1x8x24xf32> to vector<8x24xf32>
      %broadcast_in_dim3A_723 = vector.shape_cast %get3A_722 : vector<8x24xf32> to vector<8x24x1xf32>
      %get3A_724 = arith.index_cast %add3A_699 : i32 to index
      %get3A_725 = arith.constant 0 : index
      %get3A_726 = vector.load %arg3[%get3A_724, %get3A_725] : memref<5120x24xf32, #tpu.memory_space<vmem>>, vector<8x24xf32>
      %broadcast_in_dim3A_727 = vector.shape_cast %get3A_726 : vector<8x24xf32> to vector<8x24x1xf32>
      %min3A_728 = vector.broadcast %broadcast_in_dim3A_717 : vector<8x24x1xf32> to vector<8x24x128xf32>
      %min3A_729 = vector.broadcast %broadcast_in_dim3A_60 : vector<1x24x128xf32> to vector<8x24x128xf32>
      %min3A_730 = arith.minimumf %min3A_728, %min3A_729 : vector<8x24x128xf32>
      %max3A_731 = vector.broadcast %broadcast_in_dim3A_705 : vector<8x24x1xf32> to vector<8x24x128xf32>
      %max3A_732 = vector.broadcast %broadcast_in_dim3A_48 : vector<1x24x128xf32> to vector<8x24x128xf32>
      %max3A_733 = arith.maximumf %max3A_731, %max3A_732 : vector<8x24x128xf32>
      %sub3A_734 = arith.subf %min3A_730, %max3A_733 : vector<8x24x128xf32>
      %jit3A_735 = arith.constant 0.000000e+00 : f32
      %max3A_736 = vector.broadcast %jit3A_735 : f32 to vector<8x24x128xf32>
      %max3A_737 = arith.maximumf %max3A_736, %sub3A_734 : vector<8x24x128xf32>
      %min3A_738 = vector.broadcast %broadcast_in_dim3A_723 : vector<8x24x1xf32> to vector<8x24x128xf32>
      %min3A_739 = vector.broadcast %broadcast_in_dim3A_66 : vector<1x24x128xf32> to vector<8x24x128xf32>
      %min3A_740 = arith.minimumf %min3A_738, %min3A_739 : vector<8x24x128xf32>
      %max3A_741 = vector.broadcast %broadcast_in_dim3A_711 : vector<8x24x1xf32> to vector<8x24x128xf32>
      %max3A_742 = vector.broadcast %broadcast_in_dim3A_54 : vector<1x24x128xf32> to vector<8x24x128xf32>
      %max3A_743 = arith.maximumf %max3A_741, %max3A_742 : vector<8x24x128xf32>
      %sub3A_744 = arith.subf %min3A_740, %max3A_743 : vector<8x24x128xf32>
      %jit3A_745 = arith.constant 0.000000e+00 : f32
      %max3A_746 = vector.broadcast %jit3A_745 : f32 to vector<8x24x128xf32>
      %max3A_747 = arith.maximumf %max3A_746, %sub3A_744 : vector<8x24x128xf32>
      %mul3A_748 = arith.mulf %max3A_737, %max3A_747 : vector<8x24x128xf32>
      %add3A_749 = vector.broadcast %broadcast_in_dim3A_727 : vector<8x24x1xf32> to vector<8x24x128xf32>
      %add3A_750 = vector.broadcast %broadcast_in_dim3A_70 : vector<1x24x128xf32> to vector<8x24x128xf32>
      %add3A_751 = arith.addf %add3A_749, %add3A_750 : vector<8x24x128xf32>
      %sub3A_752 = arith.subf %add3A_751, %mul3A_748 : vector<8x24x128xf32>
      %add3A_753 = arith.constant 9.99999971E-10 : f32
      %add3A_754 = vector.broadcast %add3A_753 : f32 to vector<8x24x128xf32>
      %add3A_755 = arith.addf %sub3A_752, %add3A_754 : vector<8x24x128xf32>
      %div3A_756 = arith.divf %mul3A_748, %add3A_755 : vector<8x24x128xf32>
      %add3A_757 = arith.constant 64 : i32
      %add3A_758 = vector.broadcast %add3A_757 : i32 to vector<8x24x128xi32>
      %add3A_759 = arith.addi %iota3A_91, %add3A_758 : vector<8x24x128xi32>
      %gt3A_760 = arith.cmpi sgt, %iota3A_92, %add3A_759 : vector<8x24x128xi32>
      %gt3A_761 = arith.constant 3.000000e-01 : f32
      %gt3A_762 = vector.broadcast %gt3A_761 : f32 to vector<8x24x128xf32>
      %gt3A_763 = arith.cmpf ogt, %div3A_756, %gt3A_762 : vector<8x24x128xf32>
      %and3A_764 = arith.andi %gt3A_763, %gt3A_760 : vector<8x24x128xi1>
      %jit3A_765 = arith.constant 1.000000e+00 : f32
      %jit3A_766 = arith.constant 0.000000e+00 : f32
      %broadcast_in_dim3A_767 = vector.broadcast %jit3A_765 : f32 to vector<8x24x128xf32>
      %broadcast_in_dim3A_768 = vector.broadcast %jit3A_766 : f32 to vector<8x24x128xf32>
      %select_n3A_769 = arith.select %and3A_764, %broadcast_in_dim3A_767, %broadcast_in_dim3A_768 : vector<8x24x128xi1>, vector<8x24x128xf32>
      %swap3A_770 = arith.constant 64 : index
      %swap3A_771 = arith.constant 0 : index
      %swap3A_772 = arith.constant 0 : index
      %swap3A_773 = vector.load %arg6[%swap3A_770, %swap3A_771, %swap3A_772] : memref<128x24x128xf32, #tpu.memory_space<vmem>>, vector<8x24x128xf32>
      tpu.vector_store %arg6[%swap3A_770, %swap3A_771, %swap3A_772], %select_n3A_769 {strides = array<i32>} : memref<128x24x128xf32, #tpu.memory_space<vmem>>, vector<8x24x128xf32>,
      %add3A_774 = arith.constant 72 : i32
      %add3A_775 = arith.addi %mul3A_42, %add3A_774 : i32
      %get3A_776 = arith.constant 0 : index
      %get3A_777 = arith.index_cast %add3A_775 : i32 to index
      %get3A_778 = arith.constant 0 : index
      %get3A_779 = vector.load %arg1[%get3A_776, %get3A_777, %get3A_778] : memref<4x5120x24xf32, #tpu.memory_space<vmem>>, vector<1x8x24xf32>
      %get3A_780 = vector.shape_cast %get3A_779 : vector<1x8x24xf32> to vector<8x24xf32>
      %broadcast_in_dim3A_781 = vector.shape_cast %get3A_780 : vector<8x24xf32> to vector<8x24x1xf32>
      %get3A_782 = arith.constant 1 : index
      %get3A_783 = arith.index_cast %add3A_775 : i32 to index
      %get3A_784 = arith.constant 0 : index
      %get3A_785 = vector.load %arg1[%get3A_782, %get3A_783, %get3A_784] : memref<4x5120x24xf32, #tpu.memory_space<vmem>>, vector<1x8x24xf32>
      %get3A_786 = vector.shape_cast %get3A_785 : vector<1x8x24xf32> to vector<8x24xf32>
      %broadcast_in_dim3A_787 = vector.shape_cast %get3A_786 : vector<8x24xf32> to vector<8x24x1xf32>
      %get3A_788 = arith.constant 2 : index
      %get3A_789 = arith.index_cast %add3A_775 : i32 to index
      %get3A_790 = arith.constant 0 : index
      %get3A_791 = vector.load %arg1[%get3A_788, %get3A_789, %get3A_790] : memref<4x5120x24xf32, #tpu.memory_space<vmem>>, vector<1x8x24xf32>
      %get3A_792 = vector.shape_cast %get3A_791 : vector<1x8x24xf32> to vector<8x24xf32>
      %broadcast_in_dim3A_793 = vector.shape_cast %get3A_792 : vector<8x24xf32> to vector<8x24x1xf32>
      %get3A_794 = arith.constant 3 : index
      %get3A_795 = arith.index_cast %add3A_775 : i32 to index
      %get3A_796 = arith.constant 0 : index
      %get3A_797 = vector.load %arg1[%get3A_794, %get3A_795, %get3A_796] : memref<4x5120x24xf32, #tpu.memory_space<vmem>>, vector<1x8x24xf32>
      %get3A_798 = vector.shape_cast %get3A_797 : vector<1x8x24xf32> to vector<8x24xf32>
      %broadcast_in_dim3A_799 = vector.shape_cast %get3A_798 : vector<8x24xf32> to vector<8x24x1xf32>
      %get3A_800 = arith.index_cast %add3A_775 : i32 to index
      %get3A_801 = arith.constant 0 : index
      %get3A_802 = vector.load %arg3[%get3A_800, %get3A_801] : memref<5120x24xf32, #tpu.memory_space<vmem>>, vector<8x24xf32>
      %broadcast_in_dim3A_803 = vector.shape_cast %get3A_802 : vector<8x24xf32> to vector<8x24x1xf32>
      %min3A_804 = vector.broadcast %broadcast_in_dim3A_793 : vector<8x24x1xf32> to vector<8x24x128xf32>
      %min3A_805 = vector.broadcast %broadcast_in_dim3A_60 : vector<1x24x128xf32> to vector<8x24x128xf32>
      %min3A_806 = arith.minimumf %min3A_804, %min3A_805 : vector<8x24x128xf32>
      %max3A_807 = vector.broadcast %broadcast_in_dim3A_781 : vector<8x24x1xf32> to vector<8x24x128xf32>
      %max3A_808 = vector.broadcast %broadcast_in_dim3A_48 : vector<1x24x128xf32> to vector<8x24x128xf32>
      %max3A_809 = arith.maximumf %max3A_807, %max3A_808 : vector<8x24x128xf32>
      %sub3A_810 = arith.subf %min3A_806, %max3A_809 : vector<8x24x128xf32>
      %jit3A_811 = arith.constant 0.000000e+00 : f32
      %max3A_812 = vector.broadcast %jit3A_811 : f32 to vector<8x24x128xf32>
      %max3A_813 = arith.maximumf %max3A_812, %sub3A_810 : vector<8x24x128xf32>
      %min3A_814 = vector.broadcast %broadcast_in_dim3A_799 : vector<8x24x1xf32> to vector<8x24x128xf32>
      %min3A_815 = vector.broadcast %broadcast_in_dim3A_66 : vector<1x24x128xf32> to vector<8x24x128xf32>
      %min3A_816 = arith.minimumf %min3A_814, %min3A_815 : vector<8x24x128xf32>
      %max3A_817 = vector.broadcast %broadcast_in_dim3A_787 : vector<8x24x1xf32> to vector<8x24x128xf32>
      %max3A_818 = vector.broadcast %broadcast_in_dim3A_54 : vector<1x24x128xf32> to vector<8x24x128xf32>
      %max3A_819 = arith.maximumf %max3A_817, %max3A_818 : vector<8x24x128xf32>
      %sub3A_820 = arith.subf %min3A_816, %max3A_819 : vector<8x24x128xf32>
      %jit3A_821 = arith.constant 0.000000e+00 : f32
      %max3A_822 = vector.broadcast %jit3A_821 : f32 to vector<8x24x128xf32>
      %max3A_823 = arith.maximumf %max3A_822, %sub3A_820 : vector<8x24x128xf32>
      %mul3A_824 = arith.mulf %max3A_813, %max3A_823 : vector<8x24x128xf32>
      %add3A_825 = vector.broadcast %broadcast_in_dim3A_803 : vector<8x24x1xf32> to vector<8x24x128xf32>
      %add3A_826 = vector.broadcast %broadcast_in_dim3A_70 : vector<1x24x128xf32> to vector<8x24x128xf32>
      %add3A_827 = arith.addf %add3A_825, %add3A_826 : vector<8x24x128xf32>
      %sub3A_828 = arith.subf %add3A_827, %mul3A_824 : vector<8x24x128xf32>
      %add3A_829 = arith.constant 9.99999971E-10 : f32
      %add3A_830 = vector.broadcast %add3A_829 : f32 to vector<8x24x128xf32>
      %add3A_831 = arith.addf %sub3A_828, %add3A_830 : vector<8x24x128xf32>
      %div3A_832 = arith.divf %mul3A_824, %add3A_831 : vector<8x24x128xf32>
      %add3A_833 = arith.constant 72 : i32
      %add3A_834 = vector.broadcast %add3A_833 : i32 to vector<8x24x128xi32>
      %add3A_835 = arith.addi %iota3A_91, %add3A_834 : vector<8x24x128xi32>
      %gt3A_836 = arith.cmpi sgt, %iota3A_92, %add3A_835 : vector<8x24x128xi32>
      %gt3A_837 = arith.constant 3.000000e-01 : f32
      %gt3A_838 = vector.broadcast %gt3A_837 : f32 to vector<8x24x128xf32>
      %gt3A_839 = arith.cmpf ogt, %div3A_832, %gt3A_838 : vector<8x24x128xf32>
      %and3A_840 = arith.andi %gt3A_839, %gt3A_836 : vector<8x24x128xi1>
      %jit3A_841 = arith.constant 1.000000e+00 : f32
      %jit3A_842 = arith.constant 0.000000e+00 : f32
      %broadcast_in_dim3A_843 = vector.broadcast %jit3A_841 : f32 to vector<8x24x128xf32>
      %broadcast_in_dim3A_844 = vector.broadcast %jit3A_842 : f32 to vector<8x24x128xf32>
      %select_n3A_845 = arith.select %and3A_840, %broadcast_in_dim3A_843, %broadcast_in_dim3A_844 : vector<8x24x128xi1>, vector<8x24x128xf32>
      %swap3A_846 = arith.constant 72 : index
      %swap3A_847 = arith.constant 0 : index
      %swap3A_848 = arith.constant 0 : index
      %swap3A_849 = vector.load %arg6[%swap3A_846, %swap3A_847, %swap3A_848] : memref<128x24x128xf32, #tpu.memory_space<vmem>>, vector<8x24x128xf32>
      tpu.vector_store %arg6[%swap3A_846, %swap3A_847, %swap3A_848], %select_n3A_845 {strides = array<i32>} : memref<128x24x128xf32, #tpu.memory_space<vmem>>, vector<8x24x128xf32>,
      %add3A_850 = arith.constant 80 : i32
      %add3A_851 = arith.addi %mul3A_42, %add3A_850 : i32
      %get3A_852 = arith.constant 0 : index
      %get3A_853 = arith.index_cast %add3A_851 : i32 to index
      %get3A_854 = arith.constant 0 : index
      %get3A_855 = vector.load %arg1[%get3A_852, %get3A_853, %get3A_854] : memref<4x5120x24xf32, #tpu.memory_space<vmem>>, vector<1x8x24xf32>
      %get3A_856 = vector.shape_cast %get3A_855 : vector<1x8x24xf32> to vector<8x24xf32>
      %broadcast_in_dim3A_857 = vector.shape_cast %get3A_856 : vector<8x24xf32> to vector<8x24x1xf32>
      %get3A_858 = arith.constant 1 : index
      %get3A_859 = arith.index_cast %add3A_851 : i32 to index
      %get3A_860 = arith.constant 0 : index
      %get3A_861 = vector.load %arg1[%get3A_858, %get3A_859, %get3A_860] : memref<4x5120x24xf32, #tpu.memory_space<vmem>>, vector<1x8x24xf32>
      %get3A_862 = vector.shape_cast %get3A_861 : vector<1x8x24xf32> to vector<8x24xf32>
      %broadcast_in_dim3A_863 = vector.shape_cast %get3A_862 : vector<8x24xf32> to vector<8x24x1xf32>
      %get3A_864 = arith.constant 2 : index
      %get3A_865 = arith.index_cast %add3A_851 : i32 to index
      %get3A_866 = arith.constant 0 : index
      %get3A_867 = vector.load %arg1[%get3A_864, %get3A_865, %get3A_866] : memref<4x5120x24xf32, #tpu.memory_space<vmem>>, vector<1x8x24xf32>
      %get3A_868 = vector.shape_cast %get3A_867 : vector<1x8x24xf32> to vector<8x24xf32>
      %broadcast_in_dim3A_869 = vector.shape_cast %get3A_868 : vector<8x24xf32> to vector<8x24x1xf32>
      %get3A_870 = arith.constant 3 : index
      %get3A_871 = arith.index_cast %add3A_851 : i32 to index
      %get3A_872 = arith.constant 0 : index
      %get3A_873 = vector.load %arg1[%get3A_870, %get3A_871, %get3A_872] : memref<4x5120x24xf32, #tpu.memory_space<vmem>>, vector<1x8x24xf32>
      %get3A_874 = vector.shape_cast %get3A_873 : vector<1x8x24xf32> to vector<8x24xf32>
      %broadcast_in_dim3A_875 = vector.shape_cast %get3A_874 : vector<8x24xf32> to vector<8x24x1xf32>
      %get3A_876 = arith.index_cast %add3A_851 : i32 to index
      %get3A_877 = arith.constant 0 : index
      %get3A_878 = vector.load %arg3[%get3A_876, %get3A_877] : memref<5120x24xf32, #tpu.memory_space<vmem>>, vector<8x24xf32>
      %broadcast_in_dim3A_879 = vector.shape_cast %get3A_878 : vector<8x24xf32> to vector<8x24x1xf32>
      %min3A_880 = vector.broadcast %broadcast_in_dim3A_869 : vector<8x24x1xf32> to vector<8x24x128xf32>
      %min3A_881 = vector.broadcast %broadcast_in_dim3A_60 : vector<1x24x128xf32> to vector<8x24x128xf32>
      %min3A_882 = arith.minimumf %min3A_880, %min3A_881 : vector<8x24x128xf32>
      %max3A_883 = vector.broadcast %broadcast_in_dim3A_857 : vector<8x24x1xf32> to vector<8x24x128xf32>
      %max3A_884 = vector.broadcast %broadcast_in_dim3A_48 : vector<1x24x128xf32> to vector<8x24x128xf32>
      %max3A_885 = arith.maximumf %max3A_883, %max3A_884 : vector<8x24x128xf32>
      %sub3A_886 = arith.subf %min3A_882, %max3A_885 : vector<8x24x128xf32>
      %jit3A_887 = arith.constant 0.000000e+00 : f32
      %max3A_888 = vector.broadcast %jit3A_887 : f32 to vector<8x24x128xf32>
      %max3A_889 = arith.maximumf %max3A_888, %sub3A_886 : vector<8x24x128xf32>
      %min3A_890 = vector.broadcast %broadcast_in_dim3A_875 : vector<8x24x1xf32> to vector<8x24x128xf32>
      %min3A_891 = vector.broadcast %broadcast_in_dim3A_66 : vector<1x24x128xf32> to vector<8x24x128xf32>
      %min3A_892 = arith.minimumf %min3A_890, %min3A_891 : vector<8x24x128xf32>
      %max3A_893 = vector.broadcast %broadcast_in_dim3A_863 : vector<8x24x1xf32> to vector<8x24x128xf32>
      %max3A_894 = vector.broadcast %broadcast_in_dim3A_54 : vector<1x24x128xf32> to vector<8x24x128xf32>
      %max3A_895 = arith.maximumf %max3A_893, %max3A_894 : vector<8x24x128xf32>
      %sub3A_896 = arith.subf %min3A_892, %max3A_895 : vector<8x24x128xf32>
      %jit3A_897 = arith.constant 0.000000e+00 : f32
      %max3A_898 = vector.broadcast %jit3A_897 : f32 to vector<8x24x128xf32>
      %max3A_899 = arith.maximumf %max3A_898, %sub3A_896 : vector<8x24x128xf32>
      %mul3A_900 = arith.mulf %max3A_889, %max3A_899 : vector<8x24x128xf32>
      %add3A_901 = vector.broadcast %broadcast_in_dim3A_879 : vector<8x24x1xf32> to vector<8x24x128xf32>
      %add3A_902 = vector.broadcast %broadcast_in_dim3A_70 : vector<1x24x128xf32> to vector<8x24x128xf32>
      %add3A_903 = arith.addf %add3A_901, %add3A_902 : vector<8x24x128xf32>
      %sub3A_904 = arith.subf %add3A_903, %mul3A_900 : vector<8x24x128xf32>
      %add3A_905 = arith.constant 9.99999971E-10 : f32
      %add3A_906 = vector.broadcast %add3A_905 : f32 to vector<8x24x128xf32>
      %add3A_907 = arith.addf %sub3A_904, %add3A_906 : vector<8x24x128xf32>
      %div3A_908 = arith.divf %mul3A_900, %add3A_907 : vector<8x24x128xf32>
      %add3A_909 = arith.constant 80 : i32
      %add3A_910 = vector.broadcast %add3A_909 : i32 to vector<8x24x128xi32>
      %add3A_911 = arith.addi %iota3A_91, %add3A_910 : vector<8x24x128xi32>
      %gt3A_912 = arith.cmpi sgt, %iota3A_92, %add3A_911 : vector<8x24x128xi32>
      %gt3A_913 = arith.constant 3.000000e-01 : f32
      %gt3A_914 = vector.broadcast %gt3A_913 : f32 to vector<8x24x128xf32>
      %gt3A_915 = arith.cmpf ogt, %div3A_908, %gt3A_914 : vector<8x24x128xf32>
      %and3A_916 = arith.andi %gt3A_915, %gt3A_912 : vector<8x24x128xi1>
      %jit3A_917 = arith.constant 1.000000e+00 : f32
      %jit3A_918 = arith.constant 0.000000e+00 : f32
      %broadcast_in_dim3A_919 = vector.broadcast %jit3A_917 : f32 to vector<8x24x128xf32>
      %broadcast_in_dim3A_920 = vector.broadcast %jit3A_918 : f32 to vector<8x24x128xf32>
      %select_n3A_921 = arith.select %and3A_916, %broadcast_in_dim3A_919, %broadcast_in_dim3A_920 : vector<8x24x128xi1>, vector<8x24x128xf32>
      %swap3A_922 = arith.constant 80 : index
      %swap3A_923 = arith.constant 0 : index
      %swap3A_924 = arith.constant 0 : index
      %swap3A_925 = vector.load %arg6[%swap3A_922, %swap3A_923, %swap3A_924] : memref<128x24x128xf32, #tpu.memory_space<vmem>>, vector<8x24x128xf32>
      tpu.vector_store %arg6[%swap3A_922, %swap3A_923, %swap3A_924], %select_n3A_921 {strides = array<i32>} : memref<128x24x128xf32, #tpu.memory_space<vmem>>, vector<8x24x128xf32>,
      %add3A_926 = arith.constant 88 : i32
      %add3A_927 = arith.addi %mul3A_42, %add3A_926 : i32
      %get3A_928 = arith.constant 0 : index
      %get3A_929 = arith.index_cast %add3A_927 : i32 to index
      %get3A_930 = arith.constant 0 : index
      %get3A_931 = vector.load %arg1[%get3A_928, %get3A_929, %get3A_930] : memref<4x5120x24xf32, #tpu.memory_space<vmem>>, vector<1x8x24xf32>
      %get3A_932 = vector.shape_cast %get3A_931 : vector<1x8x24xf32> to vector<8x24xf32>
      %broadcast_in_dim3A_933 = vector.shape_cast %get3A_932 : vector<8x24xf32> to vector<8x24x1xf32>
      %get3A_934 = arith.constant 1 : index
      %get3A_935 = arith.index_cast %add3A_927 : i32 to index
      %get3A_936 = arith.constant 0 : index
      %get3A_937 = vector.load %arg1[%get3A_934, %get3A_935, %get3A_936] : memref<4x5120x24xf32, #tpu.memory_space<vmem>>, vector<1x8x24xf32>
      %get3A_938 = vector.shape_cast %get3A_937 : vector<1x8x24xf32> to vector<8x24xf32>
      %broadcast_in_dim3A_939 = vector.shape_cast %get3A_938 : vector<8x24xf32> to vector<8x24x1xf32>
      %get3A_940 = arith.constant 2 : index
      %get3A_941 = arith.index_cast %add3A_927 : i32 to index
      %get3A_942 = arith.constant 0 : index
      %get3A_943 = vector.load %arg1[%get3A_940, %get3A_941, %get3A_942] : memref<4x5120x24xf32, #tpu.memory_space<vmem>>, vector<1x8x24xf32>
      %get3A_944 = vector.shape_cast %get3A_943 : vector<1x8x24xf32> to vector<8x24xf32>
      %broadcast_in_dim3A_945 = vector.shape_cast %get3A_944 : vector<8x24xf32> to vector<8x24x1xf32>
      %get3A_946 = arith.constant 3 : index
      %get3A_947 = arith.index_cast %add3A_927 : i32 to index
      %get3A_948 = arith.constant 0 : index
      %get3A_949 = vector.load %arg1[%get3A_946, %get3A_947, %get3A_948] : memref<4x5120x24xf32, #tpu.memory_space<vmem>>, vector<1x8x24xf32>
      %get3A_950 = vector.shape_cast %get3A_949 : vector<1x8x24xf32> to vector<8x24xf32>
      %broadcast_in_dim3A_951 = vector.shape_cast %get3A_950 : vector<8x24xf32> to vector<8x24x1xf32>
      %get3A_952 = arith.index_cast %add3A_927 : i32 to index
      %get3A_953 = arith.constant 0 : index
      %get3A_954 = vector.load %arg3[%get3A_952, %get3A_953] : memref<5120x24xf32, #tpu.memory_space<vmem>>, vector<8x24xf32>
      %broadcast_in_dim3A_955 = vector.shape_cast %get3A_954 : vector<8x24xf32> to vector<8x24x1xf32>
      %min3A_956 = vector.broadcast %broadcast_in_dim3A_945 : vector<8x24x1xf32> to vector<8x24x128xf32>
      %min3A_957 = vector.broadcast %broadcast_in_dim3A_60 : vector<1x24x128xf32> to vector<8x24x128xf32>
      %min3A_958 = arith.minimumf %min3A_956, %min3A_957 : vector<8x24x128xf32>
      %max3A_959 = vector.broadcast %broadcast_in_dim3A_933 : vector<8x24x1xf32> to vector<8x24x128xf32>
      %max3A_960 = vector.broadcast %broadcast_in_dim3A_48 : vector<1x24x128xf32> to vector<8x24x128xf32>
      %max3A_961 = arith.maximumf %max3A_959, %max3A_960 : vector<8x24x128xf32>
      %sub3A_962 = arith.subf %min3A_958, %max3A_961 : vector<8x24x128xf32>
      %jit3A_963 = arith.constant 0.000000e+00 : f32
      %max3A_964 = vector.broadcast %jit3A_963 : f32 to vector<8x24x128xf32>
      %max3A_965 = arith.maximumf %max3A_964, %sub3A_962 : vector<8x24x128xf32>
      %min3A_966 = vector.broadcast %broadcast_in_dim3A_951 : vector<8x24x1xf32> to vector<8x24x128xf32>
      %min3A_967 = vector.broadcast %broadcast_in_dim3A_66 : vector<1x24x128xf32> to vector<8x24x128xf32>
      %min3A_968 = arith.minimumf %min3A_966, %min3A_967 : vector<8x24x128xf32>
      %max3A_969 = vector.broadcast %broadcast_in_dim3A_939 : vector<8x24x1xf32> to vector<8x24x128xf32>
      %max3A_970 = vector.broadcast %broadcast_in_dim3A_54 : vector<1x24x128xf32> to vector<8x24x128xf32>
      %max3A_971 = arith.maximumf %max3A_969, %max3A_970 : vector<8x24x128xf32>
      %sub3A_972 = arith.subf %min3A_968, %max3A_971 : vector<8x24x128xf32>
      %jit3A_973 = arith.constant 0.000000e+00 : f32
      %max3A_974 = vector.broadcast %jit3A_973 : f32 to vector<8x24x128xf32>
      %max3A_975 = arith.maximumf %max3A_974, %sub3A_972 : vector<8x24x128xf32>
      %mul3A_976 = arith.mulf %max3A_965, %max3A_975 : vector<8x24x128xf32>
      %add3A_977 = vector.broadcast %broadcast_in_dim3A_955 : vector<8x24x1xf32> to vector<8x24x128xf32>
      %add3A_978 = vector.broadcast %broadcast_in_dim3A_70 : vector<1x24x128xf32> to vector<8x24x128xf32>
      %add3A_979 = arith.addf %add3A_977, %add3A_978 : vector<8x24x128xf32>
      %sub3A_980 = arith.subf %add3A_979, %mul3A_976 : vector<8x24x128xf32>
      %add3A_981 = arith.constant 9.99999971E-10 : f32
      %add3A_982 = vector.broadcast %add3A_981 : f32 to vector<8x24x128xf32>
      %add3A_983 = arith.addf %sub3A_980, %add3A_982 : vector<8x24x128xf32>
      %div3A_984 = arith.divf %mul3A_976, %add3A_983 : vector<8x24x128xf32>
      %add3A_985 = arith.constant 88 : i32
      %add3A_986 = vector.broadcast %add3A_985 : i32 to vector<8x24x128xi32>
      %add3A_987 = arith.addi %iota3A_91, %add3A_986 : vector<8x24x128xi32>
      %gt3A_988 = arith.cmpi sgt, %iota3A_92, %add3A_987 : vector<8x24x128xi32>
      %gt3A_989 = arith.constant 3.000000e-01 : f32
      %gt3A_990 = vector.broadcast %gt3A_989 : f32 to vector<8x24x128xf32>
      %gt3A_991 = arith.cmpf ogt, %div3A_984, %gt3A_990 : vector<8x24x128xf32>
      %and3A_992 = arith.andi %gt3A_991, %gt3A_988 : vector<8x24x128xi1>
      %jit3A_993 = arith.constant 1.000000e+00 : f32
      %jit3A_994 = arith.constant 0.000000e+00 : f32
      %broadcast_in_dim3A_995 = vector.broadcast %jit3A_993 : f32 to vector<8x24x128xf32>
      %broadcast_in_dim3A_996 = vector.broadcast %jit3A_994 : f32 to vector<8x24x128xf32>
      %select_n3A_997 = arith.select %and3A_992, %broadcast_in_dim3A_995, %broadcast_in_dim3A_996 : vector<8x24x128xi1>, vector<8x24x128xf32>
      %swap3A_998 = arith.constant 88 : index
      %swap3A_999 = arith.constant 0 : index
      %swap3A_1000 = arith.constant 0 : index
      %swap3A_1001 = vector.load %arg6[%swap3A_998, %swap3A_999, %swap3A_1000] : memref<128x24x128xf32, #tpu.memory_space<vmem>>, vector<8x24x128xf32>
      tpu.vector_store %arg6[%swap3A_998, %swap3A_999, %swap3A_1000], %select_n3A_997 {strides = array<i32>} : memref<128x24x128xf32, #tpu.memory_space<vmem>>, vector<8x24x128xf32>,
      %add3A_1002 = arith.constant 96 : i32
      %add3A_1003 = arith.addi %mul3A_42, %add3A_1002 : i32
      %get3A_1004 = arith.constant 0 : index
      %get3A_1005 = arith.index_cast %add3A_1003 : i32 to index
      %get3A_1006 = arith.constant 0 : index
      %get3A_1007 = vector.load %arg1[%get3A_1004, %get3A_1005, %get3A_1006] : memref<4x5120x24xf32, #tpu.memory_space<vmem>>, vector<1x8x24xf32>
      %get3A_1008 = vector.shape_cast %get3A_1007 : vector<1x8x24xf32> to vector<8x24xf32>
      %broadcast_in_dim3A_1009 = vector.shape_cast %get3A_1008 : vector<8x24xf32> to vector<8x24x1xf32>
      %get3A_1010 = arith.constant 1 : index
      %get3A_1011 = arith.index_cast %add3A_1003 : i32 to index
      %get3A_1012 = arith.constant 0 : index
      %get3A_1013 = vector.load %arg1[%get3A_1010, %get3A_1011, %get3A_1012] : memref<4x5120x24xf32, #tpu.memory_space<vmem>>, vector<1x8x24xf32>
      %get3A_1014 = vector.shape_cast %get3A_1013 : vector<1x8x24xf32> to vector<8x24xf32>
      %broadcast_in_dim3A_1015 = vector.shape_cast %get3A_1014 : vector<8x24xf32> to vector<8x24x1xf32>
      %get3A_1016 = arith.constant 2 : index
      %get3A_1017 = arith.index_cast %add3A_1003 : i32 to index
      %get3A_1018 = arith.constant 0 : index
      %get3A_1019 = vector.load %arg1[%get3A_1016, %get3A_1017, %get3A_1018] : memref<4x5120x24xf32, #tpu.memory_space<vmem>>, vector<1x8x24xf32>
      %get3A_1020 = vector.shape_cast %get3A_1019 : vector<1x8x24xf32> to vector<8x24xf32>
      %broadcast_in_dim3A_1021 = vector.shape_cast %get3A_1020 : vector<8x24xf32> to vector<8x24x1xf32>
      %get3A_1022 = arith.constant 3 : index
      %get3A_1023 = arith.index_cast %add3A_1003 : i32 to index
      %get3A_1024 = arith.constant 0 : index
      %get3A_1025 = vector.load %arg1[%get3A_1022, %get3A_1023, %get3A_1024] : memref<4x5120x24xf32, #tpu.memory_space<vmem>>, vector<1x8x24xf32>
      %get3A_1026 = vector.shape_cast %get3A_1025 : vector<1x8x24xf32> to vector<8x24xf32>
      %broadcast_in_dim3A_1027 = vector.shape_cast %get3A_1026 : vector<8x24xf32> to vector<8x24x1xf32>
      %get3A_1028 = arith.index_cast %add3A_1003 : i32 to index
      %get3A_1029 = arith.constant 0 : index
      %get3A_1030 = vector.load %arg3[%get3A_1028, %get3A_1029] : memref<5120x24xf32, #tpu.memory_space<vmem>>, vector<8x24xf32>
      %broadcast_in_dim3A_1031 = vector.shape_cast %get3A_1030 : vector<8x24xf32> to vector<8x24x1xf32>
      %min3A_1032 = vector.broadcast %broadcast_in_dim3A_1021 : vector<8x24x1xf32> to vector<8x24x128xf32>
      %min3A_1033 = vector.broadcast %broadcast_in_dim3A_60 : vector<1x24x128xf32> to vector<8x24x128xf32>
      %min3A_1034 = arith.minimumf %min3A_1032, %min3A_1033 : vector<8x24x128xf32>
      %max3A_1035 = vector.broadcast %broadcast_in_dim3A_1009 : vector<8x24x1xf32> to vector<8x24x128xf32>
      %max3A_1036 = vector.broadcast %broadcast_in_dim3A_48 : vector<1x24x128xf32> to vector<8x24x128xf32>
      %max3A_1037 = arith.maximumf %max3A_1035, %max3A_1036 : vector<8x24x128xf32>
      %sub3A_1038 = arith.subf %min3A_1034, %max3A_1037 : vector<8x24x128xf32>
      %jit3A_1039 = arith.constant 0.000000e+00 : f32
      %max3A_1040 = vector.broadcast %jit3A_1039 : f32 to vector<8x24x128xf32>
      %max3A_1041 = arith.maximumf %max3A_1040, %sub3A_1038 : vector<8x24x128xf32>
      %min3A_1042 = vector.broadcast %broadcast_in_dim3A_1027 : vector<8x24x1xf32> to vector<8x24x128xf32>
      %min3A_1043 = vector.broadcast %broadcast_in_dim3A_66 : vector<1x24x128xf32> to vector<8x24x128xf32>
      %min3A_1044 = arith.minimumf %min3A_1042, %min3A_1043 : vector<8x24x128xf32>
      %max3A_1045 = vector.broadcast %broadcast_in_dim3A_1015 : vector<8x24x1xf32> to vector<8x24x128xf32>
      %max3A_1046 = vector.broadcast %broadcast_in_dim3A_54 : vector<1x24x128xf32> to vector<8x24x128xf32>
      %max3A_1047 = arith.maximumf %max3A_1045, %max3A_1046 : vector<8x24x128xf32>
      %sub3A_1048 = arith.subf %min3A_1044, %max3A_1047 : vector<8x24x128xf32>
      %jit3A_1049 = arith.constant 0.000000e+00 : f32
      %max3A_1050 = vector.broadcast %jit3A_1049 : f32 to vector<8x24x128xf32>
      %max3A_1051 = arith.maximumf %max3A_1050, %sub3A_1048 : vector<8x24x128xf32>
      %mul3A_1052 = arith.mulf %max3A_1041, %max3A_1051 : vector<8x24x128xf32>
      %add3A_1053 = vector.broadcast %broadcast_in_dim3A_1031 : vector<8x24x1xf32> to vector<8x24x128xf32>
      %add3A_1054 = vector.broadcast %broadcast_in_dim3A_70 : vector<1x24x128xf32> to vector<8x24x128xf32>
      %add3A_1055 = arith.addf %add3A_1053, %add3A_1054 : vector<8x24x128xf32>
      %sub3A_1056 = arith.subf %add3A_1055, %mul3A_1052 : vector<8x24x128xf32>
      %add3A_1057 = arith.constant 9.99999971E-10 : f32
      %add3A_1058 = vector.broadcast %add3A_1057 : f32 to vector<8x24x128xf32>
      %add3A_1059 = arith.addf %sub3A_1056, %add3A_1058 : vector<8x24x128xf32>
      %div3A_1060 = arith.divf %mul3A_1052, %add3A_1059 : vector<8x24x128xf32>
      %add3A_1061 = arith.constant 96 : i32
      %add3A_1062 = vector.broadcast %add3A_1061 : i32 to vector<8x24x128xi32>
      %add3A_1063 = arith.addi %iota3A_91, %add3A_1062 : vector<8x24x128xi32>
      %gt3A_1064 = arith.cmpi sgt, %iota3A_92, %add3A_1063 : vector<8x24x128xi32>
      %gt3A_1065 = arith.constant 3.000000e-01 : f32
      %gt3A_1066 = vector.broadcast %gt3A_1065 : f32 to vector<8x24x128xf32>
      %gt3A_1067 = arith.cmpf ogt, %div3A_1060, %gt3A_1066 : vector<8x24x128xf32>
      %and3A_1068 = arith.andi %gt3A_1067, %gt3A_1064 : vector<8x24x128xi1>
      %jit3A_1069 = arith.constant 1.000000e+00 : f32
      %jit3A_1070 = arith.constant 0.000000e+00 : f32
      %broadcast_in_dim3A_1071 = vector.broadcast %jit3A_1069 : f32 to vector<8x24x128xf32>
      %broadcast_in_dim3A_1072 = vector.broadcast %jit3A_1070 : f32 to vector<8x24x128xf32>
      %select_n3A_1073 = arith.select %and3A_1068, %broadcast_in_dim3A_1071, %broadcast_in_dim3A_1072 : vector<8x24x128xi1>, vector<8x24x128xf32>
      %swap3A_1074 = arith.constant 96 : index
      %swap3A_1075 = arith.constant 0 : index
      %swap3A_1076 = arith.constant 0 : index
      %swap3A_1077 = vector.load %arg6[%swap3A_1074, %swap3A_1075, %swap3A_1076] : memref<128x24x128xf32, #tpu.memory_space<vmem>>, vector<8x24x128xf32>
      tpu.vector_store %arg6[%swap3A_1074, %swap3A_1075, %swap3A_1076], %select_n3A_1073 {strides = array<i32>} : memref<128x24x128xf32, #tpu.memory_space<vmem>>, vector<8x24x128xf32>,
      %add3A_1078 = arith.constant 104 : i32
      %add3A_1079 = arith.addi %mul3A_42, %add3A_1078 : i32
      %get3A_1080 = arith.constant 0 : index
      %get3A_1081 = arith.index_cast %add3A_1079 : i32 to index
      %get3A_1082 = arith.constant 0 : index
      %get3A_1083 = vector.load %arg1[%get3A_1080, %get3A_1081, %get3A_1082] : memref<4x5120x24xf32, #tpu.memory_space<vmem>>, vector<1x8x24xf32>
      %get3A_1084 = vector.shape_cast %get3A_1083 : vector<1x8x24xf32> to vector<8x24xf32>
      %broadcast_in_dim3A_1085 = vector.shape_cast %get3A_1084 : vector<8x24xf32> to vector<8x24x1xf32>
      %get3A_1086 = arith.constant 1 : index
      %get3A_1087 = arith.index_cast %add3A_1079 : i32 to index
      %get3A_1088 = arith.constant 0 : index
      %get3A_1089 = vector.load %arg1[%get3A_1086, %get3A_1087, %get3A_1088] : memref<4x5120x24xf32, #tpu.memory_space<vmem>>, vector<1x8x24xf32>
      %get3A_1090 = vector.shape_cast %get3A_1089 : vector<1x8x24xf32> to vector<8x24xf32>
      %broadcast_in_dim3A_1091 = vector.shape_cast %get3A_1090 : vector<8x24xf32> to vector<8x24x1xf32>
      %get3A_1092 = arith.constant 2 : index
      %get3A_1093 = arith.index_cast %add3A_1079 : i32 to index
      %get3A_1094 = arith.constant 0 : index
      %get3A_1095 = vector.load %arg1[%get3A_1092, %get3A_1093, %get3A_1094] : memref<4x5120x24xf32, #tpu.memory_space<vmem>>, vector<1x8x24xf32>
      %get3A_1096 = vector.shape_cast %get3A_1095 : vector<1x8x24xf32> to vector<8x24xf32>
      %broadcast_in_dim3A_1097 = vector.shape_cast %get3A_1096 : vector<8x24xf32> to vector<8x24x1xf32>
      %get3A_1098 = arith.constant 3 : index
      %get3A_1099 = arith.index_cast %add3A_1079 : i32 to index
      %get3A_1100 = arith.constant 0 : index
      %get3A_1101 = vector.load %arg1[%get3A_1098, %get3A_1099, %get3A_1100] : memref<4x5120x24xf32, #tpu.memory_space<vmem>>, vector<1x8x24xf32>
      %get3A_1102 = vector.shape_cast %get3A_1101 : vector<1x8x24xf32> to vector<8x24xf32>
      %broadcast_in_dim3A_1103 = vector.shape_cast %get3A_1102 : vector<8x24xf32> to vector<8x24x1xf32>
      %get3A_1104 = arith.index_cast %add3A_1079 : i32 to index
      %get3A_1105 = arith.constant 0 : index
      %get3A_1106 = vector.load %arg3[%get3A_1104, %get3A_1105] : memref<5120x24xf32, #tpu.memory_space<vmem>>, vector<8x24xf32>
      %broadcast_in_dim3A_1107 = vector.shape_cast %get3A_1106 : vector<8x24xf32> to vector<8x24x1xf32>
      %min3A_1108 = vector.broadcast %broadcast_in_dim3A_1097 : vector<8x24x1xf32> to vector<8x24x128xf32>
      %min3A_1109 = vector.broadcast %broadcast_in_dim3A_60 : vector<1x24x128xf32> to vector<8x24x128xf32>
      %min3A_1110 = arith.minimumf %min3A_1108, %min3A_1109 : vector<8x24x128xf32>
      %max3A_1111 = vector.broadcast %broadcast_in_dim3A_1085 : vector<8x24x1xf32> to vector<8x24x128xf32>
      %max3A_1112 = vector.broadcast %broadcast_in_dim3A_48 : vector<1x24x128xf32> to vector<8x24x128xf32>
      %max3A_1113 = arith.maximumf %max3A_1111, %max3A_1112 : vector<8x24x128xf32>
      %sub3A_1114 = arith.subf %min3A_1110, %max3A_1113 : vector<8x24x128xf32>
      %jit3A_1115 = arith.constant 0.000000e+00 : f32
      %max3A_1116 = vector.broadcast %jit3A_1115 : f32 to vector<8x24x128xf32>
      %max3A_1117 = arith.maximumf %max3A_1116, %sub3A_1114 : vector<8x24x128xf32>
      %min3A_1118 = vector.broadcast %broadcast_in_dim3A_1103 : vector<8x24x1xf32> to vector<8x24x128xf32>
      %min3A_1119 = vector.broadcast %broadcast_in_dim3A_66 : vector<1x24x128xf32> to vector<8x24x128xf32>
      %min3A_1120 = arith.minimumf %min3A_1118, %min3A_1119 : vector<8x24x128xf32>
      %max3A_1121 = vector.broadcast %broadcast_in_dim3A_1091 : vector<8x24x1xf32> to vector<8x24x128xf32>
      %max3A_1122 = vector.broadcast %broadcast_in_dim3A_54 : vector<1x24x128xf32> to vector<8x24x128xf32>
      %max3A_1123 = arith.maximumf %max3A_1121, %max3A_1122 : vector<8x24x128xf32>
      %sub3A_1124 = arith.subf %min3A_1120, %max3A_1123 : vector<8x24x128xf32>
      %jit3A_1125 = arith.constant 0.000000e+00 : f32
      %max3A_1126 = vector.broadcast %jit3A_1125 : f32 to vector<8x24x128xf32>
      %max3A_1127 = arith.maximumf %max3A_1126, %sub3A_1124 : vector<8x24x128xf32>
      %mul3A_1128 = arith.mulf %max3A_1117, %max3A_1127 : vector<8x24x128xf32>
      %add3A_1129 = vector.broadcast %broadcast_in_dim3A_1107 : vector<8x24x1xf32> to vector<8x24x128xf32>
      %add3A_1130 = vector.broadcast %broadcast_in_dim3A_70 : vector<1x24x128xf32> to vector<8x24x128xf32>
      %add3A_1131 = arith.addf %add3A_1129, %add3A_1130 : vector<8x24x128xf32>
      %sub3A_1132 = arith.subf %add3A_1131, %mul3A_1128 : vector<8x24x128xf32>
      %add3A_1133 = arith.constant 9.99999971E-10 : f32
      %add3A_1134 = vector.broadcast %add3A_1133 : f32 to vector<8x24x128xf32>
      %add3A_1135 = arith.addf %sub3A_1132, %add3A_1134 : vector<8x24x128xf32>
      %div3A_1136 = arith.divf %mul3A_1128, %add3A_1135 : vector<8x24x128xf32>
      %add3A_1137 = arith.constant 104 : i32
      %add3A_1138 = vector.broadcast %add3A_1137 : i32 to vector<8x24x128xi32>
      %add3A_1139 = arith.addi %iota3A_91, %add3A_1138 : vector<8x24x128xi32>
      %gt3A_1140 = arith.cmpi sgt, %iota3A_92, %add3A_1139 : vector<8x24x128xi32>
      %gt3A_1141 = arith.constant 3.000000e-01 : f32
      %gt3A_1142 = vector.broadcast %gt3A_1141 : f32 to vector<8x24x128xf32>
      %gt3A_1143 = arith.cmpf ogt, %div3A_1136, %gt3A_1142 : vector<8x24x128xf32>
      %and3A_1144 = arith.andi %gt3A_1143, %gt3A_1140 : vector<8x24x128xi1>
      %jit3A_1145 = arith.constant 1.000000e+00 : f32
      %jit3A_1146 = arith.constant 0.000000e+00 : f32
      %broadcast_in_dim3A_1147 = vector.broadcast %jit3A_1145 : f32 to vector<8x24x128xf32>
      %broadcast_in_dim3A_1148 = vector.broadcast %jit3A_1146 : f32 to vector<8x24x128xf32>
      %select_n3A_1149 = arith.select %and3A_1144, %broadcast_in_dim3A_1147, %broadcast_in_dim3A_1148 : vector<8x24x128xi1>, vector<8x24x128xf32>
      %swap3A_1150 = arith.constant 104 : index
      %swap3A_1151 = arith.constant 0 : index
      %swap3A_1152 = arith.constant 0 : index
      %swap3A_1153 = vector.load %arg6[%swap3A_1150, %swap3A_1151, %swap3A_1152] : memref<128x24x128xf32, #tpu.memory_space<vmem>>, vector<8x24x128xf32>
      tpu.vector_store %arg6[%swap3A_1150, %swap3A_1151, %swap3A_1152], %select_n3A_1149 {strides = array<i32>} : memref<128x24x128xf32, #tpu.memory_space<vmem>>, vector<8x24x128xf32>,
      %add3A_1154 = arith.constant 112 : i32
      %add3A_1155 = arith.addi %mul3A_42, %add3A_1154 : i32
      %get3A_1156 = arith.constant 0 : index
      %get3A_1157 = arith.index_cast %add3A_1155 : i32 to index
      %get3A_1158 = arith.constant 0 : index
      %get3A_1159 = vector.load %arg1[%get3A_1156, %get3A_1157, %get3A_1158] : memref<4x5120x24xf32, #tpu.memory_space<vmem>>, vector<1x8x24xf32>
      %get3A_1160 = vector.shape_cast %get3A_1159 : vector<1x8x24xf32> to vector<8x24xf32>
      %broadcast_in_dim3A_1161 = vector.shape_cast %get3A_1160 : vector<8x24xf32> to vector<8x24x1xf32>
      %get3A_1162 = arith.constant 1 : index
      %get3A_1163 = arith.index_cast %add3A_1155 : i32 to index
      %get3A_1164 = arith.constant 0 : index
      %get3A_1165 = vector.load %arg1[%get3A_1162, %get3A_1163, %get3A_1164] : memref<4x5120x24xf32, #tpu.memory_space<vmem>>, vector<1x8x24xf32>
      %get3A_1166 = vector.shape_cast %get3A_1165 : vector<1x8x24xf32> to vector<8x24xf32>
      %broadcast_in_dim3A_1167 = vector.shape_cast %get3A_1166 : vector<8x24xf32> to vector<8x24x1xf32>
      %get3A_1168 = arith.constant 2 : index
      %get3A_1169 = arith.index_cast %add3A_1155 : i32 to index
      %get3A_1170 = arith.constant 0 : index
      %get3A_1171 = vector.load %arg1[%get3A_1168, %get3A_1169, %get3A_1170] : memref<4x5120x24xf32, #tpu.memory_space<vmem>>, vector<1x8x24xf32>
      %get3A_1172 = vector.shape_cast %get3A_1171 : vector<1x8x24xf32> to vector<8x24xf32>
      %broadcast_in_dim3A_1173 = vector.shape_cast %get3A_1172 : vector<8x24xf32> to vector<8x24x1xf32>
      %get3A_1174 = arith.constant 3 : index
      %get3A_1175 = arith.index_cast %add3A_1155 : i32 to index
      %get3A_1176 = arith.constant 0 : index
      %get3A_1177 = vector.load %arg1[%get3A_1174, %get3A_1175, %get3A_1176] : memref<4x5120x24xf32, #tpu.memory_space<vmem>>, vector<1x8x24xf32>
      %get3A_1178 = vector.shape_cast %get3A_1177 : vector<1x8x24xf32> to vector<8x24xf32>
      %broadcast_in_dim3A_1179 = vector.shape_cast %get3A_1178 : vector<8x24xf32> to vector<8x24x1xf32>
      %get3A_1180 = arith.index_cast %add3A_1155 : i32 to index
      %get3A_1181 = arith.constant 0 : index
      %get3A_1182 = vector.load %arg3[%get3A_1180, %get3A_1181] : memref<5120x24xf32, #tpu.memory_space<vmem>>, vector<8x24xf32>
      %broadcast_in_dim3A_1183 = vector.shape_cast %get3A_1182 : vector<8x24xf32> to vector<8x24x1xf32>
      %min3A_1184 = vector.broadcast %broadcast_in_dim3A_1173 : vector<8x24x1xf32> to vector<8x24x128xf32>
      %min3A_1185 = vector.broadcast %broadcast_in_dim3A_60 : vector<1x24x128xf32> to vector<8x24x128xf32>
      %min3A_1186 = arith.minimumf %min3A_1184, %min3A_1185 : vector<8x24x128xf32>
      %max3A_1187 = vector.broadcast %broadcast_in_dim3A_1161 : vector<8x24x1xf32> to vector<8x24x128xf32>
      %max3A_1188 = vector.broadcast %broadcast_in_dim3A_48 : vector<1x24x128xf32> to vector<8x24x128xf32>
      %max3A_1189 = arith.maximumf %max3A_1187, %max3A_1188 : vector<8x24x128xf32>
      %sub3A_1190 = arith.subf %min3A_1186, %max3A_1189 : vector<8x24x128xf32>
      %jit3A_1191 = arith.constant 0.000000e+00 : f32
      %max3A_1192 = vector.broadcast %jit3A_1191 : f32 to vector<8x24x128xf32>
      %max3A_1193 = arith.maximumf %max3A_1192, %sub3A_1190 : vector<8x24x128xf32>
      %min3A_1194 = vector.broadcast %broadcast_in_dim3A_1179 : vector<8x24x1xf32> to vector<8x24x128xf32>
      %min3A_1195 = vector.broadcast %broadcast_in_dim3A_66 : vector<1x24x128xf32> to vector<8x24x128xf32>
      %min3A_1196 = arith.minimumf %min3A_1194, %min3A_1195 : vector<8x24x128xf32>
      %max3A_1197 = vector.broadcast %broadcast_in_dim3A_1167 : vector<8x24x1xf32> to vector<8x24x128xf32>
      %max3A_1198 = vector.broadcast %broadcast_in_dim3A_54 : vector<1x24x128xf32> to vector<8x24x128xf32>
      %max3A_1199 = arith.maximumf %max3A_1197, %max3A_1198 : vector<8x24x128xf32>
      %sub3A_1200 = arith.subf %min3A_1196, %max3A_1199 : vector<8x24x128xf32>
      %jit3A_1201 = arith.constant 0.000000e+00 : f32
      %max3A_1202 = vector.broadcast %jit3A_1201 : f32 to vector<8x24x128xf32>
      %max3A_1203 = arith.maximumf %max3A_1202, %sub3A_1200 : vector<8x24x128xf32>
      %mul3A_1204 = arith.mulf %max3A_1193, %max3A_1203 : vector<8x24x128xf32>
      %add3A_1205 = vector.broadcast %broadcast_in_dim3A_1183 : vector<8x24x1xf32> to vector<8x24x128xf32>
      %add3A_1206 = vector.broadcast %broadcast_in_dim3A_70 : vector<1x24x128xf32> to vector<8x24x128xf32>
      %add3A_1207 = arith.addf %add3A_1205, %add3A_1206 : vector<8x24x128xf32>
      %sub3A_1208 = arith.subf %add3A_1207, %mul3A_1204 : vector<8x24x128xf32>
      %add3A_1209 = arith.constant 9.99999971E-10 : f32
      %add3A_1210 = vector.broadcast %add3A_1209 : f32 to vector<8x24x128xf32>
      %add3A_1211 = arith.addf %sub3A_1208, %add3A_1210 : vector<8x24x128xf32>
      %div3A_1212 = arith.divf %mul3A_1204, %add3A_1211 : vector<8x24x128xf32>
      %add3A_1213 = arith.constant 112 : i32
      %add3A_1214 = vector.broadcast %add3A_1213 : i32 to vector<8x24x128xi32>
      %add3A_1215 = arith.addi %iota3A_91, %add3A_1214 : vector<8x24x128xi32>
      %gt3A_1216 = arith.cmpi sgt, %iota3A_92, %add3A_1215 : vector<8x24x128xi32>
      %gt3A_1217 = arith.constant 3.000000e-01 : f32
      %gt3A_1218 = vector.broadcast %gt3A_1217 : f32 to vector<8x24x128xf32>
      %gt3A_1219 = arith.cmpf ogt, %div3A_1212, %gt3A_1218 : vector<8x24x128xf32>
      %and3A_1220 = arith.andi %gt3A_1219, %gt3A_1216 : vector<8x24x128xi1>
      %jit3A_1221 = arith.constant 1.000000e+00 : f32
      %jit3A_1222 = arith.constant 0.000000e+00 : f32
      %broadcast_in_dim3A_1223 = vector.broadcast %jit3A_1221 : f32 to vector<8x24x128xf32>
      %broadcast_in_dim3A_1224 = vector.broadcast %jit3A_1222 : f32 to vector<8x24x128xf32>
      %select_n3A_1225 = arith.select %and3A_1220, %broadcast_in_dim3A_1223, %broadcast_in_dim3A_1224 : vector<8x24x128xi1>, vector<8x24x128xf32>
      %swap3A_1226 = arith.constant 112 : index
      %swap3A_1227 = arith.constant 0 : index
      %swap3A_1228 = arith.constant 0 : index
      %swap3A_1229 = vector.load %arg6[%swap3A_1226, %swap3A_1227, %swap3A_1228] : memref<128x24x128xf32, #tpu.memory_space<vmem>>, vector<8x24x128xf32>
      tpu.vector_store %arg6[%swap3A_1226, %swap3A_1227, %swap3A_1228], %select_n3A_1225 {strides = array<i32>} : memref<128x24x128xf32, #tpu.memory_space<vmem>>, vector<8x24x128xf32>,
      %add3A_1230 = arith.constant 120 : i32
      %add3A_1231 = arith.addi %mul3A_42, %add3A_1230 : i32
      %get3A_1232 = arith.constant 0 : index
      %get3A_1233 = arith.index_cast %add3A_1231 : i32 to index
      %get3A_1234 = arith.constant 0 : index
      %get3A_1235 = vector.load %arg1[%get3A_1232, %get3A_1233, %get3A_1234] : memref<4x5120x24xf32, #tpu.memory_space<vmem>>, vector<1x8x24xf32>
      %get3A_1236 = vector.shape_cast %get3A_1235 : vector<1x8x24xf32> to vector<8x24xf32>
      %broadcast_in_dim3A_1237 = vector.shape_cast %get3A_1236 : vector<8x24xf32> to vector<8x24x1xf32>
      %get3A_1238 = arith.constant 1 : index
      %get3A_1239 = arith.index_cast %add3A_1231 : i32 to index
      %get3A_1240 = arith.constant 0 : index
      %get3A_1241 = vector.load %arg1[%get3A_1238, %get3A_1239, %get3A_1240] : memref<4x5120x24xf32, #tpu.memory_space<vmem>>, vector<1x8x24xf32>
      %get3A_1242 = vector.shape_cast %get3A_1241 : vector<1x8x24xf32> to vector<8x24xf32>
      %broadcast_in_dim3A_1243 = vector.shape_cast %get3A_1242 : vector<8x24xf32> to vector<8x24x1xf32>
      %get3A_1244 = arith.constant 2 : index
      %get3A_1245 = arith.index_cast %add3A_1231 : i32 to index
      %get3A_1246 = arith.constant 0 : index
      %get3A_1247 = vector.load %arg1[%get3A_1244, %get3A_1245, %get3A_1246] : memref<4x5120x24xf32, #tpu.memory_space<vmem>>, vector<1x8x24xf32>
      %get3A_1248 = vector.shape_cast %get3A_1247 : vector<1x8x24xf32> to vector<8x24xf32>
      %broadcast_in_dim3A_1249 = vector.shape_cast %get3A_1248 : vector<8x24xf32> to vector<8x24x1xf32>
      %get3A_1250 = arith.constant 3 : index
      %get3A_1251 = arith.index_cast %add3A_1231 : i32 to index
      %get3A_1252 = arith.constant 0 : index
      %get3A_1253 = vector.load %arg1[%get3A_1250, %get3A_1251, %get3A_1252] : memref<4x5120x24xf32, #tpu.memory_space<vmem>>, vector<1x8x24xf32>
      %get3A_1254 = vector.shape_cast %get3A_1253 : vector<1x8x24xf32> to vector<8x24xf32>
      %broadcast_in_dim3A_1255 = vector.shape_cast %get3A_1254 : vector<8x24xf32> to vector<8x24x1xf32>
      %get3A_1256 = arith.index_cast %add3A_1231 : i32 to index
      %get3A_1257 = arith.constant 0 : index
      %get3A_1258 = vector.load %arg3[%get3A_1256, %get3A_1257] : memref<5120x24xf32, #tpu.memory_space<vmem>>, vector<8x24xf32>
      %broadcast_in_dim3A_1259 = vector.shape_cast %get3A_1258 : vector<8x24xf32> to vector<8x24x1xf32>
      %min3A_1260 = vector.broadcast %broadcast_in_dim3A_1249 : vector<8x24x1xf32> to vector<8x24x128xf32>
      %min3A_1261 = vector.broadcast %broadcast_in_dim3A_60 : vector<1x24x128xf32> to vector<8x24x128xf32>
      %min3A_1262 = arith.minimumf %min3A_1260, %min3A_1261 : vector<8x24x128xf32>
      %max3A_1263 = vector.broadcast %broadcast_in_dim3A_1237 : vector<8x24x1xf32> to vector<8x24x128xf32>
      %max3A_1264 = vector.broadcast %broadcast_in_dim3A_48 : vector<1x24x128xf32> to vector<8x24x128xf32>
      %max3A_1265 = arith.maximumf %max3A_1263, %max3A_1264 : vector<8x24x128xf32>
      %sub3A_1266 = arith.subf %min3A_1262, %max3A_1265 : vector<8x24x128xf32>
      %jit3A_1267 = arith.constant 0.000000e+00 : f32
      %max3A_1268 = vector.broadcast %jit3A_1267 : f32 to vector<8x24x128xf32>
      %max3A_1269 = arith.maximumf %max3A_1268, %sub3A_1266 : vector<8x24x128xf32>
      %min3A_1270 = vector.broadcast %broadcast_in_dim3A_1255 : vector<8x24x1xf32> to vector<8x24x128xf32>
      %min3A_1271 = vector.broadcast %broadcast_in_dim3A_66 : vector<1x24x128xf32> to vector<8x24x128xf32>
      %min3A_1272 = arith.minimumf %min3A_1270, %min3A_1271 : vector<8x24x128xf32>
      %max3A_1273 = vector.broadcast %broadcast_in_dim3A_1243 : vector<8x24x1xf32> to vector<8x24x128xf32>
      %max3A_1274 = vector.broadcast %broadcast_in_dim3A_54 : vector<1x24x128xf32> to vector<8x24x128xf32>
      %max3A_1275 = arith.maximumf %max3A_1273, %max3A_1274 : vector<8x24x128xf32>
      %sub3A_1276 = arith.subf %min3A_1272, %max3A_1275 : vector<8x24x128xf32>
      %jit3A_1277 = arith.constant 0.000000e+00 : f32
      %max3A_1278 = vector.broadcast %jit3A_1277 : f32 to vector<8x24x128xf32>
      %max3A_1279 = arith.maximumf %max3A_1278, %sub3A_1276 : vector<8x24x128xf32>
      %mul3A_1280 = arith.mulf %max3A_1269, %max3A_1279 : vector<8x24x128xf32>
      %add3A_1281 = vector.broadcast %broadcast_in_dim3A_1259 : vector<8x24x1xf32> to vector<8x24x128xf32>
      %add3A_1282 = vector.broadcast %broadcast_in_dim3A_70 : vector<1x24x128xf32> to vector<8x24x128xf32>
      %add3A_1283 = arith.addf %add3A_1281, %add3A_1282 : vector<8x24x128xf32>
      %sub3A_1284 = arith.subf %add3A_1283, %mul3A_1280 : vector<8x24x128xf32>
      %add3A_1285 = arith.constant 9.99999971E-10 : f32
      %add3A_1286 = vector.broadcast %add3A_1285 : f32 to vector<8x24x128xf32>
      %add3A_1287 = arith.addf %sub3A_1284, %add3A_1286 : vector<8x24x128xf32>
      %div3A_1288 = arith.divf %mul3A_1280, %add3A_1287 : vector<8x24x128xf32>
      %add3A_1289 = arith.constant 120 : i32
      %add3A_1290 = vector.broadcast %add3A_1289 : i32 to vector<8x24x128xi32>
      %add3A_1291 = arith.addi %iota3A_91, %add3A_1290 : vector<8x24x128xi32>
      %gt3A_1292 = arith.cmpi sgt, %iota3A_92, %add3A_1291 : vector<8x24x128xi32>
      %gt3A_1293 = arith.constant 3.000000e-01 : f32
      %gt3A_1294 = vector.broadcast %gt3A_1293 : f32 to vector<8x24x128xf32>
      %gt3A_1295 = arith.cmpf ogt, %div3A_1288, %gt3A_1294 : vector<8x24x128xf32>
      %and3A_1296 = arith.andi %gt3A_1295, %gt3A_1292 : vector<8x24x128xi1>
      %jit3A_1297 = arith.constant 1.000000e+00 : f32
      %jit3A_1298 = arith.constant 0.000000e+00 : f32
      %broadcast_in_dim3A_1299 = vector.broadcast %jit3A_1297 : f32 to vector<8x24x128xf32>
      %broadcast_in_dim3A_1300 = vector.broadcast %jit3A_1298 : f32 to vector<8x24x128xf32>
      %select_n3A_1301 = arith.select %and3A_1296, %broadcast_in_dim3A_1299, %broadcast_in_dim3A_1300 : vector<8x24x128xi1>, vector<8x24x128xf32>
      %swap3A_1302 = arith.constant 120 : index
      %swap3A_1303 = arith.constant 0 : index
      %swap3A_1304 = arith.constant 0 : index
      %swap3A_1305 = vector.load %arg6[%swap3A_1302, %swap3A_1303, %swap3A_1304] : memref<128x24x128xf32, #tpu.memory_space<vmem>>, vector<8x24x128xf32>
      tpu.vector_store %arg6[%swap3A_1302, %swap3A_1303, %swap3A_1304], %select_n3A_1301 {strides = array<i32>} : memref<128x24x128xf32, #tpu.memory_space<vmem>>, vector<8x24x128xf32>,
      %scan3A = arith.constant 0 : i32
      %scan3A_1306 = arith.constant 16 : i32
      %scan3A_1307 = arith.addi %scan3A, %scan3A_1306 : i32
      %scan3A_1308 = arith.constant 1 : i32
      %scan3A_1309 = scf.for %scan3A_1317 = %scan3A to %scan3A_1307 step %scan3A_1308 iter_args(%scan3A_1318 = %mul3A_90) -> (vector<24x128xf32>)  : i32 {
        %mul3A_1319 = arith.constant 8 : i32
        %mul3A_1320 = arith.muli %scan3A_1317, %mul3A_1319 : i32
        %get3A_1321 = arith.index_cast %mul3A_1320 : i32 to index
        %get3A_1322 = arith.constant 0 : index
        %get3A_1323 = arith.constant 0 : index
        %get3A_1324 = vector.load %arg6[%get3A_1321, %get3A_1322, %get3A_1323] : memref<128x24x128xf32, #tpu.memory_space<vmem>>, vector<8x24x128xf32>
        %add3A_1325 = arith.constant 0 : i32
        %add3A_1326 = arith.addi %mul3A_1320, %add3A_1325 : i32
        %eq3A = vector.broadcast %add3A_1326 : i32 to vector<24x128xi32>
        %eq3A_1327 = arith.cmpi eq, %iota3A, %eq3A : vector<24x128xi32>
        %jit3A_1328 = arith.constant 0.000000e+00 : f32
        %broadcast_in_dim3A_1329 = vector.broadcast %jit3A_1328 : f32 to vector<24x128xf32>
        %select_n3A_1330 = arith.select %eq3A_1327, %scan3A_1318, %broadcast_in_dim3A_1329 : vector<24x128xi1>, vector<24x128xf32>
        %reduce_max3A_1331 = arith.constant dense<0xFF800000> : vector<24xf32>
        %reduce_max3A_1332 = vector.multi_reduction <maximumf>, %select_n3A_1330, %reduce_max3A_1331 [1] : vector<24x128xf32> to vector<24xf32>
        %broadcast_in_dim3A_1333 = vector.shape_cast %reduce_max3A_1332 : vector<24xf32> to vector<24x1xf32>
        %slice3A = vector.extract_strided_slice %get3A_1324 {offsets = [0, 0, 0], sizes = [1, 24, 128], strides = [1, 1, 1]} : vector<8x24x128xf32> to vector<1x24x128xf32>
        %squeeze3A = vector.shape_cast %slice3A : vector<1x24x128xf32> to vector<24x128xf32>
        %gt3A_1334 = arith.constant 5.000000e-01 : f32
        %gt3A_1335 = vector.broadcast %gt3A_1334 : f32 to vector<24x128xf32>
        %gt3A_1336 = arith.cmpf ogt, %squeeze3A, %gt3A_1335 : vector<24x128xf32>
        %gt3A_1337 = arith.constant 5.000000e-01 : f32
        %gt3A_1338 = vector.broadcast %gt3A_1337 : f32 to vector<24x1xf32>
        %gt3A_1339 = arith.cmpf ogt, %broadcast_in_dim3A_1333, %gt3A_1338 : vector<24x1xf32>
        %and3A_1340 = vector.broadcast %gt3A_1339 : vector<24x1xi1> to vector<24x128xi1>
        %and3A_1341 = arith.andi %gt3A_1336, %and3A_1340 : vector<24x128xi1>
        %jit3A_1342 = arith.constant 0.000000e+00 : f32
        %broadcast_in_dim3A_1343 = vector.broadcast %jit3A_1342 : f32 to vector<24x128xf32>
        %select_n3A_1344 = arith.select %and3A_1341, %broadcast_in_dim3A_1343, %scan3A_1318 : vector<24x128xi1>, vector<24x128xf32>
        %add3A_1345 = arith.constant 1 : i32
        %add3A_1346 = arith.addi %mul3A_1320, %add3A_1345 : i32
        %eq3A_1347 = vector.broadcast %add3A_1346 : i32 to vector<24x128xi32>
        %eq3A_1348 = arith.cmpi eq, %iota3A, %eq3A_1347 : vector<24x128xi32>
        %jit3A_1349 = arith.constant 0.000000e+00 : f32
        %broadcast_in_dim3A_1350 = vector.broadcast %jit3A_1349 : f32 to vector<24x128xf32>
        %select_n3A_1351 = arith.select %eq3A_1348, %select_n3A_1344, %broadcast_in_dim3A_1350 : vector<24x128xi1>, vector<24x128xf32>
        %reduce_max3A_1352 = arith.constant dense<0xFF800000> : vector<24xf32>
        %reduce_max3A_1353 = vector.multi_reduction <maximumf>, %select_n3A_1351, %reduce_max3A_1352 [1] : vector<24x128xf32> to vector<24xf32>
        %broadcast_in_dim3A_1354 = vector.shape_cast %reduce_max3A_1353 : vector<24xf32> to vector<24x1xf32>
        %slice3A_1355 = vector.extract_strided_slice %get3A_1324 {offsets = [1, 0, 0], sizes = [1, 24, 128], strides = [1, 1, 1]} : vector<8x24x128xf32> to vector<1x24x128xf32>
        %squeeze3A_1356 = vector.shape_cast %slice3A_1355 : vector<1x24x128xf32> to vector<24x128xf32>
        %gt3A_1357 = arith.constant 5.000000e-01 : f32
        %gt3A_1358 = vector.broadcast %gt3A_1357 : f32 to vector<24x128xf32>
        %gt3A_1359 = arith.cmpf ogt, %squeeze3A_1356, %gt3A_1358 : vector<24x128xf32>
        %gt3A_1360 = arith.constant 5.000000e-01 : f32
        %gt3A_1361 = vector.broadcast %gt3A_1360 : f32 to vector<24x1xf32>
        %gt3A_1362 = arith.cmpf ogt, %broadcast_in_dim3A_1354, %gt3A_1361 : vector<24x1xf32>
        %and3A_1363 = vector.broadcast %gt3A_1362 : vector<24x1xi1> to vector<24x128xi1>
        %and3A_1364 = arith.andi %gt3A_1359, %and3A_1363 : vector<24x128xi1>
        %jit3A_1365 = arith.constant 0.000000e+00 : f32
        %broadcast_in_dim3A_1366 = vector.broadcast %jit3A_1365 : f32 to vector<24x128xf32>
        %select_n3A_1367 = arith.select %and3A_1364, %broadcast_in_dim3A_1366, %select_n3A_1344 : vector<24x128xi1>, vector<24x128xf32>
        %add3A_1368 = arith.constant 2 : i32
        %add3A_1369 = arith.addi %mul3A_1320, %add3A_1368 : i32
        %eq3A_1370 = vector.broadcast %add3A_1369 : i32 to vector<24x128xi32>
        %eq3A_1371 = arith.cmpi eq, %iota3A, %eq3A_1370 : vector<24x128xi32>
        %jit3A_1372 = arith.constant 0.000000e+00 : f32
        %broadcast_in_dim3A_1373 = vector.broadcast %jit3A_1372 : f32 to vector<24x128xf32>
        %select_n3A_1374 = arith.select %eq3A_1371, %select_n3A_1367, %broadcast_in_dim3A_1373 : vector<24x128xi1>, vector<24x128xf32>
        %reduce_max3A_1375 = arith.constant dense<0xFF800000> : vector<24xf32>
        %reduce_max3A_1376 = vector.multi_reduction <maximumf>, %select_n3A_1374, %reduce_max3A_1375 [1] : vector<24x128xf32> to vector<24xf32>
        %broadcast_in_dim3A_1377 = vector.shape_cast %reduce_max3A_1376 : vector<24xf32> to vector<24x1xf32>
        %slice3A_1378 = vector.extract_strided_slice %get3A_1324 {offsets = [2, 0, 0], sizes = [1, 24, 128], strides = [1, 1, 1]} : vector<8x24x128xf32> to vector<1x24x128xf32>
        %squeeze3A_1379 = vector.shape_cast %slice3A_1378 : vector<1x24x128xf32> to vector<24x128xf32>
        %gt3A_1380 = arith.constant 5.000000e-01 : f32
        %gt3A_1381 = vector.broadcast %gt3A_1380 : f32 to vector<24x128xf32>
        %gt3A_1382 = arith.cmpf ogt, %squeeze3A_1379, %gt3A_1381 : vector<24x128xf32>
        %gt3A_1383 = arith.constant 5.000000e-01 : f32
        %gt3A_1384 = vector.broadcast %gt3A_1383 : f32 to vector<24x1xf32>
        %gt3A_1385 = arith.cmpf ogt, %broadcast_in_dim3A_1377, %gt3A_1384 : vector<24x1xf32>
        %and3A_1386 = vector.broadcast %gt3A_1385 : vector<24x1xi1> to vector<24x128xi1>
        %and3A_1387 = arith.andi %gt3A_1382, %and3A_1386 : vector<24x128xi1>
        %jit3A_1388 = arith.constant 0.000000e+00 : f32
        %broadcast_in_dim3A_1389 = vector.broadcast %jit3A_1388 : f32 to vector<24x128xf32>
        %select_n3A_1390 = arith.select %and3A_1387, %broadcast_in_dim3A_1389, %select_n3A_1367 : vector<24x128xi1>, vector<24x128xf32>
        %add3A_1391 = arith.constant 3 : i32
        %add3A_1392 = arith.addi %mul3A_1320, %add3A_1391 : i32
        %eq3A_1393 = vector.broadcast %add3A_1392 : i32 to vector<24x128xi32>
        %eq3A_1394 = arith.cmpi eq, %iota3A, %eq3A_1393 : vector<24x128xi32>
        %jit3A_1395 = arith.constant 0.000000e+00 : f32
        %broadcast_in_dim3A_1396 = vector.broadcast %jit3A_1395 : f32 to vector<24x128xf32>
        %select_n3A_1397 = arith.select %eq3A_1394, %select_n3A_1390, %broadcast_in_dim3A_1396 : vector<24x128xi1>, vector<24x128xf32>
        %reduce_max3A_1398 = arith.constant dense<0xFF800000> : vector<24xf32>
        %reduce_max3A_1399 = vector.multi_reduction <maximumf>, %select_n3A_1397, %reduce_max3A_1398 [1] : vector<24x128xf32> to vector<24xf32>
        %broadcast_in_dim3A_1400 = vector.shape_cast %reduce_max3A_1399 : vector<24xf32> to vector<24x1xf32>
        %slice3A_1401 = vector.extract_strided_slice %get3A_1324 {offsets = [3, 0, 0], sizes = [1, 24, 128], strides = [1, 1, 1]} : vector<8x24x128xf32> to vector<1x24x128xf32>
        %squeeze3A_1402 = vector.shape_cast %slice3A_1401 : vector<1x24x128xf32> to vector<24x128xf32>
        %gt3A_1403 = arith.constant 5.000000e-01 : f32
        %gt3A_1404 = vector.broadcast %gt3A_1403 : f32 to vector<24x128xf32>
        %gt3A_1405 = arith.cmpf ogt, %squeeze3A_1402, %gt3A_1404 : vector<24x128xf32>
        %gt3A_1406 = arith.constant 5.000000e-01 : f32
        %gt3A_1407 = vector.broadcast %gt3A_1406 : f32 to vector<24x1xf32>
        %gt3A_1408 = arith.cmpf ogt, %broadcast_in_dim3A_1400, %gt3A_1407 : vector<24x1xf32>
        %and3A_1409 = vector.broadcast %gt3A_1408 : vector<24x1xi1> to vector<24x128xi1>
        %and3A_1410 = arith.andi %gt3A_1405, %and3A_1409 : vector<24x128xi1>
        %jit3A_1411 = arith.constant 0.000000e+00 : f32
        %broadcast_in_dim3A_1412 = vector.broadcast %jit3A_1411 : f32 to vector<24x128xf32>
        %select_n3A_1413 = arith.select %and3A_1410, %broadcast_in_dim3A_1412, %select_n3A_1390 : vector<24x128xi1>, vector<24x128xf32>
        %add3A_1414 = arith.constant 4 : i32
        %add3A_1415 = arith.addi %mul3A_1320, %add3A_1414 : i32
        %eq3A_1416 = vector.broadcast %add3A_1415 : i32 to vector<24x128xi32>
        %eq3A_1417 = arith.cmpi eq, %iota3A, %eq3A_1416 : vector<24x128xi32>
        %jit3A_1418 = arith.constant 0.000000e+00 : f32
        %broadcast_in_dim3A_1419 = vector.broadcast %jit3A_1418 : f32 to vector<24x128xf32>
        %select_n3A_1420 = arith.select %eq3A_1417, %select_n3A_1413, %broadcast_in_dim3A_1419 : vector<24x128xi1>, vector<24x128xf32>
        %reduce_max3A_1421 = arith.constant dense<0xFF800000> : vector<24xf32>
        %reduce_max3A_1422 = vector.multi_reduction <maximumf>, %select_n3A_1420, %reduce_max3A_1421 [1] : vector<24x128xf32> to vector<24xf32>
        %broadcast_in_dim3A_1423 = vector.shape_cast %reduce_max3A_1422 : vector<24xf32> to vector<24x1xf32>
        %slice3A_1424 = vector.extract_strided_slice %get3A_1324 {offsets = [4, 0, 0], sizes = [1, 24, 128], strides = [1, 1, 1]} : vector<8x24x128xf32> to vector<1x24x128xf32>
        %squeeze3A_1425 = vector.shape_cast %slice3A_1424 : vector<1x24x128xf32> to vector<24x128xf32>
        %gt3A_1426 = arith.constant 5.000000e-01 : f32
        %gt3A_1427 = vector.broadcast %gt3A_1426 : f32 to vector<24x128xf32>
        %gt3A_1428 = arith.cmpf ogt, %squeeze3A_1425, %gt3A_1427 : vector<24x128xf32>
        %gt3A_1429 = arith.constant 5.000000e-01 : f32
        %gt3A_1430 = vector.broadcast %gt3A_1429 : f32 to vector<24x1xf32>
        %gt3A_1431 = arith.cmpf ogt, %broadcast_in_dim3A_1423, %gt3A_1430 : vector<24x1xf32>
        %and3A_1432 = vector.broadcast %gt3A_1431 : vector<24x1xi1> to vector<24x128xi1>
        %and3A_1433 = arith.andi %gt3A_1428, %and3A_1432 : vector<24x128xi1>
        %jit3A_1434 = arith.constant 0.000000e+00 : f32
        %broadcast_in_dim3A_1435 = vector.broadcast %jit3A_1434 : f32 to vector<24x128xf32>
        %select_n3A_1436 = arith.select %and3A_1433, %broadcast_in_dim3A_1435, %select_n3A_1413 : vector<24x128xi1>, vector<24x128xf32>
        %add3A_1437 = arith.constant 5 : i32
        %add3A_1438 = arith.addi %mul3A_1320, %add3A_1437 : i32
        %eq3A_1439 = vector.broadcast %add3A_1438 : i32 to vector<24x128xi32>
        %eq3A_1440 = arith.cmpi eq, %iota3A, %eq3A_1439 : vector<24x128xi32>
        %jit3A_1441 = arith.constant 0.000000e+00 : f32
        %broadcast_in_dim3A_1442 = vector.broadcast %jit3A_1441 : f32 to vector<24x128xf32>
        %select_n3A_1443 = arith.select %eq3A_1440, %select_n3A_1436, %broadcast_in_dim3A_1442 : vector<24x128xi1>, vector<24x128xf32>
        %reduce_max3A_1444 = arith.constant dense<0xFF800000> : vector<24xf32>
        %reduce_max3A_1445 = vector.multi_reduction <maximumf>, %select_n3A_1443, %reduce_max3A_1444 [1] : vector<24x128xf32> to vector<24xf32>
        %broadcast_in_dim3A_1446 = vector.shape_cast %reduce_max3A_1445 : vector<24xf32> to vector<24x1xf32>
        %slice3A_1447 = vector.extract_strided_slice %get3A_1324 {offsets = [5, 0, 0], sizes = [1, 24, 128], strides = [1, 1, 1]} : vector<8x24x128xf32> to vector<1x24x128xf32>
        %squeeze3A_1448 = vector.shape_cast %slice3A_1447 : vector<1x24x128xf32> to vector<24x128xf32>
        %gt3A_1449 = arith.constant 5.000000e-01 : f32
        %gt3A_1450 = vector.broadcast %gt3A_1449 : f32 to vector<24x128xf32>
        %gt3A_1451 = arith.cmpf ogt, %squeeze3A_1448, %gt3A_1450 : vector<24x128xf32>
        %gt3A_1452 = arith.constant 5.000000e-01 : f32
        %gt3A_1453 = vector.broadcast %gt3A_1452 : f32 to vector<24x1xf32>
        %gt3A_1454 = arith.cmpf ogt, %broadcast_in_dim3A_1446, %gt3A_1453 : vector<24x1xf32>
        %and3A_1455 = vector.broadcast %gt3A_1454 : vector<24x1xi1> to vector<24x128xi1>
        %and3A_1456 = arith.andi %gt3A_1451, %and3A_1455 : vector<24x128xi1>
        %jit3A_1457 = arith.constant 0.000000e+00 : f32
        %broadcast_in_dim3A_1458 = vector.broadcast %jit3A_1457 : f32 to vector<24x128xf32>
        %select_n3A_1459 = arith.select %and3A_1456, %broadcast_in_dim3A_1458, %select_n3A_1436 : vector<24x128xi1>, vector<24x128xf32>
        %add3A_1460 = arith.constant 6 : i32
        %add3A_1461 = arith.addi %mul3A_1320, %add3A_1460 : i32
        %eq3A_1462 = vector.broadcast %add3A_1461 : i32 to vector<24x128xi32>
        %eq3A_1463 = arith.cmpi eq, %iota3A, %eq3A_1462 : vector<24x128xi32>
        %jit3A_1464 = arith.constant 0.000000e+00 : f32
        %broadcast_in_dim3A_1465 = vector.broadcast %jit3A_1464 : f32 to vector<24x128xf32>
        %select_n3A_1466 = arith.select %eq3A_1463, %select_n3A_1459, %broadcast_in_dim3A_1465 : vector<24x128xi1>, vector<24x128xf32>
        %reduce_max3A_1467 = arith.constant dense<0xFF800000> : vector<24xf32>
        %reduce_max3A_1468 = vector.multi_reduction <maximumf>, %select_n3A_1466, %reduce_max3A_1467 [1] : vector<24x128xf32> to vector<24xf32>
        %broadcast_in_dim3A_1469 = vector.shape_cast %reduce_max3A_1468 : vector<24xf32> to vector<24x1xf32>
        %slice3A_1470 = vector.extract_strided_slice %get3A_1324 {offsets = [6, 0, 0], sizes = [1, 24, 128], strides = [1, 1, 1]} : vector<8x24x128xf32> to vector<1x24x128xf32>
        %squeeze3A_1471 = vector.shape_cast %slice3A_1470 : vector<1x24x128xf32> to vector<24x128xf32>
        %gt3A_1472 = arith.constant 5.000000e-01 : f32
        %gt3A_1473 = vector.broadcast %gt3A_1472 : f32 to vector<24x128xf32>
        %gt3A_1474 = arith.cmpf ogt, %squeeze3A_1471, %gt3A_1473 : vector<24x128xf32>
        %gt3A_1475 = arith.constant 5.000000e-01 : f32
        %gt3A_1476 = vector.broadcast %gt3A_1475 : f32 to vector<24x1xf32>
        %gt3A_1477 = arith.cmpf ogt, %broadcast_in_dim3A_1469, %gt3A_1476 : vector<24x1xf32>
        %and3A_1478 = vector.broadcast %gt3A_1477 : vector<24x1xi1> to vector<24x128xi1>
        %and3A_1479 = arith.andi %gt3A_1474, %and3A_1478 : vector<24x128xi1>
        %jit3A_1480 = arith.constant 0.000000e+00 : f32
        %broadcast_in_dim3A_1481 = vector.broadcast %jit3A_1480 : f32 to vector<24x128xf32>
        %select_n3A_1482 = arith.select %and3A_1479, %broadcast_in_dim3A_1481, %select_n3A_1459 : vector<24x128xi1>, vector<24x128xf32>
        %add3A_1483 = arith.constant 7 : i32
        %add3A_1484 = arith.addi %mul3A_1320, %add3A_1483 : i32
        %eq3A_1485 = vector.broadcast %add3A_1484 : i32 to vector<24x128xi32>
        %eq3A_1486 = arith.cmpi eq, %iota3A, %eq3A_1485 : vector<24x128xi32>
        %jit3A_1487 = arith.constant 0.000000e+00 : f32
        %broadcast_in_dim3A_1488 = vector.broadcast %jit3A_1487 : f32 to vector<24x128xf32>
        %select_n3A_1489 = arith.select %eq3A_1486, %select_n3A_1482, %broadcast_in_dim3A_1488 : vector<24x128xi1>, vector<24x128xf32>
        %reduce_max3A_1490 = arith.constant dense<0xFF800000> : vector<24xf32>
        %reduce_max3A_1491 = vector.multi_reduction <maximumf>, %select_n3A_1489, %reduce_max3A_1490 [1] : vector<24x128xf32> to vector<24xf32>
        %broadcast_in_dim3A_1492 = vector.shape_cast %reduce_max3A_1491 : vector<24xf32> to vector<24x1xf32>
        %slice3A_1493 = vector.extract_strided_slice %get3A_1324 {offsets = [7, 0, 0], sizes = [1, 24, 128], strides = [1, 1, 1]} : vector<8x24x128xf32> to vector<1x24x128xf32>
        %squeeze3A_1494 = vector.shape_cast %slice3A_1493 : vector<1x24x128xf32> to vector<24x128xf32>
        %gt3A_1495 = arith.constant 5.000000e-01 : f32
        %gt3A_1496 = vector.broadcast %gt3A_1495 : f32 to vector<24x128xf32>
        %gt3A_1497 = arith.cmpf ogt, %squeeze3A_1494, %gt3A_1496 : vector<24x128xf32>
        %gt3A_1498 = arith.constant 5.000000e-01 : f32
        %gt3A_1499 = vector.broadcast %gt3A_1498 : f32 to vector<24x1xf32>
        %gt3A_1500 = arith.cmpf ogt, %broadcast_in_dim3A_1492, %gt3A_1499 : vector<24x1xf32>
        %and3A_1501 = vector.broadcast %gt3A_1500 : vector<24x1xi1> to vector<24x128xi1>
        %and3A_1502 = arith.andi %gt3A_1497, %and3A_1501 : vector<24x128xi1>
        %jit3A_1503 = arith.constant 0.000000e+00 : f32
        %broadcast_in_dim3A_1504 = vector.broadcast %jit3A_1503 : f32 to vector<24x128xf32>
        %select_n3A_1505 = arith.select %and3A_1502, %broadcast_in_dim3A_1504, %select_n3A_1482 : vector<24x128xi1>, vector<24x128xf32>
        scf.yield %select_n3A_1505 : vector<24x128xf32>
      }
      %scan3A_1310 = arith.constant 16 : i32
      %swap3A_1311 = arith.constant 0 : index
      %swap3A_1312 = arith.index_cast %mul3A_42 : i32 to index
      %swap3A_1313 = vector.load %arg5[%swap3A_1311, %swap3A_1312] : memref<24x5120xf32, #tpu.memory_space<vmem>>, vector<24x128xf32>
      tpu.vector_store %arg5[%swap3A_1311, %swap3A_1312], %scan3A_1309 {strides = array<i32>} : memref<24x5120xf32, #tpu.memory_space<vmem>>, vector<24x128xf32>,
      %transpose3A = tpu.transpose %scan3A_1309, [1, 0] : vector<24x128xf32> -> vector<128x24xf32>
      %swap3A_1314 = arith.index_cast %mul3A_42 : i32 to index
      %swap3A_1315 = arith.constant 0 : index
      %swap3A_1316 = vector.load %arg7[%swap3A_1314, %swap3A_1315] : memref<5120x24xf32, #tpu.memory_space<vmem>>, vector<128x24xf32>
      tpu.vector_store %arg7[%swap3A_1314, %swap3A_1315], %transpose3A {strides = array<i32>} : memref<5120x24xf32, #tpu.memory_space<vmem>>, vector<128x24xf32>,
    }
    %while3A_40 = arith.constant 1 : i32
    scf.for %while3A_41 = %while3A_38 to %while3A_34 step %while3A_40  : i32 {
      %mul3A = arith.constant 128 : i32
      %mul3A_42 = arith.muli %while3A_41, %mul3A : i32
      %get3A_43 = arith.constant 0 : index
      %get3A_44 = arith.constant 0 : index
      %get3A_45 = arith.index_cast %mul3A_42 : i32 to index
      %get3A_46 = vector.load %arg0[%get3A_43, %get3A_44, %get3A_45] : memref<4x24x5120xf32, #tpu.memory_space<vmem>>, vector<1x24x128xf32>
      %get3A_47 = vector.shape_cast %get3A_46 : vector<1x24x128xf32> to vector<24x128xf32>
      %broadcast_in_dim3A_48 = vector.shape_cast %get3A_47 : vector<24x128xf32> to vector<1x24x128xf32>
      %get3A_49 = arith.constant 1 : index
      %get3A_50 = arith.constant 0 : index
      %get3A_51 = arith.index_cast %mul3A_42 : i32 to index
      %get3A_52 = vector.load %arg0[%get3A_49, %get3A_50, %get3A_51] : memref<4x24x5120xf32, #tpu.memory_space<vmem>>, vector<1x24x128xf32>
      %get3A_53 = vector.shape_cast %get3A_52 : vector<1x24x128xf32> to vector<24x128xf32>
      %broadcast_in_dim3A_54 = vector.shape_cast %get3A_53 : vector<24x128xf32> to vector<1x24x128xf32>
      %get3A_55 = arith.constant 2 : index
      %get3A_56 = arith.constant 0 : index
      %get3A_57 = arith.index_cast %mul3A_42 : i32 to index
      %get3A_58 = vector.load %arg0[%get3A_55, %get3A_56, %get3A_57] : memref<4x24x5120xf32, #tpu.memory_space<vmem>>, vector<1x24x128xf32>
      %get3A_59 = vector.shape_cast %get3A_58 : vector<1x24x128xf32> to vector<24x128xf32>
      %broadcast_in_dim3A_60 = vector.shape_cast %get3A_59 : vector<24x128xf32> to vector<1x24x128xf32>
      %get3A_61 = arith.constant 3 : index
      %get3A_62 = arith.constant 0 : index
      %get3A_63 = arith.index_cast %mul3A_42 : i32 to index
      %get3A_64 = vector.load %arg0[%get3A_61, %get3A_62, %get3A_63] : memref<4x24x5120xf32, #tpu.memory_space<vmem>>, vector<1x24x128xf32>
      %get3A_65 = vector.shape_cast %get3A_64 : vector<1x24x128xf32> to vector<24x128xf32>
      %broadcast_in_dim3A_66 = vector.shape_cast %get3A_65 : vector<24x128xf32> to vector<1x24x128xf32>
      %get3A_67 = arith.constant 0 : index
      %get3A_68 = arith.index_cast %mul3A_42 : i32 to index
      %get3A_69 = vector.load %arg2[%get3A_67, %get3A_68] : memref<24x5120xf32, #tpu.memory_space<vmem>>, vector<24x128xf32>
      %broadcast_in_dim3A_70 = vector.shape_cast %get3A_69 : vector<24x128xf32> to vector<1x24x128xf32>
      %broadcast_in_dim3A_71 = arith.constant 0.000000e+00 : f32
      %broadcast_in_dim3A_72 = vector.broadcast %broadcast_in_dim3A_71 : f32 to vector<24x128xf32>
      %while3A_73 = arith.constant 0 : i32
      %while3A_74 = arith.subi %while3A_41, %while3A_73 : i32
      %while3A_75 = arith.addi %while3A_73, %while3A_74 : i32
      %while3A_76 = arith.constant 1 : i32
      %while3A_77 = arith.divsi %while3A_74, %while3A_76 : i32
      %while3A_78 = arith.muli %while3A_77, %while3A_76 : i32
      %while3A_79 = arith.addi %while3A_73, %while3A_78 : i32
      %while3A_80 = arith.constant 1 : i32
      %while3A_81 = scf.for %while3A_1317 = %while3A_73 to %while3A_79 step %while3A_80 iter_args(%while3A_1318 = %broadcast_in_dim3A_72) -> (vector<24x128xf32>)  : i32 {
        %mul3A_1319 = arith.constant 128 : i32
        %mul3A_1320 = arith.muli %while3A_1317, %mul3A_1319 : i32
        %add3A_1321 = arith.constant 0 : i32
        %add3A_1322 = arith.addi %mul3A_1320, %add3A_1321 : i32
        %get3A_1323 = arith.constant 0 : index
        %get3A_1324 = arith.index_cast %add3A_1322 : i32 to index
        %get3A_1325 = arith.constant 0 : index
        %get3A_1326 = vector.load %arg1[%get3A_1323, %get3A_1324, %get3A_1325] : memref<4x5120x24xf32, #tpu.memory_space<vmem>>, vector<1x32x24xf32>
        %get3A_1327 = vector.shape_cast %get3A_1326 : vector<1x32x24xf32> to vector<32x24xf32>
        %broadcast_in_dim3A_1328 = vector.shape_cast %get3A_1327 : vector<32x24xf32> to vector<32x24x1xf32>
        %get3A_1329 = arith.constant 1 : index
        %get3A_1330 = arith.index_cast %add3A_1322 : i32 to index
        %get3A_1331 = arith.constant 0 : index
        %get3A_1332 = vector.load %arg1[%get3A_1329, %get3A_1330, %get3A_1331] : memref<4x5120x24xf32, #tpu.memory_space<vmem>>, vector<1x32x24xf32>
        %get3A_1333 = vector.shape_cast %get3A_1332 : vector<1x32x24xf32> to vector<32x24xf32>
        %broadcast_in_dim3A_1334 = vector.shape_cast %get3A_1333 : vector<32x24xf32> to vector<32x24x1xf32>
        %get3A_1335 = arith.constant 2 : index
        %get3A_1336 = arith.index_cast %add3A_1322 : i32 to index
        %get3A_1337 = arith.constant 0 : index
        %get3A_1338 = vector.load %arg1[%get3A_1335, %get3A_1336, %get3A_1337] : memref<4x5120x24xf32, #tpu.memory_space<vmem>>, vector<1x32x24xf32>
        %get3A_1339 = vector.shape_cast %get3A_1338 : vector<1x32x24xf32> to vector<32x24xf32>
        %broadcast_in_dim3A_1340 = vector.shape_cast %get3A_1339 : vector<32x24xf32> to vector<32x24x1xf32>
        %get3A_1341 = arith.constant 3 : index
        %get3A_1342 = arith.index_cast %add3A_1322 : i32 to index
        %get3A_1343 = arith.constant 0 : index
        %get3A_1344 = vector.load %arg1[%get3A_1341, %get3A_1342, %get3A_1343] : memref<4x5120x24xf32, #tpu.memory_space<vmem>>, vector<1x32x24xf32>
        %get3A_1345 = vector.shape_cast %get3A_1344 : vector<1x32x24xf32> to vector<32x24xf32>
        %broadcast_in_dim3A_1346 = vector.shape_cast %get3A_1345 : vector<32x24xf32> to vector<32x24x1xf32>
        %get3A_1347 = arith.index_cast %add3A_1322 : i32 to index
        %get3A_1348 = arith.constant 0 : index
        %get3A_1349 = vector.load %arg3[%get3A_1347, %get3A_1348] : memref<5120x24xf32, #tpu.memory_space<vmem>>, vector<32x24xf32>
        %broadcast_in_dim3A_1350 = vector.shape_cast %get3A_1349 : vector<32x24xf32> to vector<32x24x1xf32>
        %get3A_1351 = arith.index_cast %add3A_1322 : i32 to index
        %get3A_1352 = arith.constant 0 : index
        %get3A_1353 = vector.load %arg7[%get3A_1351, %get3A_1352] : memref<5120x24xf32, #tpu.memory_space<vmem>>, vector<32x24xf32>
        %broadcast_in_dim3A_1354 = vector.shape_cast %get3A_1353 : vector<32x24xf32> to vector<32x24x1xf32>
        %min3A_1355 = vector.broadcast %broadcast_in_dim3A_1340 : vector<32x24x1xf32> to vector<32x24x128xf32>
        %min3A_1356 = vector.broadcast %broadcast_in_dim3A_60 : vector<1x24x128xf32> to vector<32x24x128xf32>
        %min3A_1357 = arith.minimumf %min3A_1355, %min3A_1356 : vector<32x24x128xf32>
        %max3A_1358 = vector.broadcast %broadcast_in_dim3A_1328 : vector<32x24x1xf32> to vector<32x24x128xf32>
        %max3A_1359 = vector.broadcast %broadcast_in_dim3A_48 : vector<1x24x128xf32> to vector<32x24x128xf32>
        %max3A_1360 = arith.maximumf %max3A_1358, %max3A_1359 : vector<32x24x128xf32>
        %sub3A_1361 = arith.subf %min3A_1357, %max3A_1360 : vector<32x24x128xf32>
        %jit3A_1362 = arith.constant 0.000000e+00 : f32
        %max3A_1363 = vector.broadcast %jit3A_1362 : f32 to vector<32x24x128xf32>
        %max3A_1364 = arith.maximumf %max3A_1363, %sub3A_1361 : vector<32x24x128xf32>
        %min3A_1365 = vector.broadcast %broadcast_in_dim3A_1346 : vector<32x24x1xf32> to vector<32x24x128xf32>
        %min3A_1366 = vector.broadcast %broadcast_in_dim3A_66 : vector<1x24x128xf32> to vector<32x24x128xf32>
        %min3A_1367 = arith.minimumf %min3A_1365, %min3A_1366 : vector<32x24x128xf32>
        %max3A_1368 = vector.broadcast %broadcast_in_dim3A_1334 : vector<32x24x1xf32> to vector<32x24x128xf32>
        %max3A_1369 = vector.broadcast %broadcast_in_dim3A_54 : vector<1x24x128xf32> to vector<32x24x128xf32>
        %max3A_1370 = arith.maximumf %max3A_1368, %max3A_1369 : vector<32x24x128xf32>
        %sub3A_1371 = arith.subf %min3A_1367, %max3A_1370 : vector<32x24x128xf32>
        %jit3A_1372 = arith.constant 0.000000e+00 : f32
        %max3A_1373 = vector.broadcast %jit3A_1372 : f32 to vector<32x24x128xf32>
        %max3A_1374 = arith.maximumf %max3A_1373, %sub3A_1371 : vector<32x24x128xf32>
        %mul3A_1375 = arith.mulf %max3A_1364, %max3A_1374 : vector<32x24x128xf32>
        %add3A_1376 = vector.broadcast %broadcast_in_dim3A_1350 : vector<32x24x1xf32> to vector<32x24x128xf32>
        %add3A_1377 = vector.broadcast %broadcast_in_dim3A_70 : vector<1x24x128xf32> to vector<32x24x128xf32>
        %add3A_1378 = arith.addf %add3A_1376, %add3A_1377 : vector<32x24x128xf32>
        %sub3A_1379 = arith.subf %add3A_1378, %mul3A_1375 : vector<32x24x128xf32>
        %add3A_1380 = arith.constant 9.99999971E-10 : f32
        %add3A_1381 = vector.broadcast %add3A_1380 : f32 to vector<32x24x128xf32>
        %add3A_1382 = arith.addf %sub3A_1379, %add3A_1381 : vector<32x24x128xf32>
        %div3A_1383 = arith.divf %mul3A_1375, %add3A_1382 : vector<32x24x128xf32>
        %gt3A_1384 = arith.constant 3.000000e-01 : f32
        %gt3A_1385 = vector.broadcast %gt3A_1384 : f32 to vector<32x24x128xf32>
        %gt3A_1386 = arith.cmpf ogt, %div3A_1383, %gt3A_1385 : vector<32x24x128xf32>
        %gt3A_1387 = arith.constant 5.000000e-01 : f32
        %gt3A_1388 = vector.broadcast %gt3A_1387 : f32 to vector<32x24x1xf32>
        %gt3A_1389 = arith.cmpf ogt, %broadcast_in_dim3A_1354, %gt3A_1388 : vector<32x24x1xf32>
        %and3A_1390 = vector.broadcast %gt3A_1389 : vector<32x24x1xi1> to vector<32x24x128xi1>
        %and3A_1391 = arith.andi %gt3A_1386, %and3A_1390 : vector<32x24x128xi1>
        %jit3A_1392 = arith.constant 1.000000e+00 : f32
        %jit3A_1393 = arith.constant 0.000000e+00 : f32
        %broadcast_in_dim3A_1394 = vector.broadcast %jit3A_1392 : f32 to vector<32x24x128xf32>
        %broadcast_in_dim3A_1395 = vector.broadcast %jit3A_1393 : f32 to vector<32x24x128xf32>
        %select_n3A_1396 = arith.select %and3A_1391, %broadcast_in_dim3A_1394, %broadcast_in_dim3A_1395 : vector<32x24x128xi1>, vector<32x24x128xf32>
        %reduce_max3A_1397 = arith.constant dense<0xFF800000> : vector<24x128xf32>
        %reduce_max3A_1398 = vector.multi_reduction <maximumf>, %select_n3A_1396, %reduce_max3A_1397 [0] : vector<32x24x128xf32> to vector<24x128xf32>
        %max3A_1399 = arith.maximumf %while3A_1318, %reduce_max3A_1398 : vector<24x128xf32>
        %add3A_1400 = arith.constant 32 : i32
        %add3A_1401 = arith.addi %mul3A_1320, %add3A_1400 : i32
        %get3A_1402 = arith.constant 0 : index
        %get3A_1403 = arith.index_cast %add3A_1401 : i32 to index
        %get3A_1404 = arith.constant 0 : index
        %get3A_1405 = vector.load %arg1[%get3A_1402, %get3A_1403, %get3A_1404] : memref<4x5120x24xf32, #tpu.memory_space<vmem>>, vector<1x32x24xf32>
        %get3A_1406 = vector.shape_cast %get3A_1405 : vector<1x32x24xf32> to vector<32x24xf32>
        %broadcast_in_dim3A_1407 = vector.shape_cast %get3A_1406 : vector<32x24xf32> to vector<32x24x1xf32>
        %get3A_1408 = arith.constant 1 : index
        %get3A_1409 = arith.index_cast %add3A_1401 : i32 to index
        %get3A_1410 = arith.constant 0 : index
        %get3A_1411 = vector.load %arg1[%get3A_1408, %get3A_1409, %get3A_1410] : memref<4x5120x24xf32, #tpu.memory_space<vmem>>, vector<1x32x24xf32>
        %get3A_1412 = vector.shape_cast %get3A_1411 : vector<1x32x24xf32> to vector<32x24xf32>
        %broadcast_in_dim3A_1413 = vector.shape_cast %get3A_1412 : vector<32x24xf32> to vector<32x24x1xf32>
        %get3A_1414 = arith.constant 2 : index
        %get3A_1415 = arith.index_cast %add3A_1401 : i32 to index
        %get3A_1416 = arith.constant 0 : index
        %get3A_1417 = vector.load %arg1[%get3A_1414, %get3A_1415, %get3A_1416] : memref<4x5120x24xf32, #tpu.memory_space<vmem>>, vector<1x32x24xf32>
        %get3A_1418 = vector.shape_cast %get3A_1417 : vector<1x32x24xf32> to vector<32x24xf32>
        %broadcast_in_dim3A_1419 = vector.shape_cast %get3A_1418 : vector<32x24xf32> to vector<32x24x1xf32>
        %get3A_1420 = arith.constant 3 : index
        %get3A_1421 = arith.index_cast %add3A_1401 : i32 to index
        %get3A_1422 = arith.constant 0 : index
        %get3A_1423 = vector.load %arg1[%get3A_1420, %get3A_1421, %get3A_1422] : memref<4x5120x24xf32, #tpu.memory_space<vmem>>, vector<1x32x24xf32>
        %get3A_1424 = vector.shape_cast %get3A_1423 : vector<1x32x24xf32> to vector<32x24xf32>
        %broadcast_in_dim3A_1425 = vector.shape_cast %get3A_1424 : vector<32x24xf32> to vector<32x24x1xf32>
        %get3A_1426 = arith.index_cast %add3A_1401 : i32 to index
        %get3A_1427 = arith.constant 0 : index
        %get3A_1428 = vector.load %arg3[%get3A_1426, %get3A_1427] : memref<5120x24xf32, #tpu.memory_space<vmem>>, vector<32x24xf32>
        %broadcast_in_dim3A_1429 = vector.shape_cast %get3A_1428 : vector<32x24xf32> to vector<32x24x1xf32>
        %get3A_1430 = arith.index_cast %add3A_1401 : i32 to index
        %get3A_1431 = arith.constant 0 : index
        %get3A_1432 = vector.load %arg7[%get3A_1430, %get3A_1431] : memref<5120x24xf32, #tpu.memory_space<vmem>>, vector<32x24xf32>
        %broadcast_in_dim3A_1433 = vector.shape_cast %get3A_1432 : vector<32x24xf32> to vector<32x24x1xf32>
        %min3A_1434 = vector.broadcast %broadcast_in_dim3A_1419 : vector<32x24x1xf32> to vector<32x24x128xf32>
        %min3A_1435 = vector.broadcast %broadcast_in_dim3A_60 : vector<1x24x128xf32> to vector<32x24x128xf32>
        %min3A_1436 = arith.minimumf %min3A_1434, %min3A_1435 : vector<32x24x128xf32>
        %max3A_1437 = vector.broadcast %broadcast_in_dim3A_1407 : vector<32x24x1xf32> to vector<32x24x128xf32>
        %max3A_1438 = vector.broadcast %broadcast_in_dim3A_48 : vector<1x24x128xf32> to vector<32x24x128xf32>
        %max3A_1439 = arith.maximumf %max3A_1437, %max3A_1438 : vector<32x24x128xf32>
        %sub3A_1440 = arith.subf %min3A_1436, %max3A_1439 : vector<32x24x128xf32>
        %jit3A_1441 = arith.constant 0.000000e+00 : f32
        %max3A_1442 = vector.broadcast %jit3A_1441 : f32 to vector<32x24x128xf32>
        %max3A_1443 = arith.maximumf %max3A_1442, %sub3A_1440 : vector<32x24x128xf32>
        %min3A_1444 = vector.broadcast %broadcast_in_dim3A_1425 : vector<32x24x1xf32> to vector<32x24x128xf32>
        %min3A_1445 = vector.broadcast %broadcast_in_dim3A_66 : vector<1x24x128xf32> to vector<32x24x128xf32>
        %min3A_1446 = arith.minimumf %min3A_1444, %min3A_1445 : vector<32x24x128xf32>
        %max3A_1447 = vector.broadcast %broadcast_in_dim3A_1413 : vector<32x24x1xf32> to vector<32x24x128xf32>
        %max3A_1448 = vector.broadcast %broadcast_in_dim3A_54 : vector<1x24x128xf32> to vector<32x24x128xf32>
        %max3A_1449 = arith.maximumf %max3A_1447, %max3A_1448 : vector<32x24x128xf32>
        %sub3A_1450 = arith.subf %min3A_1446, %max3A_1449 : vector<32x24x128xf32>
        %jit3A_1451 = arith.constant 0.000000e+00 : f32
        %max3A_1452 = vector.broadcast %jit3A_1451 : f32 to vector<32x24x128xf32>
        %max3A_1453 = arith.maximumf %max3A_1452, %sub3A_1450 : vector<32x24x128xf32>
        %mul3A_1454 = arith.mulf %max3A_1443, %max3A_1453 : vector<32x24x128xf32>
        %add3A_1455 = vector.broadcast %broadcast_in_dim3A_1429 : vector<32x24x1xf32> to vector<32x24x128xf32>
        %add3A_1456 = vector.broadcast %broadcast_in_dim3A_70 : vector<1x24x128xf32> to vector<32x24x128xf32>
        %add3A_1457 = arith.addf %add3A_1455, %add3A_1456 : vector<32x24x128xf32>
        %sub3A_1458 = arith.subf %add3A_1457, %mul3A_1454 : vector<32x24x128xf32>
        %add3A_1459 = arith.constant 9.99999971E-10 : f32
        %add3A_1460 = vector.broadcast %add3A_1459 : f32 to vector<32x24x128xf32>
        %add3A_1461 = arith.addf %sub3A_1458, %add3A_1460 : vector<32x24x128xf32>
        %div3A_1462 = arith.divf %mul3A_1454, %add3A_1461 : vector<32x24x128xf32>
        %gt3A_1463 = arith.constant 3.000000e-01 : f32
        %gt3A_1464 = vector.broadcast %gt3A_1463 : f32 to vector<32x24x128xf32>
        %gt3A_1465 = arith.cmpf ogt, %div3A_1462, %gt3A_1464 : vector<32x24x128xf32>
        %gt3A_1466 = arith.constant 5.000000e-01 : f32
        %gt3A_1467 = vector.broadcast %gt3A_1466 : f32 to vector<32x24x1xf32>
        %gt3A_1468 = arith.cmpf ogt, %broadcast_in_dim3A_1433, %gt3A_1467 : vector<32x24x1xf32>
        %and3A_1469 = vector.broadcast %gt3A_1468 : vector<32x24x1xi1> to vector<32x24x128xi1>
        %and3A_1470 = arith.andi %gt3A_1465, %and3A_1469 : vector<32x24x128xi1>
        %jit3A_1471 = arith.constant 1.000000e+00 : f32
        %jit3A_1472 = arith.constant 0.000000e+00 : f32
        %broadcast_in_dim3A_1473 = vector.broadcast %jit3A_1471 : f32 to vector<32x24x128xf32>
        %broadcast_in_dim3A_1474 = vector.broadcast %jit3A_1472 : f32 to vector<32x24x128xf32>
        %select_n3A_1475 = arith.select %and3A_1470, %broadcast_in_dim3A_1473, %broadcast_in_dim3A_1474 : vector<32x24x128xi1>, vector<32x24x128xf32>
        %reduce_max3A_1476 = arith.constant dense<0xFF800000> : vector<24x128xf32>
        %reduce_max3A_1477 = vector.multi_reduction <maximumf>, %select_n3A_1475, %reduce_max3A_1476 [0] : vector<32x24x128xf32> to vector<24x128xf32>
        %max3A_1478 = arith.maximumf %max3A_1399, %reduce_max3A_1477 : vector<24x128xf32>
        %add3A_1479 = arith.constant 64 : i32
        %add3A_1480 = arith.addi %mul3A_1320, %add3A_1479 : i32
        %get3A_1481 = arith.constant 0 : index
        %get3A_1482 = arith.index_cast %add3A_1480 : i32 to index
        %get3A_1483 = arith.constant 0 : index
        %get3A_1484 = vector.load %arg1[%get3A_1481, %get3A_1482, %get3A_1483] : memref<4x5120x24xf32, #tpu.memory_space<vmem>>, vector<1x32x24xf32>
        %get3A_1485 = vector.shape_cast %get3A_1484 : vector<1x32x24xf32> to vector<32x24xf32>
        %broadcast_in_dim3A_1486 = vector.shape_cast %get3A_1485 : vector<32x24xf32> to vector<32x24x1xf32>
        %get3A_1487 = arith.constant 1 : index
        %get3A_1488 = arith.index_cast %add3A_1480 : i32 to index
        %get3A_1489 = arith.constant 0 : index
        %get3A_1490 = vector.load %arg1[%get3A_1487, %get3A_1488, %get3A_1489] : memref<4x5120x24xf32, #tpu.memory_space<vmem>>, vector<1x32x24xf32>
        %get3A_1491 = vector.shape_cast %get3A_1490 : vector<1x32x24xf32> to vector<32x24xf32>
        %broadcast_in_dim3A_1492 = vector.shape_cast %get3A_1491 : vector<32x24xf32> to vector<32x24x1xf32>
        %get3A_1493 = arith.constant 2 : index
        %get3A_1494 = arith.index_cast %add3A_1480 : i32 to index
        %get3A_1495 = arith.constant 0 : index
        %get3A_1496 = vector.load %arg1[%get3A_1493, %get3A_1494, %get3A_1495] : memref<4x5120x24xf32, #tpu.memory_space<vmem>>, vector<1x32x24xf32>
        %get3A_1497 = vector.shape_cast %get3A_1496 : vector<1x32x24xf32> to vector<32x24xf32>
        %broadcast_in_dim3A_1498 = vector.shape_cast %get3A_1497 : vector<32x24xf32> to vector<32x24x1xf32>
        %get3A_1499 = arith.constant 3 : index
        %get3A_1500 = arith.index_cast %add3A_1480 : i32 to index
        %get3A_1501 = arith.constant 0 : index
        %get3A_1502 = vector.load %arg1[%get3A_1499, %get3A_1500, %get3A_1501] : memref<4x5120x24xf32, #tpu.memory_space<vmem>>, vector<1x32x24xf32>
        %get3A_1503 = vector.shape_cast %get3A_1502 : vector<1x32x24xf32> to vector<32x24xf32>
        %broadcast_in_dim3A_1504 = vector.shape_cast %get3A_1503 : vector<32x24xf32> to vector<32x24x1xf32>
        %get3A_1505 = arith.index_cast %add3A_1480 : i32 to index
        %get3A_1506 = arith.constant 0 : index
        %get3A_1507 = vector.load %arg3[%get3A_1505, %get3A_1506] : memref<5120x24xf32, #tpu.memory_space<vmem>>, vector<32x24xf32>
        %broadcast_in_dim3A_1508 = vector.shape_cast %get3A_1507 : vector<32x24xf32> to vector<32x24x1xf32>
        %get3A_1509 = arith.index_cast %add3A_1480 : i32 to index
        %get3A_1510 = arith.constant 0 : index
        %get3A_1511 = vector.load %arg7[%get3A_1509, %get3A_1510] : memref<5120x24xf32, #tpu.memory_space<vmem>>, vector<32x24xf32>
        %broadcast_in_dim3A_1512 = vector.shape_cast %get3A_1511 : vector<32x24xf32> to vector<32x24x1xf32>
        %min3A_1513 = vector.broadcast %broadcast_in_dim3A_1498 : vector<32x24x1xf32> to vector<32x24x128xf32>
        %min3A_1514 = vector.broadcast %broadcast_in_dim3A_60 : vector<1x24x128xf32> to vector<32x24x128xf32>
        %min3A_1515 = arith.minimumf %min3A_1513, %min3A_1514 : vector<32x24x128xf32>
        %max3A_1516 = vector.broadcast %broadcast_in_dim3A_1486 : vector<32x24x1xf32> to vector<32x24x128xf32>
        %max3A_1517 = vector.broadcast %broadcast_in_dim3A_48 : vector<1x24x128xf32> to vector<32x24x128xf32>
        %max3A_1518 = arith.maximumf %max3A_1516, %max3A_1517 : vector<32x24x128xf32>
        %sub3A_1519 = arith.subf %min3A_1515, %max3A_1518 : vector<32x24x128xf32>
        %jit3A_1520 = arith.constant 0.000000e+00 : f32
        %max3A_1521 = vector.broadcast %jit3A_1520 : f32 to vector<32x24x128xf32>
        %max3A_1522 = arith.maximumf %max3A_1521, %sub3A_1519 : vector<32x24x128xf32>
        %min3A_1523 = vector.broadcast %broadcast_in_dim3A_1504 : vector<32x24x1xf32> to vector<32x24x128xf32>
        %min3A_1524 = vector.broadcast %broadcast_in_dim3A_66 : vector<1x24x128xf32> to vector<32x24x128xf32>
        %min3A_1525 = arith.minimumf %min3A_1523, %min3A_1524 : vector<32x24x128xf32>
        %max3A_1526 = vector.broadcast %broadcast_in_dim3A_1492 : vector<32x24x1xf32> to vector<32x24x128xf32>
        %max3A_1527 = vector.broadcast %broadcast_in_dim3A_54 : vector<1x24x128xf32> to vector<32x24x128xf32>
        %max3A_1528 = arith.maximumf %max3A_1526, %max3A_1527 : vector<32x24x128xf32>
        %sub3A_1529 = arith.subf %min3A_1525, %max3A_1528 : vector<32x24x128xf32>
        %jit3A_1530 = arith.constant 0.000000e+00 : f32
        %max3A_1531 = vector.broadcast %jit3A_1530 : f32 to vector<32x24x128xf32>
        %max3A_1532 = arith.maximumf %max3A_1531, %sub3A_1529 : vector<32x24x128xf32>
        %mul3A_1533 = arith.mulf %max3A_1522, %max3A_1532 : vector<32x24x128xf32>
        %add3A_1534 = vector.broadcast %broadcast_in_dim3A_1508 : vector<32x24x1xf32> to vector<32x24x128xf32>
        %add3A_1535 = vector.broadcast %broadcast_in_dim3A_70 : vector<1x24x128xf32> to vector<32x24x128xf32>
        %add3A_1536 = arith.addf %add3A_1534, %add3A_1535 : vector<32x24x128xf32>
        %sub3A_1537 = arith.subf %add3A_1536, %mul3A_1533 : vector<32x24x128xf32>
        %add3A_1538 = arith.constant 9.99999971E-10 : f32
        %add3A_1539 = vector.broadcast %add3A_1538 : f32 to vector<32x24x128xf32>
        %add3A_1540 = arith.addf %sub3A_1537, %add3A_1539 : vector<32x24x128xf32>
        %div3A_1541 = arith.divf %mul3A_1533, %add3A_1540 : vector<32x24x128xf32>
        %gt3A_1542 = arith.constant 3.000000e-01 : f32
        %gt3A_1543 = vector.broadcast %gt3A_1542 : f32 to vector<32x24x128xf32>
        %gt3A_1544 = arith.cmpf ogt, %div3A_1541, %gt3A_1543 : vector<32x24x128xf32>
        %gt3A_1545 = arith.constant 5.000000e-01 : f32
        %gt3A_1546 = vector.broadcast %gt3A_1545 : f32 to vector<32x24x1xf32>
        %gt3A_1547 = arith.cmpf ogt, %broadcast_in_dim3A_1512, %gt3A_1546 : vector<32x24x1xf32>
        %and3A_1548 = vector.broadcast %gt3A_1547 : vector<32x24x1xi1> to vector<32x24x128xi1>
        %and3A_1549 = arith.andi %gt3A_1544, %and3A_1548 : vector<32x24x128xi1>
        %jit3A_1550 = arith.constant 1.000000e+00 : f32
        %jit3A_1551 = arith.constant 0.000000e+00 : f32
        %broadcast_in_dim3A_1552 = vector.broadcast %jit3A_1550 : f32 to vector<32x24x128xf32>
        %broadcast_in_dim3A_1553 = vector.broadcast %jit3A_1551 : f32 to vector<32x24x128xf32>
        %select_n3A_1554 = arith.select %and3A_1549, %broadcast_in_dim3A_1552, %broadcast_in_dim3A_1553 : vector<32x24x128xi1>, vector<32x24x128xf32>
        %reduce_max3A_1555 = arith.constant dense<0xFF800000> : vector<24x128xf32>
        %reduce_max3A_1556 = vector.multi_reduction <maximumf>, %select_n3A_1554, %reduce_max3A_1555 [0] : vector<32x24x128xf32> to vector<24x128xf32>
        %max3A_1557 = arith.maximumf %max3A_1478, %reduce_max3A_1556 : vector<24x128xf32>
        %add3A_1558 = arith.constant 96 : i32
        %add3A_1559 = arith.addi %mul3A_1320, %add3A_1558 : i32
        %get3A_1560 = arith.constant 0 : index
        %get3A_1561 = arith.index_cast %add3A_1559 : i32 to index
        %get3A_1562 = arith.constant 0 : index
        %get3A_1563 = vector.load %arg1[%get3A_1560, %get3A_1561, %get3A_1562] : memref<4x5120x24xf32, #tpu.memory_space<vmem>>, vector<1x32x24xf32>
        %get3A_1564 = vector.shape_cast %get3A_1563 : vector<1x32x24xf32> to vector<32x24xf32>
        %broadcast_in_dim3A_1565 = vector.shape_cast %get3A_1564 : vector<32x24xf32> to vector<32x24x1xf32>
        %get3A_1566 = arith.constant 1 : index
        %get3A_1567 = arith.index_cast %add3A_1559 : i32 to index
        %get3A_1568 = arith.constant 0 : index
        %get3A_1569 = vector.load %arg1[%get3A_1566, %get3A_1567, %get3A_1568] : memref<4x5120x24xf32, #tpu.memory_space<vmem>>, vector<1x32x24xf32>
        %get3A_1570 = vector.shape_cast %get3A_1569 : vector<1x32x24xf32> to vector<32x24xf32>
        %broadcast_in_dim3A_1571 = vector.shape_cast %get3A_1570 : vector<32x24xf32> to vector<32x24x1xf32>
        %get3A_1572 = arith.constant 2 : index
        %get3A_1573 = arith.index_cast %add3A_1559 : i32 to index
        %get3A_1574 = arith.constant 0 : index
        %get3A_1575 = vector.load %arg1[%get3A_1572, %get3A_1573, %get3A_1574] : memref<4x5120x24xf32, #tpu.memory_space<vmem>>, vector<1x32x24xf32>
        %get3A_1576 = vector.shape_cast %get3A_1575 : vector<1x32x24xf32> to vector<32x24xf32>
        %broadcast_in_dim3A_1577 = vector.shape_cast %get3A_1576 : vector<32x24xf32> to vector<32x24x1xf32>
        %get3A_1578 = arith.constant 3 : index
        %get3A_1579 = arith.index_cast %add3A_1559 : i32 to index
        %get3A_1580 = arith.constant 0 : index
        %get3A_1581 = vector.load %arg1[%get3A_1578, %get3A_1579, %get3A_1580] : memref<4x5120x24xf32, #tpu.memory_space<vmem>>, vector<1x32x24xf32>
        %get3A_1582 = vector.shape_cast %get3A_1581 : vector<1x32x24xf32> to vector<32x24xf32>
        %broadcast_in_dim3A_1583 = vector.shape_cast %get3A_1582 : vector<32x24xf32> to vector<32x24x1xf32>
        %get3A_1584 = arith.index_cast %add3A_1559 : i32 to index
        %get3A_1585 = arith.constant 0 : index
        %get3A_1586 = vector.load %arg3[%get3A_1584, %get3A_1585] : memref<5120x24xf32, #tpu.memory_space<vmem>>, vector<32x24xf32>
        %broadcast_in_dim3A_1587 = vector.shape_cast %get3A_1586 : vector<32x24xf32> to vector<32x24x1xf32>
        %get3A_1588 = arith.index_cast %add3A_1559 : i32 to index
        %get3A_1589 = arith.constant 0 : index
        %get3A_1590 = vector.load %arg7[%get3A_1588, %get3A_1589] : memref<5120x24xf32, #tpu.memory_space<vmem>>, vector<32x24xf32>
        %broadcast_in_dim3A_1591 = vector.shape_cast %get3A_1590 : vector<32x24xf32> to vector<32x24x1xf32>
        %min3A_1592 = vector.broadcast %broadcast_in_dim3A_1577 : vector<32x24x1xf32> to vector<32x24x128xf32>
        %min3A_1593 = vector.broadcast %broadcast_in_dim3A_60 : vector<1x24x128xf32> to vector<32x24x128xf32>
        %min3A_1594 = arith.minimumf %min3A_1592, %min3A_1593 : vector<32x24x128xf32>
        %max3A_1595 = vector.broadcast %broadcast_in_dim3A_1565 : vector<32x24x1xf32> to vector<32x24x128xf32>
        %max3A_1596 = vector.broadcast %broadcast_in_dim3A_48 : vector<1x24x128xf32> to vector<32x24x128xf32>
        %max3A_1597 = arith.maximumf %max3A_1595, %max3A_1596 : vector<32x24x128xf32>
        %sub3A_1598 = arith.subf %min3A_1594, %max3A_1597 : vector<32x24x128xf32>
        %jit3A_1599 = arith.constant 0.000000e+00 : f32
        %max3A_1600 = vector.broadcast %jit3A_1599 : f32 to vector<32x24x128xf32>
        %max3A_1601 = arith.maximumf %max3A_1600, %sub3A_1598 : vector<32x24x128xf32>
        %min3A_1602 = vector.broadcast %broadcast_in_dim3A_1583 : vector<32x24x1xf32> to vector<32x24x128xf32>
        %min3A_1603 = vector.broadcast %broadcast_in_dim3A_66 : vector<1x24x128xf32> to vector<32x24x128xf32>
        %min3A_1604 = arith.minimumf %min3A_1602, %min3A_1603 : vector<32x24x128xf32>
        %max3A_1605 = vector.broadcast %broadcast_in_dim3A_1571 : vector<32x24x1xf32> to vector<32x24x128xf32>
        %max3A_1606 = vector.broadcast %broadcast_in_dim3A_54 : vector<1x24x128xf32> to vector<32x24x128xf32>
        %max3A_1607 = arith.maximumf %max3A_1605, %max3A_1606 : vector<32x24x128xf32>
        %sub3A_1608 = arith.subf %min3A_1604, %max3A_1607 : vector<32x24x128xf32>
        %jit3A_1609 = arith.constant 0.000000e+00 : f32
        %max3A_1610 = vector.broadcast %jit3A_1609 : f32 to vector<32x24x128xf32>
        %max3A_1611 = arith.maximumf %max3A_1610, %sub3A_1608 : vector<32x24x128xf32>
        %mul3A_1612 = arith.mulf %max3A_1601, %max3A_1611 : vector<32x24x128xf32>
        %add3A_1613 = vector.broadcast %broadcast_in_dim3A_1587 : vector<32x24x1xf32> to vector<32x24x128xf32>
        %add3A_1614 = vector.broadcast %broadcast_in_dim3A_70 : vector<1x24x128xf32> to vector<32x24x128xf32>
        %add3A_1615 = arith.addf %add3A_1613, %add3A_1614 : vector<32x24x128xf32>
        %sub3A_1616 = arith.subf %add3A_1615, %mul3A_1612 : vector<32x24x128xf32>
        %add3A_1617 = arith.constant 9.99999971E-10 : f32
        %add3A_1618 = vector.broadcast %add3A_1617 : f32 to vector<32x24x128xf32>
        %add3A_1619 = arith.addf %sub3A_1616, %add3A_1618 : vector<32x24x128xf32>
        %div3A_1620 = arith.divf %mul3A_1612, %add3A_1619 : vector<32x24x128xf32>
        %gt3A_1621 = arith.constant 3.000000e-01 : f32
        %gt3A_1622 = vector.broadcast %gt3A_1621 : f32 to vector<32x24x128xf32>
        %gt3A_1623 = arith.cmpf ogt, %div3A_1620, %gt3A_1622 : vector<32x24x128xf32>
        %gt3A_1624 = arith.constant 5.000000e-01 : f32
        %gt3A_1625 = vector.broadcast %gt3A_1624 : f32 to vector<32x24x1xf32>
        %gt3A_1626 = arith.cmpf ogt, %broadcast_in_dim3A_1591, %gt3A_1625 : vector<32x24x1xf32>
        %and3A_1627 = vector.broadcast %gt3A_1626 : vector<32x24x1xi1> to vector<32x24x128xi1>
        %and3A_1628 = arith.andi %gt3A_1623, %and3A_1627 : vector<32x24x128xi1>
        %jit3A_1629 = arith.constant 1.000000e+00 : f32
        %jit3A_1630 = arith.constant 0.000000e+00 : f32
        %broadcast_in_dim3A_1631 = vector.broadcast %jit3A_1629 : f32 to vector<32x24x128xf32>
        %broadcast_in_dim3A_1632 = vector.broadcast %jit3A_1630 : f32 to vector<32x24x128xf32>
        %select_n3A_1633 = arith.select %and3A_1628, %broadcast_in_dim3A_1631, %broadcast_in_dim3A_1632 : vector<32x24x128xi1>, vector<32x24x128xf32>
        %reduce_max3A_1634 = arith.constant dense<0xFF800000> : vector<24x128xf32>
        %reduce_max3A_1635 = vector.multi_reduction <maximumf>, %select_n3A_1633, %reduce_max3A_1634 [0] : vector<32x24x128xf32> to vector<24x128xf32>
        %max3A_1636 = arith.maximumf %max3A_1557, %reduce_max3A_1635 : vector<24x128xf32>
        scf.yield %max3A_1636 : vector<24x128xf32>
      }
      %while3A_82 = arith.constant 1 : i32
      %while3A_83 = scf.for %while3A_1317 = %while3A_79 to %while3A_75 step %while3A_82 iter_args(%while3A_1318 = %while3A_81) -> (vector<24x128xf32>)  : i32 {
        %mul3A_1319 = arith.constant 128 : i32
        %mul3A_1320 = arith.muli %while3A_1317, %mul3A_1319 : i32
        %add3A_1321 = arith.constant 0 : i32
        %add3A_1322 = arith.addi %mul3A_1320, %add3A_1321 : i32
        %get3A_1323 = arith.constant 0 : index
        %get3A_1324 = arith.index_cast %add3A_1322 : i32 to index
        %get3A_1325 = arith.constant 0 : index
        %get3A_1326 = vector.load %arg1[%get3A_1323, %get3A_1324, %get3A_1325] : memref<4x5120x24xf32, #tpu.memory_space<vmem>>, vector<1x32x24xf32>
        %get3A_1327 = vector.shape_cast %get3A_1326 : vector<1x32x24xf32> to vector<32x24xf32>
        %broadcast_in_dim3A_1328 = vector.shape_cast %get3A_1327 : vector<32x24xf32> to vector<32x24x1xf32>
        %get3A_1329 = arith.constant 1 : index
        %get3A_1330 = arith.index_cast %add3A_1322 : i32 to index
        %get3A_1331 = arith.constant 0 : index
        %get3A_1332 = vector.load %arg1[%get3A_1329, %get3A_1330, %get3A_1331] : memref<4x5120x24xf32, #tpu.memory_space<vmem>>, vector<1x32x24xf32>
        %get3A_1333 = vector.shape_cast %get3A_1332 : vector<1x32x24xf32> to vector<32x24xf32>
        %broadcast_in_dim3A_1334 = vector.shape_cast %get3A_1333 : vector<32x24xf32> to vector<32x24x1xf32>
        %get3A_1335 = arith.constant 2 : index
        %get3A_1336 = arith.index_cast %add3A_1322 : i32 to index
        %get3A_1337 = arith.constant 0 : index
        %get3A_1338 = vector.load %arg1[%get3A_1335, %get3A_1336, %get3A_1337] : memref<4x5120x24xf32, #tpu.memory_space<vmem>>, vector<1x32x24xf32>
        %get3A_1339 = vector.shape_cast %get3A_1338 : vector<1x32x24xf32> to vector<32x24xf32>
        %broadcast_in_dim3A_1340 = vector.shape_cast %get3A_1339 : vector<32x24xf32> to vector<32x24x1xf32>
        %get3A_1341 = arith.constant 3 : index
        %get3A_1342 = arith.index_cast %add3A_1322 : i32 to index
        %get3A_1343 = arith.constant 0 : index
        %get3A_1344 = vector.load %arg1[%get3A_1341, %get3A_1342, %get3A_1343] : memref<4x5120x24xf32, #tpu.memory_space<vmem>>, vector<1x32x24xf32>
        %get3A_1345 = vector.shape_cast %get3A_1344 : vector<1x32x24xf32> to vector<32x24xf32>
        %broadcast_in_dim3A_1346 = vector.shape_cast %get3A_1345 : vector<32x24xf32> to vector<32x24x1xf32>
        %get3A_1347 = arith.index_cast %add3A_1322 : i32 to index
        %get3A_1348 = arith.constant 0 : index
        %get3A_1349 = vector.load %arg3[%get3A_1347, %get3A_1348] : memref<5120x24xf32, #tpu.memory_space<vmem>>, vector<32x24xf32>
        %broadcast_in_dim3A_1350 = vector.shape_cast %get3A_1349 : vector<32x24xf32> to vector<32x24x1xf32>
        %get3A_1351 = arith.index_cast %add3A_1322 : i32 to index
        %get3A_1352 = arith.constant 0 : index
        %get3A_1353 = vector.load %arg7[%get3A_1351, %get3A_1352] : memref<5120x24xf32, #tpu.memory_space<vmem>>, vector<32x24xf32>
        %broadcast_in_dim3A_1354 = vector.shape_cast %get3A_1353 : vector<32x24xf32> to vector<32x24x1xf32>
        %min3A_1355 = vector.broadcast %broadcast_in_dim3A_1340 : vector<32x24x1xf32> to vector<32x24x128xf32>
        %min3A_1356 = vector.broadcast %broadcast_in_dim3A_60 : vector<1x24x128xf32> to vector<32x24x128xf32>
        %min3A_1357 = arith.minimumf %min3A_1355, %min3A_1356 : vector<32x24x128xf32>
        %max3A_1358 = vector.broadcast %broadcast_in_dim3A_1328 : vector<32x24x1xf32> to vector<32x24x128xf32>
        %max3A_1359 = vector.broadcast %broadcast_in_dim3A_48 : vector<1x24x128xf32> to vector<32x24x128xf32>
        %max3A_1360 = arith.maximumf %max3A_1358, %max3A_1359 : vector<32x24x128xf32>
        %sub3A_1361 = arith.subf %min3A_1357, %max3A_1360 : vector<32x24x128xf32>
        %jit3A_1362 = arith.constant 0.000000e+00 : f32
        %max3A_1363 = vector.broadcast %jit3A_1362 : f32 to vector<32x24x128xf32>
        %max3A_1364 = arith.maximumf %max3A_1363, %sub3A_1361 : vector<32x24x128xf32>
        %min3A_1365 = vector.broadcast %broadcast_in_dim3A_1346 : vector<32x24x1xf32> to vector<32x24x128xf32>
        %min3A_1366 = vector.broadcast %broadcast_in_dim3A_66 : vector<1x24x128xf32> to vector<32x24x128xf32>
        %min3A_1367 = arith.minimumf %min3A_1365, %min3A_1366 : vector<32x24x128xf32>
        %max3A_1368 = vector.broadcast %broadcast_in_dim3A_1334 : vector<32x24x1xf32> to vector<32x24x128xf32>
        %max3A_1369 = vector.broadcast %broadcast_in_dim3A_54 : vector<1x24x128xf32> to vector<32x24x128xf32>
        %max3A_1370 = arith.maximumf %max3A_1368, %max3A_1369 : vector<32x24x128xf32>
        %sub3A_1371 = arith.subf %min3A_1367, %max3A_1370 : vector<32x24x128xf32>
        %jit3A_1372 = arith.constant 0.000000e+00 : f32
        %max3A_1373 = vector.broadcast %jit3A_1372 : f32 to vector<32x24x128xf32>
        %max3A_1374 = arith.maximumf %max3A_1373, %sub3A_1371 : vector<32x24x128xf32>
        %mul3A_1375 = arith.mulf %max3A_1364, %max3A_1374 : vector<32x24x128xf32>
        %add3A_1376 = vector.broadcast %broadcast_in_dim3A_1350 : vector<32x24x1xf32> to vector<32x24x128xf32>
        %add3A_1377 = vector.broadcast %broadcast_in_dim3A_70 : vector<1x24x128xf32> to vector<32x24x128xf32>
        %add3A_1378 = arith.addf %add3A_1376, %add3A_1377 : vector<32x24x128xf32>
        %sub3A_1379 = arith.subf %add3A_1378, %mul3A_1375 : vector<32x24x128xf32>
        %add3A_1380 = arith.constant 9.99999971E-10 : f32
        %add3A_1381 = vector.broadcast %add3A_1380 : f32 to vector<32x24x128xf32>
        %add3A_1382 = arith.addf %sub3A_1379, %add3A_1381 : vector<32x24x128xf32>
        %div3A_1383 = arith.divf %mul3A_1375, %add3A_1382 : vector<32x24x128xf32>
        %gt3A_1384 = arith.constant 3.000000e-01 : f32
        %gt3A_1385 = vector.broadcast %gt3A_1384 : f32 to vector<32x24x128xf32>
        %gt3A_1386 = arith.cmpf ogt, %div3A_1383, %gt3A_1385 : vector<32x24x128xf32>
        %gt3A_1387 = arith.constant 5.000000e-01 : f32
        %gt3A_1388 = vector.broadcast %gt3A_1387 : f32 to vector<32x24x1xf32>
        %gt3A_1389 = arith.cmpf ogt, %broadcast_in_dim3A_1354, %gt3A_1388 : vector<32x24x1xf32>
        %and3A_1390 = vector.broadcast %gt3A_1389 : vector<32x24x1xi1> to vector<32x24x128xi1>
        %and3A_1391 = arith.andi %gt3A_1386, %and3A_1390 : vector<32x24x128xi1>
        %jit3A_1392 = arith.constant 1.000000e+00 : f32
        %jit3A_1393 = arith.constant 0.000000e+00 : f32
        %broadcast_in_dim3A_1394 = vector.broadcast %jit3A_1392 : f32 to vector<32x24x128xf32>
        %broadcast_in_dim3A_1395 = vector.broadcast %jit3A_1393 : f32 to vector<32x24x128xf32>
        %select_n3A_1396 = arith.select %and3A_1391, %broadcast_in_dim3A_1394, %broadcast_in_dim3A_1395 : vector<32x24x128xi1>, vector<32x24x128xf32>
        %reduce_max3A_1397 = arith.constant dense<0xFF800000> : vector<24x128xf32>
        %reduce_max3A_1398 = vector.multi_reduction <maximumf>, %select_n3A_1396, %reduce_max3A_1397 [0] : vector<32x24x128xf32> to vector<24x128xf32>
        %max3A_1399 = arith.maximumf %while3A_1318, %reduce_max3A_1398 : vector<24x128xf32>
        %add3A_1400 = arith.constant 32 : i32
        %add3A_1401 = arith.addi %mul3A_1320, %add3A_1400 : i32
        %get3A_1402 = arith.constant 0 : index
        %get3A_1403 = arith.index_cast %add3A_1401 : i32 to index
        %get3A_1404 = arith.constant 0 : index
        %get3A_1405 = vector.load %arg1[%get3A_1402, %get3A_1403, %get3A_1404] : memref<4x5120x24xf32, #tpu.memory_space<vmem>>, vector<1x32x24xf32>
        %get3A_1406 = vector.shape_cast %get3A_1405 : vector<1x32x24xf32> to vector<32x24xf32>
        %broadcast_in_dim3A_1407 = vector.shape_cast %get3A_1406 : vector<32x24xf32> to vector<32x24x1xf32>
        %get3A_1408 = arith.constant 1 : index
        %get3A_1409 = arith.index_cast %add3A_1401 : i32 to index
        %get3A_1410 = arith.constant 0 : index
        %get3A_1411 = vector.load %arg1[%get3A_1408, %get3A_1409, %get3A_1410] : memref<4x5120x24xf32, #tpu.memory_space<vmem>>, vector<1x32x24xf32>
        %get3A_1412 = vector.shape_cast %get3A_1411 : vector<1x32x24xf32> to vector<32x24xf32>
        %broadcast_in_dim3A_1413 = vector.shape_cast %get3A_1412 : vector<32x24xf32> to vector<32x24x1xf32>
        %get3A_1414 = arith.constant 2 : index
        %get3A_1415 = arith.index_cast %add3A_1401 : i32 to index
        %get3A_1416 = arith.constant 0 : index
        %get3A_1417 = vector.load %arg1[%get3A_1414, %get3A_1415, %get3A_1416] : memref<4x5120x24xf32, #tpu.memory_space<vmem>>, vector<1x32x24xf32>
        %get3A_1418 = vector.shape_cast %get3A_1417 : vector<1x32x24xf32> to vector<32x24xf32>
        %broadcast_in_dim3A_1419 = vector.shape_cast %get3A_1418 : vector<32x24xf32> to vector<32x24x1xf32>
        %get3A_1420 = arith.constant 3 : index
        %get3A_1421 = arith.index_cast %add3A_1401 : i32 to index
        %get3A_1422 = arith.constant 0 : index
        %get3A_1423 = vector.load %arg1[%get3A_1420, %get3A_1421, %get3A_1422] : memref<4x5120x24xf32, #tpu.memory_space<vmem>>, vector<1x32x24xf32>
        %get3A_1424 = vector.shape_cast %get3A_1423 : vector<1x32x24xf32> to vector<32x24xf32>
        %broadcast_in_dim3A_1425 = vector.shape_cast %get3A_1424 : vector<32x24xf32> to vector<32x24x1xf32>
        %get3A_1426 = arith.index_cast %add3A_1401 : i32 to index
        %get3A_1427 = arith.constant 0 : index
        %get3A_1428 = vector.load %arg3[%get3A_1426, %get3A_1427] : memref<5120x24xf32, #tpu.memory_space<vmem>>, vector<32x24xf32>
        %broadcast_in_dim3A_1429 = vector.shape_cast %get3A_1428 : vector<32x24xf32> to vector<32x24x1xf32>
        %get3A_1430 = arith.index_cast %add3A_1401 : i32 to index
        %get3A_1431 = arith.constant 0 : index
        %get3A_1432 = vector.load %arg7[%get3A_1430, %get3A_1431] : memref<5120x24xf32, #tpu.memory_space<vmem>>, vector<32x24xf32>
        %broadcast_in_dim3A_1433 = vector.shape_cast %get3A_1432 : vector<32x24xf32> to vector<32x24x1xf32>
        %min3A_1434 = vector.broadcast %broadcast_in_dim3A_1419 : vector<32x24x1xf32> to vector<32x24x128xf32>
        %min3A_1435 = vector.broadcast %broadcast_in_dim3A_60 : vector<1x24x128xf32> to vector<32x24x128xf32>
        %min3A_1436 = arith.minimumf %min3A_1434, %min3A_1435 : vector<32x24x128xf32>
        %max3A_1437 = vector.broadcast %broadcast_in_dim3A_1407 : vector<32x24x1xf32> to vector<32x24x128xf32>
        %max3A_1438 = vector.broadcast %broadcast_in_dim3A_48 : vector<1x24x128xf32> to vector<32x24x128xf32>
        %max3A_1439 = arith.maximumf %max3A_1437, %max3A_1438 : vector<32x24x128xf32>
        %sub3A_1440 = arith.subf %min3A_1436, %max3A_1439 : vector<32x24x128xf32>
        %jit3A_1441 = arith.constant 0.000000e+00 : f32
        %max3A_1442 = vector.broadcast %jit3A_1441 : f32 to vector<32x24x128xf32>
        %max3A_1443 = arith.maximumf %max3A_1442, %sub3A_1440 : vector<32x24x128xf32>
        %min3A_1444 = vector.broadcast %broadcast_in_dim3A_1425 : vector<32x24x1xf32> to vector<32x24x128xf32>
        %min3A_1445 = vector.broadcast %broadcast_in_dim3A_66 : vector<1x24x128xf32> to vector<32x24x128xf32>
        %min3A_1446 = arith.minimumf %min3A_1444, %min3A_1445 : vector<32x24x128xf32>
        %max3A_1447 = vector.broadcast %broadcast_in_dim3A_1413 : vector<32x24x1xf32> to vector<32x24x128xf32>
        %max3A_1448 = vector.broadcast %broadcast_in_dim3A_54 : vector<1x24x128xf32> to vector<32x24x128xf32>
        %max3A_1449 = arith.maximumf %max3A_1447, %max3A_1448 : vector<32x24x128xf32>
        %sub3A_1450 = arith.subf %min3A_1446, %max3A_1449 : vector<32x24x128xf32>
        %jit3A_1451 = arith.constant 0.000000e+00 : f32
        %max3A_1452 = vector.broadcast %jit3A_1451 : f32 to vector<32x24x128xf32>
        %max3A_1453 = arith.maximumf %max3A_1452, %sub3A_1450 : vector<32x24x128xf32>
        %mul3A_1454 = arith.mulf %max3A_1443, %max3A_1453 : vector<32x24x128xf32>
        %add3A_1455 = vector.broadcast %broadcast_in_dim3A_1429 : vector<32x24x1xf32> to vector<32x24x128xf32>
        %add3A_1456 = vector.broadcast %broadcast_in_dim3A_70 : vector<1x24x128xf32> to vector<32x24x128xf32>
        %add3A_1457 = arith.addf %add3A_1455, %add3A_1456 : vector<32x24x128xf32>
        %sub3A_1458 = arith.subf %add3A_1457, %mul3A_1454 : vector<32x24x128xf32>
        %add3A_1459 = arith.constant 9.99999971E-10 : f32
        %add3A_1460 = vector.broadcast %add3A_1459 : f32 to vector<32x24x128xf32>
        %add3A_1461 = arith.addf %sub3A_1458, %add3A_1460 : vector<32x24x128xf32>
        %div3A_1462 = arith.divf %mul3A_1454, %add3A_1461 : vector<32x24x128xf32>
        %gt3A_1463 = arith.constant 3.000000e-01 : f32
        %gt3A_1464 = vector.broadcast %gt3A_1463 : f32 to vector<32x24x128xf32>
        %gt3A_1465 = arith.cmpf ogt, %div3A_1462, %gt3A_1464 : vector<32x24x128xf32>
        %gt3A_1466 = arith.constant 5.000000e-01 : f32
        %gt3A_1467 = vector.broadcast %gt3A_1466 : f32 to vector<32x24x1xf32>
        %gt3A_1468 = arith.cmpf ogt, %broadcast_in_dim3A_1433, %gt3A_1467 : vector<32x24x1xf32>
        %and3A_1469 = vector.broadcast %gt3A_1468 : vector<32x24x1xi1> to vector<32x24x128xi1>
        %and3A_1470 = arith.andi %gt3A_1465, %and3A_1469 : vector<32x24x128xi1>
        %jit3A_1471 = arith.constant 1.000000e+00 : f32
        %jit3A_1472 = arith.constant 0.000000e+00 : f32
        %broadcast_in_dim3A_1473 = vector.broadcast %jit3A_1471 : f32 to vector<32x24x128xf32>
        %broadcast_in_dim3A_1474 = vector.broadcast %jit3A_1472 : f32 to vector<32x24x128xf32>
        %select_n3A_1475 = arith.select %and3A_1470, %broadcast_in_dim3A_1473, %broadcast_in_dim3A_1474 : vector<32x24x128xi1>, vector<32x24x128xf32>
        %reduce_max3A_1476 = arith.constant dense<0xFF800000> : vector<24x128xf32>
        %reduce_max3A_1477 = vector.multi_reduction <maximumf>, %select_n3A_1475, %reduce_max3A_1476 [0] : vector<32x24x128xf32> to vector<24x128xf32>
        %max3A_1478 = arith.maximumf %max3A_1399, %reduce_max3A_1477 : vector<24x128xf32>
        %add3A_1479 = arith.constant 64 : i32
        %add3A_1480 = arith.addi %mul3A_1320, %add3A_1479 : i32
        %get3A_1481 = arith.constant 0 : index
        %get3A_1482 = arith.index_cast %add3A_1480 : i32 to index
        %get3A_1483 = arith.constant 0 : index
        %get3A_1484 = vector.load %arg1[%get3A_1481, %get3A_1482, %get3A_1483] : memref<4x5120x24xf32, #tpu.memory_space<vmem>>, vector<1x32x24xf32>
        %get3A_1485 = vector.shape_cast %get3A_1484 : vector<1x32x24xf32> to vector<32x24xf32>
        %broadcast_in_dim3A_1486 = vector.shape_cast %get3A_1485 : vector<32x24xf32> to vector<32x24x1xf32>
        %get3A_1487 = arith.constant 1 : index
        %get3A_1488 = arith.index_cast %add3A_1480 : i32 to index
        %get3A_1489 = arith.constant 0 : index
        %get3A_1490 = vector.load %arg1[%get3A_1487, %get3A_1488, %get3A_1489] : memref<4x5120x24xf32, #tpu.memory_space<vmem>>, vector<1x32x24xf32>
        %get3A_1491 = vector.shape_cast %get3A_1490 : vector<1x32x24xf32> to vector<32x24xf32>
        %broadcast_in_dim3A_1492 = vector.shape_cast %get3A_1491 : vector<32x24xf32> to vector<32x24x1xf32>
        %get3A_1493 = arith.constant 2 : index
        %get3A_1494 = arith.index_cast %add3A_1480 : i32 to index
        %get3A_1495 = arith.constant 0 : index
        %get3A_1496 = vector.load %arg1[%get3A_1493, %get3A_1494, %get3A_1495] : memref<4x5120x24xf32, #tpu.memory_space<vmem>>, vector<1x32x24xf32>
        %get3A_1497 = vector.shape_cast %get3A_1496 : vector<1x32x24xf32> to vector<32x24xf32>
        %broadcast_in_dim3A_1498 = vector.shape_cast %get3A_1497 : vector<32x24xf32> to vector<32x24x1xf32>
        %get3A_1499 = arith.constant 3 : index
        %get3A_1500 = arith.index_cast %add3A_1480 : i32 to index
        %get3A_1501 = arith.constant 0 : index
        %get3A_1502 = vector.load %arg1[%get3A_1499, %get3A_1500, %get3A_1501] : memref<4x5120x24xf32, #tpu.memory_space<vmem>>, vector<1x32x24xf32>
        %get3A_1503 = vector.shape_cast %get3A_1502 : vector<1x32x24xf32> to vector<32x24xf32>
        %broadcast_in_dim3A_1504 = vector.shape_cast %get3A_1503 : vector<32x24xf32> to vector<32x24x1xf32>
        %get3A_1505 = arith.index_cast %add3A_1480 : i32 to index
        %get3A_1506 = arith.constant 0 : index
        %get3A_1507 = vector.load %arg3[%get3A_1505, %get3A_1506] : memref<5120x24xf32, #tpu.memory_space<vmem>>, vector<32x24xf32>
        %broadcast_in_dim3A_1508 = vector.shape_cast %get3A_1507 : vector<32x24xf32> to vector<32x24x1xf32>
        %get3A_1509 = arith.index_cast %add3A_1480 : i32 to index
        %get3A_1510 = arith.constant 0 : index
        %get3A_1511 = vector.load %arg7[%get3A_1509, %get3A_1510] : memref<5120x24xf32, #tpu.memory_space<vmem>>, vector<32x24xf32>
        %broadcast_in_dim3A_1512 = vector.shape_cast %get3A_1511 : vector<32x24xf32> to vector<32x24x1xf32>
        %min3A_1513 = vector.broadcast %broadcast_in_dim3A_1498 : vector<32x24x1xf32> to vector<32x24x128xf32>
        %min3A_1514 = vector.broadcast %broadcast_in_dim3A_60 : vector<1x24x128xf32> to vector<32x24x128xf32>
        %min3A_1515 = arith.minimumf %min3A_1513, %min3A_1514 : vector<32x24x128xf32>
        %max3A_1516 = vector.broadcast %broadcast_in_dim3A_1486 : vector<32x24x1xf32> to vector<32x24x128xf32>
        %max3A_1517 = vector.broadcast %broadcast_in_dim3A_48 : vector<1x24x128xf32> to vector<32x24x128xf32>
        %max3A_1518 = arith.maximumf %max3A_1516, %max3A_1517 : vector<32x24x128xf32>
        %sub3A_1519 = arith.subf %min3A_1515, %max3A_1518 : vector<32x24x128xf32>
        %jit3A_1520 = arith.constant 0.000000e+00 : f32
        %max3A_1521 = vector.broadcast %jit3A_1520 : f32 to vector<32x24x128xf32>
        %max3A_1522 = arith.maximumf %max3A_1521, %sub3A_1519 : vector<32x24x128xf32>
        %min3A_1523 = vector.broadcast %broadcast_in_dim3A_1504 : vector<32x24x1xf32> to vector<32x24x128xf32>
        %min3A_1524 = vector.broadcast %broadcast_in_dim3A_66 : vector<1x24x128xf32> to vector<32x24x128xf32>
        %min3A_1525 = arith.minimumf %min3A_1523, %min3A_1524 : vector<32x24x128xf32>
        %max3A_1526 = vector.broadcast %broadcast_in_dim3A_1492 : vector<32x24x1xf32> to vector<32x24x128xf32>
        %max3A_1527 = vector.broadcast %broadcast_in_dim3A_54 : vector<1x24x128xf32> to vector<32x24x128xf32>
        %max3A_1528 = arith.maximumf %max3A_1526, %max3A_1527 : vector<32x24x128xf32>
        %sub3A_1529 = arith.subf %min3A_1525, %max3A_1528 : vector<32x24x128xf32>
        %jit3A_1530 = arith.constant 0.000000e+00 : f32
        %max3A_1531 = vector.broadcast %jit3A_1530 : f32 to vector<32x24x128xf32>
        %max3A_1532 = arith.maximumf %max3A_1531, %sub3A_1529 : vector<32x24x128xf32>
        %mul3A_1533 = arith.mulf %max3A_1522, %max3A_1532 : vector<32x24x128xf32>
        %add3A_1534 = vector.broadcast %broadcast_in_dim3A_1508 : vector<32x24x1xf32> to vector<32x24x128xf32>
        %add3A_1535 = vector.broadcast %broadcast_in_dim3A_70 : vector<1x24x128xf32> to vector<32x24x128xf32>
        %add3A_1536 = arith.addf %add3A_1534, %add3A_1535 : vector<32x24x128xf32>
        %sub3A_1537 = arith.subf %add3A_1536, %mul3A_1533 : vector<32x24x128xf32>
        %add3A_1538 = arith.constant 9.99999971E-10 : f32
        %add3A_1539 = vector.broadcast %add3A_1538 : f32 to vector<32x24x128xf32>
        %add3A_1540 = arith.addf %sub3A_1537, %add3A_1539 : vector<32x24x128xf32>
        %div3A_1541 = arith.divf %mul3A_1533, %add3A_1540 : vector<32x24x128xf32>
        %gt3A_1542 = arith.constant 3.000000e-01 : f32
        %gt3A_1543 = vector.broadcast %gt3A_1542 : f32 to vector<32x24x128xf32>
        %gt3A_1544 = arith.cmpf ogt, %div3A_1541, %gt3A_1543 : vector<32x24x128xf32>
        %gt3A_1545 = arith.constant 5.000000e-01 : f32
        %gt3A_1546 = vector.broadcast %gt3A_1545 : f32 to vector<32x24x1xf32>
        %gt3A_1547 = arith.cmpf ogt, %broadcast_in_dim3A_1512, %gt3A_1546 : vector<32x24x1xf32>
        %and3A_1548 = vector.broadcast %gt3A_1547 : vector<32x24x1xi1> to vector<32x24x128xi1>
        %and3A_1549 = arith.andi %gt3A_1544, %and3A_1548 : vector<32x24x128xi1>
        %jit3A_1550 = arith.constant 1.000000e+00 : f32
        %jit3A_1551 = arith.constant 0.000000e+00 : f32
        %broadcast_in_dim3A_1552 = vector.broadcast %jit3A_1550 : f32 to vector<32x24x128xf32>
        %broadcast_in_dim3A_1553 = vector.broadcast %jit3A_1551 : f32 to vector<32x24x128xf32>
        %select_n3A_1554 = arith.select %and3A_1549, %broadcast_in_dim3A_1552, %broadcast_in_dim3A_1553 : vector<32x24x128xi1>, vector<32x24x128xf32>
        %reduce_max3A_1555 = arith.constant dense<0xFF800000> : vector<24x128xf32>
        %reduce_max3A_1556 = vector.multi_reduction <maximumf>, %select_n3A_1554, %reduce_max3A_1555 [0] : vector<32x24x128xf32> to vector<24x128xf32>
        %max3A_1557 = arith.maximumf %max3A_1478, %reduce_max3A_1556 : vector<24x128xf32>
        %add3A_1558 = arith.constant 96 : i32
        %add3A_1559 = arith.addi %mul3A_1320, %add3A_1558 : i32
        %get3A_1560 = arith.constant 0 : index
        %get3A_1561 = arith.index_cast %add3A_1559 : i32 to index
        %get3A_1562 = arith.constant 0 : index
        %get3A_1563 = vector.load %arg1[%get3A_1560, %get3A_1561, %get3A_1562] : memref<4x5120x24xf32, #tpu.memory_space<vmem>>, vector<1x32x24xf32>
        %get3A_1564 = vector.shape_cast %get3A_1563 : vector<1x32x24xf32> to vector<32x24xf32>
        %broadcast_in_dim3A_1565 = vector.shape_cast %get3A_1564 : vector<32x24xf32> to vector<32x24x1xf32>
        %get3A_1566 = arith.constant 1 : index
        %get3A_1567 = arith.index_cast %add3A_1559 : i32 to index
        %get3A_1568 = arith.constant 0 : index
        %get3A_1569 = vector.load %arg1[%get3A_1566, %get3A_1567, %get3A_1568] : memref<4x5120x24xf32, #tpu.memory_space<vmem>>, vector<1x32x24xf32>
        %get3A_1570 = vector.shape_cast %get3A_1569 : vector<1x32x24xf32> to vector<32x24xf32>
        %broadcast_in_dim3A_1571 = vector.shape_cast %get3A_1570 : vector<32x24xf32> to vector<32x24x1xf32>
        %get3A_1572 = arith.constant 2 : index
        %get3A_1573 = arith.index_cast %add3A_1559 : i32 to index
        %get3A_1574 = arith.constant 0 : index
        %get3A_1575 = vector.load %arg1[%get3A_1572, %get3A_1573, %get3A_1574] : memref<4x5120x24xf32, #tpu.memory_space<vmem>>, vector<1x32x24xf32>
        %get3A_1576 = vector.shape_cast %get3A_1575 : vector<1x32x24xf32> to vector<32x24xf32>
        %broadcast_in_dim3A_1577 = vector.shape_cast %get3A_1576 : vector<32x24xf32> to vector<32x24x1xf32>
        %get3A_1578 = arith.constant 3 : index
        %get3A_1579 = arith.index_cast %add3A_1559 : i32 to index
        %get3A_1580 = arith.constant 0 : index
        %get3A_1581 = vector.load %arg1[%get3A_1578, %get3A_1579, %get3A_1580] : memref<4x5120x24xf32, #tpu.memory_space<vmem>>, vector<1x32x24xf32>
        %get3A_1582 = vector.shape_cast %get3A_1581 : vector<1x32x24xf32> to vector<32x24xf32>
        %broadcast_in_dim3A_1583 = vector.shape_cast %get3A_1582 : vector<32x24xf32> to vector<32x24x1xf32>
        %get3A_1584 = arith.index_cast %add3A_1559 : i32 to index
        %get3A_1585 = arith.constant 0 : index
        %get3A_1586 = vector.load %arg3[%get3A_1584, %get3A_1585] : memref<5120x24xf32, #tpu.memory_space<vmem>>, vector<32x24xf32>
        %broadcast_in_dim3A_1587 = vector.shape_cast %get3A_1586 : vector<32x24xf32> to vector<32x24x1xf32>
        %get3A_1588 = arith.index_cast %add3A_1559 : i32 to index
        %get3A_1589 = arith.constant 0 : index
        %get3A_1590 = vector.load %arg7[%get3A_1588, %get3A_1589] : memref<5120x24xf32, #tpu.memory_space<vmem>>, vector<32x24xf32>
        %broadcast_in_dim3A_1591 = vector.shape_cast %get3A_1590 : vector<32x24xf32> to vector<32x24x1xf32>
        %min3A_1592 = vector.broadcast %broadcast_in_dim3A_1577 : vector<32x24x1xf32> to vector<32x24x128xf32>
        %min3A_1593 = vector.broadcast %broadcast_in_dim3A_60 : vector<1x24x128xf32> to vector<32x24x128xf32>
        %min3A_1594 = arith.minimumf %min3A_1592, %min3A_1593 : vector<32x24x128xf32>
        %max3A_1595 = vector.broadcast %broadcast_in_dim3A_1565 : vector<32x24x1xf32> to vector<32x24x128xf32>
        %max3A_1596 = vector.broadcast %broadcast_in_dim3A_48 : vector<1x24x128xf32> to vector<32x24x128xf32>
        %max3A_1597 = arith.maximumf %max3A_1595, %max3A_1596 : vector<32x24x128xf32>
        %sub3A_1598 = arith.subf %min3A_1594, %max3A_1597 : vector<32x24x128xf32>
        %jit3A_1599 = arith.constant 0.000000e+00 : f32
        %max3A_1600 = vector.broadcast %jit3A_1599 : f32 to vector<32x24x128xf32>
        %max3A_1601 = arith.maximumf %max3A_1600, %sub3A_1598 : vector<32x24x128xf32>
        %min3A_1602 = vector.broadcast %broadcast_in_dim3A_1583 : vector<32x24x1xf32> to vector<32x24x128xf32>
        %min3A_1603 = vector.broadcast %broadcast_in_dim3A_66 : vector<1x24x128xf32> to vector<32x24x128xf32>
        %min3A_1604 = arith.minimumf %min3A_1602, %min3A_1603 : vector<32x24x128xf32>
        %max3A_1605 = vector.broadcast %broadcast_in_dim3A_1571 : vector<32x24x1xf32> to vector<32x24x128xf32>
        %max3A_1606 = vector.broadcast %broadcast_in_dim3A_54 : vector<1x24x128xf32> to vector<32x24x128xf32>
        %max3A_1607 = arith.maximumf %max3A_1605, %max3A_1606 : vector<32x24x128xf32>
        %sub3A_1608 = arith.subf %min3A_1604, %max3A_1607 : vector<32x24x128xf32>
        %jit3A_1609 = arith.constant 0.000000e+00 : f32
        %max3A_1610 = vector.broadcast %jit3A_1609 : f32 to vector<32x24x128xf32>
        %max3A_1611 = arith.maximumf %max3A_1610, %sub3A_1608 : vector<32x24x128xf32>
        %mul3A_1612 = arith.mulf %max3A_1601, %max3A_1611 : vector<32x24x128xf32>
        %add3A_1613 = vector.broadcast %broadcast_in_dim3A_1587 : vector<32x24x1xf32> to vector<32x24x128xf32>
        %add3A_1614 = vector.broadcast %broadcast_in_dim3A_70 : vector<1x24x128xf32> to vector<32x24x128xf32>
        %add3A_1615 = arith.addf %add3A_1613, %add3A_1614 : vector<32x24x128xf32>
        %sub3A_1616 = arith.subf %add3A_1615, %mul3A_1612 : vector<32x24x128xf32>
        %add3A_1617 = arith.constant 9.99999971E-10 : f32
        %add3A_1618 = vector.broadcast %add3A_1617 : f32 to vector<32x24x128xf32>
        %add3A_1619 = arith.addf %sub3A_1616, %add3A_1618 : vector<32x24x128xf32>
        %div3A_1620 = arith.divf %mul3A_1612, %add3A_1619 : vector<32x24x128xf32>
        %gt3A_1621 = arith.constant 3.000000e-01 : f32
        %gt3A_1622 = vector.broadcast %gt3A_1621 : f32 to vector<32x24x128xf32>
        %gt3A_1623 = arith.cmpf ogt, %div3A_1620, %gt3A_1622 : vector<32x24x128xf32>
        %gt3A_1624 = arith.constant 5.000000e-01 : f32
        %gt3A_1625 = vector.broadcast %gt3A_1624 : f32 to vector<32x24x1xf32>
        %gt3A_1626 = arith.cmpf ogt, %broadcast_in_dim3A_1591, %gt3A_1625 : vector<32x24x1xf32>
        %and3A_1627 = vector.broadcast %gt3A_1626 : vector<32x24x1xi1> to vector<32x24x128xi1>
        %and3A_1628 = arith.andi %gt3A_1623, %and3A_1627 : vector<32x24x128xi1>
        %jit3A_1629 = arith.constant 1.000000e+00 : f32
        %jit3A_1630 = arith.constant 0.000000e+00 : f32
        %broadcast_in_dim3A_1631 = vector.broadcast %jit3A_1629 : f32 to vector<32x24x128xf32>
        %broadcast_in_dim3A_1632 = vector.broadcast %jit3A_1630 : f32 to vector<32x24x128xf32>
        %select_n3A_1633 = arith.select %and3A_1628, %broadcast_in_dim3A_1631, %broadcast_in_dim3A_1632 : vector<32x24x128xi1>, vector<32x24x128xf32>
        %reduce_max3A_1634 = arith.constant dense<0xFF800000> : vector<24x128xf32>
        %reduce_max3A_1635 = vector.multi_reduction <maximumf>, %select_n3A_1633, %reduce_max3A_1634 [0] : vector<32x24x128xf32> to vector<24x128xf32>
        %max3A_1636 = arith.maximumf %max3A_1557, %reduce_max3A_1635 : vector<24x128xf32>
        scf.yield %max3A_1636 : vector<24x128xf32>
      }
      %get3A_84 = arith.constant 0 : index
      %get3A_85 = arith.index_cast %mul3A_42 : i32 to index
      %get3A_86 = vector.load %arg4[%get3A_84, %get3A_85] : memref<24x5120xf32, #tpu.memory_space<vmem>>, vector<24x128xf32>
      %sub3A_87 = arith.constant 1.000000e+00 : f32
      %sub3A_88 = vector.broadcast %sub3A_87 : f32 to vector<24x128xf32>
      %sub3A_89 = arith.subf %sub3A_88, %while3A_83 : vector<24x128xf32>
      %mul3A_90 = arith.mulf %get3A_86, %sub3A_89 : vector<24x128xf32>
      %iota3A_91 = tpu.iota {dimensions = array<i32: 0>} : vector<8x24x128xi32>
      %iota3A_92 = tpu.iota {dimensions = array<i32: 2>} : vector<8x24x128xi32>
      %add3A_93 = arith.constant 0 : i32
      %add3A_94 = arith.addi %mul3A_42, %add3A_93 : i32
      %get3A_95 = arith.constant 0 : index
      %get3A_96 = arith.index_cast %add3A_94 : i32 to index
      %get3A_97 = arith.constant 0 : index
      %get3A_98 = vector.load %arg1[%get3A_95, %get3A_96, %get3A_97] : memref<4x5120x24xf32, #tpu.memory_space<vmem>>, vector<1x8x24xf32>
      %get3A_99 = vector.shape_cast %get3A_98 : vector<1x8x24xf32> to vector<8x24xf32>
      %broadcast_in_dim3A_100 = vector.shape_cast %get3A_99 : vector<8x24xf32> to vector<8x24x1xf32>
      %get3A_101 = arith.constant 1 : index
      %get3A_102 = arith.index_cast %add3A_94 : i32 to index
      %get3A_103 = arith.constant 0 : index
      %get3A_104 = vector.load %arg1[%get3A_101, %get3A_102, %get3A_103] : memref<4x5120x24xf32, #tpu.memory_space<vmem>>, vector<1x8x24xf32>
      %get3A_105 = vector.shape_cast %get3A_104 : vector<1x8x24xf32> to vector<8x24xf32>
      %broadcast_in_dim3A_106 = vector.shape_cast %get3A_105 : vector<8x24xf32> to vector<8x24x1xf32>
      %get3A_107 = arith.constant 2 : index
      %get3A_108 = arith.index_cast %add3A_94 : i32 to index
      %get3A_109 = arith.constant 0 : index
      %get3A_110 = vector.load %arg1[%get3A_107, %get3A_108, %get3A_109] : memref<4x5120x24xf32, #tpu.memory_space<vmem>>, vector<1x8x24xf32>
      %get3A_111 = vector.shape_cast %get3A_110 : vector<1x8x24xf32> to vector<8x24xf32>
      %broadcast_in_dim3A_112 = vector.shape_cast %get3A_111 : vector<8x24xf32> to vector<8x24x1xf32>
      %get3A_113 = arith.constant 3 : index
      %get3A_114 = arith.index_cast %add3A_94 : i32 to index
      %get3A_115 = arith.constant 0 : index
      %get3A_116 = vector.load %arg1[%get3A_113, %get3A_114, %get3A_115] : memref<4x5120x24xf32, #tpu.memory_space<vmem>>, vector<1x8x24xf32>
      %get3A_117 = vector.shape_cast %get3A_116 : vector<1x8x24xf32> to vector<8x24xf32>
      %broadcast_in_dim3A_118 = vector.shape_cast %get3A_117 : vector<8x24xf32> to vector<8x24x1xf32>
      %get3A_119 = arith.index_cast %add3A_94 : i32 to index
      %get3A_120 = arith.constant 0 : index
      %get3A_121 = vector.load %arg3[%get3A_119, %get3A_120] : memref<5120x24xf32, #tpu.memory_space<vmem>>, vector<8x24xf32>
      %broadcast_in_dim3A_122 = vector.shape_cast %get3A_121 : vector<8x24xf32> to vector<8x24x1xf32>
      %min3A = vector.broadcast %broadcast_in_dim3A_112 : vector<8x24x1xf32> to vector<8x24x128xf32>
      %min3A_123 = vector.broadcast %broadcast_in_dim3A_60 : vector<1x24x128xf32> to vector<8x24x128xf32>
      %min3A_124 = arith.minimumf %min3A, %min3A_123 : vector<8x24x128xf32>
      %max3A = vector.broadcast %broadcast_in_dim3A_100 : vector<8x24x1xf32> to vector<8x24x128xf32>
      %max3A_125 = vector.broadcast %broadcast_in_dim3A_48 : vector<1x24x128xf32> to vector<8x24x128xf32>
      %max3A_126 = arith.maximumf %max3A, %max3A_125 : vector<8x24x128xf32>
      %sub3A_127 = arith.subf %min3A_124, %max3A_126 : vector<8x24x128xf32>
      %jit3A_128 = arith.constant 0.000000e+00 : f32
      %max3A_129 = vector.broadcast %jit3A_128 : f32 to vector<8x24x128xf32>
      %max3A_130 = arith.maximumf %max3A_129, %sub3A_127 : vector<8x24x128xf32>
      %min3A_131 = vector.broadcast %broadcast_in_dim3A_118 : vector<8x24x1xf32> to vector<8x24x128xf32>
      %min3A_132 = vector.broadcast %broadcast_in_dim3A_66 : vector<1x24x128xf32> to vector<8x24x128xf32>
      %min3A_133 = arith.minimumf %min3A_131, %min3A_132 : vector<8x24x128xf32>
      %max3A_134 = vector.broadcast %broadcast_in_dim3A_106 : vector<8x24x1xf32> to vector<8x24x128xf32>
      %max3A_135 = vector.broadcast %broadcast_in_dim3A_54 : vector<1x24x128xf32> to vector<8x24x128xf32>
      %max3A_136 = arith.maximumf %max3A_134, %max3A_135 : vector<8x24x128xf32>
      %sub3A_137 = arith.subf %min3A_133, %max3A_136 : vector<8x24x128xf32>
      %jit3A_138 = arith.constant 0.000000e+00 : f32
      %max3A_139 = vector.broadcast %jit3A_138 : f32 to vector<8x24x128xf32>
      %max3A_140 = arith.maximumf %max3A_139, %sub3A_137 : vector<8x24x128xf32>
      %mul3A_141 = arith.mulf %max3A_130, %max3A_140 : vector<8x24x128xf32>
      %add3A_142 = vector.broadcast %broadcast_in_dim3A_122 : vector<8x24x1xf32> to vector<8x24x128xf32>
      %add3A_143 = vector.broadcast %broadcast_in_dim3A_70 : vector<1x24x128xf32> to vector<8x24x128xf32>
      %add3A_144 = arith.addf %add3A_142, %add3A_143 : vector<8x24x128xf32>
      %sub3A_145 = arith.subf %add3A_144, %mul3A_141 : vector<8x24x128xf32>
      %add3A_146 = arith.constant 9.99999971E-10 : f32
      %add3A_147 = vector.broadcast %add3A_146 : f32 to vector<8x24x128xf32>
      %add3A_148 = arith.addf %sub3A_145, %add3A_147 : vector<8x24x128xf32>
      %div3A_149 = arith.divf %mul3A_141, %add3A_148 : vector<8x24x128xf32>
      %add3A_150 = arith.constant 0 : i32
      %add3A_151 = vector.broadcast %add3A_150 : i32 to vector<8x24x128xi32>
      %add3A_152 = arith.addi %iota3A_91, %add3A_151 : vector<8x24x128xi32>
      %gt3A = arith.cmpi sgt, %iota3A_92, %add3A_152 : vector<8x24x128xi32>
      %gt3A_153 = arith.constant 3.000000e-01 : f32
      %gt3A_154 = vector.broadcast %gt3A_153 : f32 to vector<8x24x128xf32>
      %gt3A_155 = arith.cmpf ogt, %div3A_149, %gt3A_154 : vector<8x24x128xf32>
      %and3A_156 = arith.andi %gt3A_155, %gt3A : vector<8x24x128xi1>
      %jit3A_157 = arith.constant 1.000000e+00 : f32
      %jit3A_158 = arith.constant 0.000000e+00 : f32
      %broadcast_in_dim3A_159 = vector.broadcast %jit3A_157 : f32 to vector<8x24x128xf32>
      %broadcast_in_dim3A_160 = vector.broadcast %jit3A_158 : f32 to vector<8x24x128xf32>
      %select_n3A_161 = arith.select %and3A_156, %broadcast_in_dim3A_159, %broadcast_in_dim3A_160 : vector<8x24x128xi1>, vector<8x24x128xf32>
      %swap3A_162 = arith.constant 0 : index
      %swap3A_163 = arith.constant 0 : index
      %swap3A_164 = arith.constant 0 : index
      %swap3A_165 = vector.load %arg6[%swap3A_162, %swap3A_163, %swap3A_164] : memref<128x24x128xf32, #tpu.memory_space<vmem>>, vector<8x24x128xf32>
      tpu.vector_store %arg6[%swap3A_162, %swap3A_163, %swap3A_164], %select_n3A_161 {strides = array<i32>} : memref<128x24x128xf32, #tpu.memory_space<vmem>>, vector<8x24x128xf32>,
      %add3A_166 = arith.constant 8 : i32
      %add3A_167 = arith.addi %mul3A_42, %add3A_166 : i32
      %get3A_168 = arith.constant 0 : index
      %get3A_169 = arith.index_cast %add3A_167 : i32 to index
      %get3A_170 = arith.constant 0 : index
      %get3A_171 = vector.load %arg1[%get3A_168, %get3A_169, %get3A_170] : memref<4x5120x24xf32, #tpu.memory_space<vmem>>, vector<1x8x24xf32>
      %get3A_172 = vector.shape_cast %get3A_171 : vector<1x8x24xf32> to vector<8x24xf32>
      %broadcast_in_dim3A_173 = vector.shape_cast %get3A_172 : vector<8x24xf32> to vector<8x24x1xf32>
      %get3A_174 = arith.constant 1 : index
      %get3A_175 = arith.index_cast %add3A_167 : i32 to index
      %get3A_176 = arith.constant 0 : index
      %get3A_177 = vector.load %arg1[%get3A_174, %get3A_175, %get3A_176] : memref<4x5120x24xf32, #tpu.memory_space<vmem>>, vector<1x8x24xf32>
      %get3A_178 = vector.shape_cast %get3A_177 : vector<1x8x24xf32> to vector<8x24xf32>
      %broadcast_in_dim3A_179 = vector.shape_cast %get3A_178 : vector<8x24xf32> to vector<8x24x1xf32>
      %get3A_180 = arith.constant 2 : index
      %get3A_181 = arith.index_cast %add3A_167 : i32 to index
      %get3A_182 = arith.constant 0 : index
      %get3A_183 = vector.load %arg1[%get3A_180, %get3A_181, %get3A_182] : memref<4x5120x24xf32, #tpu.memory_space<vmem>>, vector<1x8x24xf32>
      %get3A_184 = vector.shape_cast %get3A_183 : vector<1x8x24xf32> to vector<8x24xf32>
      %broadcast_in_dim3A_185 = vector.shape_cast %get3A_184 : vector<8x24xf32> to vector<8x24x1xf32>
      %get3A_186 = arith.constant 3 : index
      %get3A_187 = arith.index_cast %add3A_167 : i32 to index
      %get3A_188 = arith.constant 0 : index
      %get3A_189 = vector.load %arg1[%get3A_186, %get3A_187, %get3A_188] : memref<4x5120x24xf32, #tpu.memory_space<vmem>>, vector<1x8x24xf32>
      %get3A_190 = vector.shape_cast %get3A_189 : vector<1x8x24xf32> to vector<8x24xf32>
      %broadcast_in_dim3A_191 = vector.shape_cast %get3A_190 : vector<8x24xf32> to vector<8x24x1xf32>
      %get3A_192 = arith.index_cast %add3A_167 : i32 to index
      %get3A_193 = arith.constant 0 : index
      %get3A_194 = vector.load %arg3[%get3A_192, %get3A_193] : memref<5120x24xf32, #tpu.memory_space<vmem>>, vector<8x24xf32>
      %broadcast_in_dim3A_195 = vector.shape_cast %get3A_194 : vector<8x24xf32> to vector<8x24x1xf32>
      %min3A_196 = vector.broadcast %broadcast_in_dim3A_185 : vector<8x24x1xf32> to vector<8x24x128xf32>
      %min3A_197 = vector.broadcast %broadcast_in_dim3A_60 : vector<1x24x128xf32> to vector<8x24x128xf32>
      %min3A_198 = arith.minimumf %min3A_196, %min3A_197 : vector<8x24x128xf32>
      %max3A_199 = vector.broadcast %broadcast_in_dim3A_173 : vector<8x24x1xf32> to vector<8x24x128xf32>
      %max3A_200 = vector.broadcast %broadcast_in_dim3A_48 : vector<1x24x128xf32> to vector<8x24x128xf32>
      %max3A_201 = arith.maximumf %max3A_199, %max3A_200 : vector<8x24x128xf32>
      %sub3A_202 = arith.subf %min3A_198, %max3A_201 : vector<8x24x128xf32>
      %jit3A_203 = arith.constant 0.000000e+00 : f32
      %max3A_204 = vector.broadcast %jit3A_203 : f32 to vector<8x24x128xf32>
      %max3A_205 = arith.maximumf %max3A_204, %sub3A_202 : vector<8x24x128xf32>
      %min3A_206 = vector.broadcast %broadcast_in_dim3A_191 : vector<8x24x1xf32> to vector<8x24x128xf32>
      %min3A_207 = vector.broadcast %broadcast_in_dim3A_66 : vector<1x24x128xf32> to vector<8x24x128xf32>
      %min3A_208 = arith.minimumf %min3A_206, %min3A_207 : vector<8x24x128xf32>
      %max3A_209 = vector.broadcast %broadcast_in_dim3A_179 : vector<8x24x1xf32> to vector<8x24x128xf32>
      %max3A_210 = vector.broadcast %broadcast_in_dim3A_54 : vector<1x24x128xf32> to vector<8x24x128xf32>
      %max3A_211 = arith.maximumf %max3A_209, %max3A_210 : vector<8x24x128xf32>
      %sub3A_212 = arith.subf %min3A_208, %max3A_211 : vector<8x24x128xf32>
      %jit3A_213 = arith.constant 0.000000e+00 : f32
      %max3A_214 = vector.broadcast %jit3A_213 : f32 to vector<8x24x128xf32>
      %max3A_215 = arith.maximumf %max3A_214, %sub3A_212 : vector<8x24x128xf32>
      %mul3A_216 = arith.mulf %max3A_205, %max3A_215 : vector<8x24x128xf32>
      %add3A_217 = vector.broadcast %broadcast_in_dim3A_195 : vector<8x24x1xf32> to vector<8x24x128xf32>
      %add3A_218 = vector.broadcast %broadcast_in_dim3A_70 : vector<1x24x128xf32> to vector<8x24x128xf32>
      %add3A_219 = arith.addf %add3A_217, %add3A_218 : vector<8x24x128xf32>
      %sub3A_220 = arith.subf %add3A_219, %mul3A_216 : vector<8x24x128xf32>
      %add3A_221 = arith.constant 9.99999971E-10 : f32
      %add3A_222 = vector.broadcast %add3A_221 : f32 to vector<8x24x128xf32>
      %add3A_223 = arith.addf %sub3A_220, %add3A_222 : vector<8x24x128xf32>
      %div3A_224 = arith.divf %mul3A_216, %add3A_223 : vector<8x24x128xf32>
      %add3A_225 = arith.constant 8 : i32
      %add3A_226 = vector.broadcast %add3A_225 : i32 to vector<8x24x128xi32>
      %add3A_227 = arith.addi %iota3A_91, %add3A_226 : vector<8x24x128xi32>
      %gt3A_228 = arith.cmpi sgt, %iota3A_92, %add3A_227 : vector<8x24x128xi32>
      %gt3A_229 = arith.constant 3.000000e-01 : f32
      %gt3A_230 = vector.broadcast %gt3A_229 : f32 to vector<8x24x128xf32>
      %gt3A_231 = arith.cmpf ogt, %div3A_224, %gt3A_230 : vector<8x24x128xf32>
      %and3A_232 = arith.andi %gt3A_231, %gt3A_228 : vector<8x24x128xi1>
      %jit3A_233 = arith.constant 1.000000e+00 : f32
      %jit3A_234 = arith.constant 0.000000e+00 : f32
      %broadcast_in_dim3A_235 = vector.broadcast %jit3A_233 : f32 to vector<8x24x128xf32>
      %broadcast_in_dim3A_236 = vector.broadcast %jit3A_234 : f32 to vector<8x24x128xf32>
      %select_n3A_237 = arith.select %and3A_232, %broadcast_in_dim3A_235, %broadcast_in_dim3A_236 : vector<8x24x128xi1>, vector<8x24x128xf32>
      %swap3A_238 = arith.constant 8 : index
      %swap3A_239 = arith.constant 0 : index
      %swap3A_240 = arith.constant 0 : index
      %swap3A_241 = vector.load %arg6[%swap3A_238, %swap3A_239, %swap3A_240] : memref<128x24x128xf32, #tpu.memory_space<vmem>>, vector<8x24x128xf32>
      tpu.vector_store %arg6[%swap3A_238, %swap3A_239, %swap3A_240], %select_n3A_237 {strides = array<i32>} : memref<128x24x128xf32, #tpu.memory_space<vmem>>, vector<8x24x128xf32>,
      %add3A_242 = arith.constant 16 : i32
      %add3A_243 = arith.addi %mul3A_42, %add3A_242 : i32
      %get3A_244 = arith.constant 0 : index
      %get3A_245 = arith.index_cast %add3A_243 : i32 to index
      %get3A_246 = arith.constant 0 : index
      %get3A_247 = vector.load %arg1[%get3A_244, %get3A_245, %get3A_246] : memref<4x5120x24xf32, #tpu.memory_space<vmem>>, vector<1x8x24xf32>
      %get3A_248 = vector.shape_cast %get3A_247 : vector<1x8x24xf32> to vector<8x24xf32>
      %broadcast_in_dim3A_249 = vector.shape_cast %get3A_248 : vector<8x24xf32> to vector<8x24x1xf32>
      %get3A_250 = arith.constant 1 : index
      %get3A_251 = arith.index_cast %add3A_243 : i32 to index
      %get3A_252 = arith.constant 0 : index
      %get3A_253 = vector.load %arg1[%get3A_250, %get3A_251, %get3A_252] : memref<4x5120x24xf32, #tpu.memory_space<vmem>>, vector<1x8x24xf32>
      %get3A_254 = vector.shape_cast %get3A_253 : vector<1x8x24xf32> to vector<8x24xf32>
      %broadcast_in_dim3A_255 = vector.shape_cast %get3A_254 : vector<8x24xf32> to vector<8x24x1xf32>
      %get3A_256 = arith.constant 2 : index
      %get3A_257 = arith.index_cast %add3A_243 : i32 to index
      %get3A_258 = arith.constant 0 : index
      %get3A_259 = vector.load %arg1[%get3A_256, %get3A_257, %get3A_258] : memref<4x5120x24xf32, #tpu.memory_space<vmem>>, vector<1x8x24xf32>
      %get3A_260 = vector.shape_cast %get3A_259 : vector<1x8x24xf32> to vector<8x24xf32>
      %broadcast_in_dim3A_261 = vector.shape_cast %get3A_260 : vector<8x24xf32> to vector<8x24x1xf32>
      %get3A_262 = arith.constant 3 : index
      %get3A_263 = arith.index_cast %add3A_243 : i32 to index
      %get3A_264 = arith.constant 0 : index
      %get3A_265 = vector.load %arg1[%get3A_262, %get3A_263, %get3A_264] : memref<4x5120x24xf32, #tpu.memory_space<vmem>>, vector<1x8x24xf32>
      %get3A_266 = vector.shape_cast %get3A_265 : vector<1x8x24xf32> to vector<8x24xf32>
      %broadcast_in_dim3A_267 = vector.shape_cast %get3A_266 : vector<8x24xf32> to vector<8x24x1xf32>
      %get3A_268 = arith.index_cast %add3A_243 : i32 to index
      %get3A_269 = arith.constant 0 : index
      %get3A_270 = vector.load %arg3[%get3A_268, %get3A_269] : memref<5120x24xf32, #tpu.memory_space<vmem>>, vector<8x24xf32>
      %broadcast_in_dim3A_271 = vector.shape_cast %get3A_270 : vector<8x24xf32> to vector<8x24x1xf32>
      %min3A_272 = vector.broadcast %broadcast_in_dim3A_261 : vector<8x24x1xf32> to vector<8x24x128xf32>
      %min3A_273 = vector.broadcast %broadcast_in_dim3A_60 : vector<1x24x128xf32> to vector<8x24x128xf32>
      %min3A_274 = arith.minimumf %min3A_272, %min3A_273 : vector<8x24x128xf32>
      %max3A_275 = vector.broadcast %broadcast_in_dim3A_249 : vector<8x24x1xf32> to vector<8x24x128xf32>
      %max3A_276 = vector.broadcast %broadcast_in_dim3A_48 : vector<1x24x128xf32> to vector<8x24x128xf32>
      %max3A_277 = arith.maximumf %max3A_275, %max3A_276 : vector<8x24x128xf32>
      %sub3A_278 = arith.subf %min3A_274, %max3A_277 : vector<8x24x128xf32>
      %jit3A_279 = arith.constant 0.000000e+00 : f32
      %max3A_280 = vector.broadcast %jit3A_279 : f32 to vector<8x24x128xf32>
      %max3A_281 = arith.maximumf %max3A_280, %sub3A_278 : vector<8x24x128xf32>
      %min3A_282 = vector.broadcast %broadcast_in_dim3A_267 : vector<8x24x1xf32> to vector<8x24x128xf32>
      %min3A_283 = vector.broadcast %broadcast_in_dim3A_66 : vector<1x24x128xf32> to vector<8x24x128xf32>
      %min3A_284 = arith.minimumf %min3A_282, %min3A_283 : vector<8x24x128xf32>
      %max3A_285 = vector.broadcast %broadcast_in_dim3A_255 : vector<8x24x1xf32> to vector<8x24x128xf32>
      %max3A_286 = vector.broadcast %broadcast_in_dim3A_54 : vector<1x24x128xf32> to vector<8x24x128xf32>
      %max3A_287 = arith.maximumf %max3A_285, %max3A_286 : vector<8x24x128xf32>
      %sub3A_288 = arith.subf %min3A_284, %max3A_287 : vector<8x24x128xf32>
      %jit3A_289 = arith.constant 0.000000e+00 : f32
      %max3A_290 = vector.broadcast %jit3A_289 : f32 to vector<8x24x128xf32>
      %max3A_291 = arith.maximumf %max3A_290, %sub3A_288 : vector<8x24x128xf32>
      %mul3A_292 = arith.mulf %max3A_281, %max3A_291 : vector<8x24x128xf32>
      %add3A_293 = vector.broadcast %broadcast_in_dim3A_271 : vector<8x24x1xf32> to vector<8x24x128xf32>
      %add3A_294 = vector.broadcast %broadcast_in_dim3A_70 : vector<1x24x128xf32> to vector<8x24x128xf32>
      %add3A_295 = arith.addf %add3A_293, %add3A_294 : vector<8x24x128xf32>
      %sub3A_296 = arith.subf %add3A_295, %mul3A_292 : vector<8x24x128xf32>
      %add3A_297 = arith.constant 9.99999971E-10 : f32
      %add3A_298 = vector.broadcast %add3A_297 : f32 to vector<8x24x128xf32>
      %add3A_299 = arith.addf %sub3A_296, %add3A_298 : vector<8x24x128xf32>
      %div3A_300 = arith.divf %mul3A_292, %add3A_299 : vector<8x24x128xf32>
      %add3A_301 = arith.constant 16 : i32
      %add3A_302 = vector.broadcast %add3A_301 : i32 to vector<8x24x128xi32>
      %add3A_303 = arith.addi %iota3A_91, %add3A_302 : vector<8x24x128xi32>
      %gt3A_304 = arith.cmpi sgt, %iota3A_92, %add3A_303 : vector<8x24x128xi32>
      %gt3A_305 = arith.constant 3.000000e-01 : f32
      %gt3A_306 = vector.broadcast %gt3A_305 : f32 to vector<8x24x128xf32>
      %gt3A_307 = arith.cmpf ogt, %div3A_300, %gt3A_306 : vector<8x24x128xf32>
      %and3A_308 = arith.andi %gt3A_307, %gt3A_304 : vector<8x24x128xi1>
      %jit3A_309 = arith.constant 1.000000e+00 : f32
      %jit3A_310 = arith.constant 0.000000e+00 : f32
      %broadcast_in_dim3A_311 = vector.broadcast %jit3A_309 : f32 to vector<8x24x128xf32>
      %broadcast_in_dim3A_312 = vector.broadcast %jit3A_310 : f32 to vector<8x24x128xf32>
      %select_n3A_313 = arith.select %and3A_308, %broadcast_in_dim3A_311, %broadcast_in_dim3A_312 : vector<8x24x128xi1>, vector<8x24x128xf32>
      %swap3A_314 = arith.constant 16 : index
      %swap3A_315 = arith.constant 0 : index
      %swap3A_316 = arith.constant 0 : index
      %swap3A_317 = vector.load %arg6[%swap3A_314, %swap3A_315, %swap3A_316] : memref<128x24x128xf32, #tpu.memory_space<vmem>>, vector<8x24x128xf32>
      tpu.vector_store %arg6[%swap3A_314, %swap3A_315, %swap3A_316], %select_n3A_313 {strides = array<i32>} : memref<128x24x128xf32, #tpu.memory_space<vmem>>, vector<8x24x128xf32>,
      %add3A_318 = arith.constant 24 : i32
      %add3A_319 = arith.addi %mul3A_42, %add3A_318 : i32
      %get3A_320 = arith.constant 0 : index
      %get3A_321 = arith.index_cast %add3A_319 : i32 to index
      %get3A_322 = arith.constant 0 : index
      %get3A_323 = vector.load %arg1[%get3A_320, %get3A_321, %get3A_322] : memref<4x5120x24xf32, #tpu.memory_space<vmem>>, vector<1x8x24xf32>
      %get3A_324 = vector.shape_cast %get3A_323 : vector<1x8x24xf32> to vector<8x24xf32>
      %broadcast_in_dim3A_325 = vector.shape_cast %get3A_324 : vector<8x24xf32> to vector<8x24x1xf32>
      %get3A_326 = arith.constant 1 : index
      %get3A_327 = arith.index_cast %add3A_319 : i32 to index
      %get3A_328 = arith.constant 0 : index
      %get3A_329 = vector.load %arg1[%get3A_326, %get3A_327, %get3A_328] : memref<4x5120x24xf32, #tpu.memory_space<vmem>>, vector<1x8x24xf32>
      %get3A_330 = vector.shape_cast %get3A_329 : vector<1x8x24xf32> to vector<8x24xf32>
      %broadcast_in_dim3A_331 = vector.shape_cast %get3A_330 : vector<8x24xf32> to vector<8x24x1xf32>
      %get3A_332 = arith.constant 2 : index
      %get3A_333 = arith.index_cast %add3A_319 : i32 to index
      %get3A_334 = arith.constant 0 : index
      %get3A_335 = vector.load %arg1[%get3A_332, %get3A_333, %get3A_334] : memref<4x5120x24xf32, #tpu.memory_space<vmem>>, vector<1x8x24xf32>
      %get3A_336 = vector.shape_cast %get3A_335 : vector<1x8x24xf32> to vector<8x24xf32>
      %broadcast_in_dim3A_337 = vector.shape_cast %get3A_336 : vector<8x24xf32> to vector<8x24x1xf32>
      %get3A_338 = arith.constant 3 : index
      %get3A_339 = arith.index_cast %add3A_319 : i32 to index
      %get3A_340 = arith.constant 0 : index
      %get3A_341 = vector.load %arg1[%get3A_338, %get3A_339, %get3A_340] : memref<4x5120x24xf32, #tpu.memory_space<vmem>>, vector<1x8x24xf32>
      %get3A_342 = vector.shape_cast %get3A_341 : vector<1x8x24xf32> to vector<8x24xf32>
      %broadcast_in_dim3A_343 = vector.shape_cast %get3A_342 : vector<8x24xf32> to vector<8x24x1xf32>
      %get3A_344 = arith.index_cast %add3A_319 : i32 to index
      %get3A_345 = arith.constant 0 : index
      %get3A_346 = vector.load %arg3[%get3A_344, %get3A_345] : memref<5120x24xf32, #tpu.memory_space<vmem>>, vector<8x24xf32>
      %broadcast_in_dim3A_347 = vector.shape_cast %get3A_346 : vector<8x24xf32> to vector<8x24x1xf32>
      %min3A_348 = vector.broadcast %broadcast_in_dim3A_337 : vector<8x24x1xf32> to vector<8x24x128xf32>
      %min3A_349 = vector.broadcast %broadcast_in_dim3A_60 : vector<1x24x128xf32> to vector<8x24x128xf32>
      %min3A_350 = arith.minimumf %min3A_348, %min3A_349 : vector<8x24x128xf32>
      %max3A_351 = vector.broadcast %broadcast_in_dim3A_325 : vector<8x24x1xf32> to vector<8x24x128xf32>
      %max3A_352 = vector.broadcast %broadcast_in_dim3A_48 : vector<1x24x128xf32> to vector<8x24x128xf32>
      %max3A_353 = arith.maximumf %max3A_351, %max3A_352 : vector<8x24x128xf32>
      %sub3A_354 = arith.subf %min3A_350, %max3A_353 : vector<8x24x128xf32>
      %jit3A_355 = arith.constant 0.000000e+00 : f32
      %max3A_356 = vector.broadcast %jit3A_355 : f32 to vector<8x24x128xf32>
      %max3A_357 = arith.maximumf %max3A_356, %sub3A_354 : vector<8x24x128xf32>
      %min3A_358 = vector.broadcast %broadcast_in_dim3A_343 : vector<8x24x1xf32> to vector<8x24x128xf32>
      %min3A_359 = vector.broadcast %broadcast_in_dim3A_66 : vector<1x24x128xf32> to vector<8x24x128xf32>
      %min3A_360 = arith.minimumf %min3A_358, %min3A_359 : vector<8x24x128xf32>
      %max3A_361 = vector.broadcast %broadcast_in_dim3A_331 : vector<8x24x1xf32> to vector<8x24x128xf32>
      %max3A_362 = vector.broadcast %broadcast_in_dim3A_54 : vector<1x24x128xf32> to vector<8x24x128xf32>
      %max3A_363 = arith.maximumf %max3A_361, %max3A_362 : vector<8x24x128xf32>
      %sub3A_364 = arith.subf %min3A_360, %max3A_363 : vector<8x24x128xf32>
      %jit3A_365 = arith.constant 0.000000e+00 : f32
      %max3A_366 = vector.broadcast %jit3A_365 : f32 to vector<8x24x128xf32>
      %max3A_367 = arith.maximumf %max3A_366, %sub3A_364 : vector<8x24x128xf32>
      %mul3A_368 = arith.mulf %max3A_357, %max3A_367 : vector<8x24x128xf32>
      %add3A_369 = vector.broadcast %broadcast_in_dim3A_347 : vector<8x24x1xf32> to vector<8x24x128xf32>
      %add3A_370 = vector.broadcast %broadcast_in_dim3A_70 : vector<1x24x128xf32> to vector<8x24x128xf32>
      %add3A_371 = arith.addf %add3A_369, %add3A_370 : vector<8x24x128xf32>
      %sub3A_372 = arith.subf %add3A_371, %mul3A_368 : vector<8x24x128xf32>
      %add3A_373 = arith.constant 9.99999971E-10 : f32
      %add3A_374 = vector.broadcast %add3A_373 : f32 to vector<8x24x128xf32>
      %add3A_375 = arith.addf %sub3A_372, %add3A_374 : vector<8x24x128xf32>
      %div3A_376 = arith.divf %mul3A_368, %add3A_375 : vector<8x24x128xf32>
      %add3A_377 = arith.constant 24 : i32
      %add3A_378 = vector.broadcast %add3A_377 : i32 to vector<8x24x128xi32>
      %add3A_379 = arith.addi %iota3A_91, %add3A_378 : vector<8x24x128xi32>
      %gt3A_380 = arith.cmpi sgt, %iota3A_92, %add3A_379 : vector<8x24x128xi32>
      %gt3A_381 = arith.constant 3.000000e-01 : f32
      %gt3A_382 = vector.broadcast %gt3A_381 : f32 to vector<8x24x128xf32>
      %gt3A_383 = arith.cmpf ogt, %div3A_376, %gt3A_382 : vector<8x24x128xf32>
      %and3A_384 = arith.andi %gt3A_383, %gt3A_380 : vector<8x24x128xi1>
      %jit3A_385 = arith.constant 1.000000e+00 : f32
      %jit3A_386 = arith.constant 0.000000e+00 : f32
      %broadcast_in_dim3A_387 = vector.broadcast %jit3A_385 : f32 to vector<8x24x128xf32>
      %broadcast_in_dim3A_388 = vector.broadcast %jit3A_386 : f32 to vector<8x24x128xf32>
      %select_n3A_389 = arith.select %and3A_384, %broadcast_in_dim3A_387, %broadcast_in_dim3A_388 : vector<8x24x128xi1>, vector<8x24x128xf32>
      %swap3A_390 = arith.constant 24 : index
      %swap3A_391 = arith.constant 0 : index
      %swap3A_392 = arith.constant 0 : index
      %swap3A_393 = vector.load %arg6[%swap3A_390, %swap3A_391, %swap3A_392] : memref<128x24x128xf32, #tpu.memory_space<vmem>>, vector<8x24x128xf32>
      tpu.vector_store %arg6[%swap3A_390, %swap3A_391, %swap3A_392], %select_n3A_389 {strides = array<i32>} : memref<128x24x128xf32, #tpu.memory_space<vmem>>, vector<8x24x128xf32>,
      %add3A_394 = arith.constant 32 : i32
      %add3A_395 = arith.addi %mul3A_42, %add3A_394 : i32
      %get3A_396 = arith.constant 0 : index
      %get3A_397 = arith.index_cast %add3A_395 : i32 to index
      %get3A_398 = arith.constant 0 : index
      %get3A_399 = vector.load %arg1[%get3A_396, %get3A_397, %get3A_398] : memref<4x5120x24xf32, #tpu.memory_space<vmem>>, vector<1x8x24xf32>
      %get3A_400 = vector.shape_cast %get3A_399 : vector<1x8x24xf32> to vector<8x24xf32>
      %broadcast_in_dim3A_401 = vector.shape_cast %get3A_400 : vector<8x24xf32> to vector<8x24x1xf32>
      %get3A_402 = arith.constant 1 : index
      %get3A_403 = arith.index_cast %add3A_395 : i32 to index
      %get3A_404 = arith.constant 0 : index
      %get3A_405 = vector.load %arg1[%get3A_402, %get3A_403, %get3A_404] : memref<4x5120x24xf32, #tpu.memory_space<vmem>>, vector<1x8x24xf32>
      %get3A_406 = vector.shape_cast %get3A_405 : vector<1x8x24xf32> to vector<8x24xf32>
      %broadcast_in_dim3A_407 = vector.shape_cast %get3A_406 : vector<8x24xf32> to vector<8x24x1xf32>
      %get3A_408 = arith.constant 2 : index
      %get3A_409 = arith.index_cast %add3A_395 : i32 to index
      %get3A_410 = arith.constant 0 : index
      %get3A_411 = vector.load %arg1[%get3A_408, %get3A_409, %get3A_410] : memref<4x5120x24xf32, #tpu.memory_space<vmem>>, vector<1x8x24xf32>
      %get3A_412 = vector.shape_cast %get3A_411 : vector<1x8x24xf32> to vector<8x24xf32>
      %broadcast_in_dim3A_413 = vector.shape_cast %get3A_412 : vector<8x24xf32> to vector<8x24x1xf32>
      %get3A_414 = arith.constant 3 : index
      %get3A_415 = arith.index_cast %add3A_395 : i32 to index
      %get3A_416 = arith.constant 0 : index
      %get3A_417 = vector.load %arg1[%get3A_414, %get3A_415, %get3A_416] : memref<4x5120x24xf32, #tpu.memory_space<vmem>>, vector<1x8x24xf32>
      %get3A_418 = vector.shape_cast %get3A_417 : vector<1x8x24xf32> to vector<8x24xf32>
      %broadcast_in_dim3A_419 = vector.shape_cast %get3A_418 : vector<8x24xf32> to vector<8x24x1xf32>
      %get3A_420 = arith.index_cast %add3A_395 : i32 to index
      %get3A_421 = arith.constant 0 : index
      %get3A_422 = vector.load %arg3[%get3A_420, %get3A_421] : memref<5120x24xf32, #tpu.memory_space<vmem>>, vector<8x24xf32>
      %broadcast_in_dim3A_423 = vector.shape_cast %get3A_422 : vector<8x24xf32> to vector<8x24x1xf32>
      %min3A_424 = vector.broadcast %broadcast_in_dim3A_413 : vector<8x24x1xf32> to vector<8x24x128xf32>
      %min3A_425 = vector.broadcast %broadcast_in_dim3A_60 : vector<1x24x128xf32> to vector<8x24x128xf32>
      %min3A_426 = arith.minimumf %min3A_424, %min3A_425 : vector<8x24x128xf32>
      %max3A_427 = vector.broadcast %broadcast_in_dim3A_401 : vector<8x24x1xf32> to vector<8x24x128xf32>
      %max3A_428 = vector.broadcast %broadcast_in_dim3A_48 : vector<1x24x128xf32> to vector<8x24x128xf32>
      %max3A_429 = arith.maximumf %max3A_427, %max3A_428 : vector<8x24x128xf32>
      %sub3A_430 = arith.subf %min3A_426, %max3A_429 : vector<8x24x128xf32>
      %jit3A_431 = arith.constant 0.000000e+00 : f32
      %max3A_432 = vector.broadcast %jit3A_431 : f32 to vector<8x24x128xf32>
      %max3A_433 = arith.maximumf %max3A_432, %sub3A_430 : vector<8x24x128xf32>
      %min3A_434 = vector.broadcast %broadcast_in_dim3A_419 : vector<8x24x1xf32> to vector<8x24x128xf32>
      %min3A_435 = vector.broadcast %broadcast_in_dim3A_66 : vector<1x24x128xf32> to vector<8x24x128xf32>
      %min3A_436 = arith.minimumf %min3A_434, %min3A_435 : vector<8x24x128xf32>
      %max3A_437 = vector.broadcast %broadcast_in_dim3A_407 : vector<8x24x1xf32> to vector<8x24x128xf32>
      %max3A_438 = vector.broadcast %broadcast_in_dim3A_54 : vector<1x24x128xf32> to vector<8x24x128xf32>
      %max3A_439 = arith.maximumf %max3A_437, %max3A_438 : vector<8x24x128xf32>
      %sub3A_440 = arith.subf %min3A_436, %max3A_439 : vector<8x24x128xf32>
      %jit3A_441 = arith.constant 0.000000e+00 : f32
      %max3A_442 = vector.broadcast %jit3A_441 : f32 to vector<8x24x128xf32>
      %max3A_443 = arith.maximumf %max3A_442, %sub3A_440 : vector<8x24x128xf32>
      %mul3A_444 = arith.mulf %max3A_433, %max3A_443 : vector<8x24x128xf32>
      %add3A_445 = vector.broadcast %broadcast_in_dim3A_423 : vector<8x24x1xf32> to vector<8x24x128xf32>
      %add3A_446 = vector.broadcast %broadcast_in_dim3A_70 : vector<1x24x128xf32> to vector<8x24x128xf32>
      %add3A_447 = arith.addf %add3A_445, %add3A_446 : vector<8x24x128xf32>
      %sub3A_448 = arith.subf %add3A_447, %mul3A_444 : vector<8x24x128xf32>
      %add3A_449 = arith.constant 9.99999971E-10 : f32
      %add3A_450 = vector.broadcast %add3A_449 : f32 to vector<8x24x128xf32>
      %add3A_451 = arith.addf %sub3A_448, %add3A_450 : vector<8x24x128xf32>
      %div3A_452 = arith.divf %mul3A_444, %add3A_451 : vector<8x24x128xf32>
      %add3A_453 = arith.constant 32 : i32
      %add3A_454 = vector.broadcast %add3A_453 : i32 to vector<8x24x128xi32>
      %add3A_455 = arith.addi %iota3A_91, %add3A_454 : vector<8x24x128xi32>
      %gt3A_456 = arith.cmpi sgt, %iota3A_92, %add3A_455 : vector<8x24x128xi32>
      %gt3A_457 = arith.constant 3.000000e-01 : f32
      %gt3A_458 = vector.broadcast %gt3A_457 : f32 to vector<8x24x128xf32>
      %gt3A_459 = arith.cmpf ogt, %div3A_452, %gt3A_458 : vector<8x24x128xf32>
      %and3A_460 = arith.andi %gt3A_459, %gt3A_456 : vector<8x24x128xi1>
      %jit3A_461 = arith.constant 1.000000e+00 : f32
      %jit3A_462 = arith.constant 0.000000e+00 : f32
      %broadcast_in_dim3A_463 = vector.broadcast %jit3A_461 : f32 to vector<8x24x128xf32>
      %broadcast_in_dim3A_464 = vector.broadcast %jit3A_462 : f32 to vector<8x24x128xf32>
      %select_n3A_465 = arith.select %and3A_460, %broadcast_in_dim3A_463, %broadcast_in_dim3A_464 : vector<8x24x128xi1>, vector<8x24x128xf32>
      %swap3A_466 = arith.constant 32 : index
      %swap3A_467 = arith.constant 0 : index
      %swap3A_468 = arith.constant 0 : index
      %swap3A_469 = vector.load %arg6[%swap3A_466, %swap3A_467, %swap3A_468] : memref<128x24x128xf32, #tpu.memory_space<vmem>>, vector<8x24x128xf32>
      tpu.vector_store %arg6[%swap3A_466, %swap3A_467, %swap3A_468], %select_n3A_465 {strides = array<i32>} : memref<128x24x128xf32, #tpu.memory_space<vmem>>, vector<8x24x128xf32>,
      %add3A_470 = arith.constant 40 : i32
      %add3A_471 = arith.addi %mul3A_42, %add3A_470 : i32
      %get3A_472 = arith.constant 0 : index
      %get3A_473 = arith.index_cast %add3A_471 : i32 to index
      %get3A_474 = arith.constant 0 : index
      %get3A_475 = vector.load %arg1[%get3A_472, %get3A_473, %get3A_474] : memref<4x5120x24xf32, #tpu.memory_space<vmem>>, vector<1x8x24xf32>
      %get3A_476 = vector.shape_cast %get3A_475 : vector<1x8x24xf32> to vector<8x24xf32>
      %broadcast_in_dim3A_477 = vector.shape_cast %get3A_476 : vector<8x24xf32> to vector<8x24x1xf32>
      %get3A_478 = arith.constant 1 : index
      %get3A_479 = arith.index_cast %add3A_471 : i32 to index
      %get3A_480 = arith.constant 0 : index
      %get3A_481 = vector.load %arg1[%get3A_478, %get3A_479, %get3A_480] : memref<4x5120x24xf32, #tpu.memory_space<vmem>>, vector<1x8x24xf32>
      %get3A_482 = vector.shape_cast %get3A_481 : vector<1x8x24xf32> to vector<8x24xf32>
      %broadcast_in_dim3A_483 = vector.shape_cast %get3A_482 : vector<8x24xf32> to vector<8x24x1xf32>
      %get3A_484 = arith.constant 2 : index
      %get3A_485 = arith.index_cast %add3A_471 : i32 to index
      %get3A_486 = arith.constant 0 : index
      %get3A_487 = vector.load %arg1[%get3A_484, %get3A_485, %get3A_486] : memref<4x5120x24xf32, #tpu.memory_space<vmem>>, vector<1x8x24xf32>
      %get3A_488 = vector.shape_cast %get3A_487 : vector<1x8x24xf32> to vector<8x24xf32>
      %broadcast_in_dim3A_489 = vector.shape_cast %get3A_488 : vector<8x24xf32> to vector<8x24x1xf32>
      %get3A_490 = arith.constant 3 : index
      %get3A_491 = arith.index_cast %add3A_471 : i32 to index
      %get3A_492 = arith.constant 0 : index
      %get3A_493 = vector.load %arg1[%get3A_490, %get3A_491, %get3A_492] : memref<4x5120x24xf32, #tpu.memory_space<vmem>>, vector<1x8x24xf32>
      %get3A_494 = vector.shape_cast %get3A_493 : vector<1x8x24xf32> to vector<8x24xf32>
      %broadcast_in_dim3A_495 = vector.shape_cast %get3A_494 : vector<8x24xf32> to vector<8x24x1xf32>
      %get3A_496 = arith.index_cast %add3A_471 : i32 to index
      %get3A_497 = arith.constant 0 : index
      %get3A_498 = vector.load %arg3[%get3A_496, %get3A_497] : memref<5120x24xf32, #tpu.memory_space<vmem>>, vector<8x24xf32>
      %broadcast_in_dim3A_499 = vector.shape_cast %get3A_498 : vector<8x24xf32> to vector<8x24x1xf32>
      %min3A_500 = vector.broadcast %broadcast_in_dim3A_489 : vector<8x24x1xf32> to vector<8x24x128xf32>
      %min3A_501 = vector.broadcast %broadcast_in_dim3A_60 : vector<1x24x128xf32> to vector<8x24x128xf32>
      %min3A_502 = arith.minimumf %min3A_500, %min3A_501 : vector<8x24x128xf32>
      %max3A_503 = vector.broadcast %broadcast_in_dim3A_477 : vector<8x24x1xf32> to vector<8x24x128xf32>
      %max3A_504 = vector.broadcast %broadcast_in_dim3A_48 : vector<1x24x128xf32> to vector<8x24x128xf32>
      %max3A_505 = arith.maximumf %max3A_503, %max3A_504 : vector<8x24x128xf32>
      %sub3A_506 = arith.subf %min3A_502, %max3A_505 : vector<8x24x128xf32>
      %jit3A_507 = arith.constant 0.000000e+00 : f32
      %max3A_508 = vector.broadcast %jit3A_507 : f32 to vector<8x24x128xf32>
      %max3A_509 = arith.maximumf %max3A_508, %sub3A_506 : vector<8x24x128xf32>
      %min3A_510 = vector.broadcast %broadcast_in_dim3A_495 : vector<8x24x1xf32> to vector<8x24x128xf32>
      %min3A_511 = vector.broadcast %broadcast_in_dim3A_66 : vector<1x24x128xf32> to vector<8x24x128xf32>
      %min3A_512 = arith.minimumf %min3A_510, %min3A_511 : vector<8x24x128xf32>
      %max3A_513 = vector.broadcast %broadcast_in_dim3A_483 : vector<8x24x1xf32> to vector<8x24x128xf32>
      %max3A_514 = vector.broadcast %broadcast_in_dim3A_54 : vector<1x24x128xf32> to vector<8x24x128xf32>
      %max3A_515 = arith.maximumf %max3A_513, %max3A_514 : vector<8x24x128xf32>
      %sub3A_516 = arith.subf %min3A_512, %max3A_515 : vector<8x24x128xf32>
      %jit3A_517 = arith.constant 0.000000e+00 : f32
      %max3A_518 = vector.broadcast %jit3A_517 : f32 to vector<8x24x128xf32>
      %max3A_519 = arith.maximumf %max3A_518, %sub3A_516 : vector<8x24x128xf32>
      %mul3A_520 = arith.mulf %max3A_509, %max3A_519 : vector<8x24x128xf32>
      %add3A_521 = vector.broadcast %broadcast_in_dim3A_499 : vector<8x24x1xf32> to vector<8x24x128xf32>
      %add3A_522 = vector.broadcast %broadcast_in_dim3A_70 : vector<1x24x128xf32> to vector<8x24x128xf32>
      %add3A_523 = arith.addf %add3A_521, %add3A_522 : vector<8x24x128xf32>
      %sub3A_524 = arith.subf %add3A_523, %mul3A_520 : vector<8x24x128xf32>
      %add3A_525 = arith.constant 9.99999971E-10 : f32
      %add3A_526 = vector.broadcast %add3A_525 : f32 to vector<8x24x128xf32>
      %add3A_527 = arith.addf %sub3A_524, %add3A_526 : vector<8x24x128xf32>
      %div3A_528 = arith.divf %mul3A_520, %add3A_527 : vector<8x24x128xf32>
      %add3A_529 = arith.constant 40 : i32
      %add3A_530 = vector.broadcast %add3A_529 : i32 to vector<8x24x128xi32>
      %add3A_531 = arith.addi %iota3A_91, %add3A_530 : vector<8x24x128xi32>
      %gt3A_532 = arith.cmpi sgt, %iota3A_92, %add3A_531 : vector<8x24x128xi32>
      %gt3A_533 = arith.constant 3.000000e-01 : f32
      %gt3A_534 = vector.broadcast %gt3A_533 : f32 to vector<8x24x128xf32>
      %gt3A_535 = arith.cmpf ogt, %div3A_528, %gt3A_534 : vector<8x24x128xf32>
      %and3A_536 = arith.andi %gt3A_535, %gt3A_532 : vector<8x24x128xi1>
      %jit3A_537 = arith.constant 1.000000e+00 : f32
      %jit3A_538 = arith.constant 0.000000e+00 : f32
      %broadcast_in_dim3A_539 = vector.broadcast %jit3A_537 : f32 to vector<8x24x128xf32>
      %broadcast_in_dim3A_540 = vector.broadcast %jit3A_538 : f32 to vector<8x24x128xf32>
      %select_n3A_541 = arith.select %and3A_536, %broadcast_in_dim3A_539, %broadcast_in_dim3A_540 : vector<8x24x128xi1>, vector<8x24x128xf32>
      %swap3A_542 = arith.constant 40 : index
      %swap3A_543 = arith.constant 0 : index
      %swap3A_544 = arith.constant 0 : index
      %swap3A_545 = vector.load %arg6[%swap3A_542, %swap3A_543, %swap3A_544] : memref<128x24x128xf32, #tpu.memory_space<vmem>>, vector<8x24x128xf32>
      tpu.vector_store %arg6[%swap3A_542, %swap3A_543, %swap3A_544], %select_n3A_541 {strides = array<i32>} : memref<128x24x128xf32, #tpu.memory_space<vmem>>, vector<8x24x128xf32>,
      %add3A_546 = arith.constant 48 : i32
      %add3A_547 = arith.addi %mul3A_42, %add3A_546 : i32
      %get3A_548 = arith.constant 0 : index
      %get3A_549 = arith.index_cast %add3A_547 : i32 to index
      %get3A_550 = arith.constant 0 : index
      %get3A_551 = vector.load %arg1[%get3A_548, %get3A_549, %get3A_550] : memref<4x5120x24xf32, #tpu.memory_space<vmem>>, vector<1x8x24xf32>
      %get3A_552 = vector.shape_cast %get3A_551 : vector<1x8x24xf32> to vector<8x24xf32>
      %broadcast_in_dim3A_553 = vector.shape_cast %get3A_552 : vector<8x24xf32> to vector<8x24x1xf32>
      %get3A_554 = arith.constant 1 : index
      %get3A_555 = arith.index_cast %add3A_547 : i32 to index
      %get3A_556 = arith.constant 0 : index
      %get3A_557 = vector.load %arg1[%get3A_554, %get3A_555, %get3A_556] : memref<4x5120x24xf32, #tpu.memory_space<vmem>>, vector<1x8x24xf32>
      %get3A_558 = vector.shape_cast %get3A_557 : vector<1x8x24xf32> to vector<8x24xf32>
      %broadcast_in_dim3A_559 = vector.shape_cast %get3A_558 : vector<8x24xf32> to vector<8x24x1xf32>
      %get3A_560 = arith.constant 2 : index
      %get3A_561 = arith.index_cast %add3A_547 : i32 to index
      %get3A_562 = arith.constant 0 : index
      %get3A_563 = vector.load %arg1[%get3A_560, %get3A_561, %get3A_562] : memref<4x5120x24xf32, #tpu.memory_space<vmem>>, vector<1x8x24xf32>
      %get3A_564 = vector.shape_cast %get3A_563 : vector<1x8x24xf32> to vector<8x24xf32>
      %broadcast_in_dim3A_565 = vector.shape_cast %get3A_564 : vector<8x24xf32> to vector<8x24x1xf32>
      %get3A_566 = arith.constant 3 : index
      %get3A_567 = arith.index_cast %add3A_547 : i32 to index
      %get3A_568 = arith.constant 0 : index
      %get3A_569 = vector.load %arg1[%get3A_566, %get3A_567, %get3A_568] : memref<4x5120x24xf32, #tpu.memory_space<vmem>>, vector<1x8x24xf32>
      %get3A_570 = vector.shape_cast %get3A_569 : vector<1x8x24xf32> to vector<8x24xf32>
      %broadcast_in_dim3A_571 = vector.shape_cast %get3A_570 : vector<8x24xf32> to vector<8x24x1xf32>
      %get3A_572 = arith.index_cast %add3A_547 : i32 to index
      %get3A_573 = arith.constant 0 : index
      %get3A_574 = vector.load %arg3[%get3A_572, %get3A_573] : memref<5120x24xf32, #tpu.memory_space<vmem>>, vector<8x24xf32>
      %broadcast_in_dim3A_575 = vector.shape_cast %get3A_574 : vector<8x24xf32> to vector<8x24x1xf32>
      %min3A_576 = vector.broadcast %broadcast_in_dim3A_565 : vector<8x24x1xf32> to vector<8x24x128xf32>
      %min3A_577 = vector.broadcast %broadcast_in_dim3A_60 : vector<1x24x128xf32> to vector<8x24x128xf32>
      %min3A_578 = arith.minimumf %min3A_576, %min3A_577 : vector<8x24x128xf32>
      %max3A_579 = vector.broadcast %broadcast_in_dim3A_553 : vector<8x24x1xf32> to vector<8x24x128xf32>
      %max3A_580 = vector.broadcast %broadcast_in_dim3A_48 : vector<1x24x128xf32> to vector<8x24x128xf32>
      %max3A_581 = arith.maximumf %max3A_579, %max3A_580 : vector<8x24x128xf32>
      %sub3A_582 = arith.subf %min3A_578, %max3A_581 : vector<8x24x128xf32>
      %jit3A_583 = arith.constant 0.000000e+00 : f32
      %max3A_584 = vector.broadcast %jit3A_583 : f32 to vector<8x24x128xf32>
      %max3A_585 = arith.maximumf %max3A_584, %sub3A_582 : vector<8x24x128xf32>
      %min3A_586 = vector.broadcast %broadcast_in_dim3A_571 : vector<8x24x1xf32> to vector<8x24x128xf32>
      %min3A_587 = vector.broadcast %broadcast_in_dim3A_66 : vector<1x24x128xf32> to vector<8x24x128xf32>
      %min3A_588 = arith.minimumf %min3A_586, %min3A_587 : vector<8x24x128xf32>
      %max3A_589 = vector.broadcast %broadcast_in_dim3A_559 : vector<8x24x1xf32> to vector<8x24x128xf32>
      %max3A_590 = vector.broadcast %broadcast_in_dim3A_54 : vector<1x24x128xf32> to vector<8x24x128xf32>
      %max3A_591 = arith.maximumf %max3A_589, %max3A_590 : vector<8x24x128xf32>
      %sub3A_592 = arith.subf %min3A_588, %max3A_591 : vector<8x24x128xf32>
      %jit3A_593 = arith.constant 0.000000e+00 : f32
      %max3A_594 = vector.broadcast %jit3A_593 : f32 to vector<8x24x128xf32>
      %max3A_595 = arith.maximumf %max3A_594, %sub3A_592 : vector<8x24x128xf32>
      %mul3A_596 = arith.mulf %max3A_585, %max3A_595 : vector<8x24x128xf32>
      %add3A_597 = vector.broadcast %broadcast_in_dim3A_575 : vector<8x24x1xf32> to vector<8x24x128xf32>
      %add3A_598 = vector.broadcast %broadcast_in_dim3A_70 : vector<1x24x128xf32> to vector<8x24x128xf32>
      %add3A_599 = arith.addf %add3A_597, %add3A_598 : vector<8x24x128xf32>
      %sub3A_600 = arith.subf %add3A_599, %mul3A_596 : vector<8x24x128xf32>
      %add3A_601 = arith.constant 9.99999971E-10 : f32
      %add3A_602 = vector.broadcast %add3A_601 : f32 to vector<8x24x128xf32>
      %add3A_603 = arith.addf %sub3A_600, %add3A_602 : vector<8x24x128xf32>
      %div3A_604 = arith.divf %mul3A_596, %add3A_603 : vector<8x24x128xf32>
      %add3A_605 = arith.constant 48 : i32
      %add3A_606 = vector.broadcast %add3A_605 : i32 to vector<8x24x128xi32>
      %add3A_607 = arith.addi %iota3A_91, %add3A_606 : vector<8x24x128xi32>
      %gt3A_608 = arith.cmpi sgt, %iota3A_92, %add3A_607 : vector<8x24x128xi32>
      %gt3A_609 = arith.constant 3.000000e-01 : f32
      %gt3A_610 = vector.broadcast %gt3A_609 : f32 to vector<8x24x128xf32>
      %gt3A_611 = arith.cmpf ogt, %div3A_604, %gt3A_610 : vector<8x24x128xf32>
      %and3A_612 = arith.andi %gt3A_611, %gt3A_608 : vector<8x24x128xi1>
      %jit3A_613 = arith.constant 1.000000e+00 : f32
      %jit3A_614 = arith.constant 0.000000e+00 : f32
      %broadcast_in_dim3A_615 = vector.broadcast %jit3A_613 : f32 to vector<8x24x128xf32>
      %broadcast_in_dim3A_616 = vector.broadcast %jit3A_614 : f32 to vector<8x24x128xf32>
      %select_n3A_617 = arith.select %and3A_612, %broadcast_in_dim3A_615, %broadcast_in_dim3A_616 : vector<8x24x128xi1>, vector<8x24x128xf32>
      %swap3A_618 = arith.constant 48 : index
      %swap3A_619 = arith.constant 0 : index
      %swap3A_620 = arith.constant 0 : index
      %swap3A_621 = vector.load %arg6[%swap3A_618, %swap3A_619, %swap3A_620] : memref<128x24x128xf32, #tpu.memory_space<vmem>>, vector<8x24x128xf32>
      tpu.vector_store %arg6[%swap3A_618, %swap3A_619, %swap3A_620], %select_n3A_617 {strides = array<i32>} : memref<128x24x128xf32, #tpu.memory_space<vmem>>, vector<8x24x128xf32>,
      %add3A_622 = arith.constant 56 : i32
      %add3A_623 = arith.addi %mul3A_42, %add3A_622 : i32
      %get3A_624 = arith.constant 0 : index
      %get3A_625 = arith.index_cast %add3A_623 : i32 to index
      %get3A_626 = arith.constant 0 : index
      %get3A_627 = vector.load %arg1[%get3A_624, %get3A_625, %get3A_626] : memref<4x5120x24xf32, #tpu.memory_space<vmem>>, vector<1x8x24xf32>
      %get3A_628 = vector.shape_cast %get3A_627 : vector<1x8x24xf32> to vector<8x24xf32>
      %broadcast_in_dim3A_629 = vector.shape_cast %get3A_628 : vector<8x24xf32> to vector<8x24x1xf32>
      %get3A_630 = arith.constant 1 : index
      %get3A_631 = arith.index_cast %add3A_623 : i32 to index
      %get3A_632 = arith.constant 0 : index
      %get3A_633 = vector.load %arg1[%get3A_630, %get3A_631, %get3A_632] : memref<4x5120x24xf32, #tpu.memory_space<vmem>>, vector<1x8x24xf32>
      %get3A_634 = vector.shape_cast %get3A_633 : vector<1x8x24xf32> to vector<8x24xf32>
      %broadcast_in_dim3A_635 = vector.shape_cast %get3A_634 : vector<8x24xf32> to vector<8x24x1xf32>
      %get3A_636 = arith.constant 2 : index
      %get3A_637 = arith.index_cast %add3A_623 : i32 to index
      %get3A_638 = arith.constant 0 : index
      %get3A_639 = vector.load %arg1[%get3A_636, %get3A_637, %get3A_638] : memref<4x5120x24xf32, #tpu.memory_space<vmem>>, vector<1x8x24xf32>
      %get3A_640 = vector.shape_cast %get3A_639 : vector<1x8x24xf32> to vector<8x24xf32>
      %broadcast_in_dim3A_641 = vector.shape_cast %get3A_640 : vector<8x24xf32> to vector<8x24x1xf32>
      %get3A_642 = arith.constant 3 : index
      %get3A_643 = arith.index_cast %add3A_623 : i32 to index
      %get3A_644 = arith.constant 0 : index
      %get3A_645 = vector.load %arg1[%get3A_642, %get3A_643, %get3A_644] : memref<4x5120x24xf32, #tpu.memory_space<vmem>>, vector<1x8x24xf32>
      %get3A_646 = vector.shape_cast %get3A_645 : vector<1x8x24xf32> to vector<8x24xf32>
      %broadcast_in_dim3A_647 = vector.shape_cast %get3A_646 : vector<8x24xf32> to vector<8x24x1xf32>
      %get3A_648 = arith.index_cast %add3A_623 : i32 to index
      %get3A_649 = arith.constant 0 : index
      %get3A_650 = vector.load %arg3[%get3A_648, %get3A_649] : memref<5120x24xf32, #tpu.memory_space<vmem>>, vector<8x24xf32>
      %broadcast_in_dim3A_651 = vector.shape_cast %get3A_650 : vector<8x24xf32> to vector<8x24x1xf32>
      %min3A_652 = vector.broadcast %broadcast_in_dim3A_641 : vector<8x24x1xf32> to vector<8x24x128xf32>
      %min3A_653 = vector.broadcast %broadcast_in_dim3A_60 : vector<1x24x128xf32> to vector<8x24x128xf32>
      %min3A_654 = arith.minimumf %min3A_652, %min3A_653 : vector<8x24x128xf32>
      %max3A_655 = vector.broadcast %broadcast_in_dim3A_629 : vector<8x24x1xf32> to vector<8x24x128xf32>
      %max3A_656 = vector.broadcast %broadcast_in_dim3A_48 : vector<1x24x128xf32> to vector<8x24x128xf32>
      %max3A_657 = arith.maximumf %max3A_655, %max3A_656 : vector<8x24x128xf32>
      %sub3A_658 = arith.subf %min3A_654, %max3A_657 : vector<8x24x128xf32>
      %jit3A_659 = arith.constant 0.000000e+00 : f32
      %max3A_660 = vector.broadcast %jit3A_659 : f32 to vector<8x24x128xf32>
      %max3A_661 = arith.maximumf %max3A_660, %sub3A_658 : vector<8x24x128xf32>
      %min3A_662 = vector.broadcast %broadcast_in_dim3A_647 : vector<8x24x1xf32> to vector<8x24x128xf32>
      %min3A_663 = vector.broadcast %broadcast_in_dim3A_66 : vector<1x24x128xf32> to vector<8x24x128xf32>
      %min3A_664 = arith.minimumf %min3A_662, %min3A_663 : vector<8x24x128xf32>
      %max3A_665 = vector.broadcast %broadcast_in_dim3A_635 : vector<8x24x1xf32> to vector<8x24x128xf32>
      %max3A_666 = vector.broadcast %broadcast_in_dim3A_54 : vector<1x24x128xf32> to vector<8x24x128xf32>
      %max3A_667 = arith.maximumf %max3A_665, %max3A_666 : vector<8x24x128xf32>
      %sub3A_668 = arith.subf %min3A_664, %max3A_667 : vector<8x24x128xf32>
      %jit3A_669 = arith.constant 0.000000e+00 : f32
      %max3A_670 = vector.broadcast %jit3A_669 : f32 to vector<8x24x128xf32>
      %max3A_671 = arith.maximumf %max3A_670, %sub3A_668 : vector<8x24x128xf32>
      %mul3A_672 = arith.mulf %max3A_661, %max3A_671 : vector<8x24x128xf32>
      %add3A_673 = vector.broadcast %broadcast_in_dim3A_651 : vector<8x24x1xf32> to vector<8x24x128xf32>
      %add3A_674 = vector.broadcast %broadcast_in_dim3A_70 : vector<1x24x128xf32> to vector<8x24x128xf32>
      %add3A_675 = arith.addf %add3A_673, %add3A_674 : vector<8x24x128xf32>
      %sub3A_676 = arith.subf %add3A_675, %mul3A_672 : vector<8x24x128xf32>
      %add3A_677 = arith.constant 9.99999971E-10 : f32
      %add3A_678 = vector.broadcast %add3A_677 : f32 to vector<8x24x128xf32>
      %add3A_679 = arith.addf %sub3A_676, %add3A_678 : vector<8x24x128xf32>
      %div3A_680 = arith.divf %mul3A_672, %add3A_679 : vector<8x24x128xf32>
      %add3A_681 = arith.constant 56 : i32
      %add3A_682 = vector.broadcast %add3A_681 : i32 to vector<8x24x128xi32>
      %add3A_683 = arith.addi %iota3A_91, %add3A_682 : vector<8x24x128xi32>
      %gt3A_684 = arith.cmpi sgt, %iota3A_92, %add3A_683 : vector<8x24x128xi32>
      %gt3A_685 = arith.constant 3.000000e-01 : f32
      %gt3A_686 = vector.broadcast %gt3A_685 : f32 to vector<8x24x128xf32>
      %gt3A_687 = arith.cmpf ogt, %div3A_680, %gt3A_686 : vector<8x24x128xf32>
      %and3A_688 = arith.andi %gt3A_687, %gt3A_684 : vector<8x24x128xi1>
      %jit3A_689 = arith.constant 1.000000e+00 : f32
      %jit3A_690 = arith.constant 0.000000e+00 : f32
      %broadcast_in_dim3A_691 = vector.broadcast %jit3A_689 : f32 to vector<8x24x128xf32>
      %broadcast_in_dim3A_692 = vector.broadcast %jit3A_690 : f32 to vector<8x24x128xf32>
      %select_n3A_693 = arith.select %and3A_688, %broadcast_in_dim3A_691, %broadcast_in_dim3A_692 : vector<8x24x128xi1>, vector<8x24x128xf32>
      %swap3A_694 = arith.constant 56 : index
      %swap3A_695 = arith.constant 0 : index
      %swap3A_696 = arith.constant 0 : index
      %swap3A_697 = vector.load %arg6[%swap3A_694, %swap3A_695, %swap3A_696] : memref<128x24x128xf32, #tpu.memory_space<vmem>>, vector<8x24x128xf32>
      tpu.vector_store %arg6[%swap3A_694, %swap3A_695, %swap3A_696], %select_n3A_693 {strides = array<i32>} : memref<128x24x128xf32, #tpu.memory_space<vmem>>, vector<8x24x128xf32>,
      %add3A_698 = arith.constant 64 : i32
      %add3A_699 = arith.addi %mul3A_42, %add3A_698 : i32
      %get3A_700 = arith.constant 0 : index
      %get3A_701 = arith.index_cast %add3A_699 : i32 to index
      %get3A_702 = arith.constant 0 : index
      %get3A_703 = vector.load %arg1[%get3A_700, %get3A_701, %get3A_702] : memref<4x5120x24xf32, #tpu.memory_space<vmem>>, vector<1x8x24xf32>
      %get3A_704 = vector.shape_cast %get3A_703 : vector<1x8x24xf32> to vector<8x24xf32>
      %broadcast_in_dim3A_705 = vector.shape_cast %get3A_704 : vector<8x24xf32> to vector<8x24x1xf32>
      %get3A_706 = arith.constant 1 : index
      %get3A_707 = arith.index_cast %add3A_699 : i32 to index
      %get3A_708 = arith.constant 0 : index
      %get3A_709 = vector.load %arg1[%get3A_706, %get3A_707, %get3A_708] : memref<4x5120x24xf32, #tpu.memory_space<vmem>>, vector<1x8x24xf32>
      %get3A_710 = vector.shape_cast %get3A_709 : vector<1x8x24xf32> to vector<8x24xf32>
      %broadcast_in_dim3A_711 = vector.shape_cast %get3A_710 : vector<8x24xf32> to vector<8x24x1xf32>
      %get3A_712 = arith.constant 2 : index
      %get3A_713 = arith.index_cast %add3A_699 : i32 to index
      %get3A_714 = arith.constant 0 : index
      %get3A_715 = vector.load %arg1[%get3A_712, %get3A_713, %get3A_714] : memref<4x5120x24xf32, #tpu.memory_space<vmem>>, vector<1x8x24xf32>
      %get3A_716 = vector.shape_cast %get3A_715 : vector<1x8x24xf32> to vector<8x24xf32>
      %broadcast_in_dim3A_717 = vector.shape_cast %get3A_716 : vector<8x24xf32> to vector<8x24x1xf32>
      %get3A_718 = arith.constant 3 : index
      %get3A_719 = arith.index_cast %add3A_699 : i32 to index
      %get3A_720 = arith.constant 0 : index
      %get3A_721 = vector.load %arg1[%get3A_718, %get3A_719, %get3A_720] : memref<4x5120x24xf32, #tpu.memory_space<vmem>>, vector<1x8x24xf32>
      %get3A_722 = vector.shape_cast %get3A_721 : vector<1x8x24xf32> to vector<8x24xf32>
      %broadcast_in_dim3A_723 = vector.shape_cast %get3A_722 : vector<8x24xf32> to vector<8x24x1xf32>
      %get3A_724 = arith.index_cast %add3A_699 : i32 to index
      %get3A_725 = arith.constant 0 : index
      %get3A_726 = vector.load %arg3[%get3A_724, %get3A_725] : memref<5120x24xf32, #tpu.memory_space<vmem>>, vector<8x24xf32>
      %broadcast_in_dim3A_727 = vector.shape_cast %get3A_726 : vector<8x24xf32> to vector<8x24x1xf32>
      %min3A_728 = vector.broadcast %broadcast_in_dim3A_717 : vector<8x24x1xf32> to vector<8x24x128xf32>
      %min3A_729 = vector.broadcast %broadcast_in_dim3A_60 : vector<1x24x128xf32> to vector<8x24x128xf32>
      %min3A_730 = arith.minimumf %min3A_728, %min3A_729 : vector<8x24x128xf32>
      %max3A_731 = vector.broadcast %broadcast_in_dim3A_705 : vector<8x24x1xf32> to vector<8x24x128xf32>
      %max3A_732 = vector.broadcast %broadcast_in_dim3A_48 : vector<1x24x128xf32> to vector<8x24x128xf32>
      %max3A_733 = arith.maximumf %max3A_731, %max3A_732 : vector<8x24x128xf32>
      %sub3A_734 = arith.subf %min3A_730, %max3A_733 : vector<8x24x128xf32>
      %jit3A_735 = arith.constant 0.000000e+00 : f32
      %max3A_736 = vector.broadcast %jit3A_735 : f32 to vector<8x24x128xf32>
      %max3A_737 = arith.maximumf %max3A_736, %sub3A_734 : vector<8x24x128xf32>
      %min3A_738 = vector.broadcast %broadcast_in_dim3A_723 : vector<8x24x1xf32> to vector<8x24x128xf32>
      %min3A_739 = vector.broadcast %broadcast_in_dim3A_66 : vector<1x24x128xf32> to vector<8x24x128xf32>
      %min3A_740 = arith.minimumf %min3A_738, %min3A_739 : vector<8x24x128xf32>
      %max3A_741 = vector.broadcast %broadcast_in_dim3A_711 : vector<8x24x1xf32> to vector<8x24x128xf32>
      %max3A_742 = vector.broadcast %broadcast_in_dim3A_54 : vector<1x24x128xf32> to vector<8x24x128xf32>
      %max3A_743 = arith.maximumf %max3A_741, %max3A_742 : vector<8x24x128xf32>
      %sub3A_744 = arith.subf %min3A_740, %max3A_743 : vector<8x24x128xf32>
      %jit3A_745 = arith.constant 0.000000e+00 : f32
      %max3A_746 = vector.broadcast %jit3A_745 : f32 to vector<8x24x128xf32>
      %max3A_747 = arith.maximumf %max3A_746, %sub3A_744 : vector<8x24x128xf32>
      %mul3A_748 = arith.mulf %max3A_737, %max3A_747 : vector<8x24x128xf32>
      %add3A_749 = vector.broadcast %broadcast_in_dim3A_727 : vector<8x24x1xf32> to vector<8x24x128xf32>
      %add3A_750 = vector.broadcast %broadcast_in_dim3A_70 : vector<1x24x128xf32> to vector<8x24x128xf32>
      %add3A_751 = arith.addf %add3A_749, %add3A_750 : vector<8x24x128xf32>
      %sub3A_752 = arith.subf %add3A_751, %mul3A_748 : vector<8x24x128xf32>
      %add3A_753 = arith.constant 9.99999971E-10 : f32
      %add3A_754 = vector.broadcast %add3A_753 : f32 to vector<8x24x128xf32>
      %add3A_755 = arith.addf %sub3A_752, %add3A_754 : vector<8x24x128xf32>
      %div3A_756 = arith.divf %mul3A_748, %add3A_755 : vector<8x24x128xf32>
      %add3A_757 = arith.constant 64 : i32
      %add3A_758 = vector.broadcast %add3A_757 : i32 to vector<8x24x128xi32>
      %add3A_759 = arith.addi %iota3A_91, %add3A_758 : vector<8x24x128xi32>
      %gt3A_760 = arith.cmpi sgt, %iota3A_92, %add3A_759 : vector<8x24x128xi32>
      %gt3A_761 = arith.constant 3.000000e-01 : f32
      %gt3A_762 = vector.broadcast %gt3A_761 : f32 to vector<8x24x128xf32>
      %gt3A_763 = arith.cmpf ogt, %div3A_756, %gt3A_762 : vector<8x24x128xf32>
      %and3A_764 = arith.andi %gt3A_763, %gt3A_760 : vector<8x24x128xi1>
      %jit3A_765 = arith.constant 1.000000e+00 : f32
      %jit3A_766 = arith.constant 0.000000e+00 : f32
      %broadcast_in_dim3A_767 = vector.broadcast %jit3A_765 : f32 to vector<8x24x128xf32>
      %broadcast_in_dim3A_768 = vector.broadcast %jit3A_766 : f32 to vector<8x24x128xf32>
      %select_n3A_769 = arith.select %and3A_764, %broadcast_in_dim3A_767, %broadcast_in_dim3A_768 : vector<8x24x128xi1>, vector<8x24x128xf32>
      %swap3A_770 = arith.constant 64 : index
      %swap3A_771 = arith.constant 0 : index
      %swap3A_772 = arith.constant 0 : index
      %swap3A_773 = vector.load %arg6[%swap3A_770, %swap3A_771, %swap3A_772] : memref<128x24x128xf32, #tpu.memory_space<vmem>>, vector<8x24x128xf32>
      tpu.vector_store %arg6[%swap3A_770, %swap3A_771, %swap3A_772], %select_n3A_769 {strides = array<i32>} : memref<128x24x128xf32, #tpu.memory_space<vmem>>, vector<8x24x128xf32>,
      %add3A_774 = arith.constant 72 : i32
      %add3A_775 = arith.addi %mul3A_42, %add3A_774 : i32
      %get3A_776 = arith.constant 0 : index
      %get3A_777 = arith.index_cast %add3A_775 : i32 to index
      %get3A_778 = arith.constant 0 : index
      %get3A_779 = vector.load %arg1[%get3A_776, %get3A_777, %get3A_778] : memref<4x5120x24xf32, #tpu.memory_space<vmem>>, vector<1x8x24xf32>
      %get3A_780 = vector.shape_cast %get3A_779 : vector<1x8x24xf32> to vector<8x24xf32>
      %broadcast_in_dim3A_781 = vector.shape_cast %get3A_780 : vector<8x24xf32> to vector<8x24x1xf32>
      %get3A_782 = arith.constant 1 : index
      %get3A_783 = arith.index_cast %add3A_775 : i32 to index
      %get3A_784 = arith.constant 0 : index
      %get3A_785 = vector.load %arg1[%get3A_782, %get3A_783, %get3A_784] : memref<4x5120x24xf32, #tpu.memory_space<vmem>>, vector<1x8x24xf32>
      %get3A_786 = vector.shape_cast %get3A_785 : vector<1x8x24xf32> to vector<8x24xf32>
      %broadcast_in_dim3A_787 = vector.shape_cast %get3A_786 : vector<8x24xf32> to vector<8x24x1xf32>
      %get3A_788 = arith.constant 2 : index
      %get3A_789 = arith.index_cast %add3A_775 : i32 to index
      %get3A_790 = arith.constant 0 : index
      %get3A_791 = vector.load %arg1[%get3A_788, %get3A_789, %get3A_790] : memref<4x5120x24xf32, #tpu.memory_space<vmem>>, vector<1x8x24xf32>
      %get3A_792 = vector.shape_cast %get3A_791 : vector<1x8x24xf32> to vector<8x24xf32>
      %broadcast_in_dim3A_793 = vector.shape_cast %get3A_792 : vector<8x24xf32> to vector<8x24x1xf32>
      %get3A_794 = arith.constant 3 : index
      %get3A_795 = arith.index_cast %add3A_775 : i32 to index
      %get3A_796 = arith.constant 0 : index
      %get3A_797 = vector.load %arg1[%get3A_794, %get3A_795, %get3A_796] : memref<4x5120x24xf32, #tpu.memory_space<vmem>>, vector<1x8x24xf32>
      %get3A_798 = vector.shape_cast %get3A_797 : vector<1x8x24xf32> to vector<8x24xf32>
      %broadcast_in_dim3A_799 = vector.shape_cast %get3A_798 : vector<8x24xf32> to vector<8x24x1xf32>
      %get3A_800 = arith.index_cast %add3A_775 : i32 to index
      %get3A_801 = arith.constant 0 : index
      %get3A_802 = vector.load %arg3[%get3A_800, %get3A_801] : memref<5120x24xf32, #tpu.memory_space<vmem>>, vector<8x24xf32>
      %broadcast_in_dim3A_803 = vector.shape_cast %get3A_802 : vector<8x24xf32> to vector<8x24x1xf32>
      %min3A_804 = vector.broadcast %broadcast_in_dim3A_793 : vector<8x24x1xf32> to vector<8x24x128xf32>
      %min3A_805 = vector.broadcast %broadcast_in_dim3A_60 : vector<1x24x128xf32> to vector<8x24x128xf32>
      %min3A_806 = arith.minimumf %min3A_804, %min3A_805 : vector<8x24x128xf32>
      %max3A_807 = vector.broadcast %broadcast_in_dim3A_781 : vector<8x24x1xf32> to vector<8x24x128xf32>
      %max3A_808 = vector.broadcast %broadcast_in_dim3A_48 : vector<1x24x128xf32> to vector<8x24x128xf32>
      %max3A_809 = arith.maximumf %max3A_807, %max3A_808 : vector<8x24x128xf32>
      %sub3A_810 = arith.subf %min3A_806, %max3A_809 : vector<8x24x128xf32>
      %jit3A_811 = arith.constant 0.000000e+00 : f32
      %max3A_812 = vector.broadcast %jit3A_811 : f32 to vector<8x24x128xf32>
      %max3A_813 = arith.maximumf %max3A_812, %sub3A_810 : vector<8x24x128xf32>
      %min3A_814 = vector.broadcast %broadcast_in_dim3A_799 : vector<8x24x1xf32> to vector<8x24x128xf32>
      %min3A_815 = vector.broadcast %broadcast_in_dim3A_66 : vector<1x24x128xf32> to vector<8x24x128xf32>
      %min3A_816 = arith.minimumf %min3A_814, %min3A_815 : vector<8x24x128xf32>
      %max3A_817 = vector.broadcast %broadcast_in_dim3A_787 : vector<8x24x1xf32> to vector<8x24x128xf32>
      %max3A_818 = vector.broadcast %broadcast_in_dim3A_54 : vector<1x24x128xf32> to vector<8x24x128xf32>
      %max3A_819 = arith.maximumf %max3A_817, %max3A_818 : vector<8x24x128xf32>
      %sub3A_820 = arith.subf %min3A_816, %max3A_819 : vector<8x24x128xf32>
      %jit3A_821 = arith.constant 0.000000e+00 : f32
      %max3A_822 = vector.broadcast %jit3A_821 : f32 to vector<8x24x128xf32>
      %max3A_823 = arith.maximumf %max3A_822, %sub3A_820 : vector<8x24x128xf32>
      %mul3A_824 = arith.mulf %max3A_813, %max3A_823 : vector<8x24x128xf32>
      %add3A_825 = vector.broadcast %broadcast_in_dim3A_803 : vector<8x24x1xf32> to vector<8x24x128xf32>
      %add3A_826 = vector.broadcast %broadcast_in_dim3A_70 : vector<1x24x128xf32> to vector<8x24x128xf32>
      %add3A_827 = arith.addf %add3A_825, %add3A_826 : vector<8x24x128xf32>
      %sub3A_828 = arith.subf %add3A_827, %mul3A_824 : vector<8x24x128xf32>
      %add3A_829 = arith.constant 9.99999971E-10 : f32
      %add3A_830 = vector.broadcast %add3A_829 : f32 to vector<8x24x128xf32>
      %add3A_831 = arith.addf %sub3A_828, %add3A_830 : vector<8x24x128xf32>
      %div3A_832 = arith.divf %mul3A_824, %add3A_831 : vector<8x24x128xf32>
      %add3A_833 = arith.constant 72 : i32
      %add3A_834 = vector.broadcast %add3A_833 : i32 to vector<8x24x128xi32>
      %add3A_835 = arith.addi %iota3A_91, %add3A_834 : vector<8x24x128xi32>
      %gt3A_836 = arith.cmpi sgt, %iota3A_92, %add3A_835 : vector<8x24x128xi32>
      %gt3A_837 = arith.constant 3.000000e-01 : f32
      %gt3A_838 = vector.broadcast %gt3A_837 : f32 to vector<8x24x128xf32>
      %gt3A_839 = arith.cmpf ogt, %div3A_832, %gt3A_838 : vector<8x24x128xf32>
      %and3A_840 = arith.andi %gt3A_839, %gt3A_836 : vector<8x24x128xi1>
      %jit3A_841 = arith.constant 1.000000e+00 : f32
      %jit3A_842 = arith.constant 0.000000e+00 : f32
      %broadcast_in_dim3A_843 = vector.broadcast %jit3A_841 : f32 to vector<8x24x128xf32>
      %broadcast_in_dim3A_844 = vector.broadcast %jit3A_842 : f32 to vector<8x24x128xf32>
      %select_n3A_845 = arith.select %and3A_840, %broadcast_in_dim3A_843, %broadcast_in_dim3A_844 : vector<8x24x128xi1>, vector<8x24x128xf32>
      %swap3A_846 = arith.constant 72 : index
      %swap3A_847 = arith.constant 0 : index
      %swap3A_848 = arith.constant 0 : index
      %swap3A_849 = vector.load %arg6[%swap3A_846, %swap3A_847, %swap3A_848] : memref<128x24x128xf32, #tpu.memory_space<vmem>>, vector<8x24x128xf32>
      tpu.vector_store %arg6[%swap3A_846, %swap3A_847, %swap3A_848], %select_n3A_845 {strides = array<i32>} : memref<128x24x128xf32, #tpu.memory_space<vmem>>, vector<8x24x128xf32>,
      %add3A_850 = arith.constant 80 : i32
      %add3A_851 = arith.addi %mul3A_42, %add3A_850 : i32
      %get3A_852 = arith.constant 0 : index
      %get3A_853 = arith.index_cast %add3A_851 : i32 to index
      %get3A_854 = arith.constant 0 : index
      %get3A_855 = vector.load %arg1[%get3A_852, %get3A_853, %get3A_854] : memref<4x5120x24xf32, #tpu.memory_space<vmem>>, vector<1x8x24xf32>
      %get3A_856 = vector.shape_cast %get3A_855 : vector<1x8x24xf32> to vector<8x24xf32>
      %broadcast_in_dim3A_857 = vector.shape_cast %get3A_856 : vector<8x24xf32> to vector<8x24x1xf32>
      %get3A_858 = arith.constant 1 : index
      %get3A_859 = arith.index_cast %add3A_851 : i32 to index
      %get3A_860 = arith.constant 0 : index
      %get3A_861 = vector.load %arg1[%get3A_858, %get3A_859, %get3A_860] : memref<4x5120x24xf32, #tpu.memory_space<vmem>>, vector<1x8x24xf32>
      %get3A_862 = vector.shape_cast %get3A_861 : vector<1x8x24xf32> to vector<8x24xf32>
      %broadcast_in_dim3A_863 = vector.shape_cast %get3A_862 : vector<8x24xf32> to vector<8x24x1xf32>
      %get3A_864 = arith.constant 2 : index
      %get3A_865 = arith.index_cast %add3A_851 : i32 to index
      %get3A_866 = arith.constant 0 : index
      %get3A_867 = vector.load %arg1[%get3A_864, %get3A_865, %get3A_866] : memref<4x5120x24xf32, #tpu.memory_space<vmem>>, vector<1x8x24xf32>
      %get3A_868 = vector.shape_cast %get3A_867 : vector<1x8x24xf32> to vector<8x24xf32>
      %broadcast_in_dim3A_869 = vector.shape_cast %get3A_868 : vector<8x24xf32> to vector<8x24x1xf32>
      %get3A_870 = arith.constant 3 : index
      %get3A_871 = arith.index_cast %add3A_851 : i32 to index
      %get3A_872 = arith.constant 0 : index
      %get3A_873 = vector.load %arg1[%get3A_870, %get3A_871, %get3A_872] : memref<4x5120x24xf32, #tpu.memory_space<vmem>>, vector<1x8x24xf32>
      %get3A_874 = vector.shape_cast %get3A_873 : vector<1x8x24xf32> to vector<8x24xf32>
      %broadcast_in_dim3A_875 = vector.shape_cast %get3A_874 : vector<8x24xf32> to vector<8x24x1xf32>
      %get3A_876 = arith.index_cast %add3A_851 : i32 to index
      %get3A_877 = arith.constant 0 : index
      %get3A_878 = vector.load %arg3[%get3A_876, %get3A_877] : memref<5120x24xf32, #tpu.memory_space<vmem>>, vector<8x24xf32>
      %broadcast_in_dim3A_879 = vector.shape_cast %get3A_878 : vector<8x24xf32> to vector<8x24x1xf32>
      %min3A_880 = vector.broadcast %broadcast_in_dim3A_869 : vector<8x24x1xf32> to vector<8x24x128xf32>
      %min3A_881 = vector.broadcast %broadcast_in_dim3A_60 : vector<1x24x128xf32> to vector<8x24x128xf32>
      %min3A_882 = arith.minimumf %min3A_880, %min3A_881 : vector<8x24x128xf32>
      %max3A_883 = vector.broadcast %broadcast_in_dim3A_857 : vector<8x24x1xf32> to vector<8x24x128xf32>
      %max3A_884 = vector.broadcast %broadcast_in_dim3A_48 : vector<1x24x128xf32> to vector<8x24x128xf32>
      %max3A_885 = arith.maximumf %max3A_883, %max3A_884 : vector<8x24x128xf32>
      %sub3A_886 = arith.subf %min3A_882, %max3A_885 : vector<8x24x128xf32>
      %jit3A_887 = arith.constant 0.000000e+00 : f32
      %max3A_888 = vector.broadcast %jit3A_887 : f32 to vector<8x24x128xf32>
      %max3A_889 = arith.maximumf %max3A_888, %sub3A_886 : vector<8x24x128xf32>
      %min3A_890 = vector.broadcast %broadcast_in_dim3A_875 : vector<8x24x1xf32> to vector<8x24x128xf32>
      %min3A_891 = vector.broadcast %broadcast_in_dim3A_66 : vector<1x24x128xf32> to vector<8x24x128xf32>
      %min3A_892 = arith.minimumf %min3A_890, %min3A_891 : vector<8x24x128xf32>
      %max3A_893 = vector.broadcast %broadcast_in_dim3A_863 : vector<8x24x1xf32> to vector<8x24x128xf32>
      %max3A_894 = vector.broadcast %broadcast_in_dim3A_54 : vector<1x24x128xf32> to vector<8x24x128xf32>
      %max3A_895 = arith.maximumf %max3A_893, %max3A_894 : vector<8x24x128xf32>
      %sub3A_896 = arith.subf %min3A_892, %max3A_895 : vector<8x24x128xf32>
      %jit3A_897 = arith.constant 0.000000e+00 : f32
      %max3A_898 = vector.broadcast %jit3A_897 : f32 to vector<8x24x128xf32>
      %max3A_899 = arith.maximumf %max3A_898, %sub3A_896 : vector<8x24x128xf32>
      %mul3A_900 = arith.mulf %max3A_889, %max3A_899 : vector<8x24x128xf32>
      %add3A_901 = vector.broadcast %broadcast_in_dim3A_879 : vector<8x24x1xf32> to vector<8x24x128xf32>
      %add3A_902 = vector.broadcast %broadcast_in_dim3A_70 : vector<1x24x128xf32> to vector<8x24x128xf32>
      %add3A_903 = arith.addf %add3A_901, %add3A_902 : vector<8x24x128xf32>
      %sub3A_904 = arith.subf %add3A_903, %mul3A_900 : vector<8x24x128xf32>
      %add3A_905 = arith.constant 9.99999971E-10 : f32
      %add3A_906 = vector.broadcast %add3A_905 : f32 to vector<8x24x128xf32>
      %add3A_907 = arith.addf %sub3A_904, %add3A_906 : vector<8x24x128xf32>
      %div3A_908 = arith.divf %mul3A_900, %add3A_907 : vector<8x24x128xf32>
      %add3A_909 = arith.constant 80 : i32
      %add3A_910 = vector.broadcast %add3A_909 : i32 to vector<8x24x128xi32>
      %add3A_911 = arith.addi %iota3A_91, %add3A_910 : vector<8x24x128xi32>
      %gt3A_912 = arith.cmpi sgt, %iota3A_92, %add3A_911 : vector<8x24x128xi32>
      %gt3A_913 = arith.constant 3.000000e-01 : f32
      %gt3A_914 = vector.broadcast %gt3A_913 : f32 to vector<8x24x128xf32>
      %gt3A_915 = arith.cmpf ogt, %div3A_908, %gt3A_914 : vector<8x24x128xf32>
      %and3A_916 = arith.andi %gt3A_915, %gt3A_912 : vector<8x24x128xi1>
      %jit3A_917 = arith.constant 1.000000e+00 : f32
      %jit3A_918 = arith.constant 0.000000e+00 : f32
      %broadcast_in_dim3A_919 = vector.broadcast %jit3A_917 : f32 to vector<8x24x128xf32>
      %broadcast_in_dim3A_920 = vector.broadcast %jit3A_918 : f32 to vector<8x24x128xf32>
      %select_n3A_921 = arith.select %and3A_916, %broadcast_in_dim3A_919, %broadcast_in_dim3A_920 : vector<8x24x128xi1>, vector<8x24x128xf32>
      %swap3A_922 = arith.constant 80 : index
      %swap3A_923 = arith.constant 0 : index
      %swap3A_924 = arith.constant 0 : index
      %swap3A_925 = vector.load %arg6[%swap3A_922, %swap3A_923, %swap3A_924] : memref<128x24x128xf32, #tpu.memory_space<vmem>>, vector<8x24x128xf32>
      tpu.vector_store %arg6[%swap3A_922, %swap3A_923, %swap3A_924], %select_n3A_921 {strides = array<i32>} : memref<128x24x128xf32, #tpu.memory_space<vmem>>, vector<8x24x128xf32>,
      %add3A_926 = arith.constant 88 : i32
      %add3A_927 = arith.addi %mul3A_42, %add3A_926 : i32
      %get3A_928 = arith.constant 0 : index
      %get3A_929 = arith.index_cast %add3A_927 : i32 to index
      %get3A_930 = arith.constant 0 : index
      %get3A_931 = vector.load %arg1[%get3A_928, %get3A_929, %get3A_930] : memref<4x5120x24xf32, #tpu.memory_space<vmem>>, vector<1x8x24xf32>
      %get3A_932 = vector.shape_cast %get3A_931 : vector<1x8x24xf32> to vector<8x24xf32>
      %broadcast_in_dim3A_933 = vector.shape_cast %get3A_932 : vector<8x24xf32> to vector<8x24x1xf32>
      %get3A_934 = arith.constant 1 : index
      %get3A_935 = arith.index_cast %add3A_927 : i32 to index
      %get3A_936 = arith.constant 0 : index
      %get3A_937 = vector.load %arg1[%get3A_934, %get3A_935, %get3A_936] : memref<4x5120x24xf32, #tpu.memory_space<vmem>>, vector<1x8x24xf32>
      %get3A_938 = vector.shape_cast %get3A_937 : vector<1x8x24xf32> to vector<8x24xf32>
      %broadcast_in_dim3A_939 = vector.shape_cast %get3A_938 : vector<8x24xf32> to vector<8x24x1xf32>
      %get3A_940 = arith.constant 2 : index
      %get3A_941 = arith.index_cast %add3A_927 : i32 to index
      %get3A_942 = arith.constant 0 : index
      %get3A_943 = vector.load %arg1[%get3A_940, %get3A_941, %get3A_942] : memref<4x5120x24xf32, #tpu.memory_space<vmem>>, vector<1x8x24xf32>
      %get3A_944 = vector.shape_cast %get3A_943 : vector<1x8x24xf32> to vector<8x24xf32>
      %broadcast_in_dim3A_945 = vector.shape_cast %get3A_944 : vector<8x24xf32> to vector<8x24x1xf32>
      %get3A_946 = arith.constant 3 : index
      %get3A_947 = arith.index_cast %add3A_927 : i32 to index
      %get3A_948 = arith.constant 0 : index
      %get3A_949 = vector.load %arg1[%get3A_946, %get3A_947, %get3A_948] : memref<4x5120x24xf32, #tpu.memory_space<vmem>>, vector<1x8x24xf32>
      %get3A_950 = vector.shape_cast %get3A_949 : vector<1x8x24xf32> to vector<8x24xf32>
      %broadcast_in_dim3A_951 = vector.shape_cast %get3A_950 : vector<8x24xf32> to vector<8x24x1xf32>
      %get3A_952 = arith.index_cast %add3A_927 : i32 to index
      %get3A_953 = arith.constant 0 : index
      %get3A_954 = vector.load %arg3[%get3A_952, %get3A_953] : memref<5120x24xf32, #tpu.memory_space<vmem>>, vector<8x24xf32>
      %broadcast_in_dim3A_955 = vector.shape_cast %get3A_954 : vector<8x24xf32> to vector<8x24x1xf32>
      %min3A_956 = vector.broadcast %broadcast_in_dim3A_945 : vector<8x24x1xf32> to vector<8x24x128xf32>
      %min3A_957 = vector.broadcast %broadcast_in_dim3A_60 : vector<1x24x128xf32> to vector<8x24x128xf32>
      %min3A_958 = arith.minimumf %min3A_956, %min3A_957 : vector<8x24x128xf32>
      %max3A_959 = vector.broadcast %broadcast_in_dim3A_933 : vector<8x24x1xf32> to vector<8x24x128xf32>
      %max3A_960 = vector.broadcast %broadcast_in_dim3A_48 : vector<1x24x128xf32> to vector<8x24x128xf32>
      %max3A_961 = arith.maximumf %max3A_959, %max3A_960 : vector<8x24x128xf32>
      %sub3A_962 = arith.subf %min3A_958, %max3A_961 : vector<8x24x128xf32>
      %jit3A_963 = arith.constant 0.000000e+00 : f32
      %max3A_964 = vector.broadcast %jit3A_963 : f32 to vector<8x24x128xf32>
      %max3A_965 = arith.maximumf %max3A_964, %sub3A_962 : vector<8x24x128xf32>
      %min3A_966 = vector.broadcast %broadcast_in_dim3A_951 : vector<8x24x1xf32> to vector<8x24x128xf32>
      %min3A_967 = vector.broadcast %broadcast_in_dim3A_66 : vector<1x24x128xf32> to vector<8x24x128xf32>
      %min3A_968 = arith.minimumf %min3A_966, %min3A_967 : vector<8x24x128xf32>
      %max3A_969 = vector.broadcast %broadcast_in_dim3A_939 : vector<8x24x1xf32> to vector<8x24x128xf32>
      %max3A_970 = vector.broadcast %broadcast_in_dim3A_54 : vector<1x24x128xf32> to vector<8x24x128xf32>
      %max3A_971 = arith.maximumf %max3A_969, %max3A_970 : vector<8x24x128xf32>
      %sub3A_972 = arith.subf %min3A_968, %max3A_971 : vector<8x24x128xf32>
      %jit3A_973 = arith.constant 0.000000e+00 : f32
      %max3A_974 = vector.broadcast %jit3A_973 : f32 to vector<8x24x128xf32>
      %max3A_975 = arith.maximumf %max3A_974, %sub3A_972 : vector<8x24x128xf32>
      %mul3A_976 = arith.mulf %max3A_965, %max3A_975 : vector<8x24x128xf32>
      %add3A_977 = vector.broadcast %broadcast_in_dim3A_955 : vector<8x24x1xf32> to vector<8x24x128xf32>
      %add3A_978 = vector.broadcast %broadcast_in_dim3A_70 : vector<1x24x128xf32> to vector<8x24x128xf32>
      %add3A_979 = arith.addf %add3A_977, %add3A_978 : vector<8x24x128xf32>
      %sub3A_980 = arith.subf %add3A_979, %mul3A_976 : vector<8x24x128xf32>
      %add3A_981 = arith.constant 9.99999971E-10 : f32
      %add3A_982 = vector.broadcast %add3A_981 : f32 to vector<8x24x128xf32>
      %add3A_983 = arith.addf %sub3A_980, %add3A_982 : vector<8x24x128xf32>
      %div3A_984 = arith.divf %mul3A_976, %add3A_983 : vector<8x24x128xf32>
      %add3A_985 = arith.constant 88 : i32
      %add3A_986 = vector.broadcast %add3A_985 : i32 to vector<8x24x128xi32>
      %add3A_987 = arith.addi %iota3A_91, %add3A_986 : vector<8x24x128xi32>
      %gt3A_988 = arith.cmpi sgt, %iota3A_92, %add3A_987 : vector<8x24x128xi32>
      %gt3A_989 = arith.constant 3.000000e-01 : f32
      %gt3A_990 = vector.broadcast %gt3A_989 : f32 to vector<8x24x128xf32>
      %gt3A_991 = arith.cmpf ogt, %div3A_984, %gt3A_990 : vector<8x24x128xf32>
      %and3A_992 = arith.andi %gt3A_991, %gt3A_988 : vector<8x24x128xi1>
      %jit3A_993 = arith.constant 1.000000e+00 : f32
      %jit3A_994 = arith.constant 0.000000e+00 : f32
      %broadcast_in_dim3A_995 = vector.broadcast %jit3A_993 : f32 to vector<8x24x128xf32>
      %broadcast_in_dim3A_996 = vector.broadcast %jit3A_994 : f32 to vector<8x24x128xf32>
      %select_n3A_997 = arith.select %and3A_992, %broadcast_in_dim3A_995, %broadcast_in_dim3A_996 : vector<8x24x128xi1>, vector<8x24x128xf32>
      %swap3A_998 = arith.constant 88 : index
      %swap3A_999 = arith.constant 0 : index
      %swap3A_1000 = arith.constant 0 : index
      %swap3A_1001 = vector.load %arg6[%swap3A_998, %swap3A_999, %swap3A_1000] : memref<128x24x128xf32, #tpu.memory_space<vmem>>, vector<8x24x128xf32>
      tpu.vector_store %arg6[%swap3A_998, %swap3A_999, %swap3A_1000], %select_n3A_997 {strides = array<i32>} : memref<128x24x128xf32, #tpu.memory_space<vmem>>, vector<8x24x128xf32>,
      %add3A_1002 = arith.constant 96 : i32
      %add3A_1003 = arith.addi %mul3A_42, %add3A_1002 : i32
      %get3A_1004 = arith.constant 0 : index
      %get3A_1005 = arith.index_cast %add3A_1003 : i32 to index
      %get3A_1006 = arith.constant 0 : index
      %get3A_1007 = vector.load %arg1[%get3A_1004, %get3A_1005, %get3A_1006] : memref<4x5120x24xf32, #tpu.memory_space<vmem>>, vector<1x8x24xf32>
      %get3A_1008 = vector.shape_cast %get3A_1007 : vector<1x8x24xf32> to vector<8x24xf32>
      %broadcast_in_dim3A_1009 = vector.shape_cast %get3A_1008 : vector<8x24xf32> to vector<8x24x1xf32>
      %get3A_1010 = arith.constant 1 : index
      %get3A_1011 = arith.index_cast %add3A_1003 : i32 to index
      %get3A_1012 = arith.constant 0 : index
      %get3A_1013 = vector.load %arg1[%get3A_1010, %get3A_1011, %get3A_1012] : memref<4x5120x24xf32, #tpu.memory_space<vmem>>, vector<1x8x24xf32>
      %get3A_1014 = vector.shape_cast %get3A_1013 : vector<1x8x24xf32> to vector<8x24xf32>
      %broadcast_in_dim3A_1015 = vector.shape_cast %get3A_1014 : vector<8x24xf32> to vector<8x24x1xf32>
      %get3A_1016 = arith.constant 2 : index
      %get3A_1017 = arith.index_cast %add3A_1003 : i32 to index
      %get3A_1018 = arith.constant 0 : index
      %get3A_1019 = vector.load %arg1[%get3A_1016, %get3A_1017, %get3A_1018] : memref<4x5120x24xf32, #tpu.memory_space<vmem>>, vector<1x8x24xf32>
      %get3A_1020 = vector.shape_cast %get3A_1019 : vector<1x8x24xf32> to vector<8x24xf32>
      %broadcast_in_dim3A_1021 = vector.shape_cast %get3A_1020 : vector<8x24xf32> to vector<8x24x1xf32>
      %get3A_1022 = arith.constant 3 : index
      %get3A_1023 = arith.index_cast %add3A_1003 : i32 to index
      %get3A_1024 = arith.constant 0 : index
      %get3A_1025 = vector.load %arg1[%get3A_1022, %get3A_1023, %get3A_1024] : memref<4x5120x24xf32, #tpu.memory_space<vmem>>, vector<1x8x24xf32>
      %get3A_1026 = vector.shape_cast %get3A_1025 : vector<1x8x24xf32> to vector<8x24xf32>
      %broadcast_in_dim3A_1027 = vector.shape_cast %get3A_1026 : vector<8x24xf32> to vector<8x24x1xf32>
      %get3A_1028 = arith.index_cast %add3A_1003 : i32 to index
      %get3A_1029 = arith.constant 0 : index
      %get3A_1030 = vector.load %arg3[%get3A_1028, %get3A_1029] : memref<5120x24xf32, #tpu.memory_space<vmem>>, vector<8x24xf32>
      %broadcast_in_dim3A_1031 = vector.shape_cast %get3A_1030 : vector<8x24xf32> to vector<8x24x1xf32>
      %min3A_1032 = vector.broadcast %broadcast_in_dim3A_1021 : vector<8x24x1xf32> to vector<8x24x128xf32>
      %min3A_1033 = vector.broadcast %broadcast_in_dim3A_60 : vector<1x24x128xf32> to vector<8x24x128xf32>
      %min3A_1034 = arith.minimumf %min3A_1032, %min3A_1033 : vector<8x24x128xf32>
      %max3A_1035 = vector.broadcast %broadcast_in_dim3A_1009 : vector<8x24x1xf32> to vector<8x24x128xf32>
      %max3A_1036 = vector.broadcast %broadcast_in_dim3A_48 : vector<1x24x128xf32> to vector<8x24x128xf32>
      %max3A_1037 = arith.maximumf %max3A_1035, %max3A_1036 : vector<8x24x128xf32>
      %sub3A_1038 = arith.subf %min3A_1034, %max3A_1037 : vector<8x24x128xf32>
      %jit3A_1039 = arith.constant 0.000000e+00 : f32
      %max3A_1040 = vector.broadcast %jit3A_1039 : f32 to vector<8x24x128xf32>
      %max3A_1041 = arith.maximumf %max3A_1040, %sub3A_1038 : vector<8x24x128xf32>
      %min3A_1042 = vector.broadcast %broadcast_in_dim3A_1027 : vector<8x24x1xf32> to vector<8x24x128xf32>
      %min3A_1043 = vector.broadcast %broadcast_in_dim3A_66 : vector<1x24x128xf32> to vector<8x24x128xf32>
      %min3A_1044 = arith.minimumf %min3A_1042, %min3A_1043 : vector<8x24x128xf32>
      %max3A_1045 = vector.broadcast %broadcast_in_dim3A_1015 : vector<8x24x1xf32> to vector<8x24x128xf32>
      %max3A_1046 = vector.broadcast %broadcast_in_dim3A_54 : vector<1x24x128xf32> to vector<8x24x128xf32>
      %max3A_1047 = arith.maximumf %max3A_1045, %max3A_1046 : vector<8x24x128xf32>
      %sub3A_1048 = arith.subf %min3A_1044, %max3A_1047 : vector<8x24x128xf32>
      %jit3A_1049 = arith.constant 0.000000e+00 : f32
      %max3A_1050 = vector.broadcast %jit3A_1049 : f32 to vector<8x24x128xf32>
      %max3A_1051 = arith.maximumf %max3A_1050, %sub3A_1048 : vector<8x24x128xf32>
      %mul3A_1052 = arith.mulf %max3A_1041, %max3A_1051 : vector<8x24x128xf32>
      %add3A_1053 = vector.broadcast %broadcast_in_dim3A_1031 : vector<8x24x1xf32> to vector<8x24x128xf32>
      %add3A_1054 = vector.broadcast %broadcast_in_dim3A_70 : vector<1x24x128xf32> to vector<8x24x128xf32>
      %add3A_1055 = arith.addf %add3A_1053, %add3A_1054 : vector<8x24x128xf32>
      %sub3A_1056 = arith.subf %add3A_1055, %mul3A_1052 : vector<8x24x128xf32>
      %add3A_1057 = arith.constant 9.99999971E-10 : f32
      %add3A_1058 = vector.broadcast %add3A_1057 : f32 to vector<8x24x128xf32>
      %add3A_1059 = arith.addf %sub3A_1056, %add3A_1058 : vector<8x24x128xf32>
      %div3A_1060 = arith.divf %mul3A_1052, %add3A_1059 : vector<8x24x128xf32>
      %add3A_1061 = arith.constant 96 : i32
      %add3A_1062 = vector.broadcast %add3A_1061 : i32 to vector<8x24x128xi32>
      %add3A_1063 = arith.addi %iota3A_91, %add3A_1062 : vector<8x24x128xi32>
      %gt3A_1064 = arith.cmpi sgt, %iota3A_92, %add3A_1063 : vector<8x24x128xi32>
      %gt3A_1065 = arith.constant 3.000000e-01 : f32
      %gt3A_1066 = vector.broadcast %gt3A_1065 : f32 to vector<8x24x128xf32>
      %gt3A_1067 = arith.cmpf ogt, %div3A_1060, %gt3A_1066 : vector<8x24x128xf32>
      %and3A_1068 = arith.andi %gt3A_1067, %gt3A_1064 : vector<8x24x128xi1>
      %jit3A_1069 = arith.constant 1.000000e+00 : f32
      %jit3A_1070 = arith.constant 0.000000e+00 : f32
      %broadcast_in_dim3A_1071 = vector.broadcast %jit3A_1069 : f32 to vector<8x24x128xf32>
      %broadcast_in_dim3A_1072 = vector.broadcast %jit3A_1070 : f32 to vector<8x24x128xf32>
      %select_n3A_1073 = arith.select %and3A_1068, %broadcast_in_dim3A_1071, %broadcast_in_dim3A_1072 : vector<8x24x128xi1>, vector<8x24x128xf32>
      %swap3A_1074 = arith.constant 96 : index
      %swap3A_1075 = arith.constant 0 : index
      %swap3A_1076 = arith.constant 0 : index
      %swap3A_1077 = vector.load %arg6[%swap3A_1074, %swap3A_1075, %swap3A_1076] : memref<128x24x128xf32, #tpu.memory_space<vmem>>, vector<8x24x128xf32>
      tpu.vector_store %arg6[%swap3A_1074, %swap3A_1075, %swap3A_1076], %select_n3A_1073 {strides = array<i32>} : memref<128x24x128xf32, #tpu.memory_space<vmem>>, vector<8x24x128xf32>,
      %add3A_1078 = arith.constant 104 : i32
      %add3A_1079 = arith.addi %mul3A_42, %add3A_1078 : i32
      %get3A_1080 = arith.constant 0 : index
      %get3A_1081 = arith.index_cast %add3A_1079 : i32 to index
      %get3A_1082 = arith.constant 0 : index
      %get3A_1083 = vector.load %arg1[%get3A_1080, %get3A_1081, %get3A_1082] : memref<4x5120x24xf32, #tpu.memory_space<vmem>>, vector<1x8x24xf32>
      %get3A_1084 = vector.shape_cast %get3A_1083 : vector<1x8x24xf32> to vector<8x24xf32>
      %broadcast_in_dim3A_1085 = vector.shape_cast %get3A_1084 : vector<8x24xf32> to vector<8x24x1xf32>
      %get3A_1086 = arith.constant 1 : index
      %get3A_1087 = arith.index_cast %add3A_1079 : i32 to index
      %get3A_1088 = arith.constant 0 : index
      %get3A_1089 = vector.load %arg1[%get3A_1086, %get3A_1087, %get3A_1088] : memref<4x5120x24xf32, #tpu.memory_space<vmem>>, vector<1x8x24xf32>
      %get3A_1090 = vector.shape_cast %get3A_1089 : vector<1x8x24xf32> to vector<8x24xf32>
      %broadcast_in_dim3A_1091 = vector.shape_cast %get3A_1090 : vector<8x24xf32> to vector<8x24x1xf32>
      %get3A_1092 = arith.constant 2 : index
      %get3A_1093 = arith.index_cast %add3A_1079 : i32 to index
      %get3A_1094 = arith.constant 0 : index
      %get3A_1095 = vector.load %arg1[%get3A_1092, %get3A_1093, %get3A_1094] : memref<4x5120x24xf32, #tpu.memory_space<vmem>>, vector<1x8x24xf32>
      %get3A_1096 = vector.shape_cast %get3A_1095 : vector<1x8x24xf32> to vector<8x24xf32>
      %broadcast_in_dim3A_1097 = vector.shape_cast %get3A_1096 : vector<8x24xf32> to vector<8x24x1xf32>
      %get3A_1098 = arith.constant 3 : index
      %get3A_1099 = arith.index_cast %add3A_1079 : i32 to index
      %get3A_1100 = arith.constant 0 : index
      %get3A_1101 = vector.load %arg1[%get3A_1098, %get3A_1099, %get3A_1100] : memref<4x5120x24xf32, #tpu.memory_space<vmem>>, vector<1x8x24xf32>
      %get3A_1102 = vector.shape_cast %get3A_1101 : vector<1x8x24xf32> to vector<8x24xf32>
      %broadcast_in_dim3A_1103 = vector.shape_cast %get3A_1102 : vector<8x24xf32> to vector<8x24x1xf32>
      %get3A_1104 = arith.index_cast %add3A_1079 : i32 to index
      %get3A_1105 = arith.constant 0 : index
      %get3A_1106 = vector.load %arg3[%get3A_1104, %get3A_1105] : memref<5120x24xf32, #tpu.memory_space<vmem>>, vector<8x24xf32>
      %broadcast_in_dim3A_1107 = vector.shape_cast %get3A_1106 : vector<8x24xf32> to vector<8x24x1xf32>
      %min3A_1108 = vector.broadcast %broadcast_in_dim3A_1097 : vector<8x24x1xf32> to vector<8x24x128xf32>
      %min3A_1109 = vector.broadcast %broadcast_in_dim3A_60 : vector<1x24x128xf32> to vector<8x24x128xf32>
      %min3A_1110 = arith.minimumf %min3A_1108, %min3A_1109 : vector<8x24x128xf32>
      %max3A_1111 = vector.broadcast %broadcast_in_dim3A_1085 : vector<8x24x1xf32> to vector<8x24x128xf32>
      %max3A_1112 = vector.broadcast %broadcast_in_dim3A_48 : vector<1x24x128xf32> to vector<8x24x128xf32>
      %max3A_1113 = arith.maximumf %max3A_1111, %max3A_1112 : vector<8x24x128xf32>
      %sub3A_1114 = arith.subf %min3A_1110, %max3A_1113 : vector<8x24x128xf32>
      %jit3A_1115 = arith.constant 0.000000e+00 : f32
      %max3A_1116 = vector.broadcast %jit3A_1115 : f32 to vector<8x24x128xf32>
      %max3A_1117 = arith.maximumf %max3A_1116, %sub3A_1114 : vector<8x24x128xf32>
      %min3A_1118 = vector.broadcast %broadcast_in_dim3A_1103 : vector<8x24x1xf32> to vector<8x24x128xf32>
      %min3A_1119 = vector.broadcast %broadcast_in_dim3A_66 : vector<1x24x128xf32> to vector<8x24x128xf32>
      %min3A_1120 = arith.minimumf %min3A_1118, %min3A_1119 : vector<8x24x128xf32>
      %max3A_1121 = vector.broadcast %broadcast_in_dim3A_1091 : vector<8x24x1xf32> to vector<8x24x128xf32>
      %max3A_1122 = vector.broadcast %broadcast_in_dim3A_54 : vector<1x24x128xf32> to vector<8x24x128xf32>
      %max3A_1123 = arith.maximumf %max3A_1121, %max3A_1122 : vector<8x24x128xf32>
      %sub3A_1124 = arith.subf %min3A_1120, %max3A_1123 : vector<8x24x128xf32>
      %jit3A_1125 = arith.constant 0.000000e+00 : f32
      %max3A_1126 = vector.broadcast %jit3A_1125 : f32 to vector<8x24x128xf32>
      %max3A_1127 = arith.maximumf %max3A_1126, %sub3A_1124 : vector<8x24x128xf32>
      %mul3A_1128 = arith.mulf %max3A_1117, %max3A_1127 : vector<8x24x128xf32>
      %add3A_1129 = vector.broadcast %broadcast_in_dim3A_1107 : vector<8x24x1xf32> to vector<8x24x128xf32>
      %add3A_1130 = vector.broadcast %broadcast_in_dim3A_70 : vector<1x24x128xf32> to vector<8x24x128xf32>
      %add3A_1131 = arith.addf %add3A_1129, %add3A_1130 : vector<8x24x128xf32>
      %sub3A_1132 = arith.subf %add3A_1131, %mul3A_1128 : vector<8x24x128xf32>
      %add3A_1133 = arith.constant 9.99999971E-10 : f32
      %add3A_1134 = vector.broadcast %add3A_1133 : f32 to vector<8x24x128xf32>
      %add3A_1135 = arith.addf %sub3A_1132, %add3A_1134 : vector<8x24x128xf32>
      %div3A_1136 = arith.divf %mul3A_1128, %add3A_1135 : vector<8x24x128xf32>
      %add3A_1137 = arith.constant 104 : i32
      %add3A_1138 = vector.broadcast %add3A_1137 : i32 to vector<8x24x128xi32>
      %add3A_1139 = arith.addi %iota3A_91, %add3A_1138 : vector<8x24x128xi32>
      %gt3A_1140 = arith.cmpi sgt, %iota3A_92, %add3A_1139 : vector<8x24x128xi32>
      %gt3A_1141 = arith.constant 3.000000e-01 : f32
      %gt3A_1142 = vector.broadcast %gt3A_1141 : f32 to vector<8x24x128xf32>
      %gt3A_1143 = arith.cmpf ogt, %div3A_1136, %gt3A_1142 : vector<8x24x128xf32>
      %and3A_1144 = arith.andi %gt3A_1143, %gt3A_1140 : vector<8x24x128xi1>
      %jit3A_1145 = arith.constant 1.000000e+00 : f32
      %jit3A_1146 = arith.constant 0.000000e+00 : f32
      %broadcast_in_dim3A_1147 = vector.broadcast %jit3A_1145 : f32 to vector<8x24x128xf32>
      %broadcast_in_dim3A_1148 = vector.broadcast %jit3A_1146 : f32 to vector<8x24x128xf32>
      %select_n3A_1149 = arith.select %and3A_1144, %broadcast_in_dim3A_1147, %broadcast_in_dim3A_1148 : vector<8x24x128xi1>, vector<8x24x128xf32>
      %swap3A_1150 = arith.constant 104 : index
      %swap3A_1151 = arith.constant 0 : index
      %swap3A_1152 = arith.constant 0 : index
      %swap3A_1153 = vector.load %arg6[%swap3A_1150, %swap3A_1151, %swap3A_1152] : memref<128x24x128xf32, #tpu.memory_space<vmem>>, vector<8x24x128xf32>
      tpu.vector_store %arg6[%swap3A_1150, %swap3A_1151, %swap3A_1152], %select_n3A_1149 {strides = array<i32>} : memref<128x24x128xf32, #tpu.memory_space<vmem>>, vector<8x24x128xf32>,
      %add3A_1154 = arith.constant 112 : i32
      %add3A_1155 = arith.addi %mul3A_42, %add3A_1154 : i32
      %get3A_1156 = arith.constant 0 : index
      %get3A_1157 = arith.index_cast %add3A_1155 : i32 to index
      %get3A_1158 = arith.constant 0 : index
      %get3A_1159 = vector.load %arg1[%get3A_1156, %get3A_1157, %get3A_1158] : memref<4x5120x24xf32, #tpu.memory_space<vmem>>, vector<1x8x24xf32>
      %get3A_1160 = vector.shape_cast %get3A_1159 : vector<1x8x24xf32> to vector<8x24xf32>
      %broadcast_in_dim3A_1161 = vector.shape_cast %get3A_1160 : vector<8x24xf32> to vector<8x24x1xf32>
      %get3A_1162 = arith.constant 1 : index
      %get3A_1163 = arith.index_cast %add3A_1155 : i32 to index
      %get3A_1164 = arith.constant 0 : index
      %get3A_1165 = vector.load %arg1[%get3A_1162, %get3A_1163, %get3A_1164] : memref<4x5120x24xf32, #tpu.memory_space<vmem>>, vector<1x8x24xf32>
      %get3A_1166 = vector.shape_cast %get3A_1165 : vector<1x8x24xf32> to vector<8x24xf32>
      %broadcast_in_dim3A_1167 = vector.shape_cast %get3A_1166 : vector<8x24xf32> to vector<8x24x1xf32>
      %get3A_1168 = arith.constant 2 : index
      %get3A_1169 = arith.index_cast %add3A_1155 : i32 to index
      %get3A_1170 = arith.constant 0 : index
      %get3A_1171 = vector.load %arg1[%get3A_1168, %get3A_1169, %get3A_1170] : memref<4x5120x24xf32, #tpu.memory_space<vmem>>, vector<1x8x24xf32>
      %get3A_1172 = vector.shape_cast %get3A_1171 : vector<1x8x24xf32> to vector<8x24xf32>
      %broadcast_in_dim3A_1173 = vector.shape_cast %get3A_1172 : vector<8x24xf32> to vector<8x24x1xf32>
      %get3A_1174 = arith.constant 3 : index
      %get3A_1175 = arith.index_cast %add3A_1155 : i32 to index
      %get3A_1176 = arith.constant 0 : index
      %get3A_1177 = vector.load %arg1[%get3A_1174, %get3A_1175, %get3A_1176] : memref<4x5120x24xf32, #tpu.memory_space<vmem>>, vector<1x8x24xf32>
      %get3A_1178 = vector.shape_cast %get3A_1177 : vector<1x8x24xf32> to vector<8x24xf32>
      %broadcast_in_dim3A_1179 = vector.shape_cast %get3A_1178 : vector<8x24xf32> to vector<8x24x1xf32>
      %get3A_1180 = arith.index_cast %add3A_1155 : i32 to index
      %get3A_1181 = arith.constant 0 : index
      %get3A_1182 = vector.load %arg3[%get3A_1180, %get3A_1181] : memref<5120x24xf32, #tpu.memory_space<vmem>>, vector<8x24xf32>
      %broadcast_in_dim3A_1183 = vector.shape_cast %get3A_1182 : vector<8x24xf32> to vector<8x24x1xf32>
      %min3A_1184 = vector.broadcast %broadcast_in_dim3A_1173 : vector<8x24x1xf32> to vector<8x24x128xf32>
      %min3A_1185 = vector.broadcast %broadcast_in_dim3A_60 : vector<1x24x128xf32> to vector<8x24x128xf32>
      %min3A_1186 = arith.minimumf %min3A_1184, %min3A_1185 : vector<8x24x128xf32>
      %max3A_1187 = vector.broadcast %broadcast_in_dim3A_1161 : vector<8x24x1xf32> to vector<8x24x128xf32>
      %max3A_1188 = vector.broadcast %broadcast_in_dim3A_48 : vector<1x24x128xf32> to vector<8x24x128xf32>
      %max3A_1189 = arith.maximumf %max3A_1187, %max3A_1188 : vector<8x24x128xf32>
      %sub3A_1190 = arith.subf %min3A_1186, %max3A_1189 : vector<8x24x128xf32>
      %jit3A_1191 = arith.constant 0.000000e+00 : f32
      %max3A_1192 = vector.broadcast %jit3A_1191 : f32 to vector<8x24x128xf32>
      %max3A_1193 = arith.maximumf %max3A_1192, %sub3A_1190 : vector<8x24x128xf32>
      %min3A_1194 = vector.broadcast %broadcast_in_dim3A_1179 : vector<8x24x1xf32> to vector<8x24x128xf32>
      %min3A_1195 = vector.broadcast %broadcast_in_dim3A_66 : vector<1x24x128xf32> to vector<8x24x128xf32>
      %min3A_1196 = arith.minimumf %min3A_1194, %min3A_1195 : vector<8x24x128xf32>
      %max3A_1197 = vector.broadcast %broadcast_in_dim3A_1167 : vector<8x24x1xf32> to vector<8x24x128xf32>
      %max3A_1198 = vector.broadcast %broadcast_in_dim3A_54 : vector<1x24x128xf32> to vector<8x24x128xf32>
      %max3A_1199 = arith.maximumf %max3A_1197, %max3A_1198 : vector<8x24x128xf32>
      %sub3A_1200 = arith.subf %min3A_1196, %max3A_1199 : vector<8x24x128xf32>
      %jit3A_1201 = arith.constant 0.000000e+00 : f32
      %max3A_1202 = vector.broadcast %jit3A_1201 : f32 to vector<8x24x128xf32>
      %max3A_1203 = arith.maximumf %max3A_1202, %sub3A_1200 : vector<8x24x128xf32>
      %mul3A_1204 = arith.mulf %max3A_1193, %max3A_1203 : vector<8x24x128xf32>
      %add3A_1205 = vector.broadcast %broadcast_in_dim3A_1183 : vector<8x24x1xf32> to vector<8x24x128xf32>
      %add3A_1206 = vector.broadcast %broadcast_in_dim3A_70 : vector<1x24x128xf32> to vector<8x24x128xf32>
      %add3A_1207 = arith.addf %add3A_1205, %add3A_1206 : vector<8x24x128xf32>
      %sub3A_1208 = arith.subf %add3A_1207, %mul3A_1204 : vector<8x24x128xf32>
      %add3A_1209 = arith.constant 9.99999971E-10 : f32
      %add3A_1210 = vector.broadcast %add3A_1209 : f32 to vector<8x24x128xf32>
      %add3A_1211 = arith.addf %sub3A_1208, %add3A_1210 : vector<8x24x128xf32>
      %div3A_1212 = arith.divf %mul3A_1204, %add3A_1211 : vector<8x24x128xf32>
      %add3A_1213 = arith.constant 112 : i32
      %add3A_1214 = vector.broadcast %add3A_1213 : i32 to vector<8x24x128xi32>
      %add3A_1215 = arith.addi %iota3A_91, %add3A_1214 : vector<8x24x128xi32>
      %gt3A_1216 = arith.cmpi sgt, %iota3A_92, %add3A_1215 : vector<8x24x128xi32>
      %gt3A_1217 = arith.constant 3.000000e-01 : f32
      %gt3A_1218 = vector.broadcast %gt3A_1217 : f32 to vector<8x24x128xf32>
      %gt3A_1219 = arith.cmpf ogt, %div3A_1212, %gt3A_1218 : vector<8x24x128xf32>
      %and3A_1220 = arith.andi %gt3A_1219, %gt3A_1216 : vector<8x24x128xi1>
      %jit3A_1221 = arith.constant 1.000000e+00 : f32
      %jit3A_1222 = arith.constant 0.000000e+00 : f32
      %broadcast_in_dim3A_1223 = vector.broadcast %jit3A_1221 : f32 to vector<8x24x128xf32>
      %broadcast_in_dim3A_1224 = vector.broadcast %jit3A_1222 : f32 to vector<8x24x128xf32>
      %select_n3A_1225 = arith.select %and3A_1220, %broadcast_in_dim3A_1223, %broadcast_in_dim3A_1224 : vector<8x24x128xi1>, vector<8x24x128xf32>
      %swap3A_1226 = arith.constant 112 : index
      %swap3A_1227 = arith.constant 0 : index
      %swap3A_1228 = arith.constant 0 : index
      %swap3A_1229 = vector.load %arg6[%swap3A_1226, %swap3A_1227, %swap3A_1228] : memref<128x24x128xf32, #tpu.memory_space<vmem>>, vector<8x24x128xf32>
      tpu.vector_store %arg6[%swap3A_1226, %swap3A_1227, %swap3A_1228], %select_n3A_1225 {strides = array<i32>} : memref<128x24x128xf32, #tpu.memory_space<vmem>>, vector<8x24x128xf32>,
      %add3A_1230 = arith.constant 120 : i32
      %add3A_1231 = arith.addi %mul3A_42, %add3A_1230 : i32
      %get3A_1232 = arith.constant 0 : index
      %get3A_1233 = arith.index_cast %add3A_1231 : i32 to index
      %get3A_1234 = arith.constant 0 : index
      %get3A_1235 = vector.load %arg1[%get3A_1232, %get3A_1233, %get3A_1234] : memref<4x5120x24xf32, #tpu.memory_space<vmem>>, vector<1x8x24xf32>
      %get3A_1236 = vector.shape_cast %get3A_1235 : vector<1x8x24xf32> to vector<8x24xf32>
      %broadcast_in_dim3A_1237 = vector.shape_cast %get3A_1236 : vector<8x24xf32> to vector<8x24x1xf32>
      %get3A_1238 = arith.constant 1 : index
      %get3A_1239 = arith.index_cast %add3A_1231 : i32 to index
      %get3A_1240 = arith.constant 0 : index
      %get3A_1241 = vector.load %arg1[%get3A_1238, %get3A_1239, %get3A_1240] : memref<4x5120x24xf32, #tpu.memory_space<vmem>>, vector<1x8x24xf32>
      %get3A_1242 = vector.shape_cast %get3A_1241 : vector<1x8x24xf32> to vector<8x24xf32>
      %broadcast_in_dim3A_1243 = vector.shape_cast %get3A_1242 : vector<8x24xf32> to vector<8x24x1xf32>
      %get3A_1244 = arith.constant 2 : index
      %get3A_1245 = arith.index_cast %add3A_1231 : i32 to index
      %get3A_1246 = arith.constant 0 : index
      %get3A_1247 = vector.load %arg1[%get3A_1244, %get3A_1245, %get3A_1246] : memref<4x5120x24xf32, #tpu.memory_space<vmem>>, vector<1x8x24xf32>
      %get3A_1248 = vector.shape_cast %get3A_1247 : vector<1x8x24xf32> to vector<8x24xf32>
      %broadcast_in_dim3A_1249 = vector.shape_cast %get3A_1248 : vector<8x24xf32> to vector<8x24x1xf32>
      %get3A_1250 = arith.constant 3 : index
      %get3A_1251 = arith.index_cast %add3A_1231 : i32 to index
      %get3A_1252 = arith.constant 0 : index
      %get3A_1253 = vector.load %arg1[%get3A_1250, %get3A_1251, %get3A_1252] : memref<4x5120x24xf32, #tpu.memory_space<vmem>>, vector<1x8x24xf32>
      %get3A_1254 = vector.shape_cast %get3A_1253 : vector<1x8x24xf32> to vector<8x24xf32>
      %broadcast_in_dim3A_1255 = vector.shape_cast %get3A_1254 : vector<8x24xf32> to vector<8x24x1xf32>
      %get3A_1256 = arith.index_cast %add3A_1231 : i32 to index
      %get3A_1257 = arith.constant 0 : index
      %get3A_1258 = vector.load %arg3[%get3A_1256, %get3A_1257] : memref<5120x24xf32, #tpu.memory_space<vmem>>, vector<8x24xf32>
      %broadcast_in_dim3A_1259 = vector.shape_cast %get3A_1258 : vector<8x24xf32> to vector<8x24x1xf32>
      %min3A_1260 = vector.broadcast %broadcast_in_dim3A_1249 : vector<8x24x1xf32> to vector<8x24x128xf32>
      %min3A_1261 = vector.broadcast %broadcast_in_dim3A_60 : vector<1x24x128xf32> to vector<8x24x128xf32>
      %min3A_1262 = arith.minimumf %min3A_1260, %min3A_1261 : vector<8x24x128xf32>
      %max3A_1263 = vector.broadcast %broadcast_in_dim3A_1237 : vector<8x24x1xf32> to vector<8x24x128xf32>
      %max3A_1264 = vector.broadcast %broadcast_in_dim3A_48 : vector<1x24x128xf32> to vector<8x24x128xf32>
      %max3A_1265 = arith.maximumf %max3A_1263, %max3A_1264 : vector<8x24x128xf32>
      %sub3A_1266 = arith.subf %min3A_1262, %max3A_1265 : vector<8x24x128xf32>
      %jit3A_1267 = arith.constant 0.000000e+00 : f32
      %max3A_1268 = vector.broadcast %jit3A_1267 : f32 to vector<8x24x128xf32>
      %max3A_1269 = arith.maximumf %max3A_1268, %sub3A_1266 : vector<8x24x128xf32>
      %min3A_1270 = vector.broadcast %broadcast_in_dim3A_1255 : vector<8x24x1xf32> to vector<8x24x128xf32>
      %min3A_1271 = vector.broadcast %broadcast_in_dim3A_66 : vector<1x24x128xf32> to vector<8x24x128xf32>
      %min3A_1272 = arith.minimumf %min3A_1270, %min3A_1271 : vector<8x24x128xf32>
      %max3A_1273 = vector.broadcast %broadcast_in_dim3A_1243 : vector<8x24x1xf32> to vector<8x24x128xf32>
      %max3A_1274 = vector.broadcast %broadcast_in_dim3A_54 : vector<1x24x128xf32> to vector<8x24x128xf32>
      %max3A_1275 = arith.maximumf %max3A_1273, %max3A_1274 : vector<8x24x128xf32>
      %sub3A_1276 = arith.subf %min3A_1272, %max3A_1275 : vector<8x24x128xf32>
      %jit3A_1277 = arith.constant 0.000000e+00 : f32
      %max3A_1278 = vector.broadcast %jit3A_1277 : f32 to vector<8x24x128xf32>
      %max3A_1279 = arith.maximumf %max3A_1278, %sub3A_1276 : vector<8x24x128xf32>
      %mul3A_1280 = arith.mulf %max3A_1269, %max3A_1279 : vector<8x24x128xf32>
      %add3A_1281 = vector.broadcast %broadcast_in_dim3A_1259 : vector<8x24x1xf32> to vector<8x24x128xf32>
      %add3A_1282 = vector.broadcast %broadcast_in_dim3A_70 : vector<1x24x128xf32> to vector<8x24x128xf32>
      %add3A_1283 = arith.addf %add3A_1281, %add3A_1282 : vector<8x24x128xf32>
      %sub3A_1284 = arith.subf %add3A_1283, %mul3A_1280 : vector<8x24x128xf32>
      %add3A_1285 = arith.constant 9.99999971E-10 : f32
      %add3A_1286 = vector.broadcast %add3A_1285 : f32 to vector<8x24x128xf32>
      %add3A_1287 = arith.addf %sub3A_1284, %add3A_1286 : vector<8x24x128xf32>
      %div3A_1288 = arith.divf %mul3A_1280, %add3A_1287 : vector<8x24x128xf32>
      %add3A_1289 = arith.constant 120 : i32
      %add3A_1290 = vector.broadcast %add3A_1289 : i32 to vector<8x24x128xi32>
      %add3A_1291 = arith.addi %iota3A_91, %add3A_1290 : vector<8x24x128xi32>
      %gt3A_1292 = arith.cmpi sgt, %iota3A_92, %add3A_1291 : vector<8x24x128xi32>
      %gt3A_1293 = arith.constant 3.000000e-01 : f32
      %gt3A_1294 = vector.broadcast %gt3A_1293 : f32 to vector<8x24x128xf32>
      %gt3A_1295 = arith.cmpf ogt, %div3A_1288, %gt3A_1294 : vector<8x24x128xf32>
      %and3A_1296 = arith.andi %gt3A_1295, %gt3A_1292 : vector<8x24x128xi1>
      %jit3A_1297 = arith.constant 1.000000e+00 : f32
      %jit3A_1298 = arith.constant 0.000000e+00 : f32
      %broadcast_in_dim3A_1299 = vector.broadcast %jit3A_1297 : f32 to vector<8x24x128xf32>
      %broadcast_in_dim3A_1300 = vector.broadcast %jit3A_1298 : f32 to vector<8x24x128xf32>
      %select_n3A_1301 = arith.select %and3A_1296, %broadcast_in_dim3A_1299, %broadcast_in_dim3A_1300 : vector<8x24x128xi1>, vector<8x24x128xf32>
      %swap3A_1302 = arith.constant 120 : index
      %swap3A_1303 = arith.constant 0 : index
      %swap3A_1304 = arith.constant 0 : index
      %swap3A_1305 = vector.load %arg6[%swap3A_1302, %swap3A_1303, %swap3A_1304] : memref<128x24x128xf32, #tpu.memory_space<vmem>>, vector<8x24x128xf32>
      tpu.vector_store %arg6[%swap3A_1302, %swap3A_1303, %swap3A_1304], %select_n3A_1301 {strides = array<i32>} : memref<128x24x128xf32, #tpu.memory_space<vmem>>, vector<8x24x128xf32>,
      %scan3A = arith.constant 0 : i32
      %scan3A_1306 = arith.constant 16 : i32
      %scan3A_1307 = arith.addi %scan3A, %scan3A_1306 : i32
      %scan3A_1308 = arith.constant 1 : i32
      %scan3A_1309 = scf.for %scan3A_1317 = %scan3A to %scan3A_1307 step %scan3A_1308 iter_args(%scan3A_1318 = %mul3A_90) -> (vector<24x128xf32>)  : i32 {
        %mul3A_1319 = arith.constant 8 : i32
        %mul3A_1320 = arith.muli %scan3A_1317, %mul3A_1319 : i32
        %get3A_1321 = arith.index_cast %mul3A_1320 : i32 to index
        %get3A_1322 = arith.constant 0 : index
        %get3A_1323 = arith.constant 0 : index
        %get3A_1324 = vector.load %arg6[%get3A_1321, %get3A_1322, %get3A_1323] : memref<128x24x128xf32, #tpu.memory_space<vmem>>, vector<8x24x128xf32>
        %add3A_1325 = arith.constant 0 : i32
        %add3A_1326 = arith.addi %mul3A_1320, %add3A_1325 : i32
        %eq3A = vector.broadcast %add3A_1326 : i32 to vector<24x128xi32>
        %eq3A_1327 = arith.cmpi eq, %iota3A, %eq3A : vector<24x128xi32>
        %jit3A_1328 = arith.constant 0.000000e+00 : f32
        %broadcast_in_dim3A_1329 = vector.broadcast %jit3A_1328 : f32 to vector<24x128xf32>
        %select_n3A_1330 = arith.select %eq3A_1327, %scan3A_1318, %broadcast_in_dim3A_1329 : vector<24x128xi1>, vector<24x128xf32>
        %reduce_max3A_1331 = arith.constant dense<0xFF800000> : vector<24xf32>
        %reduce_max3A_1332 = vector.multi_reduction <maximumf>, %select_n3A_1330, %reduce_max3A_1331 [1] : vector<24x128xf32> to vector<24xf32>
        %broadcast_in_dim3A_1333 = vector.shape_cast %reduce_max3A_1332 : vector<24xf32> to vector<24x1xf32>
        %slice3A = vector.extract_strided_slice %get3A_1324 {offsets = [0, 0, 0], sizes = [1, 24, 128], strides = [1, 1, 1]} : vector<8x24x128xf32> to vector<1x24x128xf32>
        %squeeze3A = vector.shape_cast %slice3A : vector<1x24x128xf32> to vector<24x128xf32>
        %gt3A_1334 = arith.constant 5.000000e-01 : f32
        %gt3A_1335 = vector.broadcast %gt3A_1334 : f32 to vector<24x128xf32>
        %gt3A_1336 = arith.cmpf ogt, %squeeze3A, %gt3A_1335 : vector<24x128xf32>
        %gt3A_1337 = arith.constant 5.000000e-01 : f32
        %gt3A_1338 = vector.broadcast %gt3A_1337 : f32 to vector<24x1xf32>
        %gt3A_1339 = arith.cmpf ogt, %broadcast_in_dim3A_1333, %gt3A_1338 : vector<24x1xf32>
        %and3A_1340 = vector.broadcast %gt3A_1339 : vector<24x1xi1> to vector<24x128xi1>
        %and3A_1341 = arith.andi %gt3A_1336, %and3A_1340 : vector<24x128xi1>
        %jit3A_1342 = arith.constant 0.000000e+00 : f32
        %broadcast_in_dim3A_1343 = vector.broadcast %jit3A_1342 : f32 to vector<24x128xf32>
        %select_n3A_1344 = arith.select %and3A_1341, %broadcast_in_dim3A_1343, %scan3A_1318 : vector<24x128xi1>, vector<24x128xf32>
        %add3A_1345 = arith.constant 1 : i32
        %add3A_1346 = arith.addi %mul3A_1320, %add3A_1345 : i32
        %eq3A_1347 = vector.broadcast %add3A_1346 : i32 to vector<24x128xi32>
        %eq3A_1348 = arith.cmpi eq, %iota3A, %eq3A_1347 : vector<24x128xi32>
        %jit3A_1349 = arith.constant 0.000000e+00 : f32
        %broadcast_in_dim3A_1350 = vector.broadcast %jit3A_1349 : f32 to vector<24x128xf32>
        %select_n3A_1351 = arith.select %eq3A_1348, %select_n3A_1344, %broadcast_in_dim3A_1350 : vector<24x128xi1>, vector<24x128xf32>
        %reduce_max3A_1352 = arith.constant dense<0xFF800000> : vector<24xf32>
        %reduce_max3A_1353 = vector.multi_reduction <maximumf>, %select_n3A_1351, %reduce_max3A_1352 [1] : vector<24x128xf32> to vector<24xf32>
        %broadcast_in_dim3A_1354 = vector.shape_cast %reduce_max3A_1353 : vector<24xf32> to vector<24x1xf32>
        %slice3A_1355 = vector.extract_strided_slice %get3A_1324 {offsets = [1, 0, 0], sizes = [1, 24, 128], strides = [1, 1, 1]} : vector<8x24x128xf32> to vector<1x24x128xf32>
        %squeeze3A_1356 = vector.shape_cast %slice3A_1355 : vector<1x24x128xf32> to vector<24x128xf32>
        %gt3A_1357 = arith.constant 5.000000e-01 : f32
        %gt3A_1358 = vector.broadcast %gt3A_1357 : f32 to vector<24x128xf32>
        %gt3A_1359 = arith.cmpf ogt, %squeeze3A_1356, %gt3A_1358 : vector<24x128xf32>
        %gt3A_1360 = arith.constant 5.000000e-01 : f32
        %gt3A_1361 = vector.broadcast %gt3A_1360 : f32 to vector<24x1xf32>
        %gt3A_1362 = arith.cmpf ogt, %broadcast_in_dim3A_1354, %gt3A_1361 : vector<24x1xf32>
        %and3A_1363 = vector.broadcast %gt3A_1362 : vector<24x1xi1> to vector<24x128xi1>
        %and3A_1364 = arith.andi %gt3A_1359, %and3A_1363 : vector<24x128xi1>
        %jit3A_1365 = arith.constant 0.000000e+00 : f32
        %broadcast_in_dim3A_1366 = vector.broadcast %jit3A_1365 : f32 to vector<24x128xf32>
        %select_n3A_1367 = arith.select %and3A_1364, %broadcast_in_dim3A_1366, %select_n3A_1344 : vector<24x128xi1>, vector<24x128xf32>
        %add3A_1368 = arith.constant 2 : i32
        %add3A_1369 = arith.addi %mul3A_1320, %add3A_1368 : i32
        %eq3A_1370 = vector.broadcast %add3A_1369 : i32 to vector<24x128xi32>
        %eq3A_1371 = arith.cmpi eq, %iota3A, %eq3A_1370 : vector<24x128xi32>
        %jit3A_1372 = arith.constant 0.000000e+00 : f32
        %broadcast_in_dim3A_1373 = vector.broadcast %jit3A_1372 : f32 to vector<24x128xf32>
        %select_n3A_1374 = arith.select %eq3A_1371, %select_n3A_1367, %broadcast_in_dim3A_1373 : vector<24x128xi1>, vector<24x128xf32>
        %reduce_max3A_1375 = arith.constant dense<0xFF800000> : vector<24xf32>
        %reduce_max3A_1376 = vector.multi_reduction <maximumf>, %select_n3A_1374, %reduce_max3A_1375 [1] : vector<24x128xf32> to vector<24xf32>
        %broadcast_in_dim3A_1377 = vector.shape_cast %reduce_max3A_1376 : vector<24xf32> to vector<24x1xf32>
        %slice3A_1378 = vector.extract_strided_slice %get3A_1324 {offsets = [2, 0, 0], sizes = [1, 24, 128], strides = [1, 1, 1]} : vector<8x24x128xf32> to vector<1x24x128xf32>
        %squeeze3A_1379 = vector.shape_cast %slice3A_1378 : vector<1x24x128xf32> to vector<24x128xf32>
        %gt3A_1380 = arith.constant 5.000000e-01 : f32
        %gt3A_1381 = vector.broadcast %gt3A_1380 : f32 to vector<24x128xf32>
        %gt3A_1382 = arith.cmpf ogt, %squeeze3A_1379, %gt3A_1381 : vector<24x128xf32>
        %gt3A_1383 = arith.constant 5.000000e-01 : f32
        %gt3A_1384 = vector.broadcast %gt3A_1383 : f32 to vector<24x1xf32>
        %gt3A_1385 = arith.cmpf ogt, %broadcast_in_dim3A_1377, %gt3A_1384 : vector<24x1xf32>
        %and3A_1386 = vector.broadcast %gt3A_1385 : vector<24x1xi1> to vector<24x128xi1>
        %and3A_1387 = arith.andi %gt3A_1382, %and3A_1386 : vector<24x128xi1>
        %jit3A_1388 = arith.constant 0.000000e+00 : f32
        %broadcast_in_dim3A_1389 = vector.broadcast %jit3A_1388 : f32 to vector<24x128xf32>
        %select_n3A_1390 = arith.select %and3A_1387, %broadcast_in_dim3A_1389, %select_n3A_1367 : vector<24x128xi1>, vector<24x128xf32>
        %add3A_1391 = arith.constant 3 : i32
        %add3A_1392 = arith.addi %mul3A_1320, %add3A_1391 : i32
        %eq3A_1393 = vector.broadcast %add3A_1392 : i32 to vector<24x128xi32>
        %eq3A_1394 = arith.cmpi eq, %iota3A, %eq3A_1393 : vector<24x128xi32>
        %jit3A_1395 = arith.constant 0.000000e+00 : f32
        %broadcast_in_dim3A_1396 = vector.broadcast %jit3A_1395 : f32 to vector<24x128xf32>
        %select_n3A_1397 = arith.select %eq3A_1394, %select_n3A_1390, %broadcast_in_dim3A_1396 : vector<24x128xi1>, vector<24x128xf32>
        %reduce_max3A_1398 = arith.constant dense<0xFF800000> : vector<24xf32>
        %reduce_max3A_1399 = vector.multi_reduction <maximumf>, %select_n3A_1397, %reduce_max3A_1398 [1] : vector<24x128xf32> to vector<24xf32>
        %broadcast_in_dim3A_1400 = vector.shape_cast %reduce_max3A_1399 : vector<24xf32> to vector<24x1xf32>
        %slice3A_1401 = vector.extract_strided_slice %get3A_1324 {offsets = [3, 0, 0], sizes = [1, 24, 128], strides = [1, 1, 1]} : vector<8x24x128xf32> to vector<1x24x128xf32>
        %squeeze3A_1402 = vector.shape_cast %slice3A_1401 : vector<1x24x128xf32> to vector<24x128xf32>
        %gt3A_1403 = arith.constant 5.000000e-01 : f32
        %gt3A_1404 = vector.broadcast %gt3A_1403 : f32 to vector<24x128xf32>
        %gt3A_1405 = arith.cmpf ogt, %squeeze3A_1402, %gt3A_1404 : vector<24x128xf32>
        %gt3A_1406 = arith.constant 5.000000e-01 : f32
        %gt3A_1407 = vector.broadcast %gt3A_1406 : f32 to vector<24x1xf32>
        %gt3A_1408 = arith.cmpf ogt, %broadcast_in_dim3A_1400, %gt3A_1407 : vector<24x1xf32>
        %and3A_1409 = vector.broadcast %gt3A_1408 : vector<24x1xi1> to vector<24x128xi1>
        %and3A_1410 = arith.andi %gt3A_1405, %and3A_1409 : vector<24x128xi1>
        %jit3A_1411 = arith.constant 0.000000e+00 : f32
        %broadcast_in_dim3A_1412 = vector.broadcast %jit3A_1411 : f32 to vector<24x128xf32>
        %select_n3A_1413 = arith.select %and3A_1410, %broadcast_in_dim3A_1412, %select_n3A_1390 : vector<24x128xi1>, vector<24x128xf32>
        %add3A_1414 = arith.constant 4 : i32
        %add3A_1415 = arith.addi %mul3A_1320, %add3A_1414 : i32
        %eq3A_1416 = vector.broadcast %add3A_1415 : i32 to vector<24x128xi32>
        %eq3A_1417 = arith.cmpi eq, %iota3A, %eq3A_1416 : vector<24x128xi32>
        %jit3A_1418 = arith.constant 0.000000e+00 : f32
        %broadcast_in_dim3A_1419 = vector.broadcast %jit3A_1418 : f32 to vector<24x128xf32>
        %select_n3A_1420 = arith.select %eq3A_1417, %select_n3A_1413, %broadcast_in_dim3A_1419 : vector<24x128xi1>, vector<24x128xf32>
        %reduce_max3A_1421 = arith.constant dense<0xFF800000> : vector<24xf32>
        %reduce_max3A_1422 = vector.multi_reduction <maximumf>, %select_n3A_1420, %reduce_max3A_1421 [1] : vector<24x128xf32> to vector<24xf32>
        %broadcast_in_dim3A_1423 = vector.shape_cast %reduce_max3A_1422 : vector<24xf32> to vector<24x1xf32>
        %slice3A_1424 = vector.extract_strided_slice %get3A_1324 {offsets = [4, 0, 0], sizes = [1, 24, 128], strides = [1, 1, 1]} : vector<8x24x128xf32> to vector<1x24x128xf32>
        %squeeze3A_1425 = vector.shape_cast %slice3A_1424 : vector<1x24x128xf32> to vector<24x128xf32>
        %gt3A_1426 = arith.constant 5.000000e-01 : f32
        %gt3A_1427 = vector.broadcast %gt3A_1426 : f32 to vector<24x128xf32>
        %gt3A_1428 = arith.cmpf ogt, %squeeze3A_1425, %gt3A_1427 : vector<24x128xf32>
        %gt3A_1429 = arith.constant 5.000000e-01 : f32
        %gt3A_1430 = vector.broadcast %gt3A_1429 : f32 to vector<24x1xf32>
        %gt3A_1431 = arith.cmpf ogt, %broadcast_in_dim3A_1423, %gt3A_1430 : vector<24x1xf32>
        %and3A_1432 = vector.broadcast %gt3A_1431 : vector<24x1xi1> to vector<24x128xi1>
        %and3A_1433 = arith.andi %gt3A_1428, %and3A_1432 : vector<24x128xi1>
        %jit3A_1434 = arith.constant 0.000000e+00 : f32
        %broadcast_in_dim3A_1435 = vector.broadcast %jit3A_1434 : f32 to vector<24x128xf32>
        %select_n3A_1436 = arith.select %and3A_1433, %broadcast_in_dim3A_1435, %select_n3A_1413 : vector<24x128xi1>, vector<24x128xf32>
        %add3A_1437 = arith.constant 5 : i32
        %add3A_1438 = arith.addi %mul3A_1320, %add3A_1437 : i32
        %eq3A_1439 = vector.broadcast %add3A_1438 : i32 to vector<24x128xi32>
        %eq3A_1440 = arith.cmpi eq, %iota3A, %eq3A_1439 : vector<24x128xi32>
        %jit3A_1441 = arith.constant 0.000000e+00 : f32
        %broadcast_in_dim3A_1442 = vector.broadcast %jit3A_1441 : f32 to vector<24x128xf32>
        %select_n3A_1443 = arith.select %eq3A_1440, %select_n3A_1436, %broadcast_in_dim3A_1442 : vector<24x128xi1>, vector<24x128xf32>
        %reduce_max3A_1444 = arith.constant dense<0xFF800000> : vector<24xf32>
        %reduce_max3A_1445 = vector.multi_reduction <maximumf>, %select_n3A_1443, %reduce_max3A_1444 [1] : vector<24x128xf32> to vector<24xf32>
        %broadcast_in_dim3A_1446 = vector.shape_cast %reduce_max3A_1445 : vector<24xf32> to vector<24x1xf32>
        %slice3A_1447 = vector.extract_strided_slice %get3A_1324 {offsets = [5, 0, 0], sizes = [1, 24, 128], strides = [1, 1, 1]} : vector<8x24x128xf32> to vector<1x24x128xf32>
        %squeeze3A_1448 = vector.shape_cast %slice3A_1447 : vector<1x24x128xf32> to vector<24x128xf32>
        %gt3A_1449 = arith.constant 5.000000e-01 : f32
        %gt3A_1450 = vector.broadcast %gt3A_1449 : f32 to vector<24x128xf32>
        %gt3A_1451 = arith.cmpf ogt, %squeeze3A_1448, %gt3A_1450 : vector<24x128xf32>
        %gt3A_1452 = arith.constant 5.000000e-01 : f32
        %gt3A_1453 = vector.broadcast %gt3A_1452 : f32 to vector<24x1xf32>
        %gt3A_1454 = arith.cmpf ogt, %broadcast_in_dim3A_1446, %gt3A_1453 : vector<24x1xf32>
        %and3A_1455 = vector.broadcast %gt3A_1454 : vector<24x1xi1> to vector<24x128xi1>
        %and3A_1456 = arith.andi %gt3A_1451, %and3A_1455 : vector<24x128xi1>
        %jit3A_1457 = arith.constant 0.000000e+00 : f32
        %broadcast_in_dim3A_1458 = vector.broadcast %jit3A_1457 : f32 to vector<24x128xf32>
        %select_n3A_1459 = arith.select %and3A_1456, %broadcast_in_dim3A_1458, %select_n3A_1436 : vector<24x128xi1>, vector<24x128xf32>
        %add3A_1460 = arith.constant 6 : i32
        %add3A_1461 = arith.addi %mul3A_1320, %add3A_1460 : i32
        %eq3A_1462 = vector.broadcast %add3A_1461 : i32 to vector<24x128xi32>
        %eq3A_1463 = arith.cmpi eq, %iota3A, %eq3A_1462 : vector<24x128xi32>
        %jit3A_1464 = arith.constant 0.000000e+00 : f32
        %broadcast_in_dim3A_1465 = vector.broadcast %jit3A_1464 : f32 to vector<24x128xf32>
        %select_n3A_1466 = arith.select %eq3A_1463, %select_n3A_1459, %broadcast_in_dim3A_1465 : vector<24x128xi1>, vector<24x128xf32>
        %reduce_max3A_1467 = arith.constant dense<0xFF800000> : vector<24xf32>
        %reduce_max3A_1468 = vector.multi_reduction <maximumf>, %select_n3A_1466, %reduce_max3A_1467 [1] : vector<24x128xf32> to vector<24xf32>
        %broadcast_in_dim3A_1469 = vector.shape_cast %reduce_max3A_1468 : vector<24xf32> to vector<24x1xf32>
        %slice3A_1470 = vector.extract_strided_slice %get3A_1324 {offsets = [6, 0, 0], sizes = [1, 24, 128], strides = [1, 1, 1]} : vector<8x24x128xf32> to vector<1x24x128xf32>
        %squeeze3A_1471 = vector.shape_cast %slice3A_1470 : vector<1x24x128xf32> to vector<24x128xf32>
        %gt3A_1472 = arith.constant 5.000000e-01 : f32
        %gt3A_1473 = vector.broadcast %gt3A_1472 : f32 to vector<24x128xf32>
        %gt3A_1474 = arith.cmpf ogt, %squeeze3A_1471, %gt3A_1473 : vector<24x128xf32>
        %gt3A_1475 = arith.constant 5.000000e-01 : f32
        %gt3A_1476 = vector.broadcast %gt3A_1475 : f32 to vector<24x1xf32>
        %gt3A_1477 = arith.cmpf ogt, %broadcast_in_dim3A_1469, %gt3A_1476 : vector<24x1xf32>
        %and3A_1478 = vector.broadcast %gt3A_1477 : vector<24x1xi1> to vector<24x128xi1>
        %and3A_1479 = arith.andi %gt3A_1474, %and3A_1478 : vector<24x128xi1>
        %jit3A_1480 = arith.constant 0.000000e+00 : f32
        %broadcast_in_dim3A_1481 = vector.broadcast %jit3A_1480 : f32 to vector<24x128xf32>
        %select_n3A_1482 = arith.select %and3A_1479, %broadcast_in_dim3A_1481, %select_n3A_1459 : vector<24x128xi1>, vector<24x128xf32>
        %add3A_1483 = arith.constant 7 : i32
        %add3A_1484 = arith.addi %mul3A_1320, %add3A_1483 : i32
        %eq3A_1485 = vector.broadcast %add3A_1484 : i32 to vector<24x128xi32>
        %eq3A_1486 = arith.cmpi eq, %iota3A, %eq3A_1485 : vector<24x128xi32>
        %jit3A_1487 = arith.constant 0.000000e+00 : f32
        %broadcast_in_dim3A_1488 = vector.broadcast %jit3A_1487 : f32 to vector<24x128xf32>
        %select_n3A_1489 = arith.select %eq3A_1486, %select_n3A_1482, %broadcast_in_dim3A_1488 : vector<24x128xi1>, vector<24x128xf32>
        %reduce_max3A_1490 = arith.constant dense<0xFF800000> : vector<24xf32>
        %reduce_max3A_1491 = vector.multi_reduction <maximumf>, %select_n3A_1489, %reduce_max3A_1490 [1] : vector<24x128xf32> to vector<24xf32>
        %broadcast_in_dim3A_1492 = vector.shape_cast %reduce_max3A_1491 : vector<24xf32> to vector<24x1xf32>
        %slice3A_1493 = vector.extract_strided_slice %get3A_1324 {offsets = [7, 0, 0], sizes = [1, 24, 128], strides = [1, 1, 1]} : vector<8x24x128xf32> to vector<1x24x128xf32>
        %squeeze3A_1494 = vector.shape_cast %slice3A_1493 : vector<1x24x128xf32> to vector<24x128xf32>
        %gt3A_1495 = arith.constant 5.000000e-01 : f32
        %gt3A_1496 = vector.broadcast %gt3A_1495 : f32 to vector<24x128xf32>
        %gt3A_1497 = arith.cmpf ogt, %squeeze3A_1494, %gt3A_1496 : vector<24x128xf32>
        %gt3A_1498 = arith.constant 5.000000e-01 : f32
        %gt3A_1499 = vector.broadcast %gt3A_1498 : f32 to vector<24x1xf32>
        %gt3A_1500 = arith.cmpf ogt, %broadcast_in_dim3A_1492, %gt3A_1499 : vector<24x1xf32>
        %and3A_1501 = vector.broadcast %gt3A_1500 : vector<24x1xi1> to vector<24x128xi1>
        %and3A_1502 = arith.andi %gt3A_1497, %and3A_1501 : vector<24x128xi1>
        %jit3A_1503 = arith.constant 0.000000e+00 : f32
        %broadcast_in_dim3A_1504 = vector.broadcast %jit3A_1503 : f32 to vector<24x128xf32>
        %select_n3A_1505 = arith.select %and3A_1502, %broadcast_in_dim3A_1504, %select_n3A_1482 : vector<24x128xi1>, vector<24x128xf32>
        scf.yield %select_n3A_1505 : vector<24x128xf32>
      }
      %scan3A_1310 = arith.constant 16 : i32
      %swap3A_1311 = arith.constant 0 : index
      %swap3A_1312 = arith.index_cast %mul3A_42 : i32 to index
      %swap3A_1313 = vector.load %arg5[%swap3A_1311, %swap3A_1312] : memref<24x5120xf32, #tpu.memory_space<vmem>>, vector<24x128xf32>
      tpu.vector_store %arg5[%swap3A_1311, %swap3A_1312], %scan3A_1309 {strides = array<i32>} : memref<24x5120xf32, #tpu.memory_space<vmem>>, vector<24x128xf32>,
      %transpose3A = tpu.transpose %scan3A_1309, [1, 0] : vector<24x128xf32> -> vector<128x24xf32>
      %swap3A_1314 = arith.index_cast %mul3A_42 : i32 to index
      %swap3A_1315 = arith.constant 0 : index
      %swap3A_1316 = vector.load %arg7[%swap3A_1314, %swap3A_1315] : memref<5120x24xf32, #tpu.memory_space<vmem>>, vector<128x24xf32>
      tpu.vector_store %arg7[%swap3A_1314, %swap3A_1315], %transpose3A {strides = array<i32>} : memref<5120x24xf32, #tpu.memory_space<vmem>>, vector<128x24xf32>,
    }
    return
  }
}

</mosaic_0001>

<sc_bundles>
// kernel: gather_offload_async_start.1
scs
__scs_entry_jumppad:
0x0: {  	(pc) =	sbr.rel $0x88, $3  }
0x1: {  	(tag) =	ssettag $0x0;
	lr =	simm.s32 $0x1  }
0x2: {  	[smem:$0x3F9F] =	sst lr;
	_ =	strace $0xD0000000  }
0x3: {  	_ = 	snop  }
0x4: {  	_ = 	snop  }
0x5: {  	_ = 	snop  }
0x6: {  	_ = 	snop  }
0x7: {  	_ = 	snop  }
__scs_overlays_trampoline_lowered:
0x8: {  	[smem:$0x3FAE] =	sst s0  }
0x9: {  	[smem:$0x3FAF] =	sst s1  }
0xa: {  	[smem:$0x3FB0] =	sst s2  }
0xb: {  	[smem:$0x3FB1] =	sst s3  }
0xc: {  	[smem:$0x3FB2] =	sst s4  }
0xd: {  	[smem:$0x3FB3] =	sst s5  }
0xe: {  	[smem:$0x3FB4] =	sst s6  }
0xf: {  	[smem:$0x3FB5] =	sst s7  }
0x10: {  	[smem:$0x3FB6] =	sst s8  }
0x11: {  	[smem:$0x3FB7] =	sst s9;
	s0 =	simm.s32 @!p0 $0x0  }
0x12: {  	s1 =	sld [smem:$0x3F9D];
	s0 =	simm.s32 @p0 $0x1  }
0x13: {  	[smem:$0x3FB8] =	sst s0;
	s0 =	simm.s32 @!p1 $0x0  }
0x14: {  	s2 =	sld [smem:$0x3F9C];
	s0 =	simm.s32 @p1 $0x1  }
0x15: {  	[smem:$0x3FB9] =	sst s0;
	s0 =	simm.s32 @!p2 $0x0  }
0x16: {  	s3 =	sld [smem:$0x3FDB];
	s0 =	simm.s32 @p2 $0x1  }
0x17: {  	s4 =	simm.s32 $0x1BF5;
	[smem:$0x3FBB] =	sst s0  }
0x18: {  	s0 =	sld [smem:$0x3F9E];
	_ =	swait.ge [sflag:s4], $0x0  }
0x19: {  	s7 =	sld [smem:$0x3F9F]  }
0x1a: {  	s8 =	sadd.s32 $0xFFFFE003, lr  }
0x1b: {  	s9 =	sadd.s32 $0xFFFFFEF7, lr;
	s5 =	simm.s32 $0xFFFFFFFF;
	p2 =	slt.u32 s8, $0xFFFFF086  }
0x1c: {  	p1 =	slt.u32 s9, $0xF7A;
	s5 =	simm.s32 @!p2 $0x0  }
0x1d: {  	s5 =	simm.s32 @p1 $0x1;
	p0 =	seq.s32 s7, s2  }
0x1e: {  	s7 =	smul.u32 @!p0 $0xF7A, s2;
	p2 =	seq.s32 @!p0 s5, $0x0  }
0x1f: {  	s9 =	smul.u32 $0xF7A, s1;
	s8 =	simm.s32 @!p0 $0x1BF5;
	p2 =	por !p2, p0  }
0x20: {  	[sflag:s8] =	ssyncset.s32 @!p0 $0xFFFFF086;
	s6 =	sadd.s32 @!p0 s3, s7;
	s7 =	simm.s32 @!p0 $0x108  }
0x21: {  	s3 =	sadd.s32 s3, s9;
	s6 =	sadd.s32 @!p0 $0x88, s6;
	s7 =	simm.s32 @p2 $0x1082  }
0x22: {  	[simem:s7], [sflag:s8] =	dma.local @!p0 [hbm:s6], $0xF7A  }
0x23: {  	s9 =	sor.u32 $0xD0000000, s2;
	s6 =	simm.s32 $0x108;
	_ =	swait.ge @!p0 [sflag:s8], $0x0  }
0x24: {  	s3 =	sadd.s32 $0x88, s3;
	s6 =	simm.s32 @!p1 $0x1082;
	[sflag:s4] =	ssyncset.s32 $0xFFFFF086  }
0x25: {  	[simem:s6], [sflag:s4] =	dma.local [hbm:s3], $0xF7A  }
0x26: {  	[smem:$0x3F9F] =	sst s1;
	(tag) =	ssettag s2;
	_ =	strace s9  }
0x27: {  	s1 =	sld [smem:$0x3FAF]  }
0x28: {  	s2 =	sld [smem:$0x3FB0]  }
0x29: {  	s4 =	sld [smem:$0x3FB2]  }
0x2a: {  	p0 =	seq.s32 s5, $0x0;
	s5 =	sld [smem:$0x3FB3]  }
0x2b: {  	s6 =	sld [smem:$0x3FB4]  }
0x2c: {  	s7 =	sld [smem:$0x3FB5]  }
0x2d: {  	s3 =	simm.s32 $0x108;
	s8 =	sld [smem:$0x3FB6]  }
0x2e: {  	s3 =	simm.s32 @!p0 $0x1082;
	s9 =	sld [smem:$0x3FB7]  }
0x2f: {  	lr =	sadd.s32 s0, s3;
	s0 =	sld [smem:$0x3FAE]  }
0x30: {  	s3 =	sld [smem:$0x3FB1]  }
0x31: {  	[smem:$0x3FBA] =	sst s10  }
0x32: {  	s10 =	sld [smem:$0x3FB8];
	_ =	sdelay $0x3  }
0x33: {  	p0 =	seq.s32 s10, $0x1;
	s10 =	sld [smem:$0x3FBA];
	_ =	sdelay $0x3  }
0x34: {  	[smem:$0x3FBA] =	sst s10  }
0x35: {  	s10 =	sld [smem:$0x3FB9];
	_ =	sdelay $0x3  }
0x36: {  	p1 =	seq.s32 s10, $0x1;
	s10 =	sld [smem:$0x3FBA];
	_ =	sdelay $0x3  }
0x37: {  	[smem:$0x3FBA] =	sst s10  }
0x38: {  	s10 =	sld [smem:$0x3FBB]  }
0x39: {  	_ = 	snop;
	(pc) =	sbr.ind lr, $3  }
0x3a: {  	_ = 	snop  }
0x3b: {  	_ = 	snop  }
0x3c: {  	p2 =	seq.s32 s10, $0x1;
	s10 =	sld [smem:$0x3FBA]  }
0x3d: {  	_ =	shalt  }
0x3e: {  	_ =	shalt  }
0x3f: {  	_ =	shalt  }
0x40: {  	_ =	shalt  }
0x41: {  	_ =	shalt  }
0x42: {  	_ =	shalt  }
0x43: {  	_ =	shalt  }
0x44: {  	_ =	shalt  }
0x45: {  	_ =	shalt  }
0x46: {  	_ =	shalt  }
0x47: {  	_ =	shalt  }
0x48: {  	_ =	shalt  }
0x49: {  	_ =	shalt  }
0x4a: {  	_ =	shalt  }
0x4b: {  	_ =	shalt  }
0x4c: {  	_ =	shalt  }
0x4d: {  	_ =	shalt  }
0x4e: {  	_ =	shalt  }
0x4f: {  	_ =	shalt  }
0x50: {  	_ =	shalt  }
0x51: {  	_ =	shalt  }
0x52: {  	_ =	shalt  }
0x53: {  	_ =	shalt  }
0x54: {  	_ =	shalt  }
0x55: {  	_ =	shalt  }
0x56: {  	_ =	shalt  }
0x57: {  	_ =	shalt  }
0x58: {  	_ =	shalt  }
0x59: {  	_ =	shalt  }
0x5a: {  	_ =	shalt  }
0x5b: {  	_ =	shalt  }
0x5c: {  	_ =	shalt  }
0x5d: {  	_ =	shalt  }
0x5e: {  	_ =	shalt  }
0x5f: {  	_ =	shalt  }
0x60: {  	_ =	shalt  }
0x61: {  	_ =	shalt  }
0x62: {  	_ =	shalt  }
0x63: {  	_ =	shalt  }
0x64: {  	_ =	shalt  }
0x65: {  	_ =	shalt  }
0x66: {  	_ =	shalt  }
0x67: {  	_ =	shalt  }
0x68: {  	_ =	shalt  }
0x69: {  	_ =	shalt  }
0x6a: {  	_ =	shalt  }
0x6b: {  	_ =	shalt  }
0x6c: {  	_ =	shalt  }
0x6d: {  	_ =	shalt  }
0x6e: {  	_ =	shalt  }
0x6f: {  	_ =	shalt  }
0x70: {  	_ =	shalt  }
0x71: {  	_ =	shalt  }
0x72: {  	_ =	shalt  }
0x73: {  	_ =	shalt  }
0x74: {  	_ =	shalt  }
0x75: {  	_ =	shalt  }
0x76: {  	_ =	shalt  }
0x77: {  	_ =	shalt  }
0x78: {  	_ =	shalt  }
0x79: {  	_ =	shalt  }
0x7a: {  	_ =	shalt  }
0x7b: {  	_ =	shalt  }
0x7c: {  	_ =	shalt  }
0x7d: {  	_ =	shalt  }
0x7e: {  	_ =	shalt  }
0x7f: {  	_ =	shalt  }
0x80: {  	_ =	shalt  }
0x81: {  	_ =	shalt  }
0x82: {  	_ =	shalt  }
0x83: {  	_ =	shalt  }
0x84: {  	_ =	shalt  }
0x85: {  	_ =	shalt  }
0x86: {  	_ =	shalt  }
0x87: {  	_ =	shalt  }
.Lfunc_end0:
.L_simem_size_0:
called_computation.1_lowered:
.L_overlay_start_0:
0x88: {  	s2 =	sld [smem:$0x3FD9]  }
0x89: {  	s3 =	sld [smem:$0x3FFE];
	_ =	sdelay $0x1  }
0x8a: {  	s1 =	srdreg.scid  }
0x8b: {  	s0 =	sand.u32 $0x1, s1  }
0x8c: {  	s16 =	sshll.u32 s0, $0xA;
	s2 =	sadd.s32 s3, s2  }
0x8d: {  	s2 =	sadd.s32 s2, s16  }
0x8e: {  	[smem:$0x3FC6] =	sst s2  }
0x8f: {  	_ = 	snop  }
0x90: {  	(tm) =	ssettm $0x1  }
0x91: {  	s17 =	sld [smem:$0x3FFB];
	_ =	sdelay $0x3  }
0x92: {  	_ =	strace s17  }
0x93: {  	s2 =	sld [smem:$0x3FFC];
	_ =	sdelay $0x3  }
0x94: {  	_ =	strace s2  }
0x95: {  	s2 =	sld [smem:$0x3FFD];
	_ =	sdelay $0x3  }
0x96: {  	_ =	strace s2  }
0x97: {  	_ =	strace $0x8FFFFFFF  }
0x98: {  	s18 =	sld [smem:$0x3FDB];
	_ =	sdelay $0x1  }
0x99: {  	s19 =	simm.s32 $_scs_section_size  }
0x9a: {  	s4 =	simm.s32 $_size__tile_overlayer_lowered;
	s5 =	simm.s32 $_tile_overlayer_lowered  }
0x9b: {  	s22 =	simm.s32 $0x1BFF;
	s21 =	sshll.u32 s5, $0x1;
	s2 =	sadd.s32 s19, s18  }
0x9c: {  	s6 =	simm.s32 $0x0;
	s20 =	sshll.u32 s4, $0x1;
	s4 =	sadd.s32 s21, s2  }
0x9d: {  	[timem:s6], [sflag:s22] =	dma.local [hbm:s4], s20  }
0x9e: {  	_ =	swait.ge [sflag:s22], s20  }
0x9f: {  	s3 =	ssub.s32 $0x0, s20;
	[sflag:s22] =	ssyncset.done $0x0  }
0xa0: {  	[sflag:s22] =	ssyncadd.s32 s3;
	_ =	sdelay $0x1  }
0xa1: {  	s23 =	simm.s32 $0x1B8B  }
0xa2: {  	_ =	swait.ge [sflag:s23], $0x1  }
0xa3: {  	[sflag:s23] =	ssyncset.done $0x0  }
0xa4: {  	s25 =	simm.s32 $0x1B8E;
	s24 =	sld [smem:$0x3FFE];
	[sflag:s23] =	ssyncadd.s32 $0xFFFFFFFF  }
0xa5: {  	s26 =	simm.s32 $execute0_lowered;
	[smem:$0x3FD2] =	sst s25  }
0xa6: {  	s4 =	sshll.u32 s26, $0x1;
	_ =	strace $0x8000004C;
	[dreg:$0x1] =	wrdreg $0xFFFFFFFF  }
0xa7: {  	s28 =	simm.s32 $_size_execute0_lowered;
	s2 =	sadd.s32 s2, s4;
	[dreg:$0x0] =	wrdreg $0x0  }
0xa8: {  	s4 =	sshll.u32 s28, $0x1;
	[dreg:$0x2] =	wrdreg s2  }
0xa9: {  	[dreg:$0x3] =	wrdreg s4  }
0xaa: {  	[dreg:$0x4] =	wrdreg $0xC0  }
0xab: {  	_ =	task [dreg:s6], $0x5FFFF  }
0xac: {  	[dreg:$0x1] =	wrdreg $0xFFFFFFFF  }
0xad: {  	[dreg:$0x0] =	wrdreg $0x60  }
0xae: {  	[dreg:$0x2] =	wrdreg s24  }
0xaf: {  	[dreg:$0x3] =	wrdreg $0xA  }
0xb0: {  	_ =	task.clear_ibuf [dreg:s6], $0x4FFFF;
	_ =	strace $0x9000004C  }
0xb1: {  	s29 =	simm.s32 $0xA;
	_ =	strace $0x8000004E  }
0xb2: {  	_ =	swait.ge [sflag:s29], $0x1  }
0xb3: {  	[sflag:s29] =	ssyncadd.s32 $0xFFFFFFFF  }
0xb4: {  	_ =	strace $0x9000004E  }
0xb5: {  	_ =	sfence  }
0xb6: {  	s30 =	sld [smem:$0x0];
	_ =	sdelay $0x2  }
0xb7: {  	s31 =	sshll.u32 s1, $0xD;
	s1 =	sshrl.u32 s1, $0x2  }
0xb8: {  	s3 =	sand.u32 $0x4000, s31;
	s1 =	sadd.s32 s1, s30  }
0xb9: {  	s0 =	sor.u32 s3, s0;
	s1 =	sshll.u32 s1, $0x11  }
0xba: {  	s0 =	sor.u32 s1, s0  }
0xbb: {  	s0 =	sadd.s32 $0x8F2B, s0  }
0xbc: {  	[sflag:s0] =	ssyncadd.remote.s32 $0x1  }
0xbd: {  	_ =	sfence.sel $0xFFFF  }
0xbe: {  	[dreg:$0x0] =	wrdreg $0xFFFFFFFF;
	(pc) =	sbr.abs _section_cstart, $3  }
0xbf: {  	[dreg:$0x1] =	wrdreg $0xFFFFFFFF  }
0xc0: {  	_ =	task.clear_ibuf [dreg:s6], $0x2FFFF;
	_ =	strace $0x9FFFFFFF  }
0xc1: {  	(tm) =	ssettm $0x7FFFFFFF  }
tec
execute0_lowered:
.L_overlay_start_1:
0x0: {  	(tag) =	ssettag $0x1  }
0x1: {  	s8 =	rddreg [dreg:$0x0]  }
0x2: {  	s0 =	rddreg [dreg:$0x1];
	_ =	strace $0x8000004D;
	s1 =	stileid.u32  }
0x3: {  	s3 =	srdreg.scid;
	s4 =	simm.s32 $0x1;
	s7 =	simm.s32 $0x1  }
0x4: {  	s9 =	simm.s32 $0x1;
	s10 =	simm.s32 $0x3;
	s13 =	simm.s32 $0x0  }
0x5: {  	s12 =	simm.s32 $0x0;
	s5 =	sand.u32 $0x1, s3;
	s6 =	sshll.u32 s1, $0x1  }
0x6: {  	s2 =	sadd.s32 $0x2E600, s8;
	s3 =	sadd.s32 $0x20000, s8;
	s5 =	sor.u32 s6, s5  }
.Ltmp0:
0x7: {  	[sflag:s4] =	ssyncpa.u1 $0x0;
	p0 =	slt.u32 s5, $0x13;
	(pc) =	sbr.rel .LBB2_1-.Ltmp0, $4  }
0x8: {  	s6 =	simm.s32 $0x2;
	s7 =	simm.s32 @!p0 $0x0;
	p0 =	sne.s32 s5, $0x12  }
0x9: {  	[sflag:s6] =	ssyncpa.u1 $0x0;
	s5 =	smul.u32 $0x7D0, s5;
	s9 =	simm.s32 @!p0 $0x0  }
0xa: {  	s8 =	sadd.s32 $0x26E00, s8;
	[sflag:s10] =	ssyncpa.u1 $0x0;
	s7 =	sadd.s32 s9, s7  }
0xb: {  	vm0 =	vmmov $0xffff;
	s10 =	simm.s32 $0x0;
	s11 =	smov.u32 s5;
	s9 =	sadd.s32 $0x1, s7  }
.LBB2_4:
0xc: {  	vm1 =	veq.s32 v4, $0x80000000;
	v56 =	vand.u32 $0x1F, v4;
	v6 =	vand.u32 $0x1FFF, v6  }
0xd: {  	v2 =	vor.u32 v2, v5;
	v59 =	vshrl.u32 v1, $0x5;
	v60 =	vand.u32 $0x1F, v1  }
0xe: {  	v4 =	vsel vm1, $0xFFFFFFFF, v56;
	v6 =	vsel vm1, $0xFFFFFFFF, v6;
	v2 =	vor.u32 v3, v2  }
0xf: {  	vm1 =	veq.s32 v1, $0x80000000;
	v5 =	vand.u32 $0x1FFF, v59;
	v7 =	vshrl.u32 v4, $0x3  }
0x10: {  	v57 =	vshll.u32 v6, $0x3;
	v4 =	vshll.u32 v4, $0x7;
	v1 =	vsel vm1, $0xFFFFFFFF, v60  }
0x11: {  	v5 =	vsel vm1, $0xFFFFFFFF, v5;
	v6 =	vand.u32 $0x7F, v6;
	v7 =	vmul.u32 $0xA000, v7  }
0x12: {  	v58 =	vand.u32 $0xFFFFFC00, v57;
	v4 =	vand.u32 $0x380, v4;
	v61 =	vshrl.u32 v1, $0x3  }
0x13: {  	v62 =	vshll.u32 v5, $0x3;
	v3 =	vadd.s32 v7, v58;
	v7 =	vmul.u32 $0xA000, v61  }
0x14: {  	v1 =	vshll.u32 v1, $0x7;
	v3 =	vor.u32 v4, v3;
	v4 =	vand.u32 $0xFFFFFC00, v62  }
0x15: {  	v1 =	vand.u32 $0x380, v1;
	v3 =	vor.u32 v6, v3;
	v4 =	vadd.s32 v7, v4  }
0x16: {  	[tilespmem:s16], [sflag:$0x1] =	stream.indirect_vreg.gather [hbm4b:s2+s10], $0x1, v0, vm0, $0x4038;
	v63 =	vand.u32 $0x7F, v5;
	v1 =	vor.u32 v1, v4;
	[tilespmem:$0x1F40] =	vst v63  }
0x17: {  	s15 =	sadd.s32 $0x10, s15;
	(ifvalue) =	ssetifvalue $0x7FFFFFFF;
	v0 =	vor.u32 v63, v1  }
0x18: {  	[tilespmem:s15], [sflag:$0x1] =	stream.indirect_vreg.gather [hbm4b:s2+s10], $0x1, v2, vm0, $0x4038;
	[tilespmem:$0x1F40] =	vst v63  }
0x19: {  	s15 =	sadd.s32 $0x10, s15;
	(ifvalue) =	ssetifvalue $0x7FFFFFFF  }
0x1a: {  	[tilespmem:s15], [sflag:$0x1] =	stream.indirect_vreg.gather [hbm4b:s2+s10], $0x1, v3, vm0, $0x4038;
	[tilespmem:$0x1F40] =	vst v63  }
0x1b: {  	s15 =	sadd.s32 $0x10, s15;
	(ifvalue) =	ssetifvalue $0x7FFFFFFF  }
0x1c: {  	[tilespmem:s15], [sflag:$0x1] =	stream.indirect_vreg.gather [hbm4b:s2+s10], $0x1, v0, vm0, $0x4038;
	[tilespmem:$0x1F40] =	vst v63  }
0x1d: {  	_ =	swait.ge [sflag:s4], $0x7D0  }
0x1e: {  	s30 =	sshrl.u32 s13, $0x3;
	[sflag:s4] =	ssyncset.done $0x0  }
0x1f: {  	s31 =	sand.u32 $0x7, s13;
	s15 =	sadd.s32 s8, s30;
	[sflag:s4] =	ssyncadd.s32 $0xFFFFF830  }
0x20: {  	[hbm4b:s15+s31] =	stream.linear.scatter [tilespmem:s14], [sflag:$0x3], $0x7D0, $0x38;
	[tilespmem:$0x1F40] =	vst v63  }
.LBB2_5:
0x21: {  	s15 =	sadd.s32 $0xFA00, s11  }
0x22: {  	p1 =	sgt.s32 s15, $0x1869F  }
0x23: {  	s15 =	smov.u32 @p1 s5;
	p1 =	sne.s32 s12, s9  }
.Ltmp1:
0x24: {  	p0 =	slt.u32 s12, $0x2;
	(pc) =	sbr.rel @!p1 .LBB2_6-.Ltmp1, $4  }
0x25: {  	s14 =	simm.s32 @!p0 $0x3  }
0x26: {  	_ =	swait.ge @!p0 [sflag:s14], $0x7D0  }
0x27: {  	s16 =	sadd.s32 $0x1, s12;
	s13 =	smov.u32 s11;
	[sflag:s14] =	ssyncset.done @!p0 $0x0  }
0x28: {  	s12 =	smov.u32 s16;
	s11 =	smov.u32 s15;
	[sflag:s14] =	ssyncadd.s32 @!p0 $0xFFFFF830  }
.LBB2_1:
0x29: {  	p0 =	sge.u32 s12, s7  }
0x2a: {  	s14 =	sxor.u32 @!p0 $0x1, s12  }
0x2b: {  	s14 =	smul.u32 @!p0 $0x1F40, s14  }
0x2c: {  	s31 =	sadd.s32 $0xFFFFFFFF, s12;
	s15 =	sshrl.u32 @!p0 s11, $0x3  }
0x2d: {  	s16 =	sand.u32 @!p0 $0x7, s11;
	s15 =	sadd.s32 @!p0 s3, s15;
	s14 =	sshra.s32 @!p0 s14, $0x2  }
0x2e: {  	[tilespmem:s14], [sflag:$0x2] =	stream.linear.gather @!p0 [hbm4b:s15+s16], $0x7D0, $0x38;
	[tilespmem:$0x1F40] =	vst v63  }
0x2f: {  	p0 =	sge.u32 s31, s7  }
.Ltmp2:
0x30: {  	_ = 	snop;
	(pc) =	sbr.rel @p0 .LBB2_5-.Ltmp2, $1  }
0x31: {  	_ =	sdelay $0x3  }
0x32: {  	s14 =	sand.u32 $0x1, s12  }
0x33: {  	_ =	swait.ge [sflag:s6], $0x7D0;
	p0 =	seq.s32 s14, $0x1;
	s14 =	simm.s32 $0x7D0  }
0x34: {  	[sflag:s6] =	ssyncset.done $0x0;
	s14 =	simm.s32 @!p0 $0x0  }
0x35: {  	[sflag:s6] =	ssyncadd.s32 $0xFFFFF830;
	(ifvalue) =	ssetifvalue $0x7FFFFFFF;
	v0 =	vld.msk [tilespmem:s14+$0x0 ss:$0x1], $0xffff  }
0x36: {  	s15 =	sadd.s32 $0x10, s14  }
0x37: {  	v1 =	vld.msk [tilespmem:s15+$0x0 ss:$0x1], $0xffff;
	_ =	sdelay $0x2  }
0x38: {  	v2 =	vshrl.u32 v0, $0x5  }
0x39: {  	vm1 =	veq.s32 v0, $0x80000000;
	v0 =	vand.u32 $0x1F, v0;
	v2 =	vand.u32 $0x1FFF, v2  }
0x3a: {  	v0 =	vsel vm1, $0xFFFFFFFF, v0;
	v6 =	vshrl.u32 v1, $0x5;
	v2 =	vsel vm1, $0xFFFFFFFF, v2  }
0x3b: {  	v3 =	vshrl.u32 v0, $0x3;
	v0 =	vshll.u32 v0, $0x7;
	vm1 =	veq.s32 v1, $0x80000000  }
0x3c: {  	s15 =	sadd.s32 $0x10, s15;
	v1 =	vand.u32 $0x1F, v1;
	v4 =	vshll.u32 v2, $0x3;
	v3 =	vmul.u32 $0xA000, v3  }
0x3d: {  	v0 =	vand.u32 $0x380, v0;
	v7 =	vand.u32 $0x7F, v2;
	v5 =	vand.u32 $0xFFFFFC00, v4;
	v4 =	vld.msk [tilespmem:s15+$0x0 ss:$0x1], $0xffff  }
0x3e: {  	v1 =	vsel vm1, $0xFFFFFFFF, v1;
	v2 =	vadd.s32 v3, v5;
	v3 =	vand.u32 $0x1FFF, v6  }
0x3f: {  	v3 =	vsel vm1, $0xFFFFFFFF, v3;
	v0 =	vor.u32 v0, v2;
	v2 =	vshrl.u32 v1, $0x3  }
0x40: {  	v1 =	vshll.u32 v1, $0x7;
	v5 =	vshll.u32 v3, $0x3;
	v8 =	vmul.u32 $0xA000, v2  }
0x41: {  	s18 =	simm.s32 $0x30;
	s14 =	sadd.s32 $0xFA0, s14;
	s17 =	sadd.s32 $0x10, s15;
	v2 =	vand.u32 $0x380, v1;
	v0 =	vor.u32 v7, v0;
	v5 =	vand.u32 $0xFFFFFC00, v5  }
0x42: {  	s16 =	smov.u32 s14;
	s15 =	smov.u32 s14;
	v1 =	vld.msk [tilespmem:s17+$0x0 ss:$0x1], $0xffff;
	v3 =	vand.u32 $0x7F, v3;
	(ifvalue) =	ssetifvalue $0x7FFFFFFF;
	v6 =	vshrl.u32 v4, $0x5;
	v5 =	vadd.s32 v8, v5  }
.LBB2_3:
0x43: {  	s18 =	sadd.s32 $0x10, s18  }
0x44: {  	vm1 =	veq.s32 v4, $0x80000000;
	v4 =	vand.u32 $0x1F, v4;
	v6 =	vand.u32 $0x1FFF, v6;
	s15 =	sadd.s32 $0x10, s15;
	p0 =	slt.u32 s18, $0x7C0  }
.Ltmp3:
0x45: {  	v5 =	vor.u32 v2, v5;
	v4 =	vsel vm1, $0xFFFFFFFF, v4;
	v7 =	vsel vm1, $0xFFFFFFFF, v6;
	(pc) =	sbr.rel @p0 .LBB2_3-.Ltmp3, $4  }
0x46: {  	v2 =	vshrl.u32 v4, $0x3;
	v6 =	vshll.u32 v7, $0x3;
	v4 =	vshll.u32 v4, $0x7;
	[tilespmem:s16], [sflag:$0x1] =	stream.indirect_vreg.gather [hbm4b:s2+s10], $0x1, v0, vm0, $0x4038;
	[tilespmem:$0x1F40] =	vst v63  }
0x47: {  	v0 =	vor.u32 v3, v5;
	s16 =	smov.u32 s15;
	v8 =	vmul.u32 $0xA000, v2;
	v2 =	vand.u32 $0x380, v4  }
0x48: {  	s17 =	sadd.s32 $0x10, s17;
	v9 =	vand.u32 $0xFFFFFC00, v6  }
0x49: {  	v3 =	vand.u32 $0x7F, v7;
	v6 =	vshrl.u32 v1, $0x5;
	v5 =	vadd.s32 v8, v9;
	(ifvalue) =	ssetifvalue $0x7FFFFFFF;
	v4 =	vmovc v1;
	v1 =	vld.msk [tilespmem:s17+$0x0 ss:$0x1], $0xffff  }
.Ltmp4:
0x4a: {  	_ = 	snop;
	(pc) =	sbr.rel .LBB2_4-.Ltmp4, $1  }
0x4b: {  	_ =	sdelay $0x3  }
.LBB2_6:
0x4c: {  	_ =	sfence.sel $0x180000  }
0x4d: {  	s2 =	simm.s32 $0x2;
	[bflag:$0x0] =	sbarrier.arrive $0xFFFF  }
0x4e: {  	s30 =	simm.s32 $0x3;
	[sflag:s2] =	ssyncpa.u1 $0x1  }
0x4f: {  	s31 =	simm.s32 $0x1;
	[sflag:s30] =	ssyncpa.u1 $0x1  }
0x50: {  	[sflag:s31] =	ssyncpa.u1 $0x1  }
0x51: {  	p0 =	sne.s32 s1, $0x0;
	_ =	strace $0x9000004D  }
0x52: {  	s0 =	sadd.s32 @!p0 $0x100000, s0;
	[bflag:$0x2] =	sbarrier.arrive $0xFFFF  }
0x53: {  	[sflag:s0] =	ssyncadd.tile.s32 @!p0 $0x1;
	_ =	shalt  }
.Lfunc_end2:
_tile_overlayer_lowered:
.L_overlay_start_2:
0x54: {  	(tag) =	ssettag $0x2  }
0x55: {  	s0 =	rddreg [dreg:$0x0];
	s2 =	stileid.u32  }
0x56: {  	s1 =	rddreg [dreg:$0x1];
	p0 =	sne.s32 s2, $0x0  }
0x57: {  	s3 =	rddreg [dreg:$0x2];
	[bflag:$0x3] =	sbarrier.arrive $0xFFFF;
	s2 =	simm.s32 @!p0 $0x1C01  }
0x58: {  	[timem:s3], [sflag:s2] =	dma.local @!p0 [hbm:s0], s1  }
0x59: {  	s0 =	simm.s32 @!p0 $0x1  }
0x5a: {  	_ =	swait.ge @!p0 [sflag:s0], s1  }
0x5b: {  	s1 =	ssub.s32 @!p0 $0x0, s1;
	[sflag:s0] =	ssyncset.done @!p0 $0x0  }
0x5c: {  	[sflag:s0] =	ssyncadd.s32 @!p0 s1  }
0x5d: {  	[bflag:$0x3] =	sbarrier.arrive $0xFFFF  }
0x5e: {  	_ =	shalt  }

// kernel: gather_offload_async_start.2
scs
__scs_entry_jumppad:
0x0: {  	(pc) =	sbr.rel $0x88, $3  }
0x1: {  	(tag) =	ssettag $0x0;
	lr =	simm.s32 $0x1  }
0x2: {  	[smem:$0x3F9F] =	sst lr;
	_ =	strace $0xD0000000  }
0x3: {  	_ = 	snop  }
0x4: {  	_ = 	snop  }
0x5: {  	_ = 	snop  }
0x6: {  	_ = 	snop  }
0x7: {  	_ = 	snop  }
__scs_overlays_trampoline_lowered:
0x8: {  	[smem:$0x3FAE] =	sst s0  }
0x9: {  	[smem:$0x3FAF] =	sst s1  }
0xa: {  	[smem:$0x3FB0] =	sst s2  }
0xb: {  	[smem:$0x3FB1] =	sst s3  }
0xc: {  	[smem:$0x3FB2] =	sst s4  }
0xd: {  	[smem:$0x3FB3] =	sst s5  }
0xe: {  	[smem:$0x3FB4] =	sst s6  }
0xf: {  	[smem:$0x3FB5] =	sst s7  }
0x10: {  	[smem:$0x3FB6] =	sst s8  }
0x11: {  	[smem:$0x3FB7] =	sst s9;
	s0 =	simm.s32 @!p0 $0x0  }
0x12: {  	s1 =	sld [smem:$0x3F9D];
	s0 =	simm.s32 @p0 $0x1  }
0x13: {  	[smem:$0x3FB8] =	sst s0;
	s0 =	simm.s32 @!p1 $0x0  }
0x14: {  	s2 =	sld [smem:$0x3F9C];
	s0 =	simm.s32 @p1 $0x1  }
0x15: {  	[smem:$0x3FB9] =	sst s0;
	s0 =	simm.s32 @!p2 $0x0  }
0x16: {  	s3 =	sld [smem:$0x3FDB];
	s0 =	simm.s32 @p2 $0x1  }
0x17: {  	s4 =	simm.s32 $0x1BF5;
	[smem:$0x3FBB] =	sst s0  }
0x18: {  	s0 =	sld [smem:$0x3F9E];
	_ =	swait.ge [sflag:s4], $0x0  }
0x19: {  	s7 =	sld [smem:$0x3F9F]  }
0x1a: {  	s8 =	sadd.s32 $0xFFFFE003, lr  }
0x1b: {  	s9 =	sadd.s32 $0xFFFFFEF7, lr;
	s5 =	simm.s32 $0xFFFFFFFF;
	p2 =	slt.u32 s8, $0xFFFFF086  }
0x1c: {  	p1 =	slt.u32 s9, $0xF7A;
	s5 =	simm.s32 @!p2 $0x0  }
0x1d: {  	s5 =	simm.s32 @p1 $0x1;
	p0 =	seq.s32 s7, s2  }
0x1e: {  	s7 =	smul.u32 @!p0 $0xF7A, s2;
	p2 =	seq.s32 @!p0 s5, $0x0  }
0x1f: {  	s9 =	smul.u32 $0xF7A, s1;
	s8 =	simm.s32 @!p0 $0x1BF5;
	p2 =	por !p2, p0  }
0x20: {  	[sflag:s8] =	ssyncset.s32 @!p0 $0xFFFFF086;
	s6 =	sadd.s32 @!p0 s3, s7;
	s7 =	simm.s32 @!p0 $0x108  }
0x21: {  	s3 =	sadd.s32 s3, s9;
	s6 =	sadd.s32 @!p0 $0x88, s6;
	s7 =	simm.s32 @p2 $0x1082  }
0x22: {  	[simem:s7], [sflag:s8] =	dma.local @!p0 [hbm:s6], $0xF7A  }
0x23: {  	s9 =	sor.u32 $0xD0000000, s2;
	s6 =	simm.s32 $0x108;
	_ =	swait.ge @!p0 [sflag:s8], $0x0  }
0x24: {  	s3 =	sadd.s32 $0x88, s3;
	s6 =	simm.s32 @!p1 $0x1082;
	[sflag:s4] =	ssyncset.s32 $0xFFFFF086  }
0x25: {  	[simem:s6], [sflag:s4] =	dma.local [hbm:s3], $0xF7A  }
0x26: {  	[smem:$0x3F9F] =	sst s1;
	(tag) =	ssettag s2;
	_ =	strace s9  }
0x27: {  	s1 =	sld [smem:$0x3FAF]  }
0x28: {  	s2 =	sld [smem:$0x3FB0]  }
0x29: {  	s4 =	sld [smem:$0x3FB2]  }
0x2a: {  	p0 =	seq.s32 s5, $0x0;
	s5 =	sld [smem:$0x3FB3]  }
0x2b: {  	s6 =	sld [smem:$0x3FB4]  }
0x2c: {  	s7 =	sld [smem:$0x3FB5]  }
0x2d: {  	s3 =	simm.s32 $0x108;
	s8 =	sld [smem:$0x3FB6]  }
0x2e: {  	s3 =	simm.s32 @!p0 $0x1082;
	s9 =	sld [smem:$0x3FB7]  }
0x2f: {  	lr =	sadd.s32 s0, s3;
	s0 =	sld [smem:$0x3FAE]  }
0x30: {  	s3 =	sld [smem:$0x3FB1]  }
0x31: {  	[smem:$0x3FBA] =	sst s10  }
0x32: {  	s10 =	sld [smem:$0x3FB8];
	_ =	sdelay $0x3  }
0x33: {  	p0 =	seq.s32 s10, $0x1;
	s10 =	sld [smem:$0x3FBA];
	_ =	sdelay $0x3  }
0x34: {  	[smem:$0x3FBA] =	sst s10  }
0x35: {  	s10 =	sld [smem:$0x3FB9];
	_ =	sdelay $0x3  }
0x36: {  	p1 =	seq.s32 s10, $0x1;
	s10 =	sld [smem:$0x3FBA];
	_ =	sdelay $0x3  }
0x37: {  	[smem:$0x3FBA] =	sst s10  }
0x38: {  	s10 =	sld [smem:$0x3FBB]  }
0x39: {  	_ = 	snop;
	(pc) =	sbr.ind lr, $3  }
0x3a: {  	_ = 	snop  }
0x3b: {  	_ = 	snop  }
0x3c: {  	p2 =	seq.s32 s10, $0x1;
	s10 =	sld [smem:$0x3FBA]  }
0x3d: {  	_ =	shalt  }
0x3e: {  	_ =	shalt  }
0x3f: {  	_ =	shalt  }
0x40: {  	_ =	shalt  }
0x41: {  	_ =	shalt  }
0x42: {  	_ =	shalt  }
0x43: {  	_ =	shalt  }
0x44: {  	_ =	shalt  }
0x45: {  	_ =	shalt  }
0x46: {  	_ =	shalt  }
0x47: {  	_ =	shalt  }
0x48: {  	_ =	shalt  }
0x49: {  	_ =	shalt  }
0x4a: {  	_ =	shalt  }
0x4b: {  	_ =	shalt  }
0x4c: {  	_ =	shalt  }
0x4d: {  	_ =	shalt  }
0x4e: {  	_ =	shalt  }
0x4f: {  	_ =	shalt  }
0x50: {  	_ =	shalt  }
0x51: {  	_ =	shalt  }
0x52: {  	_ =	shalt  }
0x53: {  	_ =	shalt  }
0x54: {  	_ =	shalt  }
0x55: {  	_ =	shalt  }
0x56: {  	_ =	shalt  }
0x57: {  	_ =	shalt  }
0x58: {  	_ =	shalt  }
0x59: {  	_ =	shalt  }
0x5a: {  	_ =	shalt  }
0x5b: {  	_ =	shalt  }
0x5c: {  	_ =	shalt  }
0x5d: {  	_ =	shalt  }
0x5e: {  	_ =	shalt  }
0x5f: {  	_ =	shalt  }
0x60: {  	_ =	shalt  }
0x61: {  	_ =	shalt  }
0x62: {  	_ =	shalt  }
0x63: {  	_ =	shalt  }
0x64: {  	_ =	shalt  }
0x65: {  	_ =	shalt  }
0x66: {  	_ =	shalt  }
0x67: {  	_ =	shalt  }
0x68: {  	_ =	shalt  }
0x69: {  	_ =	shalt  }
0x6a: {  	_ =	shalt  }
0x6b: {  	_ =	shalt  }
0x6c: {  	_ =	shalt  }
0x6d: {  	_ =	shalt  }
0x6e: {  	_ =	shalt  }
0x6f: {  	_ =	shalt  }
0x70: {  	_ =	shalt  }
0x71: {  	_ =	shalt  }
0x72: {  	_ =	shalt  }
0x73: {  	_ =	shalt  }
0x74: {  	_ =	shalt  }
0x75: {  	_ =	shalt  }
0x76: {  	_ =	shalt  }
0x77: {  	_ =	shalt  }
0x78: {  	_ =	shalt  }
0x79: {  	_ =	shalt  }
0x7a: {  	_ =	shalt  }
0x7b: {  	_ =	shalt  }
0x7c: {  	_ =	shalt  }
0x7d: {  	_ =	shalt  }
0x7e: {  	_ =	shalt  }
0x7f: {  	_ =	shalt  }
0x80: {  	_ =	shalt  }
0x81: {  	_ =	shalt  }
0x82: {  	_ =	shalt  }
0x83: {  	_ =	shalt  }
0x84: {  	_ =	shalt  }
0x85: {  	_ =	shalt  }
0x86: {  	_ =	shalt  }
0x87: {  	_ =	shalt  }
.Lfunc_end0:
.L_simem_size_0:
called_computation.2_lowered:
.L_overlay_start_0:
0x88: {  	s2 =	sld [smem:$0x3FD9]  }
0x89: {  	s3 =	sld [smem:$0x3FFE];
	_ =	sdelay $0x1  }
0x8a: {  	s1 =	srdreg.scid  }
0x8b: {  	s0 =	sand.u32 $0x1, s1  }
0x8c: {  	s17 =	sshll.u32 s0, $0xA;
	s2 =	sadd.s32 s3, s2  }
0x8d: {  	s2 =	sadd.s32 s2, s17  }
0x8e: {  	[smem:$0x3FC6] =	sst s2  }
0x8f: {  	_ = 	snop  }
0x90: {  	s2 =	sld [smem:$0x3FD0];
	(tm) =	ssettm $0x1  }
0x91: {  	s18 =	sld [smem:$0x3FFB];
	_ =	sdelay $0x3  }
0x92: {  	_ =	strace s18  }
0x93: {  	s3 =	sld [smem:$0x3FFC];
	_ =	sdelay $0x3  }
0x94: {  	_ =	strace s3  }
0x95: {  	s3 =	sld [smem:$0x3FFD];
	_ =	sdelay $0x3  }
0x96: {  	_ =	strace s3  }
0x97: {  	_ =	strace $0x8FFFFFFF  }
0x98: {  	s19 =	sld [smem:$0x3FDB];
	_ =	sdelay $0x1  }
0x99: {  	s4 =	simm.s32 $_scs_section_size  }
0x9a: {  	s5 =	simm.s32 $_size__tile_overlayer_lowered;
	s6 =	simm.s32 $_tile_overlayer_lowered  }
0x9b: {  	s22 =	simm.s32 $0x1BFF;
	s21 =	sshll.u32 s6, $0x1;
	s3 =	sadd.s32 s4, s19  }
0x9c: {  	s7 =	simm.s32 $0x0;
	s20 =	sshll.u32 s5, $0x1;
	s5 =	sadd.s32 s21, s3  }
0x9d: {  	[timem:s7], [sflag:s22] =	dma.local [hbm:s5], s20  }
0x9e: {  	_ =	swait.ge [sflag:s22], s20  }
0x9f: {  	s4 =	ssub.s32 $0x0, s20;
	[sflag:s22] =	ssyncset.done $0x0  }
0xa0: {  	[sflag:s22] =	ssyncadd.s32 s4;
	_ =	sdelay $0x1  }
0xa1: {  	s23 =	simm.s32 $0x1B8B  }
0xa2: {  	_ =	swait.ge [sflag:s23], $0x1  }
0xa3: {  	[sflag:s23] =	ssyncset.done $0x0  }
0xa4: {  	s25 =	simm.s32 $0x1B8E;
	s24 =	sld [smem:$0x3FFE];
	[sflag:s23] =	ssyncadd.s32 $0xFFFFFFFF  }
0xa5: {  	s26 =	simm.s32 $execute0_lowered;
	[smem:$0x3FD2] =	sst s25  }
0xa6: {  	s5 =	sshll.u32 s26, $0x1;
	_ =	strace $0x80000046;
	[dreg:$0x1] =	wrdreg $0xFFFFFFFF  }
0xa7: {  	s28 =	simm.s32 $_size_execute0_lowered;
	s3 =	sadd.s32 s3, s5;
	[dreg:$0x0] =	wrdreg $0x0  }
0xa8: {  	s5 =	sshll.u32 s28, $0x1;
	[dreg:$0x2] =	wrdreg s3  }
0xa9: {  	[dreg:$0x3] =	wrdreg s5  }
0xaa: {  	[dreg:$0x4] =	wrdreg $0xC0  }
0xab: {  	_ =	task [dreg:s7], $0x5FFFF  }
0xac: {  	[dreg:$0x1] =	wrdreg $0xFFFFFFFF  }
0xad: {  	[dreg:$0x0] =	wrdreg $0x60  }
0xae: {  	[dreg:$0x2] =	wrdreg s2  }
0xaf: {  	[dreg:$0x3] =	wrdreg s24  }
0xb0: {  	[dreg:$0x4] =	wrdreg $0x9  }
0xb1: {  	_ =	task.clear_ibuf [dreg:s7], $0x5FFFF;
	_ =	strace $0x90000046  }
0xb2: {  	s29 =	simm.s32 $0x9;
	_ =	strace $0x80000048  }
0xb3: {  	_ =	swait.ge [sflag:s29], $0x1  }
0xb4: {  	[sflag:s29] =	ssyncadd.s32 $0xFFFFFFFF  }
0xb5: {  	_ =	strace $0x90000048  }
0xb6: {  	_ =	sfence  }
0xb7: {  	s30 =	sld [smem:$0x0];
	_ =	sdelay $0x2  }
0xb8: {  	s31 =	sshll.u32 s1, $0xD;
	s1 =	sshrl.u32 s1, $0x2  }
0xb9: {  	s3 =	sand.u32 $0x4000, s31;
	s1 =	sadd.s32 s1, s30  }
0xba: {  	s0 =	sor.u32 s3, s0;
	s1 =	sshll.u32 s1, $0x11  }
0xbb: {  	s0 =	sor.u32 s1, s0  }
0xbc: {  	s0 =	sadd.s32 $0x8F2B, s0  }
0xbd: {  	[sflag:s0] =	ssyncadd.remote.s32 $0x1  }
0xbe: {  	_ =	sfence.sel $0xFFFF  }
0xbf: {  	[dreg:$0x0] =	wrdreg $0xFFFFFFFF;
	(pc) =	sbr.abs _section_cstart, $3  }
0xc0: {  	[dreg:$0x1] =	wrdreg $0xFFFFFFFF  }
0xc1: {  	_ =	task.clear_ibuf [dreg:s7], $0x2FFFF;
	_ =	strace $0x9FFFFFFF  }
0xc2: {  	(tm) =	ssettm $0x7FFFFFFF  }
0xc3: {  	_ =	shalt  }
tec
execute0_lowered:
.L_overlay_start_1:
0x0: {  	(tag) =	ssettag $0x1  }
0x1: {  	s2 =	rddreg [dreg:$0x0]  }
0x2: {  	s8 =	rddreg [dreg:$0x1]  }
0x3: {  	s0 =	rddreg [dreg:$0x2];
	s1 =	stileid.u32  }
0x4: {  	s3 =	srdreg.scid;
	_ =	strace $0x80000047;
	s4 =	simm.s32 $0x1  }
0x5: {  	s7 =	simm.s32 $0x1;
	s9 =	simm.s32 $0x1;
	s10 =	simm.s32 $0x3  }
0x6: {  	s13 =	simm.s32 $0x0;
	s5 =	sand.u32 $0x1, s3;
	s6 =	sshll.u32 s1, $0x1  }
0x7: {  	s12 =	simm.s32 $0x0;
	s3 =	sadd.s32 $0x20000, s8;
	s5 =	sor.u32 s6, s5  }
.Ltmp0:
0x8: {  	[sflag:s4] =	ssyncpa.u1 $0x0;
	p0 =	slt.u32 s5, $0x13;
	(pc) =	sbr.rel .LBB2_1-.Ltmp0, $4  }
0x9: {  	s6 =	simm.s32 $0x2;
	s7 =	simm.s32 @!p0 $0x0;
	p0 =	sne.s32 s5, $0x12  }
0xa: {  	[sflag:s6] =	ssyncpa.u1 $0x0;
	s5 =	smul.u32 $0x7D0, s5;
	s9 =	simm.s32 @!p0 $0x0  }
0xb: {  	s8 =	sadd.s32 $0x43A00, s8;
	[sflag:s10] =	ssyncpa.u1 $0x0;
	s7 =	sadd.s32 s9, s7  }
0xc: {  	vm0 =	vmmov $0xffff;
	s10 =	simm.s32 $0x0;
	s11 =	smov.u32 s5;
	s9 =	sadd.s32 $0x1, s7  }
.LBB2_4:
0xd: {  	vm1 =	veq.s32 v4, $0x80000000;
	v56 =	vand.u32 $0x1F, v4;
	v6 =	vand.u32 $0x1FFF, v6  }
0xe: {  	v2 =	vor.u32 v2, v5;
	v59 =	vshrl.u32 v1, $0x5;
	v60 =	vand.u32 $0x1F, v1  }
0xf: {  	v4 =	vsel vm1, $0xFFFFFFFF, v56;
	v6 =	vsel vm1, $0xFFFFFFFF, v6;
	v2 =	vor.u32 v3, v2  }
0x10: {  	vm1 =	veq.s32 v1, $0x80000000;
	v5 =	vand.u32 $0x1FFF, v59;
	v7 =	vshrl.u32 v4, $0x3  }
0x11: {  	v57 =	vshll.u32 v6, $0x3;
	v4 =	vshll.u32 v4, $0x7;
	v1 =	vsel vm1, $0xFFFFFFFF, v60  }
0x12: {  	v5 =	vsel vm1, $0xFFFFFFFF, v5;
	v6 =	vand.u32 $0x7F, v6;
	v7 =	vmul.u32 $0xA000, v7  }
0x13: {  	v58 =	vand.u32 $0xFFFFFC00, v57;
	v4 =	vand.u32 $0x380, v4;
	v61 =	vshrl.u32 v1, $0x3  }
0x14: {  	v62 =	vshll.u32 v5, $0x3;
	v3 =	vadd.s32 v7, v58;
	v7 =	vmul.u32 $0xA000, v61  }
0x15: {  	v1 =	vshll.u32 v1, $0x7;
	v3 =	vor.u32 v4, v3;
	v4 =	vand.u32 $0xFFFFFC00, v62  }
0x16: {  	v1 =	vand.u32 $0x380, v1;
	v3 =	vor.u32 v6, v3;
	v4 =	vadd.s32 v7, v4  }
0x17: {  	[tilespmem:s16], [sflag:$0x1] =	stream.indirect_vreg.gather [hbm4b:s2+s10], $0x1, v0, vm0, $0x4038;
	v63 =	vand.u32 $0x7F, v5;
	v1 =	vor.u32 v1, v4;
	[tilespmem:$0x1F40] =	vst v63  }
0x18: {  	s15 =	sadd.s32 $0x10, s15;
	(ifvalue) =	ssetifvalue $0x7FFFFFFF;
	v0 =	vor.u32 v63, v1  }
0x19: {  	[tilespmem:s15], [sflag:$0x1] =	stream.indirect_vreg.gather [hbm4b:s2+s10], $0x1, v2, vm0, $0x4038;
	[tilespmem:$0x1F40] =	vst v63  }
0x1a: {  	s15 =	sadd.s32 $0x10, s15;
	(ifvalue) =	ssetifvalue $0x7FFFFFFF  }
0x1b: {  	[tilespmem:s15], [sflag:$0x1] =	stream.indirect_vreg.gather [hbm4b:s2+s10], $0x1, v3, vm0, $0x4038;
	[tilespmem:$0x1F40] =	vst v63  }
0x1c: {  	s15 =	sadd.s32 $0x10, s15;
	(ifvalue) =	ssetifvalue $0x7FFFFFFF  }
0x1d: {  	[tilespmem:s15], [sflag:$0x1] =	stream.indirect_vreg.gather [hbm4b:s2+s10], $0x1, v0, vm0, $0x4038;
	[tilespmem:$0x1F40] =	vst v63  }
0x1e: {  	_ =	swait.ge [sflag:s4], $0x7D0  }
0x1f: {  	s30 =	sshrl.u32 s13, $0x3;
	[sflag:s4] =	ssyncset.done $0x0  }
0x20: {  	s31 =	sand.u32 $0x7, s13;
	s15 =	sadd.s32 s8, s30;
	[sflag:s4] =	ssyncadd.s32 $0xFFFFF830  }
0x21: {  	[hbm4b:s15+s31] =	stream.linear.scatter [tilespmem:s14], [sflag:$0x3], $0x7D0, $0x38;
	[tilespmem:$0x1F40] =	vst v63  }
.LBB2_5:
0x22: {  	s15 =	sadd.s32 $0xFA00, s11  }
0x23: {  	p1 =	sgt.s32 s15, $0x1869F  }
0x24: {  	s15 =	smov.u32 @p1 s5;
	p1 =	sne.s32 s12, s9  }
.Ltmp1:
0x25: {  	p0 =	slt.u32 s12, $0x2;
	(pc) =	sbr.rel @!p1 .LBB2_6-.Ltmp1, $4  }
0x26: {  	s14 =	simm.s32 @!p0 $0x3  }
0x27: {  	_ =	swait.ge @!p0 [sflag:s14], $0x7D0  }
0x28: {  	s16 =	sadd.s32 $0x1, s12;
	s13 =	smov.u32 s11;
	[sflag:s14] =	ssyncset.done @!p0 $0x0  }
0x29: {  	s12 =	smov.u32 s16;
	s11 =	smov.u32 s15;
	[sflag:s14] =	ssyncadd.s32 @!p0 $0xFFFFF830  }
.LBB2_1:
0x2a: {  	p0 =	sge.u32 s12, s7  }
0x2b: {  	s14 =	sxor.u32 @!p0 $0x1, s12  }
0x2c: {  	s14 =	smul.u32 @!p0 $0x1F40, s14  }
0x2d: {  	s31 =	sadd.s32 $0xFFFFFFFF, s12;
	s15 =	sshrl.u32 @!p0 s11, $0x3  }
0x2e: {  	s16 =	sand.u32 @!p0 $0x7, s11;
	s15 =	sadd.s32 @!p0 s3, s15;
	s14 =	sshra.s32 @!p0 s14, $0x2  }
0x2f: {  	[tilespmem:s14], [sflag:$0x2] =	stream.linear.gather @!p0 [hbm4b:s15+s16], $0x7D0, $0x38;
	[tilespmem:$0x1F40] =	vst v63  }
0x30: {  	p0 =	sge.u32 s31, s7  }
.Ltmp2:
0x31: {  	_ = 	snop;
	(pc) =	sbr.rel @p0 .LBB2_5-.Ltmp2, $1  }
0x32: {  	_ =	sdelay $0x3  }
0x33: {  	s14 =	sand.u32 $0x1, s12  }
0x34: {  	_ =	swait.ge [sflag:s6], $0x7D0;
	p0 =	seq.s32 s14, $0x1;
	s14 =	simm.s32 $0x7D0  }
0x35: {  	[sflag:s6] =	ssyncset.done $0x0;
	s14 =	simm.s32 @!p0 $0x0  }
0x36: {  	[sflag:s6] =	ssyncadd.s32 $0xFFFFF830;
	(ifvalue) =	ssetifvalue $0x7FFFFFFF;
	v0 =	vld.msk [tilespmem:s14+$0x0 ss:$0x1], $0xffff  }
0x37: {  	s15 =	sadd.s32 $0x10, s14  }
0x38: {  	v1 =	vld.msk [tilespmem:s15+$0x0 ss:$0x1], $0xffff;
	_ =	sdelay $0x2  }
0x39: {  	v2 =	vshrl.u32 v0, $0x5  }
0x3a: {  	vm1 =	veq.s32 v0, $0x80000000;
	v0 =	vand.u32 $0x1F, v0;
	v2 =	vand.u32 $0x1FFF, v2  }
0x3b: {  	v0 =	vsel vm1, $0xFFFFFFFF, v0;
	v6 =	vshrl.u32 v1, $0x5;
	v2 =	vsel vm1, $0xFFFFFFFF, v2  }
0x3c: {  	v3 =	vshrl.u32 v0, $0x3;
	v0 =	vshll.u32 v0, $0x7;
	vm1 =	veq.s32 v1, $0x80000000  }
0x3d: {  	s15 =	sadd.s32 $0x10, s15;
	v1 =	vand.u32 $0x1F, v1;
	v4 =	vshll.u32 v2, $0x3;
	v3 =	vmul.u32 $0xA000, v3  }
0x3e: {  	v0 =	vand.u32 $0x380, v0;
	v7 =	vand.u32 $0x7F, v2;
	v5 =	vand.u32 $0xFFFFFC00, v4;
	v4 =	vld.msk [tilespmem:s15+$0x0 ss:$0x1], $0xffff  }
0x3f: {  	v1 =	vsel vm1, $0xFFFFFFFF, v1;
	v2 =	vadd.s32 v3, v5;
	v3 =	vand.u32 $0x1FFF, v6  }
0x40: {  	v3 =	vsel vm1, $0xFFFFFFFF, v3;
	v0 =	vor.u32 v0, v2;
	v2 =	vshrl.u32 v1, $0x3  }
0x41: {  	v1 =	vshll.u32 v1, $0x7;
	v5 =	vshll.u32 v3, $0x3;
	v8 =	vmul.u32 $0xA000, v2  }
0x42: {  	s18 =	simm.s32 $0x30;
	s14 =	sadd.s32 $0xFA0, s14;
	s17 =	sadd.s32 $0x10, s15;
	v2 =	vand.u32 $0x380, v1;
	v0 =	vor.u32 v7, v0;
	v5 =	vand.u32 $0xFFFFFC00, v5  }
0x43: {  	s16 =	smov.u32 s14;
	s15 =	smov.u32 s14;
	v1 =	vld.msk [tilespmem:s17+$0x0 ss:$0x1], $0xffff;
	v3 =	vand.u32 $0x7F, v3;
	(ifvalue) =	ssetifvalue $0x7FFFFFFF;
	v6 =	vshrl.u32 v4, $0x5;
	v5 =	vadd.s32 v8, v5  }
.LBB2_3:
0x44: {  	s18 =	sadd.s32 $0x10, s18  }
0x45: {  	vm1 =	veq.s32 v4, $0x80000000;
	v4 =	vand.u32 $0x1F, v4;
	v6 =	vand.u32 $0x1FFF, v6;
	s15 =	sadd.s32 $0x10, s15;
	p0 =	slt.u32 s18, $0x7C0  }
.Ltmp3:
0x46: {  	v5 =	vor.u32 v2, v5;
	v4 =	vsel vm1, $0xFFFFFFFF, v4;
	v7 =	vsel vm1, $0xFFFFFFFF, v6;
	(pc) =	sbr.rel @p0 .LBB2_3-.Ltmp3, $4  }
0x47: {  	v2 =	vshrl.u32 v4, $0x3;
	v6 =	vshll.u32 v7, $0x3;
	v4 =	vshll.u32 v4, $0x7;
	[tilespmem:s16], [sflag:$0x1] =	stream.indirect_vreg.gather [hbm4b:s2+s10], $0x1, v0, vm0, $0x4038;
	[tilespmem:$0x1F40] =	vst v63  }
0x48: {  	v0 =	vor.u32 v3, v5;
	s16 =	smov.u32 s15;
	v8 =	vmul.u32 $0xA000, v2;
	v2 =	vand.u32 $0x380, v4  }
0x49: {  	s17 =	sadd.s32 $0x10, s17;
	v9 =	vand.u32 $0xFFFFFC00, v6  }
0x4a: {  	v3 =	vand.u32 $0x7F, v7;
	v6 =	vshrl.u32 v1, $0x5;
	v5 =	vadd.s32 v8, v9;
	(ifvalue) =	ssetifvalue $0x7FFFFFFF;
	v4 =	vmovc v1;
	v1 =	vld.msk [tilespmem:s17+$0x0 ss:$0x1], $0xffff  }
.Ltmp4:
0x4b: {  	_ = 	snop;
	(pc) =	sbr.rel .LBB2_4-.Ltmp4, $1  }
0x4c: {  	_ =	sdelay $0x3  }
.LBB2_6:
0x4d: {  	_ =	sfence.sel $0x180000  }
0x4e: {  	s2 =	simm.s32 $0x2;
	[bflag:$0x0] =	sbarrier.arrive $0xFFFF  }
0x4f: {  	s30 =	simm.s32 $0x3;
	[sflag:s2] =	ssyncpa.u1 $0x1  }
0x50: {  	s31 =	simm.s32 $0x1;
	[sflag:s30] =	ssyncpa.u1 $0x1  }
0x51: {  	[sflag:s31] =	ssyncpa.u1 $0x1  }
0x52: {  	p0 =	sne.s32 s1, $0x0;
	_ =	strace $0x90000047  }
0x53: {  	s0 =	sadd.s32 @!p0 $0x100000, s0;
	[bflag:$0x2] =	sbarrier.arrive $0xFFFF  }
0x54: {  	[sflag:s0] =	ssyncadd.tile.s32 @!p0 $0x1;
	_ =	shalt  }
.Lfunc_end2:
_tile_overlayer_lowered:
.L_overlay_start_2:
0x55: {  	(tag) =	ssettag $0x2  }
0x56: {  	s0 =	rddreg [dreg:$0x0];
	s2 =	stileid.u32  }
0x57: {  	s1 =	rddreg [dreg:$0x1];
	p0 =	sne.s32 s2, $0x0  }
0x58: {  	s3 =	rddreg [dreg:$0x2];
	[bflag:$0x3] =	sbarrier.arrive $0xFFFF;
	s2 =	simm.s32 @!p0 $0x1C01  }
0x59: {  	[timem:s3], [sflag:s2] =	dma.local @!p0 [hbm:s0], s1  }
0x5a: {  	s0 =	simm.s32 @!p0 $0x1  }
0x5b: {  	_ =	swait.ge @!p0 [sflag:s0], s1  }
0x5c: {  	s1 =	ssub.s32 @!p0 $0x0, s1;
	[sflag:s0] =	ssyncset.done @!p0 $0x0  }
0x5d: {  	[sflag:s0] =	ssyncadd.s32 @!p0 s1  }
0x5e: {  	[bflag:$0x3] =	sbarrier.arrive $0xFFFF  }
0x5f: {  	_ =	shalt  }

// kernel: gather_offload_async_start.3
scs
__scs_entry_jumppad:
0x0: {  	(pc) =	sbr.rel $0x88, $3  }
0x1: {  	(tag) =	ssettag $0x0;
	lr =	simm.s32 $0x1  }
0x2: {  	[smem:$0x3F9F] =	sst lr;
	_ =	strace $0xD0000000  }
0x3: {  	_ = 	snop  }
0x4: {  	_ = 	snop  }
0x5: {  	_ = 	snop  }
0x6: {  	_ = 	snop  }
0x7: {  	_ = 	snop  }
__scs_overlays_trampoline_lowered:
0x8: {  	[smem:$0x3FAE] =	sst s0  }
0x9: {  	[smem:$0x3FAF] =	sst s1  }
0xa: {  	[smem:$0x3FB0] =	sst s2  }
0xb: {  	[smem:$0x3FB1] =	sst s3  }
0xc: {  	[smem:$0x3FB2] =	sst s4  }
0xd: {  	[smem:$0x3FB3] =	sst s5  }
0xe: {  	[smem:$0x3FB4] =	sst s6  }
0xf: {  	[smem:$0x3FB5] =	sst s7  }
0x10: {  	[smem:$0x3FB6] =	sst s8  }
0x11: {  	[smem:$0x3FB7] =	sst s9;
	s0 =	simm.s32 @!p0 $0x0  }
0x12: {  	s1 =	sld [smem:$0x3F9D];
	s0 =	simm.s32 @p0 $0x1  }
0x13: {  	[smem:$0x3FB8] =	sst s0;
	s0 =	simm.s32 @!p1 $0x0  }
0x14: {  	s2 =	sld [smem:$0x3F9C];
	s0 =	simm.s32 @p1 $0x1  }
0x15: {  	[smem:$0x3FB9] =	sst s0;
	s0 =	simm.s32 @!p2 $0x0  }
0x16: {  	s3 =	sld [smem:$0x3FDB];
	s0 =	simm.s32 @p2 $0x1  }
0x17: {  	s4 =	simm.s32 $0x1BF5;
	[smem:$0x3FBB] =	sst s0  }
0x18: {  	s0 =	sld [smem:$0x3F9E];
	_ =	swait.ge [sflag:s4], $0x0  }
0x19: {  	s7 =	sld [smem:$0x3F9F]  }
0x1a: {  	s8 =	sadd.s32 $0xFFFFE003, lr  }
0x1b: {  	s9 =	sadd.s32 $0xFFFFFEF7, lr;
	s5 =	simm.s32 $0xFFFFFFFF;
	p2 =	slt.u32 s8, $0xFFFFF086  }
0x1c: {  	p1 =	slt.u32 s9, $0xF7A;
	s5 =	simm.s32 @!p2 $0x0  }
0x1d: {  	s5 =	simm.s32 @p1 $0x1;
	p0 =	seq.s32 s7, s2  }
0x1e: {  	s7 =	smul.u32 @!p0 $0xF7A, s2;
	p2 =	seq.s32 @!p0 s5, $0x0  }
0x1f: {  	s9 =	smul.u32 $0xF7A, s1;
	s8 =	simm.s32 @!p0 $0x1BF5;
	p2 =	por !p2, p0  }
0x20: {  	[sflag:s8] =	ssyncset.s32 @!p0 $0xFFFFF086;
	s6 =	sadd.s32 @!p0 s3, s7;
	s7 =	simm.s32 @!p0 $0x108  }
0x21: {  	s3 =	sadd.s32 s3, s9;
	s6 =	sadd.s32 @!p0 $0x88, s6;
	s7 =	simm.s32 @p2 $0x1082  }
0x22: {  	[simem:s7], [sflag:s8] =	dma.local @!p0 [hbm:s6], $0xF7A  }
0x23: {  	s9 =	sor.u32 $0xD0000000, s2;
	s6 =	simm.s32 $0x108;
	_ =	swait.ge @!p0 [sflag:s8], $0x0  }
0x24: {  	s3 =	sadd.s32 $0x88, s3;
	s6 =	simm.s32 @!p1 $0x1082;
	[sflag:s4] =	ssyncset.s32 $0xFFFFF086  }
0x25: {  	[simem:s6], [sflag:s4] =	dma.local [hbm:s3], $0xF7A  }
0x26: {  	[smem:$0x3F9F] =	sst s1;
	(tag) =	ssettag s2;
	_ =	strace s9  }
0x27: {  	s1 =	sld [smem:$0x3FAF]  }
0x28: {  	s2 =	sld [smem:$0x3FB0]  }
0x29: {  	s4 =	sld [smem:$0x3FB2]  }
0x2a: {  	p0 =	seq.s32 s5, $0x0;
	s5 =	sld [smem:$0x3FB3]  }
0x2b: {  	s6 =	sld [smem:$0x3FB4]  }
0x2c: {  	s7 =	sld [smem:$0x3FB5]  }
0x2d: {  	s3 =	simm.s32 $0x108;
	s8 =	sld [smem:$0x3FB6]  }
0x2e: {  	s3 =	simm.s32 @!p0 $0x1082;
	s9 =	sld [smem:$0x3FB7]  }
0x2f: {  	lr =	sadd.s32 s0, s3;
	s0 =	sld [smem:$0x3FAE]  }
0x30: {  	s3 =	sld [smem:$0x3FB1]  }
0x31: {  	[smem:$0x3FBA] =	sst s10  }
0x32: {  	s10 =	sld [smem:$0x3FB8];
	_ =	sdelay $0x3  }
0x33: {  	p0 =	seq.s32 s10, $0x1;
	s10 =	sld [smem:$0x3FBA];
	_ =	sdelay $0x3  }
0x34: {  	[smem:$0x3FBA] =	sst s10  }
0x35: {  	s10 =	sld [smem:$0x3FB9];
	_ =	sdelay $0x3  }
0x36: {  	p1 =	seq.s32 s10, $0x1;
	s10 =	sld [smem:$0x3FBA];
	_ =	sdelay $0x3  }
0x37: {  	[smem:$0x3FBA] =	sst s10  }
0x38: {  	s10 =	sld [smem:$0x3FBB]  }
0x39: {  	_ = 	snop;
	(pc) =	sbr.ind lr, $3  }
0x3a: {  	_ = 	snop  }
0x3b: {  	_ = 	snop  }
0x3c: {  	p2 =	seq.s32 s10, $0x1;
	s10 =	sld [smem:$0x3FBA]  }
0x3d: {  	_ =	shalt  }
0x3e: {  	_ =	shalt  }
0x3f: {  	_ =	shalt  }
0x40: {  	_ =	shalt  }
0x41: {  	_ =	shalt  }
0x42: {  	_ =	shalt  }
0x43: {  	_ =	shalt  }
0x44: {  	_ =	shalt  }
0x45: {  	_ =	shalt  }
0x46: {  	_ =	shalt  }
0x47: {  	_ =	shalt  }
0x48: {  	_ =	shalt  }
0x49: {  	_ =	shalt  }
0x4a: {  	_ =	shalt  }
0x4b: {  	_ =	shalt  }
0x4c: {  	_ =	shalt  }
0x4d: {  	_ =	shalt  }
0x4e: {  	_ =	shalt  }
0x4f: {  	_ =	shalt  }
0x50: {  	_ =	shalt  }
0x51: {  	_ =	shalt  }
0x52: {  	_ =	shalt  }
0x53: {  	_ =	shalt  }
0x54: {  	_ =	shalt  }
0x55: {  	_ =	shalt  }
0x56: {  	_ =	shalt  }
0x57: {  	_ =	shalt  }
0x58: {  	_ =	shalt  }
0x59: {  	_ =	shalt  }
0x5a: {  	_ =	shalt  }
0x5b: {  	_ =	shalt  }
0x5c: {  	_ =	shalt  }
0x5d: {  	_ =	shalt  }
0x5e: {  	_ =	shalt  }
0x5f: {  	_ =	shalt  }
0x60: {  	_ =	shalt  }
0x61: {  	_ =	shalt  }
0x62: {  	_ =	shalt  }
0x63: {  	_ =	shalt  }
0x64: {  	_ =	shalt  }
0x65: {  	_ =	shalt  }
0x66: {  	_ =	shalt  }
0x67: {  	_ =	shalt  }
0x68: {  	_ =	shalt  }
0x69: {  	_ =	shalt  }
0x6a: {  	_ =	shalt  }
0x6b: {  	_ =	shalt  }
0x6c: {  	_ =	shalt  }
0x6d: {  	_ =	shalt  }
0x6e: {  	_ =	shalt  }
0x6f: {  	_ =	shalt  }
0x70: {  	_ =	shalt  }
0x71: {  	_ =	shalt  }
0x72: {  	_ =	shalt  }
0x73: {  	_ =	shalt  }
0x74: {  	_ =	shalt  }
0x75: {  	_ =	shalt  }
0x76: {  	_ =	shalt  }
0x77: {  	_ =	shalt  }
0x78: {  	_ =	shalt  }
0x79: {  	_ =	shalt  }
0x7a: {  	_ =	shalt  }
0x7b: {  	_ =	shalt  }
0x7c: {  	_ =	shalt  }
0x7d: {  	_ =	shalt  }
0x7e: {  	_ =	shalt  }
0x7f: {  	_ =	shalt  }
0x80: {  	_ =	shalt  }
0x81: {  	_ =	shalt  }
0x82: {  	_ =	shalt  }
0x83: {  	_ =	shalt  }
0x84: {  	_ =	shalt  }
0x85: {  	_ =	shalt  }
0x86: {  	_ =	shalt  }
0x87: {  	_ =	shalt  }
.Lfunc_end0:
.L_simem_size_0:
called_computation.3_lowered:
.L_overlay_start_0:
0x88: {  	s2 =	sld [smem:$0x3FD9]  }
0x89: {  	s3 =	sld [smem:$0x3FFE];
	_ =	sdelay $0x1  }
0x8a: {  	s1 =	srdreg.scid  }
0x8b: {  	s0 =	sand.u32 $0x1, s1  }
0x8c: {  	s17 =	sshll.u32 s0, $0xA;
	s2 =	sadd.s32 s3, s2  }
0x8d: {  	s2 =	sadd.s32 s2, s17  }
0x8e: {  	[smem:$0x3FC6] =	sst s2  }
0x8f: {  	_ = 	snop  }
0x90: {  	(tm) =	ssettm $0x1  }
0x91: {  	s18 =	sld [smem:$0x3FFB];
	_ =	sdelay $0x3  }
0x92: {  	_ =	strace s18  }
0x93: {  	s2 =	sld [smem:$0x3FFC];
	_ =	sdelay $0x3  }
0x94: {  	_ =	strace s2  }
0x95: {  	s2 =	sld [smem:$0x3FFD];
	_ =	sdelay $0x3  }
0x96: {  	_ =	strace s2  }
0x97: {  	_ =	strace $0x8FFFFFFF  }
0x98: {  	s19 =	sld [smem:$0x3FDB];
	_ =	sdelay $0x1  }
0x99: {  	s20 =	simm.s32 $_scs_section_size  }
0x9a: {  	s4 =	simm.s32 $_size__tile_overlayer_lowered;
	s5 =	simm.s32 $_tile_overlayer_lowered  }
0x9b: {  	s6 =	simm.s32 $0x1BFF;
	s21 =	sshll.u32 s5, $0x1;
	s3 =	sadd.s32 s20, s19  }
0x9c: {  	s22 =	simm.s32 $0x0;
	s4 =	sshll.u32 s4, $0x1;
	s5 =	sadd.s32 s21, s3  }
0x9d: {  	[timem:s22], [sflag:s6] =	dma.local [hbm:s5], s4  }
0x9e: {  	_ =	swait.ge [sflag:s6], s4  }
0x9f: {  	s4 =	ssub.s32 $0x0, s4;
	[sflag:s6] =	ssyncset.done $0x0  }
0xa0: {  	[sflag:s6] =	ssyncadd.s32 s4;
	_ =	sdelay $0x1  }
0xa1: {  	s23 =	simm.s32 $0x1B8B  }
0xa2: {  	_ =	swait.ge [sflag:s23], $0x1  }
0xa3: {  	[sflag:s23] =	ssyncset.done $0x0  }
0xa4: {  	[sflag:s23] =	ssyncadd.s32 $0xFFFFFFFF  }
0xa5: {  	s4 =	sld [smem:$0x0]  }
0xa6: {  	s5 =	sand.u32 $0xFFFFFFFE, s1  }
0xa7: {  	p0 =	sne.s32 s1, s5  }
0xa8: {  	s5 =	sshll.u32 @p0 s5, $0xE  }
0xa9: {  	s5 =	sadd.s32 @p0 $0x11B8D, s5;
	s6 =	sshll.u32 @p0 s4, $0x11  }
0xaa: {  	s5 =	sor.u32 @p0 s6, s5  }
0xab: {  	[sflag:s5] =	ssyncadd.remote.s32 @p0 $0x1;
	_ =	sdelay $0x1  }
0xac: {  	s5 =	simm.s32 @p0 $0x1B8D  }
0xad: {  	_ =	swait.eq @p0 [sflag:s5], $0x1  }
0xae: {  	[sflag:s5] =	ssyncadd.s32 @p0 $0xFFFFFFFF  }
0xaf: {  	s6 =	sshll.u32 @!p0 s1, $0xE  }
0xb0: {  	s6 =	sor.u32 @!p0 $0x4000, s6;
	s5 =	simm.s32 @!p0 $0x1B8D  }
0xb1: {  	s4 =	sshll.u32 @!p0 s4, $0x11;
	s6 =	sadd.s32 @!p0 $0x11B8D, s6;
	_ =	swait.eq @!p0 [sflag:s5], $0x1  }
0xb2: {  	s4 =	sor.u32 @!p0 s4, s6;
	[sflag:s5] =	ssyncadd.s32 @!p0 $0xFFFFFFFF  }
0xb3: {  	s25 =	simm.s32 $0x1B8E;
	s24 =	sld [smem:$0x3FFE];
	[sflag:s4] =	ssyncadd.remote.s32 @!p0 $0x1  }
0xb4: {  	s26 =	simm.s32 $execute0_lowered;
	[smem:$0x3FD2] =	sst s25  }
0xb5: {  	s5 =	sshll.u32 s26, $0x1;
	_ =	strace $0x80000049;
	[dreg:$0x1] =	wrdreg $0xFFFFFFFF  }
0xb6: {  	s28 =	simm.s32 $_size_execute0_lowered;
	s3 =	sadd.s32 s3, s5;
	[dreg:$0x0] =	wrdreg $0x0  }
0xb7: {  	s5 =	sshll.u32 s28, $0x1;
	[dreg:$0x2] =	wrdreg s3  }
0xb8: {  	[dreg:$0x3] =	wrdreg s5  }
0xb9: {  	[dreg:$0x4] =	wrdreg $0xC0  }
0xba: {  	_ =	task [dreg:s22], $0x5FFFF  }
0xbb: {  	[dreg:$0x1] =	wrdreg $0xFFFFFFFF  }
0xbc: {  	[dreg:$0x0] =	wrdreg $0x60  }
0xbd: {  	[dreg:$0x2] =	wrdreg s24  }
0xbe: {  	[dreg:$0x3] =	wrdreg $0xA  }
0xbf: {  	_ =	task.clear_ibuf [dreg:s22], $0x4FFFF;
	_ =	strace $0x90000049  }
0xc0: {  	s29 =	simm.s32 $0xA;
	_ =	strace $0x8000004B  }
0xc1: {  	_ =	swait.ge [sflag:s29], $0x1  }
0xc2: {  	[sflag:s29] =	ssyncadd.s32 $0xFFFFFFFF  }
0xc3: {  	_ =	strace $0x9000004B  }
0xc4: {  	_ =	sfence  }
0xc5: {  	s30 =	sld [smem:$0x0];
	_ =	sdelay $0x2  }
0xc6: {  	s31 =	sshll.u32 s1, $0xD;
	s1 =	sshrl.u32 s1, $0x2  }
0xc7: {  	s4 =	sand.u32 $0x4000, s31;
	s1 =	sadd.s32 s1, s30  }
0xc8: {  	s0 =	sor.u32 s4, s0;
	s1 =	sshll.u32 s1, $0x11  }
0xc9: {  	s0 =	sor.u32 s1, s0  }
0xca: {  	s0 =	sadd.s32 $0x8F2B, s0  }
0xcb: {  	[sflag:s0] =	ssyncadd.remote.s32 $0x1  }
0xcc: {  	_ =	sfence.sel $0xFFFF  }
0xcd: {  	[dreg:$0x0] =	wrdreg $0xFFFFFFFF;
	(pc) =	sbr.abs _section_cstart, $3  }
0xce: {  	[dreg:$0x1] =	wrdreg $0xFFFFFFFF  }
0xcf: {  	_ =	task.clear_ibuf [dreg:s22], $0x2FFFF;
	_ =	strace $0x9FFFFFFF  }
0xd0: {  	(tm) =	ssettm $0x7FFFFFFF  }
0xd1: {  	_ =	shalt  }
tec
execute0_lowered:
.L_overlay_start_1:
0x0: {  	(tag) =	ssettag $0x1  }
0x1: {  	s8 =	rddreg [dreg:$0x0]  }
0x2: {  	s0 =	rddreg [dreg:$0x1];
	_ =	strace $0x8000004A;
	s1 =	stileid.u32  }
0x3: {  	s3 =	srdreg.scid;
	s4 =	simm.s32 $0x1;
	s7 =	simm.s32 $0x1  }
0x4: {  	s9 =	simm.s32 $0x1;
	s10 =	simm.s32 $0x3;
	s13 =	simm.s32 $0x0  }
0x5: {  	s12 =	simm.s32 $0x0;
	s5 =	sand.u32 $0x1, s3;
	s6 =	sshll.u32 s1, $0x1  }
0x6: {  	s2 =	sadd.s32 $0x26E00, s8;
	s3 =	sadd.s32 $0x20000, s8;
	s5 =	sor.u32 s6, s5  }
.Ltmp0:
0x7: {  	[sflag:s4] =	ssyncpa.u1 $0x0;
	p0 =	slt.u32 s5, $0x13;
	(pc) =	sbr.rel .LBB2_1-.Ltmp0, $4  }
0x8: {  	s6 =	simm.s32 $0x2;
	s7 =	simm.s32 @!p0 $0x0;
	p0 =	sne.s32 s5, $0x12  }
0x9: {  	[sflag:s6] =	ssyncpa.u1 $0x0;
	s5 =	smul.u32 $0x7D0, s5;
	s9 =	simm.s32 @!p0 $0x0  }
0xa: {  	s8 =	sadd.s32 $0x46C00, s8;
	[sflag:s10] =	ssyncpa.u1 $0x0;
	s7 =	sadd.s32 s9, s7  }
0xb: {  	vm0 =	vmmov $0xffff;
	s10 =	simm.s32 $0x0;
	s11 =	smov.u32 s5;
	s9 =	sadd.s32 $0x1, s7  }
.LBB2_4:
0xc: {  	vm1 =	veq.s32 v4, $0x80000000;
	v56 =	vand.u32 $0x1F, v4;
	v6 =	vand.u32 $0x1FFF, v6  }
0xd: {  	v2 =	vor.u32 v2, v5;
	v59 =	vshrl.u32 v1, $0x5;
	v60 =	vand.u32 $0x1F, v1  }
0xe: {  	v4 =	vsel vm1, $0xFFFFFFFF, v56;
	v6 =	vsel vm1, $0xFFFFFFFF, v6;
	v2 =	vor.u32 v3, v2  }
0xf: {  	vm1 =	veq.s32 v1, $0x80000000;
	v5 =	vand.u32 $0x1FFF, v59;
	v7 =	vshrl.u32 v4, $0x3  }
0x10: {  	v57 =	vshll.u32 v6, $0x3;
	v4 =	vshll.u32 v4, $0x7;
	v1 =	vsel vm1, $0xFFFFFFFF, v60  }
0x11: {  	v5 =	vsel vm1, $0xFFFFFFFF, v5;
	v6 =	vand.u32 $0x7F, v6;
	v7 =	vmul.u32 $0xA000, v7  }
0x12: {  	v58 =	vand.u32 $0xFFFFFC00, v57;
	v4 =	vand.u32 $0x380, v4;
	v61 =	vshrl.u32 v1, $0x3  }
0x13: {  	v62 =	vshll.u32 v5, $0x3;
	v3 =	vadd.s32 v7, v58;
	v7 =	vmul.u32 $0xA000, v61  }
0x14: {  	v1 =	vshll.u32 v1, $0x7;
	v3 =	vor.u32 v4, v3;
	v4 =	vand.u32 $0xFFFFFC00, v62  }
0x15: {  	v1 =	vand.u32 $0x380, v1;
	v3 =	vor.u32 v6, v3;
	v4 =	vadd.s32 v7, v4  }
0x16: {  	[tilespmem:s16], [sflag:$0x1] =	stream.indirect_vreg.gather [hbm4b:s2+s10], $0x1, v0, vm0, $0x4038;
	v63 =	vand.u32 $0x7F, v5;
	v1 =	vor.u32 v1, v4;
	[tilespmem:$0x1F40] =	vst v63  }
0x17: {  	s15 =	sadd.s32 $0x10, s15;
	(ifvalue) =	ssetifvalue $0x7FFFFFFF;
	v0 =	vor.u32 v63, v1  }
0x18: {  	[tilespmem:s15], [sflag:$0x1] =	stream.indirect_vreg.gather [hbm4b:s2+s10], $0x1, v2, vm0, $0x4038;
	[tilespmem:$0x1F40] =	vst v63  }
0x19: {  	s15 =	sadd.s32 $0x10, s15;
	(ifvalue) =	ssetifvalue $0x7FFFFFFF  }
0x1a: {  	[tilespmem:s15], [sflag:$0x1] =	stream.indirect_vreg.gather [hbm4b:s2+s10], $0x1, v3, vm0, $0x4038;
	[tilespmem:$0x1F40] =	vst v63  }
0x1b: {  	s15 =	sadd.s32 $0x10, s15;
	(ifvalue) =	ssetifvalue $0x7FFFFFFF  }
0x1c: {  	[tilespmem:s15], [sflag:$0x1] =	stream.indirect_vreg.gather [hbm4b:s2+s10], $0x1, v0, vm0, $0x4038;
	[tilespmem:$0x1F40] =	vst v63  }
0x1d: {  	_ =	swait.ge [sflag:s4], $0x7D0  }
0x1e: {  	s30 =	sshrl.u32 s13, $0x3;
	[sflag:s4] =	ssyncset.done $0x0  }
0x1f: {  	s31 =	sand.u32 $0x7, s13;
	s15 =	sadd.s32 s8, s30;
	[sflag:s4] =	ssyncadd.s32 $0xFFFFF830  }
0x20: {  	[hbm4b:s15+s31] =	stream.linear.scatter [tilespmem:s14], [sflag:$0x3], $0x7D0, $0x38;
	[tilespmem:$0x1F40] =	vst v63  }
.LBB2_5:
0x21: {  	s15 =	sadd.s32 $0xFA00, s11  }
0x22: {  	p1 =	sgt.s32 s15, $0x1869F  }
0x23: {  	s15 =	smov.u32 @p1 s5;
	p1 =	sne.s32 s12, s9  }
.Ltmp1:
0x24: {  	p0 =	slt.u32 s12, $0x2;
	(pc) =	sbr.rel @!p1 .LBB2_6-.Ltmp1, $4  }
0x25: {  	s14 =	simm.s32 @!p0 $0x3  }
0x26: {  	_ =	swait.ge @!p0 [sflag:s14], $0x7D0  }
0x27: {  	s16 =	sadd.s32 $0x1, s12;
	s13 =	smov.u32 s11;
	[sflag:s14] =	ssyncset.done @!p0 $0x0  }
0x28: {  	s12 =	smov.u32 s16;
	s11 =	smov.u32 s15;
	[sflag:s14] =	ssyncadd.s32 @!p0 $0xFFFFF830  }
.LBB2_1:
0x29: {  	p0 =	sge.u32 s12, s7  }
0x2a: {  	s14 =	sxor.u32 @!p0 $0x1, s12  }
0x2b: {  	s14 =	smul.u32 @!p0 $0x1F40, s14  }
0x2c: {  	s31 =	sadd.s32 $0xFFFFFFFF, s12;
	s15 =	sshrl.u32 @!p0 s11, $0x3  }
0x2d: {  	s16 =	sand.u32 @!p0 $0x7, s11;
	s15 =	sadd.s32 @!p0 s3, s15;
	s14 =	sshra.s32 @!p0 s14, $0x2  }
0x2e: {  	[tilespmem:s14], [sflag:$0x2] =	stream.linear.gather @!p0 [hbm4b:s15+s16], $0x7D0, $0x38;
	[tilespmem:$0x1F40] =	vst v63  }
0x2f: {  	p0 =	sge.u32 s31, s7  }
.Ltmp2:
0x30: {  	_ = 	snop;
	(pc) =	sbr.rel @p0 .LBB2_5-.Ltmp2, $1  }
0x31: {  	_ =	sdelay $0x3  }
0x32: {  	s14 =	sand.u32 $0x1, s12  }
0x33: {  	_ =	swait.ge [sflag:s6], $0x7D0;
	p0 =	seq.s32 s14, $0x1;
	s14 =	simm.s32 $0x7D0  }
0x34: {  	[sflag:s6] =	ssyncset.done $0x0;
	s14 =	simm.s32 @!p0 $0x0  }
0x35: {  	[sflag:s6] =	ssyncadd.s32 $0xFFFFF830;
	(ifvalue) =	ssetifvalue $0x7FFFFFFF;
	v0 =	vld.msk [tilespmem:s14+$0x0 ss:$0x1], $0xffff  }
0x36: {  	s15 =	sadd.s32 $0x10, s14  }
0x37: {  	v1 =	vld.msk [tilespmem:s15+$0x0 ss:$0x1], $0xffff;
	_ =	sdelay $0x2  }
0x38: {  	v2 =	vshrl.u32 v0, $0x5  }
0x39: {  	vm1 =	veq.s32 v0, $0x80000000;
	v0 =	vand.u32 $0x1F, v0;
	v2 =	vand.u32 $0x1FFF, v2  }
0x3a: {  	v0 =	vsel vm1, $0xFFFFFFFF, v0;
	v6 =	vshrl.u32 v1, $0x5;
	v2 =	vsel vm1, $0xFFFFFFFF, v2  }
0x3b: {  	v3 =	vshrl.u32 v0, $0x3;
	v0 =	vshll.u32 v0, $0x7;
	vm1 =	veq.s32 v1, $0x80000000  }
0x3c: {  	s15 =	sadd.s32 $0x10, s15;
	v1 =	vand.u32 $0x1F, v1;
	v4 =	vshll.u32 v2, $0x3;
	v3 =	vmul.u32 $0xA000, v3  }
0x3d: {  	v0 =	vand.u32 $0x380, v0;
	v7 =	vand.u32 $0x7F, v2;
	v5 =	vand.u32 $0xFFFFFC00, v4;
	v4 =	vld.msk [tilespmem:s15+$0x0 ss:$0x1], $0xffff  }
0x3e: {  	v1 =	vsel vm1, $0xFFFFFFFF, v1;
	v2 =	vadd.s32 v3, v5;
	v3 =	vand.u32 $0x1FFF, v6  }
0x3f: {  	v3 =	vsel vm1, $0xFFFFFFFF, v3;
	v0 =	vor.u32 v0, v2;
	v2 =	vshrl.u32 v1, $0x3  }
0x40: {  	v1 =	vshll.u32 v1, $0x7;
	v5 =	vshll.u32 v3, $0x3;
	v8 =	vmul.u32 $0xA000, v2  }
0x41: {  	s18 =	simm.s32 $0x30;
	s14 =	sadd.s32 $0xFA0, s14;
	s17 =	sadd.s32 $0x10, s15;
	v2 =	vand.u32 $0x380, v1;
	v0 =	vor.u32 v7, v0;
	v5 =	vand.u32 $0xFFFFFC00, v5  }
0x42: {  	s16 =	smov.u32 s14;
	s15 =	smov.u32 s14;
	v1 =	vld.msk [tilespmem:s17+$0x0 ss:$0x1], $0xffff;
	v3 =	vand.u32 $0x7F, v3;
	(ifvalue) =	ssetifvalue $0x7FFFFFFF;
	v6 =	vshrl.u32 v4, $0x5;
	v5 =	vadd.s32 v8, v5  }
.LBB2_3:
0x43: {  	s18 =	sadd.s32 $0x10, s18  }
0x44: {  	vm1 =	veq.s32 v4, $0x80000000;
	v4 =	vand.u32 $0x1F, v4;
	v6 =	vand.u32 $0x1FFF, v6;
	s15 =	sadd.s32 $0x10, s15;
	p0 =	slt.u32 s18, $0x7C0  }
.Ltmp3:
0x45: {  	v5 =	vor.u32 v2, v5;
	v4 =	vsel vm1, $0xFFFFFFFF, v4;
	v7 =	vsel vm1, $0xFFFFFFFF, v6;
	(pc) =	sbr.rel @p0 .LBB2_3-.Ltmp3, $4  }
0x46: {  	v2 =	vshrl.u32 v4, $0x3;
	v6 =	vshll.u32 v7, $0x3;
	v4 =	vshll.u32 v4, $0x7;
	[tilespmem:s16], [sflag:$0x1] =	stream.indirect_vreg.gather [hbm4b:s2+s10], $0x1, v0, vm0, $0x4038;
	[tilespmem:$0x1F40] =	vst v63  }
0x47: {  	v0 =	vor.u32 v3, v5;
	s16 =	smov.u32 s15;
	v8 =	vmul.u32 $0xA000, v2;
	v2 =	vand.u32 $0x380, v4  }
0x48: {  	s17 =	sadd.s32 $0x10, s17;
	v9 =	vand.u32 $0xFFFFFC00, v6  }
0x49: {  	v3 =	vand.u32 $0x7F, v7;
	v6 =	vshrl.u32 v1, $0x5;
	v5 =	vadd.s32 v8, v9;
	(ifvalue) =	ssetifvalue $0x7FFFFFFF;
	v4 =	vmovc v1;
	v1 =	vld.msk [tilespmem:s17+$0x0 ss:$0x1], $0xffff  }
.Ltmp4:
0x4a: {  	_ = 	snop;
	(pc) =	sbr.rel .LBB2_4-.Ltmp4, $1  }
0x4b: {  	_ =	sdelay $0x3  }
.LBB2_6:
0x4c: {  	_ =	sfence.sel $0x180000  }
0x4d: {  	s2 =	simm.s32 $0x2;
	[bflag:$0x0] =	sbarrier.arrive $0xFFFF  }
0x4e: {  	s30 =	simm.s32 $0x3;
	[sflag:s2] =	ssyncpa.u1 $0x1  }
0x4f: {  	s31 =	simm.s32 $0x1;
	[sflag:s30] =	ssyncpa.u1 $0x1  }
0x50: {  	[sflag:s31] =	ssyncpa.u1 $0x1  }
0x51: {  	p0 =	sne.s32 s1, $0x0;
	_ =	strace $0x9000004A  }
0x52: {  	s0 =	sadd.s32 @!p0 $0x100000, s0;
	[bflag:$0x2] =	sbarrier.arrive $0xFFFF  }
0x53: {  	[sflag:s0] =	ssyncadd.tile.s32 @!p0 $0x1;
	_ =	shalt  }
.Lfunc_end2:
_tile_overlayer_lowered:
.L_overlay_start_2:
0x54: {  	(tag) =	ssettag $0x2  }
0x55: {  	s0 =	rddreg [dreg:$0x0];
	s2 =	stileid.u32  }
0x56: {  	s1 =	rddreg [dreg:$0x1];
	p0 =	sne.s32 s2, $0x0  }
0x57: {  	s3 =	rddreg [dreg:$0x2];
	[bflag:$0x3] =	sbarrier.arrive $0xFFFF;
	s2 =	simm.s32 @!p0 $0x1C01  }
0x58: {  	[timem:s3], [sflag:s2] =	dma.local @!p0 [hbm:s0], s1  }
0x59: {  	s0 =	simm.s32 @!p0 $0x1  }
0x5a: {  	_ =	swait.ge @!p0 [sflag:s0], s1  }
0x5b: {  	s1 =	ssub.s32 @!p0 $0x0, s1;
	[sflag:s0] =	ssyncset.done @!p0 $0x0  }
0x5c: {  	[sflag:s0] =	ssyncadd.s32 @!p0 s1  }
0x5d: {  	[bflag:$0x3] =	sbarrier.arrive $0xFFFF  }
0x5e: {  	_ =	shalt  }

// kernel: gather_offload_async_start.4
scs
__scs_entry_jumppad:
0x0: {  	(pc) =	sbr.rel $0x88, $3  }
0x1: {  	(tag) =	ssettag $0x0;
	lr =	simm.s32 $0x1  }
0x2: {  	[smem:$0x3F9F] =	sst lr;
	_ =	strace $0xD0000000  }
0x3: {  	_ = 	snop  }
0x4: {  	_ = 	snop  }
0x5: {  	_ = 	snop  }
0x6: {  	_ = 	snop  }
0x7: {  	_ = 	snop  }
__scs_overlays_trampoline_lowered:
0x8: {  	[smem:$0x3FAE] =	sst s0  }
0x9: {  	[smem:$0x3FAF] =	sst s1  }
0xa: {  	[smem:$0x3FB0] =	sst s2  }
0xb: {  	[smem:$0x3FB1] =	sst s3  }
0xc: {  	[smem:$0x3FB2] =	sst s4  }
0xd: {  	[smem:$0x3FB3] =	sst s5  }
0xe: {  	[smem:$0x3FB4] =	sst s6  }
0xf: {  	[smem:$0x3FB5] =	sst s7  }
0x10: {  	[smem:$0x3FB6] =	sst s8  }
0x11: {  	[smem:$0x3FB7] =	sst s9;
	s0 =	simm.s32 @!p0 $0x0  }
0x12: {  	s1 =	sld [smem:$0x3F9D];
	s0 =	simm.s32 @p0 $0x1  }
0x13: {  	[smem:$0x3FB8] =	sst s0;
	s0 =	simm.s32 @!p1 $0x0  }
0x14: {  	s2 =	sld [smem:$0x3F9C];
	s0 =	simm.s32 @p1 $0x1  }
0x15: {  	[smem:$0x3FB9] =	sst s0;
	s0 =	simm.s32 @!p2 $0x0  }
0x16: {  	s3 =	sld [smem:$0x3FDB];
	s0 =	simm.s32 @p2 $0x1  }
0x17: {  	s4 =	simm.s32 $0x1BF5;
	[smem:$0x3FBB] =	sst s0  }
0x18: {  	s0 =	sld [smem:$0x3F9E];
	_ =	swait.ge [sflag:s4], $0x0  }
0x19: {  	s7 =	sld [smem:$0x3F9F]  }
0x1a: {  	s8 =	sadd.s32 $0xFFFFE003, lr  }
0x1b: {  	s9 =	sadd.s32 $0xFFFFFEF7, lr;
	s5 =	simm.s32 $0xFFFFFFFF;
	p2 =	slt.u32 s8, $0xFFFFF086  }
0x1c: {  	p1 =	slt.u32 s9, $0xF7A;
	s5 =	simm.s32 @!p2 $0x0  }
0x1d: {  	s5 =	simm.s32 @p1 $0x1;
	p0 =	seq.s32 s7, s2  }
0x1e: {  	s7 =	smul.u32 @!p0 $0xF7A, s2;
	p2 =	seq.s32 @!p0 s5, $0x0  }
0x1f: {  	s9 =	smul.u32 $0xF7A, s1;
	s8 =	simm.s32 @!p0 $0x1BF5;
	p2 =	por !p2, p0  }
0x20: {  	[sflag:s8] =	ssyncset.s32 @!p0 $0xFFFFF086;
	s6 =	sadd.s32 @!p0 s3, s7;
	s7 =	simm.s32 @!p0 $0x108  }
0x21: {  	s3 =	sadd.s32 s3, s9;
	s6 =	sadd.s32 @!p0 $0x88, s6;
	s7 =	simm.s32 @p2 $0x1082  }
0x22: {  	[simem:s7], [sflag:s8] =	dma.local @!p0 [hbm:s6], $0xF7A  }
0x23: {  	s9 =	sor.u32 $0xD0000000, s2;
	s6 =	simm.s32 $0x108;
	_ =	swait.ge @!p0 [sflag:s8], $0x0  }
0x24: {  	s3 =	sadd.s32 $0x88, s3;
	s6 =	simm.s32 @!p1 $0x1082;
	[sflag:s4] =	ssyncset.s32 $0xFFFFF086  }
0x25: {  	[simem:s6], [sflag:s4] =	dma.local [hbm:s3], $0xF7A  }
0x26: {  	[smem:$0x3F9F] =	sst s1;
	(tag) =	ssettag s2;
	_ =	strace s9  }
0x27: {  	s1 =	sld [smem:$0x3FAF]  }
0x28: {  	s2 =	sld [smem:$0x3FB0]  }
0x29: {  	s4 =	sld [smem:$0x3FB2]  }
0x2a: {  	p0 =	seq.s32 s5, $0x0;
	s5 =	sld [smem:$0x3FB3]  }
0x2b: {  	s6 =	sld [smem:$0x3FB4]  }
0x2c: {  	s7 =	sld [smem:$0x3FB5]  }
0x2d: {  	s3 =	simm.s32 $0x108;
	s8 =	sld [smem:$0x3FB6]  }
0x2e: {  	s3 =	simm.s32 @!p0 $0x1082;
	s9 =	sld [smem:$0x3FB7]  }
0x2f: {  	lr =	sadd.s32 s0, s3;
	s0 =	sld [smem:$0x3FAE]  }
0x30: {  	s3 =	sld [smem:$0x3FB1]  }
0x31: {  	[smem:$0x3FBA] =	sst s10  }
0x32: {  	s10 =	sld [smem:$0x3FB8];
	_ =	sdelay $0x3  }
0x33: {  	p0 =	seq.s32 s10, $0x1;
	s10 =	sld [smem:$0x3FBA];
	_ =	sdelay $0x3  }
0x34: {  	[smem:$0x3FBA] =	sst s10  }
0x35: {  	s10 =	sld [smem:$0x3FB9];
	_ =	sdelay $0x3  }
0x36: {  	p1 =	seq.s32 s10, $0x1;
	s10 =	sld [smem:$0x3FBA];
	_ =	sdelay $0x3  }
0x37: {  	[smem:$0x3FBA] =	sst s10  }
0x38: {  	s10 =	sld [smem:$0x3FBB]  }
0x39: {  	_ = 	snop;
	(pc) =	sbr.ind lr, $3  }
0x3a: {  	_ = 	snop  }
0x3b: {  	_ = 	snop  }
0x3c: {  	p2 =	seq.s32 s10, $0x1;
	s10 =	sld [smem:$0x3FBA]  }
0x3d: {  	_ =	shalt  }
0x3e: {  	_ =	shalt  }
0x3f: {  	_ =	shalt  }
0x40: {  	_ =	shalt  }
0x41: {  	_ =	shalt  }
0x42: {  	_ =	shalt  }
0x43: {  	_ =	shalt  }
0x44: {  	_ =	shalt  }
0x45: {  	_ =	shalt  }
0x46: {  	_ =	shalt  }
0x47: {  	_ =	shalt  }
0x48: {  	_ =	shalt  }
0x49: {  	_ =	shalt  }
0x4a: {  	_ =	shalt  }
0x4b: {  	_ =	shalt  }
0x4c: {  	_ =	shalt  }
0x4d: {  	_ =	shalt  }
0x4e: {  	_ =	shalt  }
0x4f: {  	_ =	shalt  }
0x50: {  	_ =	shalt  }
0x51: {  	_ =	shalt  }
0x52: {  	_ =	shalt  }
0x53: {  	_ =	shalt  }
0x54: {  	_ =	shalt  }
0x55: {  	_ =	shalt  }
0x56: {  	_ =	shalt  }
0x57: {  	_ =	shalt  }
0x58: {  	_ =	shalt  }
0x59: {  	_ =	shalt  }
0x5a: {  	_ =	shalt  }
0x5b: {  	_ =	shalt  }
0x5c: {  	_ =	shalt  }
0x5d: {  	_ =	shalt  }
0x5e: {  	_ =	shalt  }
0x5f: {  	_ =	shalt  }
0x60: {  	_ =	shalt  }
0x61: {  	_ =	shalt  }
0x62: {  	_ =	shalt  }
0x63: {  	_ =	shalt  }
0x64: {  	_ =	shalt  }
0x65: {  	_ =	shalt  }
0x66: {  	_ =	shalt  }
0x67: {  	_ =	shalt  }
0x68: {  	_ =	shalt  }
0x69: {  	_ =	shalt  }
0x6a: {  	_ =	shalt  }
0x6b: {  	_ =	shalt  }
0x6c: {  	_ =	shalt  }
0x6d: {  	_ =	shalt  }
0x6e: {  	_ =	shalt  }
0x6f: {  	_ =	shalt  }
0x70: {  	_ =	shalt  }
0x71: {  	_ =	shalt  }
0x72: {  	_ =	shalt  }
0x73: {  	_ =	shalt  }
0x74: {  	_ =	shalt  }
0x75: {  	_ =	shalt  }
0x76: {  	_ =	shalt  }
0x77: {  	_ =	shalt  }
0x78: {  	_ =	shalt  }
0x79: {  	_ =	shalt  }
0x7a: {  	_ =	shalt  }
0x7b: {  	_ =	shalt  }
0x7c: {  	_ =	shalt  }
0x7d: {  	_ =	shalt  }
0x7e: {  	_ =	shalt  }
0x7f: {  	_ =	shalt  }
0x80: {  	_ =	shalt  }
0x81: {  	_ =	shalt  }
0x82: {  	_ =	shalt  }
0x83: {  	_ =	shalt  }
0x84: {  	_ =	shalt  }
0x85: {  	_ =	shalt  }
0x86: {  	_ =	shalt  }
0x87: {  	_ =	shalt  }
.Lfunc_end0:
.L_simem_size_0:
called_computation.4_lowered:
.L_overlay_start_0:
0x88: {  	s2 =	sld [smem:$0x3FD9]  }
0x89: {  	s3 =	sld [smem:$0x3FFE];
	_ =	sdelay $0x1  }
0x8a: {  	s1 =	srdreg.scid  }
0x8b: {  	s0 =	sand.u32 $0x1, s1  }
0x8c: {  	s16 =	sshll.u32 s0, $0xA;
	s2 =	sadd.s32 s3, s2  }
0x8d: {  	s2 =	sadd.s32 s2, s16  }
0x8e: {  	[smem:$0x3FC6] =	sst s2  }
0x8f: {  	_ = 	snop  }
0x90: {  	(tm) =	ssettm $0x1  }
0x91: {  	s17 =	sld [smem:$0x3FFB];
	_ =	sdelay $0x3  }
0x92: {  	_ =	strace s17  }
0x93: {  	s2 =	sld [smem:$0x3FFC];
	_ =	sdelay $0x3  }
0x94: {  	_ =	strace s2  }
0x95: {  	s2 =	sld [smem:$0x3FFD];
	_ =	sdelay $0x3  }
0x96: {  	_ =	strace s2  }
0x97: {  	_ =	strace $0x8FFFFFFF  }
0x98: {  	s18 =	sld [smem:$0x3FDB];
	_ =	sdelay $0x1  }
0x99: {  	s19 =	simm.s32 $_scs_section_size  }
0x9a: {  	s4 =	simm.s32 $_size__tile_overlayer_lowered;
	s5 =	simm.s32 $_tile_overlayer_lowered  }
0x9b: {  	s22 =	simm.s32 $0x1BFF;
	s21 =	sshll.u32 s5, $0x1;
	s2 =	sadd.s32 s19, s18  }
0x9c: {  	s6 =	simm.s32 $0x0;
	s20 =	sshll.u32 s4, $0x1;
	s4 =	sadd.s32 s21, s2  }
0x9d: {  	[timem:s6], [sflag:s22] =	dma.local [hbm:s4], s20  }
0x9e: {  	_ =	swait.ge [sflag:s22], s20  }
0x9f: {  	s3 =	ssub.s32 $0x0, s20;
	[sflag:s22] =	ssyncset.done $0x0  }
0xa0: {  	[sflag:s22] =	ssyncadd.s32 s3;
	_ =	sdelay $0x1  }
0xa1: {  	s23 =	simm.s32 $0x1B8B  }
0xa2: {  	_ =	swait.ge [sflag:s23], $0x1  }
0xa3: {  	[sflag:s23] =	ssyncset.done $0x0  }
0xa4: {  	s25 =	simm.s32 $0x1B8E;
	s24 =	sld [smem:$0x3FFE];
	[sflag:s23] =	ssyncadd.s32 $0xFFFFFFFF  }
0xa5: {  	s26 =	simm.s32 $execute0_lowered;
	[smem:$0x3FD2] =	sst s25  }
0xa6: {  	s4 =	sshll.u32 s26, $0x1;
	_ =	strace $0x80000052;
	[dreg:$0x1] =	wrdreg $0xFFFFFFFF  }
0xa7: {  	s28 =	simm.s32 $_size_execute0_lowered;
	s2 =	sadd.s32 s2, s4;
	[dreg:$0x0] =	wrdreg $0x0  }
0xa8: {  	s4 =	sshll.u32 s28, $0x1;
	[dreg:$0x2] =	wrdreg s2  }
0xa9: {  	[dreg:$0x3] =	wrdreg s4  }
0xaa: {  	[dreg:$0x4] =	wrdreg $0xC0  }
0xab: {  	_ =	task [dreg:s6], $0x5FFFF  }
0xac: {  	[dreg:$0x1] =	wrdreg $0xFFFFFFFF  }
0xad: {  	[dreg:$0x0] =	wrdreg $0x60  }
0xae: {  	[dreg:$0x2] =	wrdreg s24  }
0xaf: {  	[dreg:$0x3] =	wrdreg $0x9  }
0xb0: {  	_ =	task.clear_ibuf [dreg:s6], $0x4FFFF;
	_ =	strace $0x90000052  }
0xb1: {  	s29 =	simm.s32 $0x9;
	_ =	strace $0x80000054  }
0xb2: {  	_ =	swait.ge [sflag:s29], $0x1  }
0xb3: {  	[sflag:s29] =	ssyncadd.s32 $0xFFFFFFFF  }
0xb4: {  	_ =	strace $0x90000054  }
0xb5: {  	_ =	sfence  }
0xb6: {  	s30 =	sld [smem:$0x0];
	_ =	sdelay $0x2  }
0xb7: {  	s31 =	sshll.u32 s1, $0xD;
	s1 =	sshrl.u32 s1, $0x2  }
0xb8: {  	s3 =	sand.u32 $0x4000, s31;
	s1 =	sadd.s32 s1, s30  }
0xb9: {  	s0 =	sor.u32 s3, s0;
	s1 =	sshll.u32 s1, $0x11  }
0xba: {  	s0 =	sor.u32 s1, s0  }
0xbb: {  	s0 =	sadd.s32 $0x8F2B, s0  }
0xbc: {  	[sflag:s0] =	ssyncadd.remote.s32 $0x1  }
0xbd: {  	_ =	sfence.sel $0xFFFF  }
0xbe: {  	[dreg:$0x0] =	wrdreg $0xFFFFFFFF;
	(pc) =	sbr.abs _section_cstart, $3  }
0xbf: {  	[dreg:$0x1] =	wrdreg $0xFFFFFFFF  }
0xc0: {  	_ =	task.clear_ibuf [dreg:s6], $0x2FFFF;
	_ =	strace $0x9FFFFFFF  }
0xc1: {  	(tm) =	ssettm $0x7FFFFFFF  }
tec
execute0_lowered:
.L_overlay_start_1:
0x0: {  	(tag) =	ssettag $0x1  }
0x1: {  	s8 =	rddreg [dreg:$0x0]  }
0x2: {  	s0 =	rddreg [dreg:$0x1];
	_ =	strace $0x80000053;
	s1 =	stileid.u32  }
0x3: {  	s3 =	srdreg.scid;
	s4 =	simm.s32 $0x1;
	s7 =	simm.s32 $0x1  }
0x4: {  	s9 =	simm.s32 $0x1;
	s10 =	simm.s32 $0x3;
	s13 =	simm.s32 $0x0  }
0x5: {  	s12 =	simm.s32 $0x0;
	s5 =	sand.u32 $0x1, s3;
	s6 =	sshll.u32 s1, $0x1  }
0x6: {  	s2 =	sadd.s32 $0x4E00, s8;
	s3 =	sadd.s32 $0x3D600, s8;
	s5 =	sor.u32 s6, s5  }
.Ltmp0:
0x7: {  	[sflag:s4] =	ssyncpa.u1 $0x0;
	p0 =	slt.u32 s5, $0x13;
	(pc) =	sbr.rel .LBB2_1-.Ltmp0, $4  }
0x8: {  	s6 =	simm.s32 $0x2;
	s7 =	simm.s32 @!p0 $0x0;
	p0 =	sne.s32 s5, $0x12  }
0x9: {  	[sflag:s6] =	ssyncpa.u1 $0x0;
	s5 =	smul.u32 $0x7D0, s5;
	s9 =	simm.s32 @!p0 $0x0  }
0xa: {  	s8 =	sadd.s32 $0x26E00, s8;
	[sflag:s10] =	ssyncpa.u1 $0x0;
	s7 =	sadd.s32 s9, s7  }
0xb: {  	vm0 =	vmmov $0xffff;
	s10 =	simm.s32 $0x0;
	s11 =	smov.u32 s5;
	s9 =	sadd.s32 $0x1, s7  }
.LBB2_4:
0xc: {  	vm1 =	veq.s32 v4, $0x80000000;
	v56 =	vand.u32 $0x1F, v4;
	v6 =	vand.u32 $0x1FFF, v6  }
0xd: {  	v2 =	vor.u32 v2, v5;
	v59 =	vshrl.u32 v1, $0x5;
	v60 =	vand.u32 $0x1F, v1  }
0xe: {  	v4 =	vsel vm1, $0xFFFFFFFF, v56;
	v6 =	vsel vm1, $0xFFFFFFFF, v6;
	v2 =	vor.u32 v3, v2  }
0xf: {  	vm1 =	veq.s32 v1, $0x80000000;
	v5 =	vand.u32 $0x1FFF, v59;
	v7 =	vshrl.u32 v4, $0x3  }
0x10: {  	v57 =	vshll.u32 v6, $0x3;
	v4 =	vshll.u32 v4, $0x7;
	v1 =	vsel vm1, $0xFFFFFFFF, v60  }
0x11: {  	v5 =	vsel vm1, $0xFFFFFFFF, v5;
	v6 =	vand.u32 $0x7F, v6;
	v7 =	vmul.u32 $0xA000, v7  }
0x12: {  	v58 =	vand.u32 $0xFFFFFC00, v57;
	v4 =	vand.u32 $0x380, v4;
	v61 =	vshrl.u32 v1, $0x3  }
0x13: {  	v62 =	vshll.u32 v5, $0x3;
	v3 =	vadd.s32 v7, v58;
	v7 =	vmul.u32 $0xA000, v61  }
0x14: {  	v1 =	vshll.u32 v1, $0x7;
	v3 =	vor.u32 v4, v3;
	v4 =	vand.u32 $0xFFFFFC00, v62  }
0x15: {  	v1 =	vand.u32 $0x380, v1;
	v3 =	vor.u32 v6, v3;
	v4 =	vadd.s32 v7, v4  }
0x16: {  	[tilespmem:s16], [sflag:$0x1] =	stream.indirect_vreg.gather [hbm4b:s2+s10], $0x1, v0, vm0, $0x4038;
	v63 =	vand.u32 $0x7F, v5;
	v1 =	vor.u32 v1, v4;
	[tilespmem:$0x1F40] =	vst v63  }
0x17: {  	s15 =	sadd.s32 $0x10, s15;
	(ifvalue) =	ssetifvalue $0x7FFFFFFF;
	v0 =	vor.u32 v63, v1  }
0x18: {  	[tilespmem:s15], [sflag:$0x1] =	stream.indirect_vreg.gather [hbm4b:s2+s10], $0x1, v2, vm0, $0x4038;
	[tilespmem:$0x1F40] =	vst v63  }
0x19: {  	s15 =	sadd.s32 $0x10, s15;
	(ifvalue) =	ssetifvalue $0x7FFFFFFF  }
0x1a: {  	[tilespmem:s15], [sflag:$0x1] =	stream.indirect_vreg.gather [hbm4b:s2+s10], $0x1, v3, vm0, $0x4038;
	[tilespmem:$0x1F40] =	vst v63  }
0x1b: {  	s15 =	sadd.s32 $0x10, s15;
	(ifvalue) =	ssetifvalue $0x7FFFFFFF  }
0x1c: {  	[tilespmem:s15], [sflag:$0x1] =	stream.indirect_vreg.gather [hbm4b:s2+s10], $0x1, v0, vm0, $0x4038;
	[tilespmem:$0x1F40] =	vst v63  }
0x1d: {  	_ =	swait.ge [sflag:s4], $0x7D0  }
0x1e: {  	s30 =	sshrl.u32 s13, $0x3;
	[sflag:s4] =	ssyncset.done $0x0  }
0x1f: {  	s31 =	sand.u32 $0x7, s13;
	s15 =	sadd.s32 s8, s30;
	[sflag:s4] =	ssyncadd.s32 $0xFFFFF830  }
0x20: {  	[hbm4b:s15+s31] =	stream.linear.scatter [tilespmem:s14], [sflag:$0x3], $0x7D0, $0x38;
	[tilespmem:$0x1F40] =	vst v63  }
.LBB2_5:
0x21: {  	s15 =	sadd.s32 $0xFA00, s11  }
0x22: {  	p1 =	sgt.s32 s15, $0x1869F  }
0x23: {  	s15 =	smov.u32 @p1 s5;
	p1 =	sne.s32 s12, s9  }
.Ltmp1:
0x24: {  	p0 =	slt.u32 s12, $0x2;
	(pc) =	sbr.rel @!p1 .LBB2_6-.Ltmp1, $4  }
0x25: {  	s14 =	simm.s32 @!p0 $0x3  }
0x26: {  	_ =	swait.ge @!p0 [sflag:s14], $0x7D0  }
0x27: {  	s16 =	sadd.s32 $0x1, s12;
	s13 =	smov.u32 s11;
	[sflag:s14] =	ssyncset.done @!p0 $0x0  }
0x28: {  	s12 =	smov.u32 s16;
	s11 =	smov.u32 s15;
	[sflag:s14] =	ssyncadd.s32 @!p0 $0xFFFFF830  }
.LBB2_1:
0x29: {  	p0 =	sge.u32 s12, s7  }
0x2a: {  	s14 =	sxor.u32 @!p0 $0x1, s12  }
0x2b: {  	s14 =	smul.u32 @!p0 $0x1F40, s14  }
0x2c: {  	s31 =	sadd.s32 $0xFFFFFFFF, s12;
	s15 =	sshrl.u32 @!p0 s11, $0x3  }
0x2d: {  	s16 =	sand.u32 @!p0 $0x7, s11;
	s15 =	sadd.s32 @!p0 s3, s15;
	s14 =	sshra.s32 @!p0 s14, $0x2  }
0x2e: {  	[tilespmem:s14], [sflag:$0x2] =	stream.linear.gather @!p0 [hbm4b:s15+s16], $0x7D0, $0x38;
	[tilespmem:$0x1F40] =	vst v63  }
0x2f: {  	p0 =	sge.u32 s31, s7  }
.Ltmp2:
0x30: {  	_ = 	snop;
	(pc) =	sbr.rel @p0 .LBB2_5-.Ltmp2, $1  }
0x31: {  	_ =	sdelay $0x3  }
0x32: {  	s14 =	sand.u32 $0x1, s12  }
0x33: {  	_ =	swait.ge [sflag:s6], $0x7D0;
	p0 =	seq.s32 s14, $0x1;
	s14 =	simm.s32 $0x7D0  }
0x34: {  	[sflag:s6] =	ssyncset.done $0x0;
	s14 =	simm.s32 @!p0 $0x0  }
0x35: {  	[sflag:s6] =	ssyncadd.s32 $0xFFFFF830;
	(ifvalue) =	ssetifvalue $0x7FFFFFFF;
	v0 =	vld.msk [tilespmem:s14+$0x0 ss:$0x1], $0xffff  }
0x36: {  	s15 =	sadd.s32 $0x10, s14  }
0x37: {  	v1 =	vld.msk [tilespmem:s15+$0x0 ss:$0x1], $0xffff;
	_ =	sdelay $0x2  }
0x38: {  	v2 =	vshrl.u32 v0, $0x5  }
0x39: {  	vm1 =	veq.s32 v0, $0x80000000;
	v0 =	vand.u32 $0x1F, v0;
	v2 =	vand.u32 $0x1FFF, v2  }
0x3a: {  	v0 =	vsel vm1, $0xFFFFFFFF, v0;
	v6 =	vshrl.u32 v1, $0x5;
	v2 =	vsel vm1, $0xFFFFFFFF, v2  }
0x3b: {  	v3 =	vshrl.u32 v0, $0x3;
	v0 =	vshll.u32 v0, $0x7;
	vm1 =	veq.s32 v1, $0x80000000  }
0x3c: {  	s15 =	sadd.s32 $0x10, s15;
	v1 =	vand.u32 $0x1F, v1;
	v4 =	vshll.u32 v2, $0x3;
	v3 =	vmul.u32 $0xA000, v3  }
0x3d: {  	v0 =	vand.u32 $0x380, v0;
	v7 =	vand.u32 $0x7F, v2;
	v5 =	vand.u32 $0xFFFFFC00, v4;
	v4 =	vld.msk [tilespmem:s15+$0x0 ss:$0x1], $0xffff  }
0x3e: {  	v1 =	vsel vm1, $0xFFFFFFFF, v1;
	v2 =	vadd.s32 v3, v5;
	v3 =	vand.u32 $0x1FFF, v6  }
0x3f: {  	v3 =	vsel vm1, $0xFFFFFFFF, v3;
	v0 =	vor.u32 v0, v2;
	v2 =	vshrl.u32 v1, $0x3  }
0x40: {  	v1 =	vshll.u32 v1, $0x7;
	v5 =	vshll.u32 v3, $0x3;
	v8 =	vmul.u32 $0xA000, v2  }
0x41: {  	s18 =	simm.s32 $0x30;
	s14 =	sadd.s32 $0xFA0, s14;
	s17 =	sadd.s32 $0x10, s15;
	v2 =	vand.u32 $0x380, v1;
	v0 =	vor.u32 v7, v0;
	v5 =	vand.u32 $0xFFFFFC00, v5  }
0x42: {  	s16 =	smov.u32 s14;
	s15 =	smov.u32 s14;
	v1 =	vld.msk [tilespmem:s17+$0x0 ss:$0x1], $0xffff;
	v3 =	vand.u32 $0x7F, v3;
	(ifvalue) =	ssetifvalue $0x7FFFFFFF;
	v6 =	vshrl.u32 v4, $0x5;
	v5 =	vadd.s32 v8, v5  }
.LBB2_3:
0x43: {  	s18 =	sadd.s32 $0x10, s18  }
0x44: {  	vm1 =	veq.s32 v4, $0x80000000;
	v4 =	vand.u32 $0x1F, v4;
	v6 =	vand.u32 $0x1FFF, v6;
	s15 =	sadd.s32 $0x10, s15;
	p0 =	slt.u32 s18, $0x7C0  }
.Ltmp3:
0x45: {  	v5 =	vor.u32 v2, v5;
	v4 =	vsel vm1, $0xFFFFFFFF, v4;
	v7 =	vsel vm1, $0xFFFFFFFF, v6;
	(pc) =	sbr.rel @p0 .LBB2_3-.Ltmp3, $4  }
0x46: {  	v2 =	vshrl.u32 v4, $0x3;
	v6 =	vshll.u32 v7, $0x3;
	v4 =	vshll.u32 v4, $0x7;
	[tilespmem:s16], [sflag:$0x1] =	stream.indirect_vreg.gather [hbm4b:s2+s10], $0x1, v0, vm0, $0x4038;
	[tilespmem:$0x1F40] =	vst v63  }
0x47: {  	v0 =	vor.u32 v3, v5;
	s16 =	smov.u32 s15;
	v8 =	vmul.u32 $0xA000, v2;
	v2 =	vand.u32 $0x380, v4  }
0x48: {  	s17 =	sadd.s32 $0x10, s17;
	v9 =	vand.u32 $0xFFFFFC00, v6  }
0x49: {  	v3 =	vand.u32 $0x7F, v7;
	v6 =	vshrl.u32 v1, $0x5;
	v5 =	vadd.s32 v8, v9;
	(ifvalue) =	ssetifvalue $0x7FFFFFFF;
	v4 =	vmovc v1;
	v1 =	vld.msk [tilespmem:s17+$0x0 ss:$0x1], $0xffff  }
.Ltmp4:
0x4a: {  	_ = 	snop;
	(pc) =	sbr.rel .LBB2_4-.Ltmp4, $1  }
0x4b: {  	_ =	sdelay $0x3  }
.LBB2_6:
0x4c: {  	_ =	sfence.sel $0x180000  }
0x4d: {  	s2 =	simm.s32 $0x2;
	[bflag:$0x0] =	sbarrier.arrive $0xFFFF  }
0x4e: {  	s30 =	simm.s32 $0x3;
	[sflag:s2] =	ssyncpa.u1 $0x1  }
0x4f: {  	s31 =	simm.s32 $0x1;
	[sflag:s30] =	ssyncpa.u1 $0x1  }
0x50: {  	[sflag:s31] =	ssyncpa.u1 $0x1  }
0x51: {  	p0 =	sne.s32 s1, $0x0;
	_ =	strace $0x90000053  }
0x52: {  	s0 =	sadd.s32 @!p0 $0x100000, s0;
	[bflag:$0x2] =	sbarrier.arrive $0xFFFF  }
0x53: {  	[sflag:s0] =	ssyncadd.tile.s32 @!p0 $0x1;
	_ =	shalt  }
.Lfunc_end2:
_tile_overlayer_lowered:
.L_overlay_start_2:
0x54: {  	(tag) =	ssettag $0x2  }
0x55: {  	s0 =	rddreg [dreg:$0x0];
	s2 =	stileid.u32  }
0x56: {  	s1 =	rddreg [dreg:$0x1];
	p0 =	sne.s32 s2, $0x0  }
0x57: {  	s3 =	rddreg [dreg:$0x2];
	[bflag:$0x3] =	sbarrier.arrive $0xFFFF;
	s2 =	simm.s32 @!p0 $0x1C01  }
0x58: {  	[timem:s3], [sflag:s2] =	dma.local @!p0 [hbm:s0], s1  }
0x59: {  	s0 =	simm.s32 @!p0 $0x1  }
0x5a: {  	_ =	swait.ge @!p0 [sflag:s0], s1  }
0x5b: {  	s1 =	ssub.s32 @!p0 $0x0, s1;
	[sflag:s0] =	ssyncset.done @!p0 $0x0  }
0x5c: {  	[sflag:s0] =	ssyncadd.s32 @!p0 s1  }
0x5d: {  	[bflag:$0x3] =	sbarrier.arrive $0xFFFF  }
0x5e: {  	_ =	shalt  }

// kernel: gather_offload_async_start
scs
__scs_entry_jumppad:
0x0: {  	(pc) =	sbr.rel $0x88, $3  }
0x1: {  	(tag) =	ssettag $0x0;
	lr =	simm.s32 $0x1  }
0x2: {  	[smem:$0x3F9F] =	sst lr;
	_ =	strace $0xD0000000  }
0x3: {  	_ = 	snop  }
0x4: {  	_ = 	snop  }
0x5: {  	_ = 	snop  }
0x6: {  	_ = 	snop  }
0x7: {  	_ = 	snop  }
__scs_overlays_trampoline_lowered:
0x8: {  	[smem:$0x3FAE] =	sst s0  }
0x9: {  	[smem:$0x3FAF] =	sst s1  }
0xa: {  	[smem:$0x3FB0] =	sst s2  }
0xb: {  	[smem:$0x3FB1] =	sst s3  }
0xc: {  	[smem:$0x3FB2] =	sst s4  }
0xd: {  	[smem:$0x3FB3] =	sst s5  }
0xe: {  	[smem:$0x3FB4] =	sst s6  }
0xf: {  	[smem:$0x3FB5] =	sst s7  }
0x10: {  	[smem:$0x3FB6] =	sst s8  }
0x11: {  	[smem:$0x3FB7] =	sst s9;
	s0 =	simm.s32 @!p0 $0x0  }
0x12: {  	s1 =	sld [smem:$0x3F9D];
	s0 =	simm.s32 @p0 $0x1  }
0x13: {  	[smem:$0x3FB8] =	sst s0;
	s0 =	simm.s32 @!p1 $0x0  }
0x14: {  	s2 =	sld [smem:$0x3F9C];
	s0 =	simm.s32 @p1 $0x1  }
0x15: {  	[smem:$0x3FB9] =	sst s0;
	s0 =	simm.s32 @!p2 $0x0  }
0x16: {  	s3 =	sld [smem:$0x3FDB];
	s0 =	simm.s32 @p2 $0x1  }
0x17: {  	s4 =	simm.s32 $0x1BF5;
	[smem:$0x3FBB] =	sst s0  }
0x18: {  	s0 =	sld [smem:$0x3F9E];
	_ =	swait.ge [sflag:s4], $0x0  }
0x19: {  	s7 =	sld [smem:$0x3F9F]  }
0x1a: {  	s8 =	sadd.s32 $0xFFFFE003, lr  }
0x1b: {  	s9 =	sadd.s32 $0xFFFFFEF7, lr;
	s5 =	simm.s32 $0xFFFFFFFF;
	p2 =	slt.u32 s8, $0xFFFFF086  }
0x1c: {  	p1 =	slt.u32 s9, $0xF7A;
	s5 =	simm.s32 @!p2 $0x0  }
0x1d: {  	s5 =	simm.s32 @p1 $0x1;
	p0 =	seq.s32 s7, s2  }
0x1e: {  	s7 =	smul.u32 @!p0 $0xF7A, s2;
	p2 =	seq.s32 @!p0 s5, $0x0  }
0x1f: {  	s9 =	smul.u32 $0xF7A, s1;
	s8 =	simm.s32 @!p0 $0x1BF5;
	p2 =	por !p2, p0  }
0x20: {  	[sflag:s8] =	ssyncset.s32 @!p0 $0xFFFFF086;
	s6 =	sadd.s32 @!p0 s3, s7;
	s7 =	simm.s32 @!p0 $0x108  }
0x21: {  	s3 =	sadd.s32 s3, s9;
	s6 =	sadd.s32 @!p0 $0x88, s6;
	s7 =	simm.s32 @p2 $0x1082  }
0x22: {  	[simem:s7], [sflag:s8] =	dma.local @!p0 [hbm:s6], $0xF7A  }
0x23: {  	s9 =	sor.u32 $0xD0000000, s2;
	s6 =	simm.s32 $0x108;
	_ =	swait.ge @!p0 [sflag:s8], $0x0  }
0x24: {  	s3 =	sadd.s32 $0x88, s3;
	s6 =	simm.s32 @!p1 $0x1082;
	[sflag:s4] =	ssyncset.s32 $0xFFFFF086  }
0x25: {  	[simem:s6], [sflag:s4] =	dma.local [hbm:s3], $0xF7A  }
0x26: {  	[smem:$0x3F9F] =	sst s1;
	(tag) =	ssettag s2;
	_ =	strace s9  }
0x27: {  	s1 =	sld [smem:$0x3FAF]  }
0x28: {  	s2 =	sld [smem:$0x3FB0]  }
0x29: {  	s4 =	sld [smem:$0x3FB2]  }
0x2a: {  	p0 =	seq.s32 s5, $0x0;
	s5 =	sld [smem:$0x3FB3]  }
0x2b: {  	s6 =	sld [smem:$0x3FB4]  }
0x2c: {  	s7 =	sld [smem:$0x3FB5]  }
0x2d: {  	s3 =	simm.s32 $0x108;
	s8 =	sld [smem:$0x3FB6]  }
0x2e: {  	s3 =	simm.s32 @!p0 $0x1082;
	s9 =	sld [smem:$0x3FB7]  }
0x2f: {  	lr =	sadd.s32 s0, s3;
	s0 =	sld [smem:$0x3FAE]  }
0x30: {  	s3 =	sld [smem:$0x3FB1]  }
0x31: {  	[smem:$0x3FBA] =	sst s10  }
0x32: {  	s10 =	sld [smem:$0x3FB8];
	_ =	sdelay $0x3  }
0x33: {  	p0 =	seq.s32 s10, $0x1;
	s10 =	sld [smem:$0x3FBA];
	_ =	sdelay $0x3  }
0x34: {  	[smem:$0x3FBA] =	sst s10  }
0x35: {  	s10 =	sld [smem:$0x3FB9];
	_ =	sdelay $0x3  }
0x36: {  	p1 =	seq.s32 s10, $0x1;
	s10 =	sld [smem:$0x3FBA];
	_ =	sdelay $0x3  }
0x37: {  	[smem:$0x3FBA] =	sst s10  }
0x38: {  	s10 =	sld [smem:$0x3FBB]  }
0x39: {  	_ = 	snop;
	(pc) =	sbr.ind lr, $3  }
0x3a: {  	_ = 	snop  }
0x3b: {  	_ = 	snop  }
0x3c: {  	p2 =	seq.s32 s10, $0x1;
	s10 =	sld [smem:$0x3FBA]  }
0x3d: {  	_ =	shalt  }
0x3e: {  	_ =	shalt  }
0x3f: {  	_ =	shalt  }
0x40: {  	_ =	shalt  }
0x41: {  	_ =	shalt  }
0x42: {  	_ =	shalt  }
0x43: {  	_ =	shalt  }
0x44: {  	_ =	shalt  }
0x45: {  	_ =	shalt  }
0x46: {  	_ =	shalt  }
0x47: {  	_ =	shalt  }
0x48: {  	_ =	shalt  }
0x49: {  	_ =	shalt  }
0x4a: {  	_ =	shalt  }
0x4b: {  	_ =	shalt  }
0x4c: {  	_ =	shalt  }
0x4d: {  	_ =	shalt  }
0x4e: {  	_ =	shalt  }
0x4f: {  	_ =	shalt  }
0x50: {  	_ =	shalt  }
0x51: {  	_ =	shalt  }
0x52: {  	_ =	shalt  }
0x53: {  	_ =	shalt  }
0x54: {  	_ =	shalt  }
0x55: {  	_ =	shalt  }
0x56: {  	_ =	shalt  }
0x57: {  	_ =	shalt  }
0x58: {  	_ =	shalt  }
0x59: {  	_ =	shalt  }
0x5a: {  	_ =	shalt  }
0x5b: {  	_ =	shalt  }
0x5c: {  	_ =	shalt  }
0x5d: {  	_ =	shalt  }
0x5e: {  	_ =	shalt  }
0x5f: {  	_ =	shalt  }
0x60: {  	_ =	shalt  }
0x61: {  	_ =	shalt  }
0x62: {  	_ =	shalt  }
0x63: {  	_ =	shalt  }
0x64: {  	_ =	shalt  }
0x65: {  	_ =	shalt  }
0x66: {  	_ =	shalt  }
0x67: {  	_ =	shalt  }
0x68: {  	_ =	shalt  }
0x69: {  	_ =	shalt  }
0x6a: {  	_ =	shalt  }
0x6b: {  	_ =	shalt  }
0x6c: {  	_ =	shalt  }
0x6d: {  	_ =	shalt  }
0x6e: {  	_ =	shalt  }
0x6f: {  	_ =	shalt  }
0x70: {  	_ =	shalt  }
0x71: {  	_ =	shalt  }
0x72: {  	_ =	shalt  }
0x73: {  	_ =	shalt  }
0x74: {  	_ =	shalt  }
0x75: {  	_ =	shalt  }
0x76: {  	_ =	shalt  }
0x77: {  	_ =	shalt  }
0x78: {  	_ =	shalt  }
0x79: {  	_ =	shalt  }
0x7a: {  	_ =	shalt  }
0x7b: {  	_ =	shalt  }
0x7c: {  	_ =	shalt  }
0x7d: {  	_ =	shalt  }
0x7e: {  	_ =	shalt  }
0x7f: {  	_ =	shalt  }
0x80: {  	_ =	shalt  }
0x81: {  	_ =	shalt  }
0x82: {  	_ =	shalt  }
0x83: {  	_ =	shalt  }
0x84: {  	_ =	shalt  }
0x85: {  	_ =	shalt  }
0x86: {  	_ =	shalt  }
0x87: {  	_ =	shalt  }
.Lfunc_end0:
.L_simem_size_0:
called_computation_lowered:
.L_overlay_start_0:
0x88: {  	s2 =	sld [smem:$0x3FD9]  }
0x89: {  	s3 =	sld [smem:$0x3FFE];
	_ =	sdelay $0x1  }
0x8a: {  	s1 =	srdreg.scid  }
0x8b: {  	s0 =	sand.u32 $0x1, s1  }
0x8c: {  	s17 =	sshll.u32 s0, $0xA;
	s2 =	sadd.s32 s3, s2  }
0x8d: {  	s2 =	sadd.s32 s2, s17  }
0x8e: {  	[smem:$0x3FC6] =	sst s2  }
0x8f: {  	_ = 	snop  }
0x90: {  	(tm) =	ssettm $0x1  }
0x91: {  	s18 =	sld [smem:$0x3FFB];
	_ =	sdelay $0x3  }
0x92: {  	_ =	strace s18  }
0x93: {  	s2 =	sld [smem:$0x3FFC];
	_ =	sdelay $0x3  }
0x94: {  	_ =	strace s2  }
0x95: {  	s2 =	sld [smem:$0x3FFD];
	_ =	sdelay $0x3  }
0x96: {  	_ =	strace s2  }
0x97: {  	_ =	strace $0x8FFFFFFF  }
0x98: {  	s19 =	sld [smem:$0x3FDB];
	_ =	sdelay $0x1  }
0x99: {  	s20 =	simm.s32 $_scs_section_size  }
0x9a: {  	s4 =	simm.s32 $_size__tile_overlayer_lowered;
	s5 =	simm.s32 $_tile_overlayer_lowered  }
0x9b: {  	s6 =	simm.s32 $0x1BFF;
	s21 =	sshll.u32 s5, $0x1;
	s3 =	sadd.s32 s20, s19  }
0x9c: {  	s22 =	simm.s32 $0x0;
	s4 =	sshll.u32 s4, $0x1;
	s5 =	sadd.s32 s21, s3  }
0x9d: {  	[timem:s22], [sflag:s6] =	dma.local [hbm:s5], s4  }
0x9e: {  	_ =	swait.ge [sflag:s6], s4  }
0x9f: {  	s4 =	ssub.s32 $0x0, s4;
	[sflag:s6] =	ssyncset.done $0x0  }
0xa0: {  	[sflag:s6] =	ssyncadd.s32 s4;
	_ =	sdelay $0x1  }
0xa1: {  	s23 =	simm.s32 $0x1B8B  }
0xa2: {  	_ =	swait.ge [sflag:s23], $0x1  }
0xa3: {  	[sflag:s23] =	ssyncset.done $0x0  }
0xa4: {  	[sflag:s23] =	ssyncadd.s32 $0xFFFFFFFF  }
0xa5: {  	s4 =	sld [smem:$0x0]  }
0xa6: {  	s5 =	sand.u32 $0xFFFFFFFE, s1  }
0xa7: {  	p0 =	sne.s32 s1, s5  }
0xa8: {  	s5 =	sshll.u32 @p0 s5, $0xE  }
0xa9: {  	s5 =	sadd.s32 @p0 $0x11B8D, s5;
	s6 =	sshll.u32 @p0 s4, $0x11  }
0xaa: {  	s5 =	sor.u32 @p0 s6, s5  }
0xab: {  	[sflag:s5] =	ssyncadd.remote.s32 @p0 $0x1;
	_ =	sdelay $0x1  }
0xac: {  	s5 =	simm.s32 @p0 $0x1B8D  }
0xad: {  	_ =	swait.eq @p0 [sflag:s5], $0x1  }
0xae: {  	[sflag:s5] =	ssyncadd.s32 @p0 $0xFFFFFFFF  }
0xaf: {  	s6 =	sshll.u32 @!p0 s1, $0xE  }
0xb0: {  	s6 =	sor.u32 @!p0 $0x4000, s6;
	s5 =	simm.s32 @!p0 $0x1B8D  }
0xb1: {  	s4 =	sshll.u32 @!p0 s4, $0x11;
	s6 =	sadd.s32 @!p0 $0x11B8D, s6;
	_ =	swait.eq @!p0 [sflag:s5], $0x1  }
0xb2: {  	s4 =	sor.u32 @!p0 s4, s6;
	[sflag:s5] =	ssyncadd.s32 @!p0 $0xFFFFFFFF  }
0xb3: {  	s25 =	simm.s32 $0x1B8E;
	s24 =	sld [smem:$0x3FFE];
	[sflag:s4] =	ssyncadd.remote.s32 @!p0 $0x1  }
0xb4: {  	s26 =	simm.s32 $execute0_lowered;
	[smem:$0x3FD2] =	sst s25  }
0xb5: {  	s5 =	sshll.u32 s26, $0x1;
	_ =	strace $0x8000004F;
	[dreg:$0x1] =	wrdreg $0xFFFFFFFF  }
0xb6: {  	s28 =	simm.s32 $_size_execute0_lowered;
	s3 =	sadd.s32 s3, s5;
	[dreg:$0x0] =	wrdreg $0x0  }
0xb7: {  	s5 =	sshll.u32 s28, $0x1;
	[dreg:$0x2] =	wrdreg s3  }
0xb8: {  	[dreg:$0x3] =	wrdreg s5  }
0xb9: {  	[dreg:$0x4] =	wrdreg $0xC0  }
0xba: {  	_ =	task [dreg:s22], $0x5FFFF  }
0xbb: {  	[dreg:$0x1] =	wrdreg $0xFFFFFFFF  }
0xbc: {  	[dreg:$0x0] =	wrdreg $0x60  }
0xbd: {  	[dreg:$0x2] =	wrdreg s24  }
0xbe: {  	[dreg:$0x3] =	wrdreg $0x9  }
0xbf: {  	_ =	task.clear_ibuf [dreg:s22], $0x4FFFF;
	_ =	strace $0x9000004F  }
0xc0: {  	s29 =	simm.s32 $0x9;
	_ =	strace $0x80000051  }
0xc1: {  	_ =	swait.ge [sflag:s29], $0x1  }
0xc2: {  	[sflag:s29] =	ssyncadd.s32 $0xFFFFFFFF  }
0xc3: {  	_ =	strace $0x90000051  }
0xc4: {  	_ =	sfence  }
0xc5: {  	s30 =	sld [smem:$0x0];
	_ =	sdelay $0x2  }
0xc6: {  	s31 =	sshll.u32 s1, $0xD;
	s1 =	sshrl.u32 s1, $0x2  }
0xc7: {  	s4 =	sand.u32 $0x4000, s31;
	s1 =	sadd.s32 s1, s30  }
0xc8: {  	s0 =	sor.u32 s4, s0;
	s1 =	sshll.u32 s1, $0x11  }
0xc9: {  	s0 =	sor.u32 s1, s0  }
0xca: {  	s0 =	sadd.s32 $0x8F2B, s0  }
0xcb: {  	[sflag:s0] =	ssyncadd.remote.s32 $0x1  }
0xcc: {  	_ =	sfence.sel $0xFFFF  }
0xcd: {  	[dreg:$0x0] =	wrdreg $0xFFFFFFFF;
	(pc) =	sbr.abs _section_cstart, $3  }
0xce: {  	[dreg:$0x1] =	wrdreg $0xFFFFFFFF  }
0xcf: {  	_ =	task.clear_ibuf [dreg:s22], $0x2FFFF;
	_ =	strace $0x9FFFFFFF  }
0xd0: {  	(tm) =	ssettm $0x7FFFFFFF  }
0xd1: {  	_ =	shalt  }
tec
execute0_lowered:
.L_overlay_start_1:
0x0: {  	(tag) =	ssettag $0x1  }
0x1: {  	s8 =	rddreg [dreg:$0x0]  }
0x2: {  	s0 =	rddreg [dreg:$0x1];
	_ =	strace $0x80000050;
	s1 =	stileid.u32  }
0x3: {  	s3 =	srdreg.scid;
	s4 =	simm.s32 $0x1;
	s7 =	simm.s32 $0x1  }
0x4: {  	s9 =	simm.s32 $0x1;
	s10 =	simm.s32 $0x3;
	s13 =	simm.s32 $0x0  }
0x5: {  	s12 =	simm.s32 $0x0;
	s5 =	sand.u32 $0x1, s3;
	s6 =	sshll.u32 s1, $0x1  }
0x6: {  	s2 =	sadd.s32 $0x35E00, s8;
	s3 =	sadd.s32 $0x20000, s8;
	s5 =	sor.u32 s6, s5  }
.Ltmp0:
0x7: {  	[sflag:s4] =	ssyncpa.u1 $0x0;
	p0 =	slt.u32 s5, $0x13;
	(pc) =	sbr.rel .LBB2_1-.Ltmp0, $4  }
0x8: {  	s6 =	simm.s32 $0x2;
	s7 =	simm.s32 @!p0 $0x0;
	p0 =	sne.s32 s5, $0x12  }
0x9: {  	[sflag:s6] =	ssyncpa.u1 $0x0;
	s5 =	smul.u32 $0x7D0, s5;
	s9 =	simm.s32 @!p0 $0x0  }
0xa: {  	s8 =	sadd.s32 $0x43A00, s8;
	[sflag:s10] =	ssyncpa.u1 $0x0;
	s7 =	sadd.s32 s9, s7  }
0xb: {  	vm0 =	vmmov $0xffff;
	s10 =	simm.s32 $0x0;
	s11 =	smov.u32 s5;
	s9 =	sadd.s32 $0x1, s7  }
.LBB2_4:
0xc: {  	vm1 =	veq.s32 v4, $0x80000000;
	v56 =	vand.u32 $0x1F, v4;
	v6 =	vand.u32 $0x1FFF, v6  }
0xd: {  	v2 =	vor.u32 v2, v5;
	v59 =	vshrl.u32 v1, $0x5;
	v60 =	vand.u32 $0x1F, v1  }
0xe: {  	v4 =	vsel vm1, $0xFFFFFFFF, v56;
	v6 =	vsel vm1, $0xFFFFFFFF, v6;
	v2 =	vor.u32 v3, v2  }
0xf: {  	vm1 =	veq.s32 v1, $0x80000000;
	v5 =	vand.u32 $0x1FFF, v59;
	v7 =	vshrl.u32 v4, $0x3  }
0x10: {  	v57 =	vshll.u32 v6, $0x3;
	v4 =	vshll.u32 v4, $0x7;
	v1 =	vsel vm1, $0xFFFFFFFF, v60  }
0x11: {  	v5 =	vsel vm1, $0xFFFFFFFF, v5;
	v6 =	vand.u32 $0x7F, v6;
	v7 =	vmul.u32 $0xA000, v7  }
0x12: {  	v58 =	vand.u32 $0xFFFFFC00, v57;
	v4 =	vand.u32 $0x380, v4;
	v61 =	vshrl.u32 v1, $0x3  }
0x13: {  	v62 =	vshll.u32 v5, $0x3;
	v3 =	vadd.s32 v7, v58;
	v7 =	vmul.u32 $0xA000, v61  }
0x14: {  	v1 =	vshll.u32 v1, $0x7;
	v3 =	vor.u32 v4, v3;
	v4 =	vand.u32 $0xFFFFFC00, v62  }
0x15: {  	v1 =	vand.u32 $0x380, v1;
	v3 =	vor.u32 v6, v3;
	v4 =	vadd.s32 v7, v4  }
0x16: {  	[tilespmem:s16], [sflag:$0x1] =	stream.indirect_vreg.gather [hbm4b:s2+s10], $0x1, v0, vm0, $0x4038;
	v63 =	vand.u32 $0x7F, v5;
	v1 =	vor.u32 v1, v4;
	[tilespmem:$0x1F40] =	vst v63  }
0x17: {  	s15 =	sadd.s32 $0x10, s15;
	(ifvalue) =	ssetifvalue $0x7FFFFFFF;
	v0 =	vor.u32 v63, v1  }
0x18: {  	[tilespmem:s15], [sflag:$0x1] =	stream.indirect_vreg.gather [hbm4b:s2+s10], $0x1, v2, vm0, $0x4038;
	[tilespmem:$0x1F40] =	vst v63  }
0x19: {  	s15 =	sadd.s32 $0x10, s15;
	(ifvalue) =	ssetifvalue $0x7FFFFFFF  }
0x1a: {  	[tilespmem:s15], [sflag:$0x1] =	stream.indirect_vreg.gather [hbm4b:s2+s10], $0x1, v3, vm0, $0x4038;
	[tilespmem:$0x1F40] =	vst v63  }
0x1b: {  	s15 =	sadd.s32 $0x10, s15;
	(ifvalue) =	ssetifvalue $0x7FFFFFFF  }
0x1c: {  	[tilespmem:s15], [sflag:$0x1] =	stream.indirect_vreg.gather [hbm4b:s2+s10], $0x1, v0, vm0, $0x4038;
	[tilespmem:$0x1F40] =	vst v63  }
0x1d: {  	_ =	swait.ge [sflag:s4], $0x7D0  }
0x1e: {  	s30 =	sshrl.u32 s13, $0x3;
	[sflag:s4] =	ssyncset.done $0x0  }
0x1f: {  	s31 =	sand.u32 $0x7, s13;
	s15 =	sadd.s32 s8, s30;
	[sflag:s4] =	ssyncadd.s32 $0xFFFFF830  }
0x20: {  	[hbm4b:s15+s31] =	stream.linear.scatter [tilespmem:s14], [sflag:$0x3], $0x7D0, $0x38;
	[tilespmem:$0x1F40] =	vst v63  }
.LBB2_5:
0x21: {  	s15 =	sadd.s32 $0xFA00, s11  }
0x22: {  	p1 =	sgt.s32 s15, $0x1869F  }
0x23: {  	s15 =	smov.u32 @p1 s5;
	p1 =	sne.s32 s12, s9  }
.Ltmp1:
0x24: {  	p0 =	slt.u32 s12, $0x2;
	(pc) =	sbr.rel @!p1 .LBB2_6-.Ltmp1, $4  }
0x25: {  	s14 =	simm.s32 @!p0 $0x3  }
0x26: {  	_ =	swait.ge @!p0 [sflag:s14], $0x7D0  }
0x27: {  	s16 =	sadd.s32 $0x1, s12;
	s13 =	smov.u32 s11;
	[sflag:s14] =	ssyncset.done @!p0 $0x0  }
0x28: {  	s12 =	smov.u32 s16;
	s11 =	smov.u32 s15;
	[sflag:s14] =	ssyncadd.s32 @!p0 $0xFFFFF830  }
.LBB2_1:
0x29: {  	p0 =	sge.u32 s12, s7  }
0x2a: {  	s14 =	sxor.u32 @!p0 $0x1, s12  }
0x2b: {  	s14 =	smul.u32 @!p0 $0x1F40, s14  }
0x2c: {  	s31 =	sadd.s32 $0xFFFFFFFF, s12;
	s15 =	sshrl.u32 @!p0 s11, $0x3  }
0x2d: {  	s16 =	sand.u32 @!p0 $0x7, s11;
	s15 =	sadd.s32 @!p0 s3, s15;
	s14 =	sshra.s32 @!p0 s14, $0x2  }
0x2e: {  	[tilespmem:s14], [sflag:$0x2] =	stream.linear.gather @!p0 [hbm4b:s15+s16], $0x7D0, $0x38;
	[tilespmem:$0x1F40] =	vst v63  }
0x2f: {  	p0 =	sge.u32 s31, s7  }
.Ltmp2:
0x30: {  	_ = 	snop;
	(pc) =	sbr.rel @p0 .LBB2_5-.Ltmp2, $1  }
0x31: {  	_ =	sdelay $0x3  }
0x32: {  	s14 =	sand.u32 $0x1, s12  }
0x33: {  	_ =	swait.ge [sflag:s6], $0x7D0;
	p0 =	seq.s32 s14, $0x1;
	s14 =	simm.s32 $0x7D0  }
0x34: {  	[sflag:s6] =	ssyncset.done $0x0;
	s14 =	simm.s32 @!p0 $0x0  }
0x35: {  	[sflag:s6] =	ssyncadd.s32 $0xFFFFF830;
	(ifvalue) =	ssetifvalue $0x7FFFFFFF;
	v0 =	vld.msk [tilespmem:s14+$0x0 ss:$0x1], $0xffff  }
0x36: {  	s15 =	sadd.s32 $0x10, s14  }
0x37: {  	v1 =	vld.msk [tilespmem:s15+$0x0 ss:$0x1], $0xffff;
	_ =	sdelay $0x2  }
0x38: {  	v2 =	vshrl.u32 v0, $0x5  }
0x39: {  	vm1 =	veq.s32 v0, $0x80000000;
	v0 =	vand.u32 $0x1F, v0;
	v2 =	vand.u32 $0x1FFF, v2  }
0x3a: {  	v0 =	vsel vm1, $0xFFFFFFFF, v0;
	v6 =	vshrl.u32 v1, $0x5;
	v2 =	vsel vm1, $0xFFFFFFFF, v2  }
0x3b: {  	v3 =	vshrl.u32 v0, $0x3;
	v0 =	vshll.u32 v0, $0x7;
	vm1 =	veq.s32 v1, $0x80000000  }
0x3c: {  	s15 =	sadd.s32 $0x10, s15;
	v1 =	vand.u32 $0x1F, v1;
	v4 =	vshll.u32 v2, $0x3;
	v3 =	vmul.u32 $0xA000, v3  }
0x3d: {  	v0 =	vand.u32 $0x380, v0;
	v7 =	vand.u32 $0x7F, v2;
	v5 =	vand.u32 $0xFFFFFC00, v4;
	v4 =	vld.msk [tilespmem:s15+$0x0 ss:$0x1], $0xffff  }
0x3e: {  	v1 =	vsel vm1, $0xFFFFFFFF, v1;
	v2 =	vadd.s32 v3, v5;
	v3 =	vand.u32 $0x1FFF, v6  }
0x3f: {  	v3 =	vsel vm1, $0xFFFFFFFF, v3;
	v0 =	vor.u32 v0, v2;
	v2 =	vshrl.u32 v1, $0x3  }
0x40: {  	v1 =	vshll.u32 v1, $0x7;
	v5 =	vshll.u32 v3, $0x3;
	v8 =	vmul.u32 $0xA000, v2  }
0x41: {  	s18 =	simm.s32 $0x30;
	s14 =	sadd.s32 $0xFA0, s14;
	s17 =	sadd.s32 $0x10, s15;
	v2 =	vand.u32 $0x380, v1;
	v0 =	vor.u32 v7, v0;
	v5 =	vand.u32 $0xFFFFFC00, v5  }
0x42: {  	s16 =	smov.u32 s14;
	s15 =	smov.u32 s14;
	v1 =	vld.msk [tilespmem:s17+$0x0 ss:$0x1], $0xffff;
	v3 =	vand.u32 $0x7F, v3;
	(ifvalue) =	ssetifvalue $0x7FFFFFFF;
	v6 =	vshrl.u32 v4, $0x5;
	v5 =	vadd.s32 v8, v5  }
.LBB2_3:
0x43: {  	s18 =	sadd.s32 $0x10, s18  }
0x44: {  	vm1 =	veq.s32 v4, $0x80000000;
	v4 =	vand.u32 $0x1F, v4;
	v6 =	vand.u32 $0x1FFF, v6;
	s15 =	sadd.s32 $0x10, s15;
	p0 =	slt.u32 s18, $0x7C0  }
.Ltmp3:
0x45: {  	v5 =	vor.u32 v2, v5;
	v4 =	vsel vm1, $0xFFFFFFFF, v4;
	v7 =	vsel vm1, $0xFFFFFFFF, v6;
	(pc) =	sbr.rel @p0 .LBB2_3-.Ltmp3, $4  }
0x46: {  	v2 =	vshrl.u32 v4, $0x3;
	v6 =	vshll.u32 v7, $0x3;
	v4 =	vshll.u32 v4, $0x7;
	[tilespmem:s16], [sflag:$0x1] =	stream.indirect_vreg.gather [hbm4b:s2+s10], $0x1, v0, vm0, $0x4038;
	[tilespmem:$0x1F40] =	vst v63  }
0x47: {  	v0 =	vor.u32 v3, v5;
	s16 =	smov.u32 s15;
	v8 =	vmul.u32 $0xA000, v2;
	v2 =	vand.u32 $0x380, v4  }
0x48: {  	s17 =	sadd.s32 $0x10, s17;
	v9 =	vand.u32 $0xFFFFFC00, v6  }
0x49: {  	v3 =	vand.u32 $0x7F, v7;
	v6 =	vshrl.u32 v1, $0x5;
	v5 =	vadd.s32 v8, v9;
	(ifvalue) =	ssetifvalue $0x7FFFFFFF;
	v4 =	vmovc v1;
	v1 =	vld.msk [tilespmem:s17+$0x0 ss:$0x1], $0xffff  }
.Ltmp4:
0x4a: {  	_ = 	snop;
	(pc) =	sbr.rel .LBB2_4-.Ltmp4, $1  }
0x4b: {  	_ =	sdelay $0x3  }
.LBB2_6:
0x4c: {  	_ =	sfence.sel $0x180000  }
0x4d: {  	s2 =	simm.s32 $0x2;
	[bflag:$0x0] =	sbarrier.arrive $0xFFFF  }
0x4e: {  	s30 =	simm.s32 $0x3;
	[sflag:s2] =	ssyncpa.u1 $0x1  }
0x4f: {  	s31 =	simm.s32 $0x1;
	[sflag:s30] =	ssyncpa.u1 $0x1  }
0x50: {  	[sflag:s31] =	ssyncpa.u1 $0x1  }
0x51: {  	p0 =	sne.s32 s1, $0x0;
	_ =	strace $0x90000050  }
0x52: {  	s0 =	sadd.s32 @!p0 $0x100000, s0;
	[bflag:$0x2] =	sbarrier.arrive $0xFFFF  }
0x53: {  	[sflag:s0] =	ssyncadd.tile.s32 @!p0 $0x1;
	_ =	shalt  }
.Lfunc_end2:
_tile_overlayer_lowered:
.L_overlay_start_2:
0x54: {  	(tag) =	ssettag $0x2  }
0x55: {  	s0 =	rddreg [dreg:$0x0];
	s2 =	stileid.u32  }
0x56: {  	s1 =	rddreg [dreg:$0x1];
	p0 =	sne.s32 s2, $0x0  }
0x57: {  	s3 =	rddreg [dreg:$0x2];
	[bflag:$0x3] =	sbarrier.arrive $0xFFFF;
	s2 =	simm.s32 @!p0 $0x1C01  }
0x58: {  	[timem:s3], [sflag:s2] =	dma.local @!p0 [hbm:s0], s1  }
0x59: {  	s0 =	simm.s32 @!p0 $0x1  }
0x5a: {  	_ =	swait.ge @!p0 [sflag:s0], s1  }
0x5b: {  	s1 =	ssub.s32 @!p0 $0x0, s1;
	[sflag:s0] =	ssyncset.done @!p0 $0x0  }
0x5c: {  	[sflag:s0] =	ssyncadd.s32 @!p0 s1  }
0x5d: {  	[bflag:$0x3] =	sbarrier.arrive $0xFFFF  }
0x5e: {  	_ =	shalt  }

// kernel: kernel.4.cloned.1.call-start
scs
__scs_entry_jumppad:
0x0: {  	(pc) =	sbr.rel $0x88, $3  }
0x1: {  	(tag) =	ssettag $0x0;
	lr =	simm.s32 $0x1  }
0x2: {  	[smem:$0x3F9F] =	sst lr;
	_ =	strace $0xD0000000  }
0x3: {  	_ = 	snop  }
0x4: {  	_ = 	snop  }
0x5: {  	_ = 	snop  }
0x6: {  	_ = 	snop  }
0x7: {  	_ = 	snop  }
__scs_overlays_trampoline_lowered:
0x8: {  	[smem:$0x3FAE] =	sst s0  }
0x9: {  	[smem:$0x3FAF] =	sst s1  }
0xa: {  	[smem:$0x3FB0] =	sst s2  }
0xb: {  	[smem:$0x3FB1] =	sst s3  }
0xc: {  	[smem:$0x3FB2] =	sst s4  }
0xd: {  	[smem:$0x3FB3] =	sst s5  }
0xe: {  	[smem:$0x3FB4] =	sst s6  }
0xf: {  	[smem:$0x3FB5] =	sst s7  }
0x10: {  	[smem:$0x3FB6] =	sst s8  }
0x11: {  	[smem:$0x3FB7] =	sst s9;
	s0 =	simm.s32 @!p0 $0x0  }
0x12: {  	s1 =	sld [smem:$0x3F9D];
	s0 =	simm.s32 @p0 $0x1  }
0x13: {  	[smem:$0x3FB8] =	sst s0;
	s0 =	simm.s32 @!p1 $0x0  }
0x14: {  	s2 =	sld [smem:$0x3F9C];
	s0 =	simm.s32 @p1 $0x1  }
0x15: {  	[smem:$0x3FB9] =	sst s0;
	s0 =	simm.s32 @!p2 $0x0  }
0x16: {  	s3 =	sld [smem:$0x3FDB];
	s0 =	simm.s32 @p2 $0x1  }
0x17: {  	s4 =	simm.s32 $0x1BF5;
	[smem:$0x3FBB] =	sst s0  }
0x18: {  	s0 =	sld [smem:$0x3F9E];
	_ =	swait.ge [sflag:s4], $0x0  }
0x19: {  	s7 =	sld [smem:$0x3F9F]  }
0x1a: {  	s8 =	sadd.s32 $0xFFFFE003, lr  }
0x1b: {  	s9 =	sadd.s32 $0xFFFFFEF7, lr;
	s5 =	simm.s32 $0xFFFFFFFF;
	p2 =	slt.u32 s8, $0xFFFFF086  }
0x1c: {  	p1 =	slt.u32 s9, $0xF7A;
	s5 =	simm.s32 @!p2 $0x0  }
0x1d: {  	s5 =	simm.s32 @p1 $0x1;
	p0 =	seq.s32 s7, s2  }
0x1e: {  	s7 =	smul.u32 @!p0 $0xF7A, s2;
	p2 =	seq.s32 @!p0 s5, $0x0  }
0x1f: {  	s9 =	smul.u32 $0xF7A, s1;
	s8 =	simm.s32 @!p0 $0x1BF5;
	p2 =	por !p2, p0  }
0x20: {  	[sflag:s8] =	ssyncset.s32 @!p0 $0xFFFFF086;
	s6 =	sadd.s32 @!p0 s3, s7;
	s7 =	simm.s32 @!p0 $0x108  }
0x21: {  	s3 =	sadd.s32 s3, s9;
	s6 =	sadd.s32 @!p0 $0x88, s6;
	s7 =	simm.s32 @p2 $0x1082  }
0x22: {  	[simem:s7], [sflag:s8] =	dma.local @!p0 [hbm:s6], $0xF7A  }
0x23: {  	s9 =	sor.u32 $0xD0000000, s2;
	s6 =	simm.s32 $0x108;
	_ =	swait.ge @!p0 [sflag:s8], $0x0  }
0x24: {  	s3 =	sadd.s32 $0x88, s3;
	s6 =	simm.s32 @!p1 $0x1082;
	[sflag:s4] =	ssyncset.s32 $0xFFFFF086  }
0x25: {  	[simem:s6], [sflag:s4] =	dma.local [hbm:s3], $0xF7A  }
0x26: {  	[smem:$0x3F9F] =	sst s1;
	(tag) =	ssettag s2;
	_ =	strace s9  }
0x27: {  	s1 =	sld [smem:$0x3FAF]  }
0x28: {  	s2 =	sld [smem:$0x3FB0]  }
0x29: {  	s4 =	sld [smem:$0x3FB2]  }
0x2a: {  	p0 =	seq.s32 s5, $0x0;
	s5 =	sld [smem:$0x3FB3]  }
0x2b: {  	s6 =	sld [smem:$0x3FB4]  }
0x2c: {  	s7 =	sld [smem:$0x3FB5]  }
0x2d: {  	s3 =	simm.s32 $0x108;
	s8 =	sld [smem:$0x3FB6]  }
0x2e: {  	s3 =	simm.s32 @!p0 $0x1082;
	s9 =	sld [smem:$0x3FB7]  }
0x2f: {  	lr =	sadd.s32 s0, s3;
	s0 =	sld [smem:$0x3FAE]  }
0x30: {  	s3 =	sld [smem:$0x3FB1]  }
0x31: {  	[smem:$0x3FBA] =	sst s10  }
0x32: {  	s10 =	sld [smem:$0x3FB8];
	_ =	sdelay $0x3  }
0x33: {  	p0 =	seq.s32 s10, $0x1;
	s10 =	sld [smem:$0x3FBA];
	_ =	sdelay $0x3  }
0x34: {  	[smem:$0x3FBA] =	sst s10  }
0x35: {  	s10 =	sld [smem:$0x3FB9];
	_ =	sdelay $0x3  }
0x36: {  	p1 =	seq.s32 s10, $0x1;
	s10 =	sld [smem:$0x3FBA];
	_ =	sdelay $0x3  }
0x37: {  	[smem:$0x3FBA] =	sst s10  }
0x38: {  	s10 =	sld [smem:$0x3FBB]  }
0x39: {  	_ = 	snop;
	(pc) =	sbr.ind lr, $3  }
0x3a: {  	_ = 	snop  }
0x3b: {  	_ = 	snop  }
0x3c: {  	p2 =	seq.s32 s10, $0x1;
	s10 =	sld [smem:$0x3FBA]  }
0x3d: {  	_ =	shalt  }
0x3e: {  	_ =	shalt  }
0x3f: {  	_ =	shalt  }
0x40: {  	_ =	shalt  }
0x41: {  	_ =	shalt  }
0x42: {  	_ =	shalt  }
0x43: {  	_ =	shalt  }
0x44: {  	_ =	shalt  }
0x45: {  	_ =	shalt  }
0x46: {  	_ =	shalt  }
0x47: {  	_ =	shalt  }
0x48: {  	_ =	shalt  }
0x49: {  	_ =	shalt  }
0x4a: {  	_ =	shalt  }
0x4b: {  	_ =	shalt  }
0x4c: {  	_ =	shalt  }
0x4d: {  	_ =	shalt  }
0x4e: {  	_ =	shalt  }
0x4f: {  	_ =	shalt  }
0x50: {  	_ =	shalt  }
0x51: {  	_ =	shalt  }
0x52: {  	_ =	shalt  }
0x53: {  	_ =	shalt  }
0x54: {  	_ =	shalt  }
0x55: {  	_ =	shalt  }
0x56: {  	_ =	shalt  }
0x57: {  	_ =	shalt  }
0x58: {  	_ =	shalt  }
0x59: {  	_ =	shalt  }
0x5a: {  	_ =	shalt  }
0x5b: {  	_ =	shalt  }
0x5c: {  	_ =	shalt  }
0x5d: {  	_ =	shalt  }
0x5e: {  	_ =	shalt  }
0x5f: {  	_ =	shalt  }
0x60: {  	_ =	shalt  }
0x61: {  	_ =	shalt  }
0x62: {  	_ =	shalt  }
0x63: {  	_ =	shalt  }
0x64: {  	_ =	shalt  }
0x65: {  	_ =	shalt  }
0x66: {  	_ =	shalt  }
0x67: {  	_ =	shalt  }
0x68: {  	_ =	shalt  }
0x69: {  	_ =	shalt  }
0x6a: {  	_ =	shalt  }
0x6b: {  	_ =	shalt  }
0x6c: {  	_ =	shalt  }
0x6d: {  	_ =	shalt  }
0x6e: {  	_ =	shalt  }
0x6f: {  	_ =	shalt  }
0x70: {  	_ =	shalt  }
0x71: {  	_ =	shalt  }
0x72: {  	_ =	shalt  }
0x73: {  	_ =	shalt  }
0x74: {  	_ =	shalt  }
0x75: {  	_ =	shalt  }
0x76: {  	_ =	shalt  }
0x77: {  	_ =	shalt  }
0x78: {  	_ =	shalt  }
0x79: {  	_ =	shalt  }
0x7a: {  	_ =	shalt  }
0x7b: {  	_ =	shalt  }
0x7c: {  	_ =	shalt  }
0x7d: {  	_ =	shalt  }
0x7e: {  	_ =	shalt  }
0x7f: {  	_ =	shalt  }
0x80: {  	_ =	shalt  }
0x81: {  	_ =	shalt  }
0x82: {  	_ =	shalt  }
0x83: {  	_ =	shalt  }
0x84: {  	_ =	shalt  }
0x85: {  	_ =	shalt  }
0x86: {  	_ =	shalt  }
0x87: {  	_ =	shalt  }
.Lfunc_end0:
.L_simem_size_0:
called_computation.5_lowered:
.L_overlay_start_0:
0x88: {  	s2 =	sld [smem:$0x3FD9]  }
0x89: {  	s3 =	sld [smem:$0x3FFE];
	_ =	sdelay $0x1  }
0x8a: {  	s1 =	srdreg.scid  }
0x8b: {  	s0 =	sand.u32 $0x1, s1  }
0x8c: {  	s17 =	sshll.u32 s0, $0xA;
	s2 =	sadd.s32 s3, s2  }
0x8d: {  	s2 =	sadd.s32 s2, s17  }
0x8e: {  	[smem:$0x3FC6] =	sst s2  }
0x8f: {  	_ = 	snop  }
0x90: {  	s2 =	sld [smem:$0x3FD0];
	(tm) =	ssettm $0x1  }
0x91: {  	s18 =	sld [smem:$0x3FFB];
	_ =	sdelay $0x3  }
0x92: {  	_ =	strace s18  }
0x93: {  	s3 =	sld [smem:$0x3FFC];
	_ =	sdelay $0x3  }
0x94: {  	_ =	strace s3  }
0x95: {  	s3 =	sld [smem:$0x3FFD];
	_ =	sdelay $0x3  }
0x96: {  	_ =	strace s3  }
0x97: {  	_ =	strace $0x8FFFFFFF  }
0x98: {  	s19 =	sld [smem:$0x3FDB];
	_ =	sdelay $0x1  }
0x99: {  	s4 =	simm.s32 $_scs_section_size  }
0x9a: {  	s5 =	simm.s32 $_size__tile_overlayer_lowered;
	s6 =	simm.s32 $_tile_overlayer_lowered  }
0x9b: {  	s22 =	simm.s32 $0x1BFF;
	s21 =	sshll.u32 s6, $0x1;
	s3 =	sadd.s32 s4, s19  }
0x9c: {  	s7 =	simm.s32 $0x0;
	s20 =	sshll.u32 s5, $0x1;
	s5 =	sadd.s32 s21, s3  }
0x9d: {  	[timem:s7], [sflag:s22] =	dma.local [hbm:s5], s20  }
0x9e: {  	_ =	swait.ge [sflag:s22], s20  }
0x9f: {  	s4 =	ssub.s32 $0x0, s20;
	[sflag:s22] =	ssyncset.done $0x0  }
0xa0: {  	[sflag:s22] =	ssyncadd.s32 s4;
	_ =	sdelay $0x1  }
0xa1: {  	s23 =	simm.s32 $0x1B8B  }
0xa2: {  	_ =	swait.ge [sflag:s23], $0x1  }
0xa3: {  	[sflag:s23] =	ssyncset.done $0x0  }
0xa4: {  	s25 =	simm.s32 $0x1B8E;
	s24 =	sld [smem:$0x3FFE];
	[sflag:s23] =	ssyncadd.s32 $0xFFFFFFFF  }
0xa5: {  	s26 =	simm.s32 $execute0_lowered;
	[smem:$0x3FD2] =	sst s25  }
0xa6: {  	s5 =	sshll.u32 s26, $0x1;
	_ =	strace $0x80000055;
	[dreg:$0x1] =	wrdreg $0xFFFFFFFF  }
0xa7: {  	s28 =	simm.s32 $_size_execute0_lowered;
	s3 =	sadd.s32 s3, s5;
	[dreg:$0x0] =	wrdreg $0x0  }
0xa8: {  	s5 =	sshll.u32 s28, $0x1;
	[dreg:$0x2] =	wrdreg s3  }
0xa9: {  	[dreg:$0x3] =	wrdreg s5  }
0xaa: {  	[dreg:$0x4] =	wrdreg $0xC0  }
0xab: {  	_ =	task [dreg:s7], $0x5FFFF  }
0xac: {  	[dreg:$0x1] =	wrdreg $0xFFFFFFFF  }
0xad: {  	[dreg:$0x0] =	wrdreg $0x60  }
0xae: {  	[dreg:$0x2] =	wrdreg s24  }
0xaf: {  	[dreg:$0x3] =	wrdreg s2  }
0xb0: {  	[dreg:$0x4] =	wrdreg $0x19000  }
0xb1: {  	[dreg:$0x5] =	wrdreg $0x9  }
0xb2: {  	_ =	task.clear_ibuf [dreg:s7], $0x6FFFF;
	_ =	strace $0x90000055  }
0xb3: {  	s29 =	simm.s32 $0x9;
	_ =	strace $0x80000057  }
0xb4: {  	_ =	swait.ge [sflag:s29], $0x1  }
0xb5: {  	[sflag:s29] =	ssyncadd.s32 $0xFFFFFFFF  }
0xb6: {  	_ =	strace $0x90000057  }
0xb7: {  	_ =	sfence  }
0xb8: {  	s30 =	sld [smem:$0x0];
	_ =	sdelay $0x2  }
0xb9: {  	s31 =	sshll.u32 s1, $0xD;
	s1 =	sshrl.u32 s1, $0x2  }
0xba: {  	s3 =	sand.u32 $0x4000, s31;
	s1 =	sadd.s32 s1, s30  }
0xbb: {  	s0 =	sor.u32 s3, s0;
	s1 =	sshll.u32 s1, $0x11  }
0xbc: {  	s0 =	sor.u32 s1, s0  }
0xbd: {  	s0 =	sadd.s32 $0x8F2B, s0  }
0xbe: {  	[sflag:s0] =	ssyncadd.remote.s32 $0x1  }
0xbf: {  	_ =	sfence.sel $0xFFFF  }
0xc0: {  	[dreg:$0x0] =	wrdreg $0xFFFFFFFF;
	(pc) =	sbr.abs _section_cstart, $3  }
0xc1: {  	[dreg:$0x1] =	wrdreg $0xFFFFFFFF  }
0xc2: {  	_ =	task.clear_ibuf [dreg:s7], $0x2FFFF;
	_ =	strace $0x9FFFFFFF  }
0xc3: {  	(tm) =	ssettm $0x7FFFFFFF  }
tec
execute0_lowered:
.L_overlay_start_1:
0x0: {  	(tag) =	ssettag $0x1  }
0x1: {  	s0 =	srdreg.scid  }
0x2: {  	s5 =	sand.u32 $0x1, s0  }
0x3: {  	s9 =	sshll.u32 s5, $0x4;
	s5 =	ssub.s32 $0x2, s5  }
0x4: {  	s7 =	sshrl.u32 s5, $0x1  }
0x5: {  	s3 =	rddreg [dreg:$0x0];
	s31 =	ssub.s32 s5, s7  }
0x6: {  	s4 =	rddreg [dreg:$0x1];
	s8 =	stileid.u32;
	s5 =	smax.u32 s31, $0x1  }
0x7: {  	s1 =	rddreg [dreg:$0x2];
	s6 =	sor.u32 s8, s9;
	s13 =	sadd.s32 $0xFFFFFFFF, s5  }
0x8: {  	s2 =	simm.s32 $0x0;
	s6 =	smul.u32 $0x187, s6;
	p2 =	sne.s32 s13, $0x0  }
.Ltmp0:
0x9: {  	p1 =	por $0x0, $0x0;
	s0 =	rddreg [dreg:$0x3];
	(pc) =	sbr.rel @!p2 .LBB2_3-.Ltmp0, $4  }
0xa: {  	[smem:$0x7FF] =	sst s2;
	s10 =	sadd.s32 $0x26E00, s3;
	p0 =	sne.s32 s8, $0x0  }
0xb: {  	_ =	strace $0x80000056;
	s8 =	simm.s32 $0xC80;
	s6 =	sadd.s32 s6, s3  }
0xc: {  	s3 =	sadd.s32 s4, s9;
	s4 =	sshrl.u32 @!p0 s1, $0x3;
	s5 =	simm.s32 $0x1  }
0xd: {  	s9 =	simm.s32 $0xC38;
	s7 =	sadd.s32 $0x40800, s6;
	s6 =	sadd.s32 $0x3D600, s6  }
0xe: {  	s12 =	simm.s32 @!p0 $0x1C01;
	s11 =	simm.s32 @!p0 $0x1  }
0xf: {  	[spmem:s4], [sflag:s12] =	dma.local @!p0 [hbm:s10], $0x30E0  }
0x10: {  	_ =	swait.ge @!p0 [sflag:s11], $0x30E0  }
0x11: {  	[sflag:s11] =	ssyncset.done @!p0 $0x0  }
0x12: {  	[sflag:s11] =	ssyncadd.s32 @!p0 $0xFFFFCF20  }
0x13: {  	[bflag:$0x0] =	sbarrier.arrive $0xFFFF  }
0x14: {  	[tilespmem:s2], [sflag:$0x1] =	stream.linear.gather [hbm4b:s7+s2], $0xC38, $0x38;
	[tilespmem:$0x3170] =	vst v63  }
0x15: {  	_ =	swait.ge [sflag:s5], $0xC38  }
0x16: {  	[sflag:s5] =	ssyncset.done $0x0  }
0x17: {  	[sflag:s5] =	ssyncadd.s32 $0xFFFFF3C8  }
0x18: {  	[tilespmem:s8], [sflag:$0x1] =	stream.linear.gather [hbm4b:s6+s2], $0xC38, $0x38;
	[tilespmem:$0x3170] =	vst v63  }
0x19: {  	_ =	swait.ge [sflag:s5], $0xC38  }
0x1a: {  	[sflag:s5] =	ssyncset.done $0x0  }
0x1b: {  	[sflag:s5] =	ssyncadd.s32 $0xFFFFF3C8  }
0x1c: {  	[spmem:s1] =	stream.indirect.scatter.add.f32 [tilespmem:s8], [sflag:$0x1], $0x1, s2, s9, $0xb8;
	[tilespmem:$0x3170] =	vst v63  }
0x1d: {  	s13 =	sadd.s32 $0xFFFFFFFF, s13;
	_ =	swait.ge [sflag:s5], $0xC38  }
0x1e: {  	p2 =	sne.s32 s13, $0x0;
	[sflag:s5] =	ssyncset.done $0x0  }
.Ltmp1:
0x1f: {  	[sflag:s5] =	ssyncadd.s32 $0xFFFFF3C8;
	(pc) =	sbr.rel @!p2 .LBB2_3-.Ltmp1, $4  }
0x20: {  	s14 =	simm.s32 @!p0 $0x20;
	s15 =	simm.s32 @!p0 $0x10;
	[bflag:$0x0] =	sbarrier.arrive $0xFFFF  }
0x21: {  	[hbm:s3@s14], [sflag:s12] =	dma.strided @!p0 [spmem:s4@s15], $0x30E0, s11, $0x10   }
0x22: {  	_ =	swait.ge @!p0 [sflag:s11], $0x30E0  }
0x23: {  	p1 =	por $0x1, $0x1;
	[sflag:s11] =	ssyncset.done @!p0 $0x0  }
.LBB2_2:
0x24: {  	[sflag:s11] =	ssyncadd.s32 @!p0 $0xFFFFCF20  }
0x25: {  	[spmem:s4], [sflag:s12] =	dma.local @!p0 [hbm:s10], $0x30E0  }
0x26: {  	s13 =	sadd.s32 $0xFFFFFFFF, s13;
	_ =	swait.ge @!p0 [sflag:s11], $0x30E0  }
0x27: {  	p2 =	sne.s32 s13, $0x0;
	[sflag:s11] =	ssyncset.done @!p0 $0x0  }
0x28: {  	[sflag:s11] =	ssyncadd.s32 @!p0 $0xFFFFCF20  }
0x29: {  	[bflag:$0x0] =	sbarrier.arrive $0xFFFF  }
0x2a: {  	[tilespmem:s2], [sflag:$0x1] =	stream.linear.gather [hbm4b:s7+s2], $0xC38, $0x38;
	[tilespmem:$0x3170] =	vst v63  }
0x2b: {  	_ =	swait.ge [sflag:s5], $0xC38  }
0x2c: {  	[sflag:s5] =	ssyncset.done $0x0  }
0x2d: {  	[sflag:s5] =	ssyncadd.s32 $0xFFFFF3C8  }
0x2e: {  	[tilespmem:s8], [sflag:$0x1] =	stream.linear.gather [hbm4b:s6+s2], $0xC38, $0x38;
	[tilespmem:$0x3170] =	vst v63  }
0x2f: {  	_ =	swait.ge [sflag:s5], $0xC38  }
0x30: {  	[sflag:s5] =	ssyncset.done $0x0  }
0x31: {  	[sflag:s5] =	ssyncadd.s32 $0xFFFFF3C8  }
0x32: {  	[spmem:s1] =	stream.indirect.scatter.add.f32 [tilespmem:s8], [sflag:$0x1], $0x1, s2, s9, $0xb8;
	[tilespmem:$0x3170] =	vst v63  }
0x33: {  	_ =	swait.ge [sflag:s5], $0xC38  }
0x34: {  	[sflag:s5] =	ssyncset.done $0x0  }
.Ltmp2:
0x35: {  	[sflag:s5] =	ssyncadd.s32 $0xFFFFF3C8;
	(pc) =	sbr.rel @p2 .LBB2_2-.Ltmp2, $4  }
0x36: {  	[bflag:$0x0] =	sbarrier.arrive $0xFFFF  }
0x37: {  	[hbm:s3@s14], [sflag:s12] =	dma.strided @!p0 [spmem:s4@s15], $0x30E0, s11, $0x10   }
0x38: {  	_ =	swait.ge @!p0 [sflag:s11], $0x30E0  }
0x39: {  	[sflag:s11] =	ssyncset.done @!p0 $0x0  }
.LBB2_3:
0x3a: {  	p1 =	por p0, !p1  }
0x3b: {  	s12 =	simm.s32 @!p0 $0x1C01;
	s13 =	simm.s32 @!p0 $0x1;
	[sflag:s11] =	ssyncadd.s32 @!p1 $0xFFFFCF20  }
0x3c: {  	[spmem:s4], [sflag:s12] =	dma.local @!p0 [hbm:s10], $0x30E0  }
0x3d: {  	_ =	swait.ge @!p0 [sflag:s13], $0x30E0  }
0x3e: {  	[sflag:s13] =	ssyncset.done @!p0 $0x0  }
0x3f: {  	[sflag:s13] =	ssyncadd.s32 @!p0 $0xFFFFCF20  }
0x40: {  	[bflag:$0x0] =	sbarrier.arrive $0xFFFF  }
0x41: {  	[tilespmem:s2], [sflag:$0x1] =	stream.linear.gather [hbm4b:s7+s2], $0xC38, $0x38;
	[tilespmem:$0x3170] =	vst v63  }
0x42: {  	_ =	swait.ge [sflag:s5], $0xC38  }
0x43: {  	[sflag:s5] =	ssyncset.done $0x0  }
0x44: {  	[sflag:s5] =	ssyncadd.s32 $0xFFFFF3C8  }
0x45: {  	[tilespmem:s8], [sflag:$0x1] =	stream.linear.gather [hbm4b:s6+s2], $0xC38, $0x38;
	[tilespmem:$0x3170] =	vst v63  }
0x46: {  	_ =	swait.ge [sflag:s5], $0xC38  }
0x47: {  	[sflag:s5] =	ssyncset.done $0x0  }
0x48: {  	[sflag:s5] =	ssyncadd.s32 $0xFFFFF3C8  }
0x49: {  	[spmem:s1] =	stream.indirect.scatter.add.f32 [tilespmem:s8], [sflag:$0x1], $0x1, s2, s9, $0xb8;
	[tilespmem:$0x3170] =	vst v63  }
0x4a: {  	_ =	swait.ge [sflag:s5], $0xC38  }
0x4b: {  	[sflag:s5] =	ssyncset.done $0x0  }
0x4c: {  	[sflag:s5] =	ssyncadd.s32 $0xFFFFF3C8  }
0x4d: {  	s1 =	simm.s32 @!p0 $0x20;
	s2 =	simm.s32 @!p0 $0x10;
	[bflag:$0x0] =	sbarrier.arrive $0xFFFF  }
0x4e: {  	[hbm:s3@s1], [sflag:s12] =	dma.strided @!p0 [spmem:s4@s2], $0x30E0, s13, $0x10   }
0x4f: {  	_ =	swait.ge @!p0 [sflag:s13], $0x30E0  }
0x50: {  	[sflag:s13] =	ssyncset.done @!p0 $0x0  }
0x51: {  	[sflag:s13] =	ssyncadd.s32 @!p0 $0xFFFFCF20  }
0x52: {  	_ =	sfence.sel $0x180000  }
0x53: {  	[bflag:$0x0] =	sbarrier.arrive $0xFFFF  }
0x54: {  	_ =	strace $0x90000056  }
0x55: {  	s0 =	sadd.s32 @!p0 $0x100000, s0;
	[bflag:$0x2] =	sbarrier.arrive $0xFFFF  }
0x56: {  	[sflag:s0] =	ssyncadd.tile.s32 @!p0 $0x1;
	_ =	shalt  }
.Lfunc_end2:
_tile_overlayer_lowered:
.L_overlay_start_2:
0x57: {  	(tag) =	ssettag $0x2  }
0x58: {  	s0 =	rddreg [dreg:$0x0];
	s2 =	stileid.u32  }
0x59: {  	s1 =	rddreg [dreg:$0x1];
	p0 =	sne.s32 s2, $0x0  }
0x5a: {  	s3 =	rddreg [dreg:$0x2];
	[bflag:$0x3] =	sbarrier.arrive $0xFFFF;
	s2 =	simm.s32 @!p0 $0x1C01  }
0x5b: {  	[timem:s3], [sflag:s2] =	dma.local @!p0 [hbm:s0], s1  }
0x5c: {  	s0 =	simm.s32 @!p0 $0x1  }
0x5d: {  	_ =	swait.ge @!p0 [sflag:s0], s1  }
0x5e: {  	s1 =	ssub.s32 @!p0 $0x0, s1;
	[sflag:s0] =	ssyncset.done @!p0 $0x0  }
0x5f: {  	[sflag:s0] =	ssyncadd.s32 @!p0 s1  }
0x60: {  	[bflag:$0x3] =	sbarrier.arrive $0xFFFF  }
0x61: {  	_ =	shalt  }

</sc_bundles>
